<compile_context>
chip_gen: v7x
topology: tpu7x:2x2x1
jax: 0.10.2.dev20260603
libtpu: 0.0.44.dev20260713+nightly
codegen_flags: <defaults>
</compile_context>

<pallas_src>
import functools

import jax
import jax.numpy as jnp
from jax import lax
from jax.experimental import pallas as pl
from jax.experimental.pallas import tpu as pltpu
from jax.experimental.pallas import tpu_sc as plsc

_NA = 5
_NB = 16
_NG = 64
_NLAB = 120
_NCH = 8
_NCV = 40
_CELLS = _NB * _NA * _NG * _NG
_HM_M = 16 * 17 * 64 * 64
_ANCH = ((7.04, 7.04), (3.84, 3.84), (7.68, 3.84), (10.24, 9.6), (4.48, 6.08))


def _flog(x):
    bits = lax.bitcast_convert_type(x, jnp.int32)
    e = (bits >> 23) - 127
    m = lax.bitcast_convert_type((bits & 0x007FFFFF) | 0x3F800000, jnp.float32)
    big = m > 1.4142135
    m = jnp.where(big, m * 0.5, m)
    ef = (e + jnp.where(big, 1, 0)).astype(jnp.float32)
    z = (m - 1.0) / (m + 1.0)
    z2 = z * z
    pol = 2.0 * z * (1.0 + z2 * (0.33333333 + z2 * (0.2 + z2 * 0.14285715)))
    return ef * 0.6931472 + pol


def _sigm(z):
    return 1.0 / (1.0 + jnp.exp(-z))


def _bce0(z):
    q = jnp.maximum(1.0 - _sigm(z), 1e-12)
    return -jnp.maximum(_flog(q), -100.0)


def _sc_body(lt_hbm, outflat_hbm, partial_hbm,
             lab_v, mkc_v, cidx_v, mkl_v, gpred_v, gconf_v, outb_v,
             sem):
    wid = lax.axis_index("s") * 2 + lax.axis_index("c")
    _sc_tile(wid, lt_hbm, outflat_hbm, partial_hbm,
             lab_v, mkc_v, cidx_v, mkl_v, gpred_v, gconf_v, outb_v,
             sem)


def _take16(x, idx):
    dnums = lax.GatherDimensionNumbers(
        offset_dims=(), collapsed_slice_dims=(0,), start_index_map=(0,))
    return lax.gather(x, idx[:, None], dnums, (1,),
                      mode=lax.GatherScatterMode.PROMISE_IN_BOUNDS)


def _sc_tile(wid, lt_hbm, outflat_hbm, partial_hbm,
             lab_v, mkc_v, cidx_v, mkl_v, gpred_v, gconf_v, outb_v,
             sem):
    iota16 = lax.iota(jnp.int32, 16)

    def rot_any_eq(me, other):
        acc = jnp.zeros((16,), jnp.int32)
        for s in range(16):
            o = _take16(other, (iota16 + s) & 15)
            acc = acc | jnp.where(me == o, 1, 0)
        return acc
    zero16 = jnp.zeros((16,), jnp.float32)
    for q in range(8):
        outb_v[q] = zero16

    pltpu.sync_copy(lt_hbm, lab_v)

    def load_chunk(off):
        bf = lab_v[0, pl.ds(off, 16)]
        gx = lab_v[1, pl.ds(off, 16)] * 64.0
        gy = lab_v[2, pl.ds(off, 16)] * 64.0
        gw = lab_v[3, pl.ds(off, 16)] * 64.0
        gh = lab_v[4, pl.ds(off, 16)] * 64.0
        bi = bf.astype(jnp.int32)
        gi = gx.astype(jnp.int32)
        gj = gy.astype(jnp.int32)
        area = gw * gh
        best = jnp.zeros((16,), jnp.int32)
        bestv = jnp.full((16,), -1.0, jnp.float32)
        ious = []
        for a, (aw, ah) in enumerate(_ANCH):
            inter = jnp.minimum(aw, gw) * jnp.minimum(ah, gh)
            iou = inter / (aw * ah + area - inter + 1e-16)
            ious.append(iou)
            upd = iou > bestv
            best = jnp.where(upd, a, best)
            bestv = jnp.where(upd, iou, bestv)
        return bf, gx, gy, gw, gh, bi, gi, gj, best, ious

    def _pre(k, carry):
        sl = pl.ds(16 * k, 16)
        valid = jnp.where((iota16 + 16 * k) < _NLAB, 1, 0)
        _, _, _, _, _, bi, gi, gj, best, ious = load_chunk(16 * k)
        cell = gj * 64 + gi
        key = (bi * _NA + best) * 4096 + cell
        mkl_v[sl] = jnp.where(valid > 0, key, -2)
        cb = bi * (25 * 4096)
        vkey = bi * 4096 + cell
        for a in range(_NA):
            vc = valid & (jnp.where(ious[a] > 0.5, 1, 0)
                          | jnp.where(best == a, 1, 0))
            csl = pl.ds(a * 128 + 16 * k, 16)
            mkc_v[csl] = jnp.where(vc > 0, vkey, -1)
            cidx_v[csl] = cb + (a * 5 + 4) * 4096 + cell
        return carry

    lax.fori_loop(0, _NCH, _pre, 0)

    @pl.when(wid < _NCH)
    def _mse():
        k = wid
        sl = pl.ds(16 * k, 16)
        valid = jnp.where((iota16 + 16 * k) < _NLAB, 1, 0)
        _, gx, gy, gw, gh, bi, gi, gj, best, _ = load_chunk(16 * k)
        cell = gj * 64 + gi
        pbase = bi * (25 * 4096) + best * (5 * 4096) + cell
        pcs = [pltpu.async_copy(outflat_hbm.at[pbase + ch * 4096],
                                gpred_v.at[pl.ds(16 * ch, 16)], sem)
               for ch in range(5)]
        mykey = mkl_v[sl]
        def wbody(w, acc):
            return acc | rot_any_eq(mykey, mkl_v[pl.ds(16 * w, 16)])

        dup = lax.fori_loop(k + 1, _NCH, wbody, jnp.zeros((16,), jnp.int32))
        for s in range(1, 16):
            rot = _take16(mykey, (iota16 + s) & 15)
            later = jnp.where(iota16 + s < 16, 1, 0)
            dup = dup | (jnp.where(mykey == rot, 1, 0) & later)
        winner = jnp.where(dup == 0, valid, 0)
        for c in pcs:
            c.wait()
        zx = gpred_v[pl.ds(0, 16)]
        zy = gpred_v[pl.ds(16, 16)]
        zw = gpred_v[pl.ds(32, 16)]
        zh = gpred_v[pl.ds(48, 16)]
        zc = gpred_v[pl.ds(64, 16)]
        awb = jnp.full((16,), _ANCH[0][0], jnp.float32)
        ahb = jnp.full((16,), _ANCH[0][1], jnp.float32)
        for a in range(1, _NA):
            awb = jnp.where(best == a, _ANCH[a][0], awb)
            ahb = jnp.where(best == a, _ANCH[a][1], ahb)
        txf = gx - gi.astype(jnp.float32)
        tyf = gy - gj.astype(jnp.float32)
        twf = _flog(gw / awb)
        thf = _flog(gh / ahb)
        xs = _sigm(zx)
        ys = _sigm(zy)
        p = _sigm(zc)
        bce1 = -jnp.maximum(_flog(jnp.maximum(p, 1e-12)), -100.0)
        dx, dy, dw, dh = xs - txf, ys - tyf, zw - twf, zh - thf
        outb_v[0] = jnp.where(winner > 0, dx * dx, 0.0)
        outb_v[1] = jnp.where(winner > 0, dy * dy, 0.0)
        outb_v[2] = jnp.where(winner > 0, dw * dw, 0.0)
        outb_v[3] = jnp.where(winner > 0, dh * dh, 0.0)
        outb_v[4] = jnp.where(winner > 0, bce1, 0.0)
        outb_v[5] = winner.astype(jnp.float32)

    def cand(u):
        sl = pl.ds(16 * u, 16)
        cp = pltpu.async_copy(outflat_hbm.at[cidx_v[sl]], gconf_v, sem)
        myk = mkc_v[sl]
        lo = u - (u & 7)

        def wbody(w, acc):
            return acc | rot_any_eq(myk, mkc_v[pl.ds(16 * w, 16)])

        dup = lax.fori_loop(lo, u, wbody, jnp.zeros((16,), jnp.int32))
        for s in range(1, 16):
            rot = _take16(myk, (iota16 + s) & 15)
            earlier = jnp.where(iota16 + s >= 16, 1, 0)
            dup = dup | (jnp.where(myk == rot, 1, 0) & earlier)
        kept = jnp.where(myk == -1, 0, jnp.where(dup == 0, 1, 0))
        cp.wait()
        b0 = _bce0(gconf_v[...])
        outb_v[6] = outb_v[6] + jnp.where(kept > 0, b0, 0.0)
        outb_v[7] = outb_v[7] + kept.astype(jnp.float32)

    cand(wid)

    @pl.when((wid >= 8) & (wid < 16))
    def _cand2():
        cand(wid + 24)

    pltpu.sync_copy(outb_v, partial_hbm.at[wid])


def _sc_call(lt, outflat):
    mesh = plsc.VectorSubcoreMesh(core_axis_name="c", subcore_axis_name="s")
    f = pl.kernel(
        _sc_body,
        mesh=mesh,
        out_type=jax.ShapeDtypeStruct((32, 8, 16), jnp.float32),
        scratch_types=[
            pltpu.VMEM((5, 128), jnp.float32),
            pltpu.VMEM((_NCV * 16,), jnp.int32),
            pltpu.VMEM((_NCV * 16,), jnp.int32),
            pltpu.VMEM((128,), jnp.int32),
            pltpu.VMEM((80,), jnp.float32),
            pltpu.VMEM((16,), jnp.float32),
            pltpu.VMEM((8, 16), jnp.float32),
            pltpu.SemaphoreType.DMA,
        ],
    )
    return f(lt, outflat)


def _tc_body(out5_ref, io_ref, hm_ref, parts_ref, bbox_ref, hm_out_ref,
             acc_ref):
    b = pl.program_id(0)

    @pl.when(b == 0)
    def _init():
        acc_ref[0] = 0.0
        acc_ref[1] = 0.0

    z = out5_ref[:, :, 0, :, :]
    p = jax.nn.sigmoid(z)
    log1mp = jnp.maximum(jnp.log(jnp.maximum(1.0 - p, 1e-12)), -100.0)
    acc_ref[0] += -jnp.sum(log1mp)
    d = io_ref[...] - hm_ref[...]
    acc_ref[1] += jnp.sum(d * d)

    @pl.when(b == _NB // 2 - 1)
    def _fin():
        s = [jnp.sum(parts_ref[:, q, :]) for q in range(8)]
        cobj = jnp.maximum(s[5], 1.0)
        lnoobj = (acc_ref[0] - s[6]) / jnp.maximum(_CELLS - s[7], 1.0)
        bbox_ref[0, 0] = ((s[0] + s[1] + s[2] + s[3] + s[4]) / cobj
                          + 100.0 * lnoobj)
        hm_out_ref[0, 0] = acc_ref[1] / (4.0 * _HM_M)


def _tc_call(out5, int_out, heatmaps, parts):
    return pl.pallas_call(
        _tc_body,
        grid=(_NB // 2,),
        in_specs=[
            pl.BlockSpec((2, _NA, 1, _NG, _NG), lambda b: (b, 0, 4, 0, 0)),
            pl.BlockSpec((4, 2, 17, _NG * _NG), lambda b: (0, b, 0, 0)),
            pl.BlockSpec((4, 2, 17, _NG * _NG), lambda b: (0, b, 0, 0)),
            pl.BlockSpec((32, 8, 16), lambda b: (0, 0, 0)),
        ],
        out_specs=[
            pl.BlockSpec(memory_space=pltpu.MemorySpace.SMEM),
            pl.BlockSpec(memory_space=pltpu.MemorySpace.SMEM),
        ],
        out_shape=[
            jax.ShapeDtypeStruct((1, 1), jnp.float32),
            jax.ShapeDtypeStruct((1, 1), jnp.float32),
        ],
        scratch_shapes=[pltpu.SMEM((2,), jnp.float32)],
        compiler_params=pltpu.CompilerParams(
            dimension_semantics=("arbitrary",)),
    )(out5, int_out, heatmaps, parts)


def kernel(out, int_out, labels, heatmaps):
    out5 = out.reshape(_NB, _NA, 5, _NG, _NG)
    outflat = out.reshape(-1)
    lt = jnp.full((5, 128), 0.5, jnp.float32).at[:, :_NLAB].set(labels.T)
    parts = _sc_call(lt, outflat)
    io2 = int_out.reshape(4, _NB, 17, _NG * _NG)
    hm2 = heatmaps.reshape(4, _NB, 17, _NG * _NG)
    bbox, hm = _tc_call(out5, io2, hm2, parts)
    return bbox[0, 0], hm[0, 0]

# --- scband reference (transcript-rebuilt; emitter-appended) ---
"""Pipeline reference for scband-my-loss-42133629173970 (READ-ONLY COPY).

The authoritative reference and input builder live on the scoring server;
editing this copy changes nothing except your own understanding.
"""

import jax, jax.numpy as jnp
import numpy as np

ANCHORS = np.array([[0.11, 0.11], [0.06, 0.06], [0.12, 0.06], [0.16, 0.15], [0.07, 0.095]], dtype=np.float32)
NA = 5
IGNORE_THRES = 0.5
NOOBJ_SCALE = 100.0
OBJ_SCALE = 1.0


def setup_inputs(seed: int = 0):
    key = jax.random.key(seed)
    k1, k2, k3, k4, k5, k6 = jax.random.split(key, 6)
    B, nG, N = 16, 64, 120
    out = jax.random.normal(k1, (B, NA * 5, nG, nG), dtype=jnp.float32)
    int_out = jax.random.normal(k2, (4, B, 17, 64, 64), dtype=jnp.float32)
    heatmaps = jax.random.uniform(k3, (4, B, 17, 64, 64), dtype=jnp.float32)
    bidx = jax.random.randint(k4, (N,), 0, B).astype(jnp.float32)
    xy = jax.random.uniform(k5, (N, 2), minval=0.05, maxval=0.95, dtype=jnp.float32)
    wh = jax.random.uniform(k6, (N, 2), minval=0.05, maxval=0.30, dtype=jnp.float32)
    labels = jnp.concatenate([bidx[:, None], xy, wh], axis=1)
    return {"out": out, "int_out": int_out, "labels": labels, "heatmaps": heatmaps}


def _iou_wo_center(w1, h1, w2, h2):
    inter = jnp.minimum(w1, w2) * jnp.minimum(h1, h2)
    union = w1 * h1 + w2 * h2 - inter + 1e-16
    return inter / union


def _iou_wt_center(b1, b2):
    b1x1, b1x2 = b1[:, 0] - b1[:, 2] / 2, b1[:, 0] + b1[:, 2] / 2
    b1y1, b1y2 = b1[:, 1] - b1[:, 3] / 2, b1[:, 1] + b1[:, 3] / 2
    b2x1, b2x2 = b2[:, 0] - b2[:, 2] / 2, b2[:, 0] + b2[:, 2] / 2
    b2y1, b2y2 = b2[:, 1] - b2[:, 3] / 2, b2[:, 1] + b2[:, 3] / 2
    iw = jnp.maximum(jnp.minimum(b1x2, b2x2) - jnp.maximum(b1x1, b2x1), 0.0)
    ih = jnp.maximum(jnp.minimum(b1y2, b2y2) - jnp.maximum(b1y1, b2y1), 0.0)
    inter = iw * ih
    a1 = (b1x2 - b1x1) * (b1y2 - b1y1)
    a2 = (b2x2 - b2x1) * (b2y2 - b2y1)
    return inter / (a1 + a2 - inter + 1e-16)


def _masked_mse(a, b, m):
    mf = m.astype(jnp.float32)
    return jnp.sum(mf * (a - b) ** 2) / jnp.maximum(jnp.sum(mf), 1.0)


def _masked_bce(p, t, m):
    mf = m.astype(jnp.float32)
    logp = jnp.maximum(jnp.log(jnp.maximum(p, 1e-12)), -100.0)
    log1mp = jnp.maximum(jnp.log(jnp.maximum(1.0 - p, 1e-12)), -100.0)
    bce = -(t * logp + (1.0 - t) * log1mp)
    return jnp.sum(mf * bce) / jnp.maximum(jnp.sum(mf), 1.0)


def _forward(out, int_out, labels, heatmaps):
    nB, _, nG, _ = out.shape
    anchors = jnp.asarray(ANCHORS) * nG
    pred = out.reshape(nB, NA, 5, nG, nG).transpose(0, 1, 3, 4, 2)
    xs = jax.nn.sigmoid(pred[..., 0])
    ys = jax.nn.sigmoid(pred[..., 1])
    ws = pred[..., 2]
    hs = pred[..., 3]
    conf = jax.nn.sigmoid(pred[..., 4])
    grid_x = jnp.arange(nG, dtype=jnp.float32).reshape(1, 1, 1, nG)
    grid_y = jnp.arange(nG, dtype=jnp.float32).reshape(1, 1, nG, 1)
    aw = anchors[:, 0].reshape(1, NA, 1, 1)
    ah = anchors[:, 1].reshape(1, NA, 1, 1)
    pd = jnp.stack([xs + grid_x, ys + grid_y, jnp.exp(ws) * aw, jnp.exp(hs) * ah], axis=-1)
    # build_target
    gts = labels[:, 1:] * nG
    gxs, gys, gws, ghs = gts[:, 0], gts[:, 1], gts[:, 2], gts[:, 3]
    ious = _iou_wo_center(anchors[:, 0][:, None], anchors[:, 1][:, None], gws[None, :], ghs[None, :])
    best_n = jnp.argmax(ious, axis=0)
    idx = labels[:, 0].astype(jnp.int32)
    gi = gxs.astype(jnp.int32)
    gj = gys.astype(jnp.int32)
    obj_mask = jnp.zeros((nB, NA, nG, nG), dtype=bool).at[idx, best_n, gj, gi].set(True)
    noobj = jnp.ones((nB, NA, nG, nG), dtype=jnp.int32).at[idx, best_n, gj, gi].set(0)
    over = ious.T > IGNORE_THRES
    N = labels.shape[0]
    aa = jnp.broadcast_to(jnp.arange(NA)[None, :], (N, NA))
    noobj = noobj.at[idx[:, None], aa, gj[:, None], gi[:, None]].min(jnp.logical_not(over).astype(jnp.int32))
    noobj_mask = noobj.astype(bool)
    z = jnp.zeros((nB, NA, nG, nG), dtype=jnp.float32)
    tx = z.at[idx, best_n, gj, gi].set(gxs - jnp.floor(gxs))
    ty = z.at[idx, best_n, gj, gi].set(gys - jnp.floor(gys))
    tw = z.at[idx, best_n, gj, gi].set(jnp.log(gws / anchors[best_n, 0]))
    th_t = z.at[idx, best_n, gj, gi].set(jnp.log(ghs / anchors[best_n, 1]))
    scores = z.at[idx, best_n, gj, gi].set(_iou_wt_center(pd[idx, best_n, gj, gi], gts))  # computed as in original; unused by loss
    tconf = obj_mask.astype(jnp.float32)
    loss_x = _masked_mse(xs, tx, obj_mask)
    loss_y = _masked_mse(ys, ty, obj_mask)
    loss_w = _masked_mse(ws, tw, obj_mask)
    loss_h = _masked_mse(hs, th_t, obj_mask)
    loss_obj = _masked_bce(conf, tconf, obj_mask)
    loss_noobj = _masked_bce(conf, tconf, noobj_mask)
    loss_conf = OBJ_SCALE * loss_obj + NOOBJ_SCALE * loss_noobj
    bbox_loss = loss_x + loss_y + loss_w + loss_h + loss_conf
    heatmap_loss = jnp.sum(jnp.mean((int_out - heatmaps) ** 2, axis=(1, 2, 3, 4)))
    return bbox_loss, heatmap_loss / 4.0


def reference(out, int_out, labels, heatmaps):
    return _forward(out, int_out, labels, heatmaps)

if __name__ == "__main__":
    import jax
    _d = setup_inputs()
    print(jax.jit(kernel)(*tuple(_d.values())))

</pallas_src>

<mosaic_0001>
#map = affine_map<(d0, d1) -> (0, 0)>
#map1 = affine_map<(d0, d1) -> (0)>
#map2 = affine_map<(d0, d1) -> (0, 0, 0)>
module attributes {stable_mosaic.version = 14 : i64} {
  func.func @_sc_body(%arg0: i32, %arg1: i32, %arg2: memref<5x128xf32, #tpu.memory_space<hbm>>, %arg3: memref<1638400xf32, #tpu.memory_space<hbm>>, %arg4: memref<32x8x16xf32, #tpu.memory_space<hbm>>, %arg5: memref<5x128xf32, #tpu.memory_space<vmem>>, %arg6: memref<640xi32, #tpu.memory_space<vmem>>, %arg7: memref<640xi32, #tpu.memory_space<vmem>>, %arg8: memref<128xi32, #tpu.memory_space<vmem>>, %arg9: memref<80xf32, #tpu.memory_space<vmem>>, %arg10: memref<16xf32, #tpu.memory_space<vmem>>, %arg11: memref<8x16xf32, #tpu.memory_space<vmem>>, %arg12: memref<!tpu.dma_semaphore, #tpu.memory_space<semaphore_mem>>) attributes {dimension_semantics = [#tpu.dimension_semantics<core_parallel>, #tpu.dimension_semantics<subcore_parallel>], iteration_bounds = array<i64: 2, 16>, scalar_prefetch = 0 : i64, scratch_operands = 8 : i64, tpu.core_type = #tpu.core_type<sc_vector_subcore>, window_params = [{transform_indices = #map}, {transform_indices = #map1}, {transform_indices = #map2}]} {
    %mul3A = arith.constant 2 : i32
    %mul3A_0 = arith.muli %arg1, %mul3A : i32
    %add3A = arith.addi %mul3A_0, %arg0 : i32
    %iota3A = tpu.iota {dimensions = array<i32: 0>} : vector<16xi32>
    %broadcast_in_dim3A = arith.constant 0.000000e+00 : f32
    %broadcast_in_dim3A_1 = vector.broadcast %broadcast_in_dim3A : f32 to vector<16xf32>
    %swap3A = arith.constant 0 : i32
    %swap3A_2 = arith.index_cast %swap3A : i32 to index
    %swap3A_3 = arith.constant 0 : index
    %swap3A_4 = tpu.vector_load %arg11[%swap3A_2, %swap3A_3] {strides = array<i32>} : memref<8x16xf32, #tpu.memory_space<vmem>>, vector<1x16xf32>,
    %swap3A_5 = vector.shape_cast %swap3A_4 : vector<1x16xf32> to vector<16xf32>
    %swap3A_6 = vector.shape_cast %broadcast_in_dim3A_1 : vector<16xf32> to vector<1x16xf32>
    tpu.vector_store %arg11[%swap3A_2, %swap3A_3], %swap3A_6 {strides = array<i32>} : memref<8x16xf32, #tpu.memory_space<vmem>>, vector<1x16xf32>,
    %swap3A_7 = arith.constant 1 : i32
    %swap3A_8 = arith.index_cast %swap3A_7 : i32 to index
    %swap3A_9 = arith.constant 0 : index
    %swap3A_10 = tpu.vector_load %arg11[%swap3A_8, %swap3A_9] {strides = array<i32>} : memref<8x16xf32, #tpu.memory_space<vmem>>, vector<1x16xf32>,
    %swap3A_11 = vector.shape_cast %swap3A_10 : vector<1x16xf32> to vector<16xf32>
    %swap3A_12 = vector.shape_cast %broadcast_in_dim3A_1 : vector<16xf32> to vector<1x16xf32>
    tpu.vector_store %arg11[%swap3A_8, %swap3A_9], %swap3A_12 {strides = array<i32>} : memref<8x16xf32, #tpu.memory_space<vmem>>, vector<1x16xf32>,
    %swap3A_13 = arith.constant 2 : i32
    %swap3A_14 = arith.index_cast %swap3A_13 : i32 to index
    %swap3A_15 = arith.constant 0 : index
    %swap3A_16 = tpu.vector_load %arg11[%swap3A_14, %swap3A_15] {strides = array<i32>} : memref<8x16xf32, #tpu.memory_space<vmem>>, vector<1x16xf32>,
    %swap3A_17 = vector.shape_cast %swap3A_16 : vector<1x16xf32> to vector<16xf32>
    %swap3A_18 = vector.shape_cast %broadcast_in_dim3A_1 : vector<16xf32> to vector<1x16xf32>
    tpu.vector_store %arg11[%swap3A_14, %swap3A_15], %swap3A_18 {strides = array<i32>} : memref<8x16xf32, #tpu.memory_space<vmem>>, vector<1x16xf32>,
    %swap3A_19 = arith.constant 3 : i32
    %swap3A_20 = arith.index_cast %swap3A_19 : i32 to index
    %swap3A_21 = arith.constant 0 : index
    %swap3A_22 = tpu.vector_load %arg11[%swap3A_20, %swap3A_21] {strides = array<i32>} : memref<8x16xf32, #tpu.memory_space<vmem>>, vector<1x16xf32>,
    %swap3A_23 = vector.shape_cast %swap3A_22 : vector<1x16xf32> to vector<16xf32>
    %swap3A_24 = vector.shape_cast %broadcast_in_dim3A_1 : vector<16xf32> to vector<1x16xf32>
    tpu.vector_store %arg11[%swap3A_20, %swap3A_21], %swap3A_24 {strides = array<i32>} : memref<8x16xf32, #tpu.memory_space<vmem>>, vector<1x16xf32>,
    %swap3A_25 = arith.constant 4 : i32
    %swap3A_26 = arith.index_cast %swap3A_25 : i32 to index
    %swap3A_27 = arith.constant 0 : index
    %swap3A_28 = tpu.vector_load %arg11[%swap3A_26, %swap3A_27] {strides = array<i32>} : memref<8x16xf32, #tpu.memory_space<vmem>>, vector<1x16xf32>,
    %swap3A_29 = vector.shape_cast %swap3A_28 : vector<1x16xf32> to vector<16xf32>
    %swap3A_30 = vector.shape_cast %broadcast_in_dim3A_1 : vector<16xf32> to vector<1x16xf32>
    tpu.vector_store %arg11[%swap3A_26, %swap3A_27], %swap3A_30 {strides = array<i32>} : memref<8x16xf32, #tpu.memory_space<vmem>>, vector<1x16xf32>,
    %swap3A_31 = arith.constant 5 : i32
    %swap3A_32 = arith.index_cast %swap3A_31 : i32 to index
    %swap3A_33 = arith.constant 0 : index
    %swap3A_34 = tpu.vector_load %arg11[%swap3A_32, %swap3A_33] {strides = array<i32>} : memref<8x16xf32, #tpu.memory_space<vmem>>, vector<1x16xf32>,
    %swap3A_35 = vector.shape_cast %swap3A_34 : vector<1x16xf32> to vector<16xf32>
    %swap3A_36 = vector.shape_cast %broadcast_in_dim3A_1 : vector<16xf32> to vector<1x16xf32>
    tpu.vector_store %arg11[%swap3A_32, %swap3A_33], %swap3A_36 {strides = array<i32>} : memref<8x16xf32, #tpu.memory_space<vmem>>, vector<1x16xf32>,
    %swap3A_37 = arith.constant 6 : i32
    %swap3A_38 = arith.index_cast %swap3A_37 : i32 to index
    %swap3A_39 = arith.constant 0 : index
    %swap3A_40 = tpu.vector_load %arg11[%swap3A_38, %swap3A_39] {strides = array<i32>} : memref<8x16xf32, #tpu.memory_space<vmem>>, vector<1x16xf32>,
    %swap3A_41 = vector.shape_cast %swap3A_40 : vector<1x16xf32> to vector<16xf32>
    %swap3A_42 = vector.shape_cast %broadcast_in_dim3A_1 : vector<16xf32> to vector<1x16xf32>
    tpu.vector_store %arg11[%swap3A_38, %swap3A_39], %swap3A_42 {strides = array<i32>} : memref<8x16xf32, #tpu.memory_space<vmem>>, vector<1x16xf32>,
    %swap3A_43 = arith.constant 7 : i32
    %swap3A_44 = arith.index_cast %swap3A_43 : i32 to index
    %swap3A_45 = arith.constant 0 : index
    %swap3A_46 = tpu.vector_load %arg11[%swap3A_44, %swap3A_45] {strides = array<i32>} : memref<8x16xf32, #tpu.memory_space<vmem>>, vector<1x16xf32>,
    %swap3A_47 = vector.shape_cast %swap3A_46 : vector<1x16xf32> to vector<16xf32>
    %swap3A_48 = vector.shape_cast %broadcast_in_dim3A_1 : vector<16xf32> to vector<1x16xf32>
    tpu.vector_store %arg11[%swap3A_44, %swap3A_45], %swap3A_48 {strides = array<i32>} : memref<8x16xf32, #tpu.memory_space<vmem>>, vector<1x16xf32>,
    "tpu.region"() ({
      %run_scoped3A = tpu.sem_alloc : memref<!tpu.dma_semaphore, #tpu.memory_space<semaphore_mem>>
      tpu.enqueue_dma source(%arg2 : memref<5x128xf32, #tpu.memory_space<hbm>>) target(%arg5 : memref<5x128xf32, #tpu.memory_space<vmem>>) target_semaphore(%run_scoped3A : memref<!tpu.dma_semaphore, #tpu.memory_space<semaphore_mem>>)
      tpu.wait_dma2 semaphore(%run_scoped3A : memref<!tpu.dma_semaphore, #tpu.memory_space<semaphore_mem>>) src(%arg2 : memref<5x128xf32, #tpu.memory_space<hbm>>) dst(%arg5 : memref<5x128xf32, #tpu.memory_space<vmem>>)
      tpu.yield
    }) : () -> ()
    %scan3A = arith.constant 0 : i32
    %scan3A_49 = arith.constant 0 : i32
    %scan3A_50 = arith.constant 8 : i32
    %scan3A_51 = arith.addi %scan3A_49, %scan3A_50 : i32
    %scan3A_52 = arith.constant 1 : i32
    scf.for %scan3A_620 = %scan3A_49 to %scan3A_51 step %scan3A_52  : i32 {
      %mul3A_621 = arith.constant 16 : i32
      %mul3A_622 = arith.muli %mul3A_621, %scan3A_620 : i32
      %mul3A_623 = arith.constant 16 : i32
      %mul3A_624 = arith.muli %mul3A_623, %scan3A_620 : i32
      %add3A_625 = vector.broadcast %mul3A_624 : i32 to vector<16xi32>
      %add3A_626 = arith.addi %iota3A, %add3A_625 : vector<16xi32>
      %lt3A_627 = arith.constant 120 : i32
      %lt3A_628 = vector.broadcast %lt3A_627 : i32 to vector<16xi32>
      %lt3A_629 = arith.cmpi slt, %add3A_626, %lt3A_628 : vector<16xi32>
      %jit3A_630 = arith.constant 1 : i32
      %jit3A_631 = arith.constant 0 : i32
      %broadcast_in_dim3A_632 = vector.broadcast %jit3A_630 : i32 to vector<16xi32>
      %broadcast_in_dim3A_633 = vector.broadcast %jit3A_631 : i32 to vector<16xi32>
      %select_n3A_634 = arith.select %lt3A_629, %broadcast_in_dim3A_632, %broadcast_in_dim3A_633 : vector<16xi1>, vector<16xi32>
      %mul3A_635 = arith.constant 16 : i32
      %mul3A_636 = arith.muli %mul3A_635, %scan3A_620 : i32
      %get3A_637 = arith.constant 0 : i32
      %get3A_638 = arith.index_cast %get3A_637 : i32 to index
      %get3A_639 = arith.index_cast %mul3A_636 : i32 to index
      %get3A_640 = tpu.vector_load %arg5[%get3A_638, %get3A_639] {strides = array<i32>} : memref<5x128xf32, #tpu.memory_space<vmem>>, vector<1x16xf32>,
      %get3A_641 = vector.shape_cast %get3A_640 : vector<1x16xf32> to vector<16xf32>
      %get3A_642 = arith.constant 1 : i32
      %get3A_643 = arith.index_cast %get3A_642 : i32 to index
      %get3A_644 = arith.index_cast %mul3A_636 : i32 to index
      %get3A_645 = tpu.vector_load %arg5[%get3A_643, %get3A_644] {strides = array<i32>} : memref<5x128xf32, #tpu.memory_space<vmem>>, vector<1x16xf32>,
      %get3A_646 = vector.shape_cast %get3A_645 : vector<1x16xf32> to vector<16xf32>
      %mul3A_647 = arith.constant 6.400000e+01 : f32
      %mul3A_648 = vector.broadcast %mul3A_647 : f32 to vector<16xf32>
      %mul3A_649 = arith.mulf %get3A_646, %mul3A_648 : vector<16xf32>
      %get3A_650 = arith.constant 2 : i32
      %get3A_651 = arith.index_cast %get3A_650 : i32 to index
      %get3A_652 = arith.index_cast %mul3A_636 : i32 to index
      %get3A_653 = tpu.vector_load %arg5[%get3A_651, %get3A_652] {strides = array<i32>} : memref<5x128xf32, #tpu.memory_space<vmem>>, vector<1x16xf32>,
      %get3A_654 = vector.shape_cast %get3A_653 : vector<1x16xf32> to vector<16xf32>
      %mul3A_655 = arith.constant 6.400000e+01 : f32
      %mul3A_656 = vector.broadcast %mul3A_655 : f32 to vector<16xf32>
      %mul3A_657 = arith.mulf %get3A_654, %mul3A_656 : vector<16xf32>
      %get3A_658 = arith.constant 3 : i32
      %get3A_659 = arith.index_cast %get3A_658 : i32 to index
      %get3A_660 = arith.index_cast %mul3A_636 : i32 to index
      %get3A_661 = tpu.vector_load %arg5[%get3A_659, %get3A_660] {strides = array<i32>} : memref<5x128xf32, #tpu.memory_space<vmem>>, vector<1x16xf32>,
      %get3A_662 = vector.shape_cast %get3A_661 : vector<1x16xf32> to vector<16xf32>
      %mul3A_663 = arith.constant 6.400000e+01 : f32
      %mul3A_664 = vector.broadcast %mul3A_663 : f32 to vector<16xf32>
      %mul3A_665 = arith.mulf %get3A_662, %mul3A_664 : vector<16xf32>
      %get3A_666 = arith.constant 4 : i32
      %get3A_667 = arith.index_cast %get3A_666 : i32 to index
      %get3A_668 = arith.index_cast %mul3A_636 : i32 to index
      %get3A_669 = tpu.vector_load %arg5[%get3A_667, %get3A_668] {strides = array<i32>} : memref<5x128xf32, #tpu.memory_space<vmem>>, vector<1x16xf32>,
      %get3A_670 = vector.shape_cast %get3A_669 : vector<1x16xf32> to vector<16xf32>
      %mul3A_671 = arith.constant 6.400000e+01 : f32
      %mul3A_672 = vector.broadcast %mul3A_671 : f32 to vector<16xf32>
      %mul3A_673 = arith.mulf %get3A_670, %mul3A_672 : vector<16xf32>
      %convert_element_type3A_674 = arith.fptosi %get3A_641 : vector<16xf32> to vector<16xi32>
      %convert_element_type3A_675 = arith.fptosi %mul3A_649 : vector<16xf32> to vector<16xi32>
      %convert_element_type3A_676 = arith.fptosi %mul3A_657 : vector<16xf32> to vector<16xi32>
      %mul3A_677 = arith.mulf %mul3A_665, %mul3A_673 : vector<16xf32>
      %broadcast_in_dim3A_678 = arith.constant 0 : i32
      %broadcast_in_dim3A_679 = vector.broadcast %broadcast_in_dim3A_678 : i32 to vector<16xi32>
      %broadcast_in_dim3A_680 = arith.constant -1.000000e+00 : f32
      %broadcast_in_dim3A_681 = vector.broadcast %broadcast_in_dim3A_680 : f32 to vector<16xf32>
      %min3A = arith.constant 7.03999996 : f32
      %min3A_682 = vector.broadcast %min3A : f32 to vector<16xf32>
      %min3A_683 = arith.minimumf %min3A_682, %mul3A_665 : vector<16xf32>
      %min3A_684 = arith.constant 7.03999996 : f32
      %min3A_685 = vector.broadcast %min3A_684 : f32 to vector<16xf32>
      %min3A_686 = arith.minimumf %min3A_685, %mul3A_673 : vector<16xf32>
      %mul3A_687 = arith.mulf %min3A_683, %min3A_686 : vector<16xf32>
      %add3A_688 = arith.constant 4.956160e+01 : f32
      %add3A_689 = vector.broadcast %add3A_688 : f32 to vector<16xf32>
      %add3A_690 = arith.addf %add3A_689, %mul3A_677 : vector<16xf32>
      %sub3A_691 = arith.subf %add3A_690, %mul3A_687 : vector<16xf32>
      %add3A_692 = arith.constant 1.000000e-16 : f32
      %add3A_693 = vector.broadcast %add3A_692 : f32 to vector<16xf32>
      %add3A_694 = arith.addf %sub3A_691, %add3A_693 : vector<16xf32>
      %div3A_695 = arith.divf %mul3A_687, %add3A_694 : vector<16xf32>
      %gt3A_696 = arith.cmpf ogt, %div3A_695, %broadcast_in_dim3A_681 : vector<16xf32>
      %jit3A_697 = arith.constant 0 : i32
      %broadcast_in_dim3A_698 = vector.broadcast %jit3A_697 : i32 to vector<16xi32>
      %select_n3A_699 = arith.select %gt3A_696, %broadcast_in_dim3A_698, %broadcast_in_dim3A_679 : vector<16xi1>, vector<16xi32>
      %select_n3A_700 = arith.select %gt3A_696, %div3A_695, %broadcast_in_dim3A_681 : vector<16xi1>, vector<16xf32>
      %min3A_701 = arith.constant 3.840000e+00 : f32
      %min3A_702 = vector.broadcast %min3A_701 : f32 to vector<16xf32>
      %min3A_703 = arith.minimumf %min3A_702, %mul3A_665 : vector<16xf32>
      %min3A_704 = arith.constant 3.840000e+00 : f32
      %min3A_705 = vector.broadcast %min3A_704 : f32 to vector<16xf32>
      %min3A_706 = arith.minimumf %min3A_705, %mul3A_673 : vector<16xf32>
      %mul3A_707 = arith.mulf %min3A_703, %min3A_706 : vector<16xf32>
      %add3A_708 = arith.constant 1.474560e+01 : f32
      %add3A_709 = vector.broadcast %add3A_708 : f32 to vector<16xf32>
      %add3A_710 = arith.addf %add3A_709, %mul3A_677 : vector<16xf32>
      %sub3A_711 = arith.subf %add3A_710, %mul3A_707 : vector<16xf32>
      %add3A_712 = arith.constant 1.000000e-16 : f32
      %add3A_713 = vector.broadcast %add3A_712 : f32 to vector<16xf32>
      %add3A_714 = arith.addf %sub3A_711, %add3A_713 : vector<16xf32>
      %div3A_715 = arith.divf %mul3A_707, %add3A_714 : vector<16xf32>
      %gt3A_716 = arith.cmpf ogt, %div3A_715, %select_n3A_700 : vector<16xf32>
      %jit3A_717 = arith.constant 1 : i32
      %broadcast_in_dim3A_718 = vector.broadcast %jit3A_717 : i32 to vector<16xi32>
      %select_n3A_719 = arith.select %gt3A_716, %broadcast_in_dim3A_718, %select_n3A_699 : vector<16xi1>, vector<16xi32>
      %select_n3A_720 = arith.select %gt3A_716, %div3A_715, %select_n3A_700 : vector<16xi1>, vector<16xf32>
      %min3A_721 = arith.constant 7.680000e+00 : f32
      %min3A_722 = vector.broadcast %min3A_721 : f32 to vector<16xf32>
      %min3A_723 = arith.minimumf %min3A_722, %mul3A_665 : vector<16xf32>
      %min3A_724 = arith.constant 3.840000e+00 : f32
      %min3A_725 = vector.broadcast %min3A_724 : f32 to vector<16xf32>
      %min3A_726 = arith.minimumf %min3A_725, %mul3A_673 : vector<16xf32>
      %mul3A_727 = arith.mulf %min3A_723, %min3A_726 : vector<16xf32>
      %add3A_728 = arith.constant 2.949120e+01 : f32
      %add3A_729 = vector.broadcast %add3A_728 : f32 to vector<16xf32>
      %add3A_730 = arith.addf %add3A_729, %mul3A_677 : vector<16xf32>
      %sub3A_731 = arith.subf %add3A_730, %mul3A_727 : vector<16xf32>
      %add3A_732 = arith.constant 1.000000e-16 : f32
      %add3A_733 = vector.broadcast %add3A_732 : f32 to vector<16xf32>
      %add3A_734 = arith.addf %sub3A_731, %add3A_733 : vector<16xf32>
      %div3A_735 = arith.divf %mul3A_727, %add3A_734 : vector<16xf32>
      %gt3A_736 = arith.cmpf ogt, %div3A_735, %select_n3A_720 : vector<16xf32>
      %jit3A_737 = arith.constant 2 : i32
      %broadcast_in_dim3A_738 = vector.broadcast %jit3A_737 : i32 to vector<16xi32>
      %select_n3A_739 = arith.select %gt3A_736, %broadcast_in_dim3A_738, %select_n3A_719 : vector<16xi1>, vector<16xi32>
      %select_n3A_740 = arith.select %gt3A_736, %div3A_735, %select_n3A_720 : vector<16xi1>, vector<16xf32>
      %min3A_741 = arith.constant 1.024000e+01 : f32
      %min3A_742 = vector.broadcast %min3A_741 : f32 to vector<16xf32>
      %min3A_743 = arith.minimumf %min3A_742, %mul3A_665 : vector<16xf32>
      %min3A_744 = arith.constant 9.600000e+00 : f32
      %min3A_745 = vector.broadcast %min3A_744 : f32 to vector<16xf32>
      %min3A_746 = arith.minimumf %min3A_745, %mul3A_673 : vector<16xf32>
      %mul3A_747 = arith.mulf %min3A_743, %min3A_746 : vector<16xf32>
      %add3A_748 = arith.constant 9.830400e+01 : f32
      %add3A_749 = vector.broadcast %add3A_748 : f32 to vector<16xf32>
      %add3A_750 = arith.addf %add3A_749, %mul3A_677 : vector<16xf32>
      %sub3A_751 = arith.subf %add3A_750, %mul3A_747 : vector<16xf32>
      %add3A_752 = arith.constant 1.000000e-16 : f32
      %add3A_753 = vector.broadcast %add3A_752 : f32 to vector<16xf32>
      %add3A_754 = arith.addf %sub3A_751, %add3A_753 : vector<16xf32>
      %div3A_755 = arith.divf %mul3A_747, %add3A_754 : vector<16xf32>
      %gt3A_756 = arith.cmpf ogt, %div3A_755, %select_n3A_740 : vector<16xf32>
      %jit3A_757 = arith.constant 3 : i32
      %broadcast_in_dim3A_758 = vector.broadcast %jit3A_757 : i32 to vector<16xi32>
      %select_n3A_759 = arith.select %gt3A_756, %broadcast_in_dim3A_758, %select_n3A_739 : vector<16xi1>, vector<16xi32>
      %select_n3A_760 = arith.select %gt3A_756, %div3A_755, %select_n3A_740 : vector<16xi1>, vector<16xf32>
      %min3A_761 = arith.constant 4.480000e+00 : f32
      %min3A_762 = vector.broadcast %min3A_761 : f32 to vector<16xf32>
      %min3A_763 = arith.minimumf %min3A_762, %mul3A_665 : vector<16xf32>
      %min3A_764 = arith.constant 6.080000e+00 : f32
      %min3A_765 = vector.broadcast %min3A_764 : f32 to vector<16xf32>
      %min3A_766 = arith.minimumf %min3A_765, %mul3A_673 : vector<16xf32>
      %mul3A_767 = arith.mulf %min3A_763, %min3A_766 : vector<16xf32>
      %add3A_768 = arith.constant 2.723840e+01 : f32
      %add3A_769 = vector.broadcast %add3A_768 : f32 to vector<16xf32>
      %add3A_770 = arith.addf %add3A_769, %mul3A_677 : vector<16xf32>
      %sub3A_771 = arith.subf %add3A_770, %mul3A_767 : vector<16xf32>
      %add3A_772 = arith.constant 1.000000e-16 : f32
      %add3A_773 = vector.broadcast %add3A_772 : f32 to vector<16xf32>
      %add3A_774 = arith.addf %sub3A_771, %add3A_773 : vector<16xf32>
      %div3A_775 = arith.divf %mul3A_767, %add3A_774 : vector<16xf32>
      %gt3A_776 = arith.cmpf ogt, %div3A_775, %select_n3A_760 : vector<16xf32>
      %jit3A_777 = arith.constant 4 : i32
      %broadcast_in_dim3A_778 = vector.broadcast %jit3A_777 : i32 to vector<16xi32>
      %select_n3A_779 = arith.select %gt3A_776, %broadcast_in_dim3A_778, %select_n3A_759 : vector<16xi1>, vector<16xi32>
      %select_n3A_780 = arith.select %gt3A_776, %div3A_775, %select_n3A_760 : vector<16xi1>, vector<16xf32>
      %mul3A_781 = arith.constant 64 : i32
      %mul3A_782 = vector.broadcast %mul3A_781 : i32 to vector<16xi32>
      %mul3A_783 = arith.muli %convert_element_type3A_676, %mul3A_782 : vector<16xi32>
      %add3A_784 = arith.addi %mul3A_783, %convert_element_type3A_675 : vector<16xi32>
      %mul3A_785 = arith.constant 5 : i32
      %mul3A_786 = vector.broadcast %mul3A_785 : i32 to vector<16xi32>
      %mul3A_787 = arith.muli %convert_element_type3A_674, %mul3A_786 : vector<16xi32>
      %add3A_788 = arith.addi %mul3A_787, %select_n3A_779 : vector<16xi32>
      %mul3A_789 = arith.constant 4096 : i32
      %mul3A_790 = vector.broadcast %mul3A_789 : i32 to vector<16xi32>
      %mul3A_791 = arith.muli %add3A_788, %mul3A_790 : vector<16xi32>
      %add3A_792 = arith.addi %mul3A_791, %add3A_784 : vector<16xi32>
      %gt3A_793 = arith.constant 0 : i32
      %gt3A_794 = vector.broadcast %gt3A_793 : i32 to vector<16xi32>
      %gt3A_795 = arith.cmpi sgt, %select_n3A_634, %gt3A_794 : vector<16xi32>
      %jit3A_796 = arith.constant -2 : i32
      %broadcast_in_dim3A_797 = vector.broadcast %jit3A_796 : i32 to vector<16xi32>
      %select_n3A_798 = arith.select %gt3A_795, %add3A_792, %broadcast_in_dim3A_797 : vector<16xi1>, vector<16xi32>
      %swap3A_799 = arith.index_cast %mul3A_622 : i32 to index
      %swap3A_800 = tpu.vector_load %arg8[%swap3A_799] {strides = array<i32>} : memref<128xi32, #tpu.memory_space<vmem>>, vector<16xi32>,
      %swap3A_801 = vector.shape_cast %swap3A_800 : vector<16xi32> to vector<16xi32>
      %swap3A_802 = vector.shape_cast %select_n3A_798 : vector<16xi32> to vector<16xi32>
      tpu.vector_store %arg8[%swap3A_799], %swap3A_802 {strides = array<i32>} : memref<128xi32, #tpu.memory_space<vmem>>, vector<16xi32>,
      %mul3A_803 = arith.constant 102400 : i32
      %mul3A_804 = vector.broadcast %mul3A_803 : i32 to vector<16xi32>
      %mul3A_805 = arith.muli %convert_element_type3A_674, %mul3A_804 : vector<16xi32>
      %mul3A_806 = arith.constant 4096 : i32
      %mul3A_807 = vector.broadcast %mul3A_806 : i32 to vector<16xi32>
      %mul3A_808 = arith.muli %convert_element_type3A_674, %mul3A_807 : vector<16xi32>
      %add3A_809 = arith.addi %mul3A_808, %add3A_784 : vector<16xi32>
      %gt3A_810 = arith.constant 5.000000e-01 : f32
      %gt3A_811 = vector.broadcast %gt3A_810 : f32 to vector<16xf32>
      %gt3A_812 = arith.cmpf ogt, %div3A_695, %gt3A_811 : vector<16xf32>
      %jit3A_813 = arith.constant 1 : i32
      %jit3A_814 = arith.constant 0 : i32
      %broadcast_in_dim3A_815 = vector.broadcast %jit3A_813 : i32 to vector<16xi32>
      %broadcast_in_dim3A_816 = vector.broadcast %jit3A_814 : i32 to vector<16xi32>
      %select_n3A_817 = arith.select %gt3A_812, %broadcast_in_dim3A_815, %broadcast_in_dim3A_816 : vector<16xi1>, vector<16xi32>
      %eq3A_818 = arith.constant 0 : i32
      %eq3A_819 = vector.broadcast %eq3A_818 : i32 to vector<16xi32>
      %eq3A_820 = arith.cmpi eq, %select_n3A_779, %eq3A_819 : vector<16xi32>
      %jit3A_821 = arith.constant 1 : i32
      %jit3A_822 = arith.constant 0 : i32
      %broadcast_in_dim3A_823 = vector.broadcast %jit3A_821 : i32 to vector<16xi32>
      %broadcast_in_dim3A_824 = vector.broadcast %jit3A_822 : i32 to vector<16xi32>
      %select_n3A_825 = arith.select %eq3A_820, %broadcast_in_dim3A_823, %broadcast_in_dim3A_824 : vector<16xi1>, vector<16xi32>
      %or3A_826 = arith.ori %select_n3A_817, %select_n3A_825 : vector<16xi32>
      %and3A_827 = arith.andi %select_n3A_634, %or3A_826 : vector<16xi32>
      %mul3A_828 = arith.constant 16 : i32
      %mul3A_829 = arith.muli %mul3A_828, %scan3A_620 : i32
      %add3A_830 = arith.constant 0 : i32
      %add3A_831 = arith.addi %add3A_830, %mul3A_829 : i32
      %gt3A_832 = arith.constant 0 : i32
      %gt3A_833 = vector.broadcast %gt3A_832 : i32 to vector<16xi32>
      %gt3A_834 = arith.cmpi sgt, %and3A_827, %gt3A_833 : vector<16xi32>
      %jit3A_835 = arith.constant -1 : i32
      %broadcast_in_dim3A_836 = vector.broadcast %jit3A_835 : i32 to vector<16xi32>
      %select_n3A_837 = arith.select %gt3A_834, %add3A_809, %broadcast_in_dim3A_836 : vector<16xi1>, vector<16xi32>
      %swap3A_838 = arith.index_cast %add3A_831 : i32 to index
      %swap3A_839 = tpu.vector_load %arg6[%swap3A_838] {strides = array<i32>} : memref<640xi32, #tpu.memory_space<vmem>>, vector<16xi32>,
      %swap3A_840 = vector.shape_cast %swap3A_839 : vector<16xi32> to vector<16xi32>
      %swap3A_841 = vector.shape_cast %select_n3A_837 : vector<16xi32> to vector<16xi32>
      tpu.vector_store %arg6[%swap3A_838], %swap3A_841 {strides = array<i32>} : memref<640xi32, #tpu.memory_space<vmem>>, vector<16xi32>,
      %add3A_842 = arith.constant 16384 : i32
      %add3A_843 = vector.broadcast %add3A_842 : i32 to vector<16xi32>
      %add3A_844 = arith.addi %mul3A_805, %add3A_843 : vector<16xi32>
      %add3A_845 = arith.addi %add3A_844, %add3A_784 : vector<16xi32>
      %swap3A_846 = arith.index_cast %add3A_831 : i32 to index
      %swap3A_847 = tpu.vector_load %arg7[%swap3A_846] {strides = array<i32>} : memref<640xi32, #tpu.memory_space<vmem>>, vector<16xi32>,
      %swap3A_848 = vector.shape_cast %swap3A_847 : vector<16xi32> to vector<16xi32>
      %swap3A_849 = vector.shape_cast %add3A_845 : vector<16xi32> to vector<16xi32>
      tpu.vector_store %arg7[%swap3A_846], %swap3A_849 {strides = array<i32>} : memref<640xi32, #tpu.memory_space<vmem>>, vector<16xi32>,
      %gt3A_850 = arith.constant 5.000000e-01 : f32
      %gt3A_851 = vector.broadcast %gt3A_850 : f32 to vector<16xf32>
      %gt3A_852 = arith.cmpf ogt, %div3A_715, %gt3A_851 : vector<16xf32>
      %jit3A_853 = arith.constant 1 : i32
      %jit3A_854 = arith.constant 0 : i32
      %broadcast_in_dim3A_855 = vector.broadcast %jit3A_853 : i32 to vector<16xi32>
      %broadcast_in_dim3A_856 = vector.broadcast %jit3A_854 : i32 to vector<16xi32>
      %select_n3A_857 = arith.select %gt3A_852, %broadcast_in_dim3A_855, %broadcast_in_dim3A_856 : vector<16xi1>, vector<16xi32>
      %eq3A_858 = arith.constant 1 : i32
      %eq3A_859 = vector.broadcast %eq3A_858 : i32 to vector<16xi32>
      %eq3A_860 = arith.cmpi eq, %select_n3A_779, %eq3A_859 : vector<16xi32>
      %jit3A_861 = arith.constant 1 : i32
      %jit3A_862 = arith.constant 0 : i32
      %broadcast_in_dim3A_863 = vector.broadcast %jit3A_861 : i32 to vector<16xi32>
      %broadcast_in_dim3A_864 = vector.broadcast %jit3A_862 : i32 to vector<16xi32>
      %select_n3A_865 = arith.select %eq3A_860, %broadcast_in_dim3A_863, %broadcast_in_dim3A_864 : vector<16xi1>, vector<16xi32>
      %or3A_866 = arith.ori %select_n3A_857, %select_n3A_865 : vector<16xi32>
      %and3A_867 = arith.andi %select_n3A_634, %or3A_866 : vector<16xi32>
      %mul3A_868 = arith.constant 16 : i32
      %mul3A_869 = arith.muli %mul3A_868, %scan3A_620 : i32
      %add3A_870 = arith.constant 128 : i32
      %add3A_871 = arith.addi %add3A_870, %mul3A_869 : i32
      %gt3A_872 = arith.constant 0 : i32
      %gt3A_873 = vector.broadcast %gt3A_872 : i32 to vector<16xi32>
      %gt3A_874 = arith.cmpi sgt, %and3A_867, %gt3A_873 : vector<16xi32>
      %jit3A_875 = arith.constant -1 : i32
      %broadcast_in_dim3A_876 = vector.broadcast %jit3A_875 : i32 to vector<16xi32>
      %select_n3A_877 = arith.select %gt3A_874, %add3A_809, %broadcast_in_dim3A_876 : vector<16xi1>, vector<16xi32>
      %swap3A_878 = arith.index_cast %add3A_871 : i32 to index
      %swap3A_879 = tpu.vector_load %arg6[%swap3A_878] {strides = array<i32>} : memref<640xi32, #tpu.memory_space<vmem>>, vector<16xi32>,
      %swap3A_880 = vector.shape_cast %swap3A_879 : vector<16xi32> to vector<16xi32>
      %swap3A_881 = vector.shape_cast %select_n3A_877 : vector<16xi32> to vector<16xi32>
      tpu.vector_store %arg6[%swap3A_878], %swap3A_881 {strides = array<i32>} : memref<640xi32, #tpu.memory_space<vmem>>, vector<16xi32>,
      %add3A_882 = arith.constant 36864 : i32
      %add3A_883 = vector.broadcast %add3A_882 : i32 to vector<16xi32>
      %add3A_884 = arith.addi %mul3A_805, %add3A_883 : vector<16xi32>
      %add3A_885 = arith.addi %add3A_884, %add3A_784 : vector<16xi32>
      %swap3A_886 = arith.index_cast %add3A_871 : i32 to index
      %swap3A_887 = tpu.vector_load %arg7[%swap3A_886] {strides = array<i32>} : memref<640xi32, #tpu.memory_space<vmem>>, vector<16xi32>,
      %swap3A_888 = vector.shape_cast %swap3A_887 : vector<16xi32> to vector<16xi32>
      %swap3A_889 = vector.shape_cast %add3A_885 : vector<16xi32> to vector<16xi32>
      tpu.vector_store %arg7[%swap3A_886], %swap3A_889 {strides = array<i32>} : memref<640xi32, #tpu.memory_space<vmem>>, vector<16xi32>,
      %gt3A_890 = arith.constant 5.000000e-01 : f32
      %gt3A_891 = vector.broadcast %gt3A_890 : f32 to vector<16xf32>
      %gt3A_892 = arith.cmpf ogt, %div3A_735, %gt3A_891 : vector<16xf32>
      %jit3A_893 = arith.constant 1 : i32
      %jit3A_894 = arith.constant 0 : i32
      %broadcast_in_dim3A_895 = vector.broadcast %jit3A_893 : i32 to vector<16xi32>
      %broadcast_in_dim3A_896 = vector.broadcast %jit3A_894 : i32 to vector<16xi32>
      %select_n3A_897 = arith.select %gt3A_892, %broadcast_in_dim3A_895, %broadcast_in_dim3A_896 : vector<16xi1>, vector<16xi32>
      %eq3A_898 = arith.constant 2 : i32
      %eq3A_899 = vector.broadcast %eq3A_898 : i32 to vector<16xi32>
      %eq3A_900 = arith.cmpi eq, %select_n3A_779, %eq3A_899 : vector<16xi32>
      %jit3A_901 = arith.constant 1 : i32
      %jit3A_902 = arith.constant 0 : i32
      %broadcast_in_dim3A_903 = vector.broadcast %jit3A_901 : i32 to vector<16xi32>
      %broadcast_in_dim3A_904 = vector.broadcast %jit3A_902 : i32 to vector<16xi32>
      %select_n3A_905 = arith.select %eq3A_900, %broadcast_in_dim3A_903, %broadcast_in_dim3A_904 : vector<16xi1>, vector<16xi32>
      %or3A_906 = arith.ori %select_n3A_897, %select_n3A_905 : vector<16xi32>
      %and3A_907 = arith.andi %select_n3A_634, %or3A_906 : vector<16xi32>
      %mul3A_908 = arith.constant 16 : i32
      %mul3A_909 = arith.muli %mul3A_908, %scan3A_620 : i32
      %add3A_910 = arith.constant 256 : i32
      %add3A_911 = arith.addi %add3A_910, %mul3A_909 : i32
      %gt3A_912 = arith.constant 0 : i32
      %gt3A_913 = vector.broadcast %gt3A_912 : i32 to vector<16xi32>
      %gt3A_914 = arith.cmpi sgt, %and3A_907, %gt3A_913 : vector<16xi32>
      %jit3A_915 = arith.constant -1 : i32
      %broadcast_in_dim3A_916 = vector.broadcast %jit3A_915 : i32 to vector<16xi32>
      %select_n3A_917 = arith.select %gt3A_914, %add3A_809, %broadcast_in_dim3A_916 : vector<16xi1>, vector<16xi32>
      %swap3A_918 = arith.index_cast %add3A_911 : i32 to index
      %swap3A_919 = tpu.vector_load %arg6[%swap3A_918] {strides = array<i32>} : memref<640xi32, #tpu.memory_space<vmem>>, vector<16xi32>,
      %swap3A_920 = vector.shape_cast %swap3A_919 : vector<16xi32> to vector<16xi32>
      %swap3A_921 = vector.shape_cast %select_n3A_917 : vector<16xi32> to vector<16xi32>
      tpu.vector_store %arg6[%swap3A_918], %swap3A_921 {strides = array<i32>} : memref<640xi32, #tpu.memory_space<vmem>>, vector<16xi32>,
      %add3A_922 = arith.constant 57344 : i32
      %add3A_923 = vector.broadcast %add3A_922 : i32 to vector<16xi32>
      %add3A_924 = arith.addi %mul3A_805, %add3A_923 : vector<16xi32>
      %add3A_925 = arith.addi %add3A_924, %add3A_784 : vector<16xi32>
      %swap3A_926 = arith.index_cast %add3A_911 : i32 to index
      %swap3A_927 = tpu.vector_load %arg7[%swap3A_926] {strides = array<i32>} : memref<640xi32, #tpu.memory_space<vmem>>, vector<16xi32>,
      %swap3A_928 = vector.shape_cast %swap3A_927 : vector<16xi32> to vector<16xi32>
      %swap3A_929 = vector.shape_cast %add3A_925 : vector<16xi32> to vector<16xi32>
      tpu.vector_store %arg7[%swap3A_926], %swap3A_929 {strides = array<i32>} : memref<640xi32, #tpu.memory_space<vmem>>, vector<16xi32>,
      %gt3A_930 = arith.constant 5.000000e-01 : f32
      %gt3A_931 = vector.broadcast %gt3A_930 : f32 to vector<16xf32>
      %gt3A_932 = arith.cmpf ogt, %div3A_755, %gt3A_931 : vector<16xf32>
      %jit3A_933 = arith.constant 1 : i32
      %jit3A_934 = arith.constant 0 : i32
      %broadcast_in_dim3A_935 = vector.broadcast %jit3A_933 : i32 to vector<16xi32>
      %broadcast_in_dim3A_936 = vector.broadcast %jit3A_934 : i32 to vector<16xi32>
      %select_n3A_937 = arith.select %gt3A_932, %broadcast_in_dim3A_935, %broadcast_in_dim3A_936 : vector<16xi1>, vector<16xi32>
      %eq3A_938 = arith.constant 3 : i32
      %eq3A_939 = vector.broadcast %eq3A_938 : i32 to vector<16xi32>
      %eq3A_940 = arith.cmpi eq, %select_n3A_779, %eq3A_939 : vector<16xi32>
      %jit3A_941 = arith.constant 1 : i32
      %jit3A_942 = arith.constant 0 : i32
      %broadcast_in_dim3A_943 = vector.broadcast %jit3A_941 : i32 to vector<16xi32>
      %broadcast_in_dim3A_944 = vector.broadcast %jit3A_942 : i32 to vector<16xi32>
      %select_n3A_945 = arith.select %eq3A_940, %broadcast_in_dim3A_943, %broadcast_in_dim3A_944 : vector<16xi1>, vector<16xi32>
      %or3A_946 = arith.ori %select_n3A_937, %select_n3A_945 : vector<16xi32>
      %and3A_947 = arith.andi %select_n3A_634, %or3A_946 : vector<16xi32>
      %mul3A_948 = arith.constant 16 : i32
      %mul3A_949 = arith.muli %mul3A_948, %scan3A_620 : i32
      %add3A_950 = arith.constant 384 : i32
      %add3A_951 = arith.addi %add3A_950, %mul3A_949 : i32
      %gt3A_952 = arith.constant 0 : i32
      %gt3A_953 = vector.broadcast %gt3A_952 : i32 to vector<16xi32>
      %gt3A_954 = arith.cmpi sgt, %and3A_947, %gt3A_953 : vector<16xi32>
      %jit3A_955 = arith.constant -1 : i32
      %broadcast_in_dim3A_956 = vector.broadcast %jit3A_955 : i32 to vector<16xi32>
      %select_n3A_957 = arith.select %gt3A_954, %add3A_809, %broadcast_in_dim3A_956 : vector<16xi1>, vector<16xi32>
      %swap3A_958 = arith.index_cast %add3A_951 : i32 to index
      %swap3A_959 = tpu.vector_load %arg6[%swap3A_958] {strides = array<i32>} : memref<640xi32, #tpu.memory_space<vmem>>, vector<16xi32>,
      %swap3A_960 = vector.shape_cast %swap3A_959 : vector<16xi32> to vector<16xi32>
      %swap3A_961 = vector.shape_cast %select_n3A_957 : vector<16xi32> to vector<16xi32>
      tpu.vector_store %arg6[%swap3A_958], %swap3A_961 {strides = array<i32>} : memref<640xi32, #tpu.memory_space<vmem>>, vector<16xi32>,
      %add3A_962 = arith.constant 77824 : i32
      %add3A_963 = vector.broadcast %add3A_962 : i32 to vector<16xi32>
      %add3A_964 = arith.addi %mul3A_805, %add3A_963 : vector<16xi32>
      %add3A_965 = arith.addi %add3A_964, %add3A_784 : vector<16xi32>
      %swap3A_966 = arith.index_cast %add3A_951 : i32 to index
      %swap3A_967 = tpu.vector_load %arg7[%swap3A_966] {strides = array<i32>} : memref<640xi32, #tpu.memory_space<vmem>>, vector<16xi32>,
      %swap3A_968 = vector.shape_cast %swap3A_967 : vector<16xi32> to vector<16xi32>
      %swap3A_969 = vector.shape_cast %add3A_965 : vector<16xi32> to vector<16xi32>
      tpu.vector_store %arg7[%swap3A_966], %swap3A_969 {strides = array<i32>} : memref<640xi32, #tpu.memory_space<vmem>>, vector<16xi32>,
      %gt3A_970 = arith.constant 5.000000e-01 : f32
      %gt3A_971 = vector.broadcast %gt3A_970 : f32 to vector<16xf32>
      %gt3A_972 = arith.cmpf ogt, %div3A_775, %gt3A_971 : vector<16xf32>
      %jit3A_973 = arith.constant 1 : i32
      %jit3A_974 = arith.constant 0 : i32
      %broadcast_in_dim3A_975 = vector.broadcast %jit3A_973 : i32 to vector<16xi32>
      %broadcast_in_dim3A_976 = vector.broadcast %jit3A_974 : i32 to vector<16xi32>
      %select_n3A_977 = arith.select %gt3A_972, %broadcast_in_dim3A_975, %broadcast_in_dim3A_976 : vector<16xi1>, vector<16xi32>
      %eq3A_978 = arith.constant 4 : i32
      %eq3A_979 = vector.broadcast %eq3A_978 : i32 to vector<16xi32>
      %eq3A_980 = arith.cmpi eq, %select_n3A_779, %eq3A_979 : vector<16xi32>
      %jit3A_981 = arith.constant 1 : i32
      %jit3A_982 = arith.constant 0 : i32
      %broadcast_in_dim3A_983 = vector.broadcast %jit3A_981 : i32 to vector<16xi32>
      %broadcast_in_dim3A_984 = vector.broadcast %jit3A_982 : i32 to vector<16xi32>
      %select_n3A_985 = arith.select %eq3A_980, %broadcast_in_dim3A_983, %broadcast_in_dim3A_984 : vector<16xi1>, vector<16xi32>
      %or3A_986 = arith.ori %select_n3A_977, %select_n3A_985 : vector<16xi32>
      %and3A_987 = arith.andi %select_n3A_634, %or3A_986 : vector<16xi32>
      %mul3A_988 = arith.constant 16 : i32
      %mul3A_989 = arith.muli %mul3A_988, %scan3A_620 : i32
      %add3A_990 = arith.constant 512 : i32
      %add3A_991 = arith.addi %add3A_990, %mul3A_989 : i32
      %gt3A_992 = arith.constant 0 : i32
      %gt3A_993 = vector.broadcast %gt3A_992 : i32 to vector<16xi32>
      %gt3A_994 = arith.cmpi sgt, %and3A_987, %gt3A_993 : vector<16xi32>
      %jit3A_995 = arith.constant -1 : i32
      %broadcast_in_dim3A_996 = vector.broadcast %jit3A_995 : i32 to vector<16xi32>
      %select_n3A_997 = arith.select %gt3A_994, %add3A_809, %broadcast_in_dim3A_996 : vector<16xi1>, vector<16xi32>
      %swap3A_998 = arith.index_cast %add3A_991 : i32 to index
      %swap3A_999 = tpu.vector_load %arg6[%swap3A_998] {strides = array<i32>} : memref<640xi32, #tpu.memory_space<vmem>>, vector<16xi32>,
      %swap3A_1000 = vector.shape_cast %swap3A_999 : vector<16xi32> to vector<16xi32>
      %swap3A_1001 = vector.shape_cast %select_n3A_997 : vector<16xi32> to vector<16xi32>
      tpu.vector_store %arg6[%swap3A_998], %swap3A_1001 {strides = array<i32>} : memref<640xi32, #tpu.memory_space<vmem>>, vector<16xi32>,
      %add3A_1002 = arith.constant 98304 : i32
      %add3A_1003 = vector.broadcast %add3A_1002 : i32 to vector<16xi32>
      %add3A_1004 = arith.addi %mul3A_805, %add3A_1003 : vector<16xi32>
      %add3A_1005 = arith.addi %add3A_1004, %add3A_784 : vector<16xi32>
      %swap3A_1006 = arith.index_cast %add3A_991 : i32 to index
      %swap3A_1007 = tpu.vector_load %arg7[%swap3A_1006] {strides = array<i32>} : memref<640xi32, #tpu.memory_space<vmem>>, vector<16xi32>,
      %swap3A_1008 = vector.shape_cast %swap3A_1007 : vector<16xi32> to vector<16xi32>
      %swap3A_1009 = vector.shape_cast %add3A_1005 : vector<16xi32> to vector<16xi32>
      tpu.vector_store %arg7[%swap3A_1006], %swap3A_1009 {strides = array<i32>} : memref<640xi32, #tpu.memory_space<vmem>>, vector<16xi32>,
    }
    %scan3A_53 = arith.constant 8 : i32
    %lt3A = arith.constant 8 : i32
    %lt3A_54 = arith.cmpi slt, %add3A, %lt3A : i32
    %convert_element_type3A = arith.extui %lt3A_54 : i1 to i32
    %cond3A = arith.constant 0 : i32
    %cond3A_55 = arith.cmpi ne, %convert_element_type3A, %cond3A : i32
    scf.if %cond3A_55 {
      %mul3A_620 = arith.constant 16 : i32
      %mul3A_621 = arith.muli %mul3A_620, %add3A : i32
      %mul3A_622 = arith.constant 16 : i32
      %mul3A_623 = arith.muli %mul3A_622, %add3A : i32
      %add3A_624 = vector.broadcast %mul3A_623 : i32 to vector<16xi32>
      %add3A_625 = arith.addi %iota3A, %add3A_624 : vector<16xi32>
      %lt3A_626 = arith.constant 120 : i32
      %lt3A_627 = vector.broadcast %lt3A_626 : i32 to vector<16xi32>
      %lt3A_628 = arith.cmpi slt, %add3A_625, %lt3A_627 : vector<16xi32>
      %jit3A_629 = arith.constant 1 : i32
      %jit3A_630 = arith.constant 0 : i32
      %broadcast_in_dim3A_631 = vector.broadcast %jit3A_629 : i32 to vector<16xi32>
      %broadcast_in_dim3A_632 = vector.broadcast %jit3A_630 : i32 to vector<16xi32>
      %select_n3A_633 = arith.select %lt3A_628, %broadcast_in_dim3A_631, %broadcast_in_dim3A_632 : vector<16xi1>, vector<16xi32>
      %mul3A_634 = arith.constant 16 : i32
      %mul3A_635 = arith.muli %mul3A_634, %add3A : i32
      %get3A_636 = arith.constant 0 : i32
      %get3A_637 = arith.index_cast %get3A_636 : i32 to index
      %get3A_638 = arith.index_cast %mul3A_635 : i32 to index
      %get3A_639 = tpu.vector_load %arg5[%get3A_637, %get3A_638] {strides = array<i32>} : memref<5x128xf32, #tpu.memory_space<vmem>>, vector<1x16xf32>,
      %get3A_640 = vector.shape_cast %get3A_639 : vector<1x16xf32> to vector<16xf32>
      %get3A_641 = arith.constant 1 : i32
      %get3A_642 = arith.index_cast %get3A_641 : i32 to index
      %get3A_643 = arith.index_cast %mul3A_635 : i32 to index
      %get3A_644 = tpu.vector_load %arg5[%get3A_642, %get3A_643] {strides = array<i32>} : memref<5x128xf32, #tpu.memory_space<vmem>>, vector<1x16xf32>,
      %get3A_645 = vector.shape_cast %get3A_644 : vector<1x16xf32> to vector<16xf32>
      %mul3A_646 = arith.constant 6.400000e+01 : f32
      %mul3A_647 = vector.broadcast %mul3A_646 : f32 to vector<16xf32>
      %mul3A_648 = arith.mulf %get3A_645, %mul3A_647 : vector<16xf32>
      %get3A_649 = arith.constant 2 : i32
      %get3A_650 = arith.index_cast %get3A_649 : i32 to index
      %get3A_651 = arith.index_cast %mul3A_635 : i32 to index
      %get3A_652 = tpu.vector_load %arg5[%get3A_650, %get3A_651] {strides = array<i32>} : memref<5x128xf32, #tpu.memory_space<vmem>>, vector<1x16xf32>,
      %get3A_653 = vector.shape_cast %get3A_652 : vector<1x16xf32> to vector<16xf32>
      %mul3A_654 = arith.constant 6.400000e+01 : f32
      %mul3A_655 = vector.broadcast %mul3A_654 : f32 to vector<16xf32>
      %mul3A_656 = arith.mulf %get3A_653, %mul3A_655 : vector<16xf32>
      %get3A_657 = arith.constant 3 : i32
      %get3A_658 = arith.index_cast %get3A_657 : i32 to index
      %get3A_659 = arith.index_cast %mul3A_635 : i32 to index
      %get3A_660 = tpu.vector_load %arg5[%get3A_658, %get3A_659] {strides = array<i32>} : memref<5x128xf32, #tpu.memory_space<vmem>>, vector<1x16xf32>,
      %get3A_661 = vector.shape_cast %get3A_660 : vector<1x16xf32> to vector<16xf32>
      %mul3A_662 = arith.constant 6.400000e+01 : f32
      %mul3A_663 = vector.broadcast %mul3A_662 : f32 to vector<16xf32>
      %mul3A_664 = arith.mulf %get3A_661, %mul3A_663 : vector<16xf32>
      %get3A_665 = arith.constant 4 : i32
      %get3A_666 = arith.index_cast %get3A_665 : i32 to index
      %get3A_667 = arith.index_cast %mul3A_635 : i32 to index
      %get3A_668 = tpu.vector_load %arg5[%get3A_666, %get3A_667] {strides = array<i32>} : memref<5x128xf32, #tpu.memory_space<vmem>>, vector<1x16xf32>,
      %get3A_669 = vector.shape_cast %get3A_668 : vector<1x16xf32> to vector<16xf32>
      %mul3A_670 = arith.constant 6.400000e+01 : f32
      %mul3A_671 = vector.broadcast %mul3A_670 : f32 to vector<16xf32>
      %mul3A_672 = arith.mulf %get3A_669, %mul3A_671 : vector<16xf32>
      %convert_element_type3A_673 = arith.fptosi %get3A_640 : vector<16xf32> to vector<16xi32>
      %convert_element_type3A_674 = arith.fptosi %mul3A_648 : vector<16xf32> to vector<16xi32>
      %convert_element_type3A_675 = arith.fptosi %mul3A_656 : vector<16xf32> to vector<16xi32>
      %mul3A_676 = arith.mulf %mul3A_664, %mul3A_672 : vector<16xf32>
      %broadcast_in_dim3A_677 = arith.constant 0 : i32
      %broadcast_in_dim3A_678 = vector.broadcast %broadcast_in_dim3A_677 : i32 to vector<16xi32>
      %broadcast_in_dim3A_679 = arith.constant -1.000000e+00 : f32
      %broadcast_in_dim3A_680 = vector.broadcast %broadcast_in_dim3A_679 : f32 to vector<16xf32>
      %min3A = arith.constant 7.03999996 : f32
      %min3A_681 = vector.broadcast %min3A : f32 to vector<16xf32>
      %min3A_682 = arith.minimumf %min3A_681, %mul3A_664 : vector<16xf32>
      %min3A_683 = arith.constant 7.03999996 : f32
      %min3A_684 = vector.broadcast %min3A_683 : f32 to vector<16xf32>
      %min3A_685 = arith.minimumf %min3A_684, %mul3A_672 : vector<16xf32>
      %mul3A_686 = arith.mulf %min3A_682, %min3A_685 : vector<16xf32>
      %add3A_687 = arith.constant 4.956160e+01 : f32
      %add3A_688 = vector.broadcast %add3A_687 : f32 to vector<16xf32>
      %add3A_689 = arith.addf %add3A_688, %mul3A_676 : vector<16xf32>
      %sub3A_690 = arith.subf %add3A_689, %mul3A_686 : vector<16xf32>
      %add3A_691 = arith.constant 1.000000e-16 : f32
      %add3A_692 = vector.broadcast %add3A_691 : f32 to vector<16xf32>
      %add3A_693 = arith.addf %sub3A_690, %add3A_692 : vector<16xf32>
      %div3A_694 = arith.divf %mul3A_686, %add3A_693 : vector<16xf32>
      %gt3A_695 = arith.cmpf ogt, %div3A_694, %broadcast_in_dim3A_680 : vector<16xf32>
      %jit3A_696 = arith.constant 0 : i32
      %broadcast_in_dim3A_697 = vector.broadcast %jit3A_696 : i32 to vector<16xi32>
      %select_n3A_698 = arith.select %gt3A_695, %broadcast_in_dim3A_697, %broadcast_in_dim3A_678 : vector<16xi1>, vector<16xi32>
      %select_n3A_699 = arith.select %gt3A_695, %div3A_694, %broadcast_in_dim3A_680 : vector<16xi1>, vector<16xf32>
      %min3A_700 = arith.constant 3.840000e+00 : f32
      %min3A_701 = vector.broadcast %min3A_700 : f32 to vector<16xf32>
      %min3A_702 = arith.minimumf %min3A_701, %mul3A_664 : vector<16xf32>
      %min3A_703 = arith.constant 3.840000e+00 : f32
      %min3A_704 = vector.broadcast %min3A_703 : f32 to vector<16xf32>
      %min3A_705 = arith.minimumf %min3A_704, %mul3A_672 : vector<16xf32>
      %mul3A_706 = arith.mulf %min3A_702, %min3A_705 : vector<16xf32>
      %add3A_707 = arith.constant 1.474560e+01 : f32
      %add3A_708 = vector.broadcast %add3A_707 : f32 to vector<16xf32>
      %add3A_709 = arith.addf %add3A_708, %mul3A_676 : vector<16xf32>
      %sub3A_710 = arith.subf %add3A_709, %mul3A_706 : vector<16xf32>
      %add3A_711 = arith.constant 1.000000e-16 : f32
      %add3A_712 = vector.broadcast %add3A_711 : f32 to vector<16xf32>
      %add3A_713 = arith.addf %sub3A_710, %add3A_712 : vector<16xf32>
      %div3A_714 = arith.divf %mul3A_706, %add3A_713 : vector<16xf32>
      %gt3A_715 = arith.cmpf ogt, %div3A_714, %select_n3A_699 : vector<16xf32>
      %jit3A_716 = arith.constant 1 : i32
      %broadcast_in_dim3A_717 = vector.broadcast %jit3A_716 : i32 to vector<16xi32>
      %select_n3A_718 = arith.select %gt3A_715, %broadcast_in_dim3A_717, %select_n3A_698 : vector<16xi1>, vector<16xi32>
      %select_n3A_719 = arith.select %gt3A_715, %div3A_714, %select_n3A_699 : vector<16xi1>, vector<16xf32>
      %min3A_720 = arith.constant 7.680000e+00 : f32
      %min3A_721 = vector.broadcast %min3A_720 : f32 to vector<16xf32>
      %min3A_722 = arith.minimumf %min3A_721, %mul3A_664 : vector<16xf32>
      %min3A_723 = arith.constant 3.840000e+00 : f32
      %min3A_724 = vector.broadcast %min3A_723 : f32 to vector<16xf32>
      %min3A_725 = arith.minimumf %min3A_724, %mul3A_672 : vector<16xf32>
      %mul3A_726 = arith.mulf %min3A_722, %min3A_725 : vector<16xf32>
      %add3A_727 = arith.constant 2.949120e+01 : f32
      %add3A_728 = vector.broadcast %add3A_727 : f32 to vector<16xf32>
      %add3A_729 = arith.addf %add3A_728, %mul3A_676 : vector<16xf32>
      %sub3A_730 = arith.subf %add3A_729, %mul3A_726 : vector<16xf32>
      %add3A_731 = arith.constant 1.000000e-16 : f32
      %add3A_732 = vector.broadcast %add3A_731 : f32 to vector<16xf32>
      %add3A_733 = arith.addf %sub3A_730, %add3A_732 : vector<16xf32>
      %div3A_734 = arith.divf %mul3A_726, %add3A_733 : vector<16xf32>
      %gt3A_735 = arith.cmpf ogt, %div3A_734, %select_n3A_719 : vector<16xf32>
      %jit3A_736 = arith.constant 2 : i32
      %broadcast_in_dim3A_737 = vector.broadcast %jit3A_736 : i32 to vector<16xi32>
      %select_n3A_738 = arith.select %gt3A_735, %broadcast_in_dim3A_737, %select_n3A_718 : vector<16xi1>, vector<16xi32>
      %select_n3A_739 = arith.select %gt3A_735, %div3A_734, %select_n3A_719 : vector<16xi1>, vector<16xf32>
      %min3A_740 = arith.constant 1.024000e+01 : f32
      %min3A_741 = vector.broadcast %min3A_740 : f32 to vector<16xf32>
      %min3A_742 = arith.minimumf %min3A_741, %mul3A_664 : vector<16xf32>
      %min3A_743 = arith.constant 9.600000e+00 : f32
      %min3A_744 = vector.broadcast %min3A_743 : f32 to vector<16xf32>
      %min3A_745 = arith.minimumf %min3A_744, %mul3A_672 : vector<16xf32>
      %mul3A_746 = arith.mulf %min3A_742, %min3A_745 : vector<16xf32>
      %add3A_747 = arith.constant 9.830400e+01 : f32
      %add3A_748 = vector.broadcast %add3A_747 : f32 to vector<16xf32>
      %add3A_749 = arith.addf %add3A_748, %mul3A_676 : vector<16xf32>
      %sub3A_750 = arith.subf %add3A_749, %mul3A_746 : vector<16xf32>
      %add3A_751 = arith.constant 1.000000e-16 : f32
      %add3A_752 = vector.broadcast %add3A_751 : f32 to vector<16xf32>
      %add3A_753 = arith.addf %sub3A_750, %add3A_752 : vector<16xf32>
      %div3A_754 = arith.divf %mul3A_746, %add3A_753 : vector<16xf32>
      %gt3A_755 = arith.cmpf ogt, %div3A_754, %select_n3A_739 : vector<16xf32>
      %jit3A_756 = arith.constant 3 : i32
      %broadcast_in_dim3A_757 = vector.broadcast %jit3A_756 : i32 to vector<16xi32>
      %select_n3A_758 = arith.select %gt3A_755, %broadcast_in_dim3A_757, %select_n3A_738 : vector<16xi1>, vector<16xi32>
      %select_n3A_759 = arith.select %gt3A_755, %div3A_754, %select_n3A_739 : vector<16xi1>, vector<16xf32>
      %min3A_760 = arith.constant 4.480000e+00 : f32
      %min3A_761 = vector.broadcast %min3A_760 : f32 to vector<16xf32>
      %min3A_762 = arith.minimumf %min3A_761, %mul3A_664 : vector<16xf32>
      %min3A_763 = arith.constant 6.080000e+00 : f32
      %min3A_764 = vector.broadcast %min3A_763 : f32 to vector<16xf32>
      %min3A_765 = arith.minimumf %min3A_764, %mul3A_672 : vector<16xf32>
      %mul3A_766 = arith.mulf %min3A_762, %min3A_765 : vector<16xf32>
      %add3A_767 = arith.constant 2.723840e+01 : f32
      %add3A_768 = vector.broadcast %add3A_767 : f32 to vector<16xf32>
      %add3A_769 = arith.addf %add3A_768, %mul3A_676 : vector<16xf32>
      %sub3A_770 = arith.subf %add3A_769, %mul3A_766 : vector<16xf32>
      %add3A_771 = arith.constant 1.000000e-16 : f32
      %add3A_772 = vector.broadcast %add3A_771 : f32 to vector<16xf32>
      %add3A_773 = arith.addf %sub3A_770, %add3A_772 : vector<16xf32>
      %div3A_774 = arith.divf %mul3A_766, %add3A_773 : vector<16xf32>
      %gt3A_775 = arith.cmpf ogt, %div3A_774, %select_n3A_759 : vector<16xf32>
      %jit3A_776 = arith.constant 4 : i32
      %broadcast_in_dim3A_777 = vector.broadcast %jit3A_776 : i32 to vector<16xi32>
      %select_n3A_778 = arith.select %gt3A_775, %broadcast_in_dim3A_777, %select_n3A_758 : vector<16xi1>, vector<16xi32>
      %select_n3A_779 = arith.select %gt3A_775, %div3A_774, %select_n3A_759 : vector<16xi1>, vector<16xf32>
      %mul3A_780 = arith.constant 64 : i32
      %mul3A_781 = vector.broadcast %mul3A_780 : i32 to vector<16xi32>
      %mul3A_782 = arith.muli %convert_element_type3A_675, %mul3A_781 : vector<16xi32>
      %add3A_783 = arith.addi %mul3A_782, %convert_element_type3A_674 : vector<16xi32>
      %mul3A_784 = arith.constant 102400 : i32
      %mul3A_785 = vector.broadcast %mul3A_784 : i32 to vector<16xi32>
      %mul3A_786 = arith.muli %convert_element_type3A_673, %mul3A_785 : vector<16xi32>
      %mul3A_787 = arith.constant 20480 : i32
      %mul3A_788 = vector.broadcast %mul3A_787 : i32 to vector<16xi32>
      %mul3A_789 = arith.muli %select_n3A_778, %mul3A_788 : vector<16xi32>
      %add3A_790 = arith.addi %mul3A_786, %mul3A_789 : vector<16xi32>
      %add3A_791 = arith.addi %add3A_790, %add3A_783 : vector<16xi32>
      %add3A_792 = arith.constant 0 : i32
      %add3A_793 = vector.broadcast %add3A_792 : i32 to vector<16xi32>
      %add3A_794 = arith.addi %add3A_791, %add3A_793 : vector<16xi32>
      %dma_start3A_795 = arith.constant 0 : i32
      %dma_start3A_796 = tpu.memref_slice %arg9[%dma_start3A_795] : memref<80xf32, #tpu.memory_space<vmem>> -> memref<16xf32, #tpu.memory_space<vmem>>
      %dma_start3A_797 = arith.constant 0 : i32
      %dma_start3A_798 = tpu.memref_slice %arg3[%dma_start3A_797] : memref<1638400xf32, #tpu.memory_space<hbm>> -> memref<1638400xf32, #tpu.memory_space<hbm>>
      tpu.enqueue_indirect_dma source(%dma_start3A_798 : memref<1638400xf32, #tpu.memory_space<hbm>>) target(%dma_start3A_796 : memref<16xf32, #tpu.memory_space<vmem>>) offsets(%add3A_794 : vector<16xi32>) semaphore(%arg12 : memref<!tpu.dma_semaphore, #tpu.memory_space<semaphore_mem>>)
      %add3A_799 = arith.constant 4096 : i32
      %add3A_800 = vector.broadcast %add3A_799 : i32 to vector<16xi32>
      %add3A_801 = arith.addi %add3A_791, %add3A_800 : vector<16xi32>
      %dma_start3A_802 = arith.constant 16 : i32
      %dma_start3A_803 = tpu.memref_slice %arg9[%dma_start3A_802] : memref<80xf32, #tpu.memory_space<vmem>> -> memref<16xf32, #tpu.memory_space<vmem>>
      %dma_start3A_804 = arith.constant 0 : i32
      %dma_start3A_805 = tpu.memref_slice %arg3[%dma_start3A_804] : memref<1638400xf32, #tpu.memory_space<hbm>> -> memref<1638400xf32, #tpu.memory_space<hbm>>
      tpu.enqueue_indirect_dma source(%dma_start3A_805 : memref<1638400xf32, #tpu.memory_space<hbm>>) target(%dma_start3A_803 : memref<16xf32, #tpu.memory_space<vmem>>) offsets(%add3A_801 : vector<16xi32>) semaphore(%arg12 : memref<!tpu.dma_semaphore, #tpu.memory_space<semaphore_mem>>)
      %add3A_806 = arith.constant 8192 : i32
      %add3A_807 = vector.broadcast %add3A_806 : i32 to vector<16xi32>
      %add3A_808 = arith.addi %add3A_791, %add3A_807 : vector<16xi32>
      %dma_start3A_809 = arith.constant 32 : i32
      %dma_start3A_810 = tpu.memref_slice %arg9[%dma_start3A_809] : memref<80xf32, #tpu.memory_space<vmem>> -> memref<16xf32, #tpu.memory_space<vmem>>
      %dma_start3A_811 = arith.constant 0 : i32
      %dma_start3A_812 = tpu.memref_slice %arg3[%dma_start3A_811] : memref<1638400xf32, #tpu.memory_space<hbm>> -> memref<1638400xf32, #tpu.memory_space<hbm>>
      tpu.enqueue_indirect_dma source(%dma_start3A_812 : memref<1638400xf32, #tpu.memory_space<hbm>>) target(%dma_start3A_810 : memref<16xf32, #tpu.memory_space<vmem>>) offsets(%add3A_808 : vector<16xi32>) semaphore(%arg12 : memref<!tpu.dma_semaphore, #tpu.memory_space<semaphore_mem>>)
      %add3A_813 = arith.constant 12288 : i32
      %add3A_814 = vector.broadcast %add3A_813 : i32 to vector<16xi32>
      %add3A_815 = arith.addi %add3A_791, %add3A_814 : vector<16xi32>
      %dma_start3A_816 = arith.constant 48 : i32
      %dma_start3A_817 = tpu.memref_slice %arg9[%dma_start3A_816] : memref<80xf32, #tpu.memory_space<vmem>> -> memref<16xf32, #tpu.memory_space<vmem>>
      %dma_start3A_818 = arith.constant 0 : i32
      %dma_start3A_819 = tpu.memref_slice %arg3[%dma_start3A_818] : memref<1638400xf32, #tpu.memory_space<hbm>> -> memref<1638400xf32, #tpu.memory_space<hbm>>
      tpu.enqueue_indirect_dma source(%dma_start3A_819 : memref<1638400xf32, #tpu.memory_space<hbm>>) target(%dma_start3A_817 : memref<16xf32, #tpu.memory_space<vmem>>) offsets(%add3A_815 : vector<16xi32>) semaphore(%arg12 : memref<!tpu.dma_semaphore, #tpu.memory_space<semaphore_mem>>)
      %add3A_820 = arith.constant 16384 : i32
      %add3A_821 = vector.broadcast %add3A_820 : i32 to vector<16xi32>
      %add3A_822 = arith.addi %add3A_791, %add3A_821 : vector<16xi32>
      %dma_start3A_823 = arith.constant 64 : i32
      %dma_start3A_824 = tpu.memref_slice %arg9[%dma_start3A_823] : memref<80xf32, #tpu.memory_space<vmem>> -> memref<16xf32, #tpu.memory_space<vmem>>
      %dma_start3A_825 = arith.constant 0 : i32
      %dma_start3A_826 = tpu.memref_slice %arg3[%dma_start3A_825] : memref<1638400xf32, #tpu.memory_space<hbm>> -> memref<1638400xf32, #tpu.memory_space<hbm>>
      tpu.enqueue_indirect_dma source(%dma_start3A_826 : memref<1638400xf32, #tpu.memory_space<hbm>>) target(%dma_start3A_824 : memref<16xf32, #tpu.memory_space<vmem>>) offsets(%add3A_822 : vector<16xi32>) semaphore(%arg12 : memref<!tpu.dma_semaphore, #tpu.memory_space<semaphore_mem>>)
      %get3A_827 = arith.index_cast %mul3A_621 : i32 to index
      %get3A_828 = tpu.vector_load %arg8[%get3A_827] {strides = array<i32>} : memref<128xi32, #tpu.memory_space<vmem>>, vector<16xi32>,
      %get3A_829 = vector.shape_cast %get3A_828 : vector<16xi32> to vector<16xi32>
      %add3A_830 = arith.constant 1 : i32
      %add3A_831 = arith.addi %add3A, %add3A_830 : i32
      %broadcast_in_dim3A_832 = arith.constant 0 : i32
      %broadcast_in_dim3A_833 = vector.broadcast %broadcast_in_dim3A_832 : i32 to vector<16xi32>
      %while3A_834 = arith.constant 8 : i32
      %while3A_835 = arith.subi %while3A_834, %add3A_831 : i32
      %while3A_836 = arith.addi %add3A_831, %while3A_835 : i32
      %while3A_837 = arith.constant 1 : i32
      %while3A_838 = arith.divsi %while3A_835, %while3A_837 : i32
      %while3A_839 = arith.muli %while3A_838, %while3A_837 : i32
      %while3A_840 = arith.addi %add3A_831, %while3A_839 : i32
      %while3A_841 = arith.constant 1 : i32
      %while3A_842 = scf.for %while3A_1652 = %add3A_831 to %while3A_840 step %while3A_841 iter_args(%while3A_1653 = %broadcast_in_dim3A_833) -> (vector<16xi32>)  : i32 {
        %mul3A_1654 = arith.constant 16 : i32
        %mul3A_1655 = arith.muli %mul3A_1654, %while3A_1652 : i32
        %get3A_1656 = arith.index_cast %mul3A_1655 : i32 to index
        %get3A_1657 = tpu.vector_load %arg8[%get3A_1656] {strides = array<i32>} : memref<128xi32, #tpu.memory_space<vmem>>, vector<16xi32>,
        %get3A_1658 = vector.shape_cast %get3A_1657 : vector<16xi32> to vector<16xi32>
        %broadcast_in_dim3A_1659 = arith.constant 0 : i32
        %broadcast_in_dim3A_1660 = vector.broadcast %broadcast_in_dim3A_1659 : i32 to vector<16xi32>
        %add3A_1661 = arith.constant 0 : i32
        %add3A_1662 = vector.broadcast %add3A_1661 : i32 to vector<16xi32>
        %add3A_1663 = arith.addi %iota3A, %add3A_1662 : vector<16xi32>
        %and3A_1664 = arith.constant 15 : i32
        %and3A_1665 = vector.broadcast %and3A_1664 : i32 to vector<16xi32>
        %and3A_1666 = arith.andi %add3A_1663, %and3A_1665 : vector<16xi32>
        %broadcast_in_dim3A_1667 = vector.shape_cast %and3A_1666 : vector<16xi32> to vector<16x1xi32>
        %gather3A_1668 = vector.shape_cast %broadcast_in_dim3A_1667 : vector<16x1xi32> to vector<16xi32>
        %gather3A_1669 = tpu.dynamic_gather %get3A_1658[%gather3A_1668] in [0] : vector<16xi32>, vector<16xi32> -> vector<16xi32>
        %eq3A_1670 = arith.cmpi eq, %get3A_829, %gather3A_1669 : vector<16xi32>
        %jit3A_1671 = arith.constant 1 : i32
        %jit3A_1672 = arith.constant 0 : i32
        %broadcast_in_dim3A_1673 = vector.broadcast %jit3A_1671 : i32 to vector<16xi32>
        %broadcast_in_dim3A_1674 = vector.broadcast %jit3A_1672 : i32 to vector<16xi32>
        %select_n3A_1675 = arith.select %eq3A_1670, %broadcast_in_dim3A_1673, %broadcast_in_dim3A_1674 : vector<16xi1>, vector<16xi32>
        %or3A_1676 = arith.ori %broadcast_in_dim3A_1660, %select_n3A_1675 : vector<16xi32>
        %add3A_1677 = arith.constant 1 : i32
        %add3A_1678 = vector.broadcast %add3A_1677 : i32 to vector<16xi32>
        %add3A_1679 = arith.addi %iota3A, %add3A_1678 : vector<16xi32>
        %and3A_1680 = arith.constant 15 : i32
        %and3A_1681 = vector.broadcast %and3A_1680 : i32 to vector<16xi32>
        %and3A_1682 = arith.andi %add3A_1679, %and3A_1681 : vector<16xi32>
        %broadcast_in_dim3A_1683 = vector.shape_cast %and3A_1682 : vector<16xi32> to vector<16x1xi32>
        %gather3A_1684 = vector.shape_cast %broadcast_in_dim3A_1683 : vector<16x1xi32> to vector<16xi32>
        %gather3A_1685 = tpu.dynamic_gather %get3A_1658[%gather3A_1684] in [0] : vector<16xi32>, vector<16xi32> -> vector<16xi32>
        %eq3A_1686 = arith.cmpi eq, %get3A_829, %gather3A_1685 : vector<16xi32>
        %jit3A_1687 = arith.constant 1 : i32
        %jit3A_1688 = arith.constant 0 : i32
        %broadcast_in_dim3A_1689 = vector.broadcast %jit3A_1687 : i32 to vector<16xi32>
        %broadcast_in_dim3A_1690 = vector.broadcast %jit3A_1688 : i32 to vector<16xi32>
        %select_n3A_1691 = arith.select %eq3A_1686, %broadcast_in_dim3A_1689, %broadcast_in_dim3A_1690 : vector<16xi1>, vector<16xi32>
        %or3A_1692 = arith.ori %or3A_1676, %select_n3A_1691 : vector<16xi32>
        %add3A_1693 = arith.constant 2 : i32
        %add3A_1694 = vector.broadcast %add3A_1693 : i32 to vector<16xi32>
        %add3A_1695 = arith.addi %iota3A, %add3A_1694 : vector<16xi32>
        %and3A_1696 = arith.constant 15 : i32
        %and3A_1697 = vector.broadcast %and3A_1696 : i32 to vector<16xi32>
        %and3A_1698 = arith.andi %add3A_1695, %and3A_1697 : vector<16xi32>
        %broadcast_in_dim3A_1699 = vector.shape_cast %and3A_1698 : vector<16xi32> to vector<16x1xi32>
        %gather3A_1700 = vector.shape_cast %broadcast_in_dim3A_1699 : vector<16x1xi32> to vector<16xi32>
        %gather3A_1701 = tpu.dynamic_gather %get3A_1658[%gather3A_1700] in [0] : vector<16xi32>, vector<16xi32> -> vector<16xi32>
        %eq3A_1702 = arith.cmpi eq, %get3A_829, %gather3A_1701 : vector<16xi32>
        %jit3A_1703 = arith.constant 1 : i32
        %jit3A_1704 = arith.constant 0 : i32
        %broadcast_in_dim3A_1705 = vector.broadcast %jit3A_1703 : i32 to vector<16xi32>
        %broadcast_in_dim3A_1706 = vector.broadcast %jit3A_1704 : i32 to vector<16xi32>
        %select_n3A_1707 = arith.select %eq3A_1702, %broadcast_in_dim3A_1705, %broadcast_in_dim3A_1706 : vector<16xi1>, vector<16xi32>
        %or3A_1708 = arith.ori %or3A_1692, %select_n3A_1707 : vector<16xi32>
        %add3A_1709 = arith.constant 3 : i32
        %add3A_1710 = vector.broadcast %add3A_1709 : i32 to vector<16xi32>
        %add3A_1711 = arith.addi %iota3A, %add3A_1710 : vector<16xi32>
        %and3A_1712 = arith.constant 15 : i32
        %and3A_1713 = vector.broadcast %and3A_1712 : i32 to vector<16xi32>
        %and3A_1714 = arith.andi %add3A_1711, %and3A_1713 : vector<16xi32>
        %broadcast_in_dim3A_1715 = vector.shape_cast %and3A_1714 : vector<16xi32> to vector<16x1xi32>
        %gather3A_1716 = vector.shape_cast %broadcast_in_dim3A_1715 : vector<16x1xi32> to vector<16xi32>
        %gather3A_1717 = tpu.dynamic_gather %get3A_1658[%gather3A_1716] in [0] : vector<16xi32>, vector<16xi32> -> vector<16xi32>
        %eq3A_1718 = arith.cmpi eq, %get3A_829, %gather3A_1717 : vector<16xi32>
        %jit3A_1719 = arith.constant 1 : i32
        %jit3A_1720 = arith.constant 0 : i32
        %broadcast_in_dim3A_1721 = vector.broadcast %jit3A_1719 : i32 to vector<16xi32>
        %broadcast_in_dim3A_1722 = vector.broadcast %jit3A_1720 : i32 to vector<16xi32>
        %select_n3A_1723 = arith.select %eq3A_1718, %broadcast_in_dim3A_1721, %broadcast_in_dim3A_1722 : vector<16xi1>, vector<16xi32>
        %or3A_1724 = arith.ori %or3A_1708, %select_n3A_1723 : vector<16xi32>
        %add3A_1725 = arith.constant 4 : i32
        %add3A_1726 = vector.broadcast %add3A_1725 : i32 to vector<16xi32>
        %add3A_1727 = arith.addi %iota3A, %add3A_1726 : vector<16xi32>
        %and3A_1728 = arith.constant 15 : i32
        %and3A_1729 = vector.broadcast %and3A_1728 : i32 to vector<16xi32>
        %and3A_1730 = arith.andi %add3A_1727, %and3A_1729 : vector<16xi32>
        %broadcast_in_dim3A_1731 = vector.shape_cast %and3A_1730 : vector<16xi32> to vector<16x1xi32>
        %gather3A_1732 = vector.shape_cast %broadcast_in_dim3A_1731 : vector<16x1xi32> to vector<16xi32>
        %gather3A_1733 = tpu.dynamic_gather %get3A_1658[%gather3A_1732] in [0] : vector<16xi32>, vector<16xi32> -> vector<16xi32>
        %eq3A_1734 = arith.cmpi eq, %get3A_829, %gather3A_1733 : vector<16xi32>
        %jit3A_1735 = arith.constant 1 : i32
        %jit3A_1736 = arith.constant 0 : i32
        %broadcast_in_dim3A_1737 = vector.broadcast %jit3A_1735 : i32 to vector<16xi32>
        %broadcast_in_dim3A_1738 = vector.broadcast %jit3A_1736 : i32 to vector<16xi32>
        %select_n3A_1739 = arith.select %eq3A_1734, %broadcast_in_dim3A_1737, %broadcast_in_dim3A_1738 : vector<16xi1>, vector<16xi32>
        %or3A_1740 = arith.ori %or3A_1724, %select_n3A_1739 : vector<16xi32>
        %add3A_1741 = arith.constant 5 : i32
        %add3A_1742 = vector.broadcast %add3A_1741 : i32 to vector<16xi32>
        %add3A_1743 = arith.addi %iota3A, %add3A_1742 : vector<16xi32>
        %and3A_1744 = arith.constant 15 : i32
        %and3A_1745 = vector.broadcast %and3A_1744 : i32 to vector<16xi32>
        %and3A_1746 = arith.andi %add3A_1743, %and3A_1745 : vector<16xi32>
        %broadcast_in_dim3A_1747 = vector.shape_cast %and3A_1746 : vector<16xi32> to vector<16x1xi32>
        %gather3A_1748 = vector.shape_cast %broadcast_in_dim3A_1747 : vector<16x1xi32> to vector<16xi32>
        %gather3A_1749 = tpu.dynamic_gather %get3A_1658[%gather3A_1748] in [0] : vector<16xi32>, vector<16xi32> -> vector<16xi32>
        %eq3A_1750 = arith.cmpi eq, %get3A_829, %gather3A_1749 : vector<16xi32>
        %jit3A_1751 = arith.constant 1 : i32
        %jit3A_1752 = arith.constant 0 : i32
        %broadcast_in_dim3A_1753 = vector.broadcast %jit3A_1751 : i32 to vector<16xi32>
        %broadcast_in_dim3A_1754 = vector.broadcast %jit3A_1752 : i32 to vector<16xi32>
        %select_n3A_1755 = arith.select %eq3A_1750, %broadcast_in_dim3A_1753, %broadcast_in_dim3A_1754 : vector<16xi1>, vector<16xi32>
        %or3A_1756 = arith.ori %or3A_1740, %select_n3A_1755 : vector<16xi32>
        %add3A_1757 = arith.constant 6 : i32
        %add3A_1758 = vector.broadcast %add3A_1757 : i32 to vector<16xi32>
        %add3A_1759 = arith.addi %iota3A, %add3A_1758 : vector<16xi32>
        %and3A_1760 = arith.constant 15 : i32
        %and3A_1761 = vector.broadcast %and3A_1760 : i32 to vector<16xi32>
        %and3A_1762 = arith.andi %add3A_1759, %and3A_1761 : vector<16xi32>
        %broadcast_in_dim3A_1763 = vector.shape_cast %and3A_1762 : vector<16xi32> to vector<16x1xi32>
        %gather3A_1764 = vector.shape_cast %broadcast_in_dim3A_1763 : vector<16x1xi32> to vector<16xi32>
        %gather3A_1765 = tpu.dynamic_gather %get3A_1658[%gather3A_1764] in [0] : vector<16xi32>, vector<16xi32> -> vector<16xi32>
        %eq3A_1766 = arith.cmpi eq, %get3A_829, %gather3A_1765 : vector<16xi32>
        %jit3A_1767 = arith.constant 1 : i32
        %jit3A_1768 = arith.constant 0 : i32
        %broadcast_in_dim3A_1769 = vector.broadcast %jit3A_1767 : i32 to vector<16xi32>
        %broadcast_in_dim3A_1770 = vector.broadcast %jit3A_1768 : i32 to vector<16xi32>
        %select_n3A_1771 = arith.select %eq3A_1766, %broadcast_in_dim3A_1769, %broadcast_in_dim3A_1770 : vector<16xi1>, vector<16xi32>
        %or3A_1772 = arith.ori %or3A_1756, %select_n3A_1771 : vector<16xi32>
        %add3A_1773 = arith.constant 7 : i32
        %add3A_1774 = vector.broadcast %add3A_1773 : i32 to vector<16xi32>
        %add3A_1775 = arith.addi %iota3A, %add3A_1774 : vector<16xi32>
        %and3A_1776 = arith.constant 15 : i32
        %and3A_1777 = vector.broadcast %and3A_1776 : i32 to vector<16xi32>
        %and3A_1778 = arith.andi %add3A_1775, %and3A_1777 : vector<16xi32>
        %broadcast_in_dim3A_1779 = vector.shape_cast %and3A_1778 : vector<16xi32> to vector<16x1xi32>
        %gather3A_1780 = vector.shape_cast %broadcast_in_dim3A_1779 : vector<16x1xi32> to vector<16xi32>
        %gather3A_1781 = tpu.dynamic_gather %get3A_1658[%gather3A_1780] in [0] : vector<16xi32>, vector<16xi32> -> vector<16xi32>
        %eq3A_1782 = arith.cmpi eq, %get3A_829, %gather3A_1781 : vector<16xi32>
        %jit3A_1783 = arith.constant 1 : i32
        %jit3A_1784 = arith.constant 0 : i32
        %broadcast_in_dim3A_1785 = vector.broadcast %jit3A_1783 : i32 to vector<16xi32>
        %broadcast_in_dim3A_1786 = vector.broadcast %jit3A_1784 : i32 to vector<16xi32>
        %select_n3A_1787 = arith.select %eq3A_1782, %broadcast_in_dim3A_1785, %broadcast_in_dim3A_1786 : vector<16xi1>, vector<16xi32>
        %or3A_1788 = arith.ori %or3A_1772, %select_n3A_1787 : vector<16xi32>
        %add3A_1789 = arith.constant 8 : i32
        %add3A_1790 = vector.broadcast %add3A_1789 : i32 to vector<16xi32>
        %add3A_1791 = arith.addi %iota3A, %add3A_1790 : vector<16xi32>
        %and3A_1792 = arith.constant 15 : i32
        %and3A_1793 = vector.broadcast %and3A_1792 : i32 to vector<16xi32>
        %and3A_1794 = arith.andi %add3A_1791, %and3A_1793 : vector<16xi32>
        %broadcast_in_dim3A_1795 = vector.shape_cast %and3A_1794 : vector<16xi32> to vector<16x1xi32>
        %gather3A_1796 = vector.shape_cast %broadcast_in_dim3A_1795 : vector<16x1xi32> to vector<16xi32>
        %gather3A_1797 = tpu.dynamic_gather %get3A_1658[%gather3A_1796] in [0] : vector<16xi32>, vector<16xi32> -> vector<16xi32>
        %eq3A_1798 = arith.cmpi eq, %get3A_829, %gather3A_1797 : vector<16xi32>
        %jit3A_1799 = arith.constant 1 : i32
        %jit3A_1800 = arith.constant 0 : i32
        %broadcast_in_dim3A_1801 = vector.broadcast %jit3A_1799 : i32 to vector<16xi32>
        %broadcast_in_dim3A_1802 = vector.broadcast %jit3A_1800 : i32 to vector<16xi32>
        %select_n3A_1803 = arith.select %eq3A_1798, %broadcast_in_dim3A_1801, %broadcast_in_dim3A_1802 : vector<16xi1>, vector<16xi32>
        %or3A_1804 = arith.ori %or3A_1788, %select_n3A_1803 : vector<16xi32>
        %add3A_1805 = arith.constant 9 : i32
        %add3A_1806 = vector.broadcast %add3A_1805 : i32 to vector<16xi32>
        %add3A_1807 = arith.addi %iota3A, %add3A_1806 : vector<16xi32>
        %and3A_1808 = arith.constant 15 : i32
        %and3A_1809 = vector.broadcast %and3A_1808 : i32 to vector<16xi32>
        %and3A_1810 = arith.andi %add3A_1807, %and3A_1809 : vector<16xi32>
        %broadcast_in_dim3A_1811 = vector.shape_cast %and3A_1810 : vector<16xi32> to vector<16x1xi32>
        %gather3A_1812 = vector.shape_cast %broadcast_in_dim3A_1811 : vector<16x1xi32> to vector<16xi32>
        %gather3A_1813 = tpu.dynamic_gather %get3A_1658[%gather3A_1812] in [0] : vector<16xi32>, vector<16xi32> -> vector<16xi32>
        %eq3A_1814 = arith.cmpi eq, %get3A_829, %gather3A_1813 : vector<16xi32>
        %jit3A_1815 = arith.constant 1 : i32
        %jit3A_1816 = arith.constant 0 : i32
        %broadcast_in_dim3A_1817 = vector.broadcast %jit3A_1815 : i32 to vector<16xi32>
        %broadcast_in_dim3A_1818 = vector.broadcast %jit3A_1816 : i32 to vector<16xi32>
        %select_n3A_1819 = arith.select %eq3A_1814, %broadcast_in_dim3A_1817, %broadcast_in_dim3A_1818 : vector<16xi1>, vector<16xi32>
        %or3A_1820 = arith.ori %or3A_1804, %select_n3A_1819 : vector<16xi32>
        %add3A_1821 = arith.constant 10 : i32
        %add3A_1822 = vector.broadcast %add3A_1821 : i32 to vector<16xi32>
        %add3A_1823 = arith.addi %iota3A, %add3A_1822 : vector<16xi32>
        %and3A_1824 = arith.constant 15 : i32
        %and3A_1825 = vector.broadcast %and3A_1824 : i32 to vector<16xi32>
        %and3A_1826 = arith.andi %add3A_1823, %and3A_1825 : vector<16xi32>
        %broadcast_in_dim3A_1827 = vector.shape_cast %and3A_1826 : vector<16xi32> to vector<16x1xi32>
        %gather3A_1828 = vector.shape_cast %broadcast_in_dim3A_1827 : vector<16x1xi32> to vector<16xi32>
        %gather3A_1829 = tpu.dynamic_gather %get3A_1658[%gather3A_1828] in [0] : vector<16xi32>, vector<16xi32> -> vector<16xi32>
        %eq3A_1830 = arith.cmpi eq, %get3A_829, %gather3A_1829 : vector<16xi32>
        %jit3A_1831 = arith.constant 1 : i32
        %jit3A_1832 = arith.constant 0 : i32
        %broadcast_in_dim3A_1833 = vector.broadcast %jit3A_1831 : i32 to vector<16xi32>
        %broadcast_in_dim3A_1834 = vector.broadcast %jit3A_1832 : i32 to vector<16xi32>
        %select_n3A_1835 = arith.select %eq3A_1830, %broadcast_in_dim3A_1833, %broadcast_in_dim3A_1834 : vector<16xi1>, vector<16xi32>
        %or3A_1836 = arith.ori %or3A_1820, %select_n3A_1835 : vector<16xi32>
        %add3A_1837 = arith.constant 11 : i32
        %add3A_1838 = vector.broadcast %add3A_1837 : i32 to vector<16xi32>
        %add3A_1839 = arith.addi %iota3A, %add3A_1838 : vector<16xi32>
        %and3A_1840 = arith.constant 15 : i32
        %and3A_1841 = vector.broadcast %and3A_1840 : i32 to vector<16xi32>
        %and3A_1842 = arith.andi %add3A_1839, %and3A_1841 : vector<16xi32>
        %broadcast_in_dim3A_1843 = vector.shape_cast %and3A_1842 : vector<16xi32> to vector<16x1xi32>
        %gather3A_1844 = vector.shape_cast %broadcast_in_dim3A_1843 : vector<16x1xi32> to vector<16xi32>
        %gather3A_1845 = tpu.dynamic_gather %get3A_1658[%gather3A_1844] in [0] : vector<16xi32>, vector<16xi32> -> vector<16xi32>
        %eq3A_1846 = arith.cmpi eq, %get3A_829, %gather3A_1845 : vector<16xi32>
        %jit3A_1847 = arith.constant 1 : i32
        %jit3A_1848 = arith.constant 0 : i32
        %broadcast_in_dim3A_1849 = vector.broadcast %jit3A_1847 : i32 to vector<16xi32>
        %broadcast_in_dim3A_1850 = vector.broadcast %jit3A_1848 : i32 to vector<16xi32>
        %select_n3A_1851 = arith.select %eq3A_1846, %broadcast_in_dim3A_1849, %broadcast_in_dim3A_1850 : vector<16xi1>, vector<16xi32>
        %or3A_1852 = arith.ori %or3A_1836, %select_n3A_1851 : vector<16xi32>
        %add3A_1853 = arith.constant 12 : i32
        %add3A_1854 = vector.broadcast %add3A_1853 : i32 to vector<16xi32>
        %add3A_1855 = arith.addi %iota3A, %add3A_1854 : vector<16xi32>
        %and3A_1856 = arith.constant 15 : i32
        %and3A_1857 = vector.broadcast %and3A_1856 : i32 to vector<16xi32>
        %and3A_1858 = arith.andi %add3A_1855, %and3A_1857 : vector<16xi32>
        %broadcast_in_dim3A_1859 = vector.shape_cast %and3A_1858 : vector<16xi32> to vector<16x1xi32>
        %gather3A_1860 = vector.shape_cast %broadcast_in_dim3A_1859 : vector<16x1xi32> to vector<16xi32>
        %gather3A_1861 = tpu.dynamic_gather %get3A_1658[%gather3A_1860] in [0] : vector<16xi32>, vector<16xi32> -> vector<16xi32>
        %eq3A_1862 = arith.cmpi eq, %get3A_829, %gather3A_1861 : vector<16xi32>
        %jit3A_1863 = arith.constant 1 : i32
        %jit3A_1864 = arith.constant 0 : i32
        %broadcast_in_dim3A_1865 = vector.broadcast %jit3A_1863 : i32 to vector<16xi32>
        %broadcast_in_dim3A_1866 = vector.broadcast %jit3A_1864 : i32 to vector<16xi32>
        %select_n3A_1867 = arith.select %eq3A_1862, %broadcast_in_dim3A_1865, %broadcast_in_dim3A_1866 : vector<16xi1>, vector<16xi32>
        %or3A_1868 = arith.ori %or3A_1852, %select_n3A_1867 : vector<16xi32>
        %add3A_1869 = arith.constant 13 : i32
        %add3A_1870 = vector.broadcast %add3A_1869 : i32 to vector<16xi32>
        %add3A_1871 = arith.addi %iota3A, %add3A_1870 : vector<16xi32>
        %and3A_1872 = arith.constant 15 : i32
        %and3A_1873 = vector.broadcast %and3A_1872 : i32 to vector<16xi32>
        %and3A_1874 = arith.andi %add3A_1871, %and3A_1873 : vector<16xi32>
        %broadcast_in_dim3A_1875 = vector.shape_cast %and3A_1874 : vector<16xi32> to vector<16x1xi32>
        %gather3A_1876 = vector.shape_cast %broadcast_in_dim3A_1875 : vector<16x1xi32> to vector<16xi32>
        %gather3A_1877 = tpu.dynamic_gather %get3A_1658[%gather3A_1876] in [0] : vector<16xi32>, vector<16xi32> -> vector<16xi32>
        %eq3A_1878 = arith.cmpi eq, %get3A_829, %gather3A_1877 : vector<16xi32>
        %jit3A_1879 = arith.constant 1 : i32
        %jit3A_1880 = arith.constant 0 : i32
        %broadcast_in_dim3A_1881 = vector.broadcast %jit3A_1879 : i32 to vector<16xi32>
        %broadcast_in_dim3A_1882 = vector.broadcast %jit3A_1880 : i32 to vector<16xi32>
        %select_n3A_1883 = arith.select %eq3A_1878, %broadcast_in_dim3A_1881, %broadcast_in_dim3A_1882 : vector<16xi1>, vector<16xi32>
        %or3A_1884 = arith.ori %or3A_1868, %select_n3A_1883 : vector<16xi32>
        %add3A_1885 = arith.constant 14 : i32
        %add3A_1886 = vector.broadcast %add3A_1885 : i32 to vector<16xi32>
        %add3A_1887 = arith.addi %iota3A, %add3A_1886 : vector<16xi32>
        %and3A_1888 = arith.constant 15 : i32
        %and3A_1889 = vector.broadcast %and3A_1888 : i32 to vector<16xi32>
        %and3A_1890 = arith.andi %add3A_1887, %and3A_1889 : vector<16xi32>
        %broadcast_in_dim3A_1891 = vector.shape_cast %and3A_1890 : vector<16xi32> to vector<16x1xi32>
        %gather3A_1892 = vector.shape_cast %broadcast_in_dim3A_1891 : vector<16x1xi32> to vector<16xi32>
        %gather3A_1893 = tpu.dynamic_gather %get3A_1658[%gather3A_1892] in [0] : vector<16xi32>, vector<16xi32> -> vector<16xi32>
        %eq3A_1894 = arith.cmpi eq, %get3A_829, %gather3A_1893 : vector<16xi32>
        %jit3A_1895 = arith.constant 1 : i32
        %jit3A_1896 = arith.constant 0 : i32
        %broadcast_in_dim3A_1897 = vector.broadcast %jit3A_1895 : i32 to vector<16xi32>
        %broadcast_in_dim3A_1898 = vector.broadcast %jit3A_1896 : i32 to vector<16xi32>
        %select_n3A_1899 = arith.select %eq3A_1894, %broadcast_in_dim3A_1897, %broadcast_in_dim3A_1898 : vector<16xi1>, vector<16xi32>
        %or3A_1900 = arith.ori %or3A_1884, %select_n3A_1899 : vector<16xi32>
        %add3A_1901 = arith.constant 15 : i32
        %add3A_1902 = vector.broadcast %add3A_1901 : i32 to vector<16xi32>
        %add3A_1903 = arith.addi %iota3A, %add3A_1902 : vector<16xi32>
        %and3A_1904 = arith.constant 15 : i32
        %and3A_1905 = vector.broadcast %and3A_1904 : i32 to vector<16xi32>
        %and3A_1906 = arith.andi %add3A_1903, %and3A_1905 : vector<16xi32>
        %broadcast_in_dim3A_1907 = vector.shape_cast %and3A_1906 : vector<16xi32> to vector<16x1xi32>
        %gather3A_1908 = vector.shape_cast %broadcast_in_dim3A_1907 : vector<16x1xi32> to vector<16xi32>
        %gather3A_1909 = tpu.dynamic_gather %get3A_1658[%gather3A_1908] in [0] : vector<16xi32>, vector<16xi32> -> vector<16xi32>
        %eq3A_1910 = arith.cmpi eq, %get3A_829, %gather3A_1909 : vector<16xi32>
        %jit3A_1911 = arith.constant 1 : i32
        %jit3A_1912 = arith.constant 0 : i32
        %broadcast_in_dim3A_1913 = vector.broadcast %jit3A_1911 : i32 to vector<16xi32>
        %broadcast_in_dim3A_1914 = vector.broadcast %jit3A_1912 : i32 to vector<16xi32>
        %select_n3A_1915 = arith.select %eq3A_1910, %broadcast_in_dim3A_1913, %broadcast_in_dim3A_1914 : vector<16xi1>, vector<16xi32>
        %or3A_1916 = arith.ori %or3A_1900, %select_n3A_1915 : vector<16xi32>
        %or3A_1917 = arith.ori %while3A_1653, %or3A_1916 : vector<16xi32>
        scf.yield %or3A_1917 : vector<16xi32>
      }
      %while3A_843 = arith.constant 1 : i32
      %while3A_844 = scf.for %while3A_1652 = %while3A_840 to %while3A_836 step %while3A_843 iter_args(%while3A_1653 = %while3A_842) -> (vector<16xi32>)  : i32 {
        %mul3A_1654 = arith.constant 16 : i32
        %mul3A_1655 = arith.muli %mul3A_1654, %while3A_1652 : i32
        %get3A_1656 = arith.index_cast %mul3A_1655 : i32 to index
        %get3A_1657 = tpu.vector_load %arg8[%get3A_1656] {strides = array<i32>} : memref<128xi32, #tpu.memory_space<vmem>>, vector<16xi32>,
        %get3A_1658 = vector.shape_cast %get3A_1657 : vector<16xi32> to vector<16xi32>
        %broadcast_in_dim3A_1659 = arith.constant 0 : i32
        %broadcast_in_dim3A_1660 = vector.broadcast %broadcast_in_dim3A_1659 : i32 to vector<16xi32>
        %add3A_1661 = arith.constant 0 : i32
        %add3A_1662 = vector.broadcast %add3A_1661 : i32 to vector<16xi32>
        %add3A_1663 = arith.addi %iota3A, %add3A_1662 : vector<16xi32>
        %and3A_1664 = arith.constant 15 : i32
        %and3A_1665 = vector.broadcast %and3A_1664 : i32 to vector<16xi32>
        %and3A_1666 = arith.andi %add3A_1663, %and3A_1665 : vector<16xi32>
        %broadcast_in_dim3A_1667 = vector.shape_cast %and3A_1666 : vector<16xi32> to vector<16x1xi32>
        %gather3A_1668 = vector.shape_cast %broadcast_in_dim3A_1667 : vector<16x1xi32> to vector<16xi32>
        %gather3A_1669 = tpu.dynamic_gather %get3A_1658[%gather3A_1668] in [0] : vector<16xi32>, vector<16xi32> -> vector<16xi32>
        %eq3A_1670 = arith.cmpi eq, %get3A_829, %gather3A_1669 : vector<16xi32>
        %jit3A_1671 = arith.constant 1 : i32
        %jit3A_1672 = arith.constant 0 : i32
        %broadcast_in_dim3A_1673 = vector.broadcast %jit3A_1671 : i32 to vector<16xi32>
        %broadcast_in_dim3A_1674 = vector.broadcast %jit3A_1672 : i32 to vector<16xi32>
        %select_n3A_1675 = arith.select %eq3A_1670, %broadcast_in_dim3A_1673, %broadcast_in_dim3A_1674 : vector<16xi1>, vector<16xi32>
        %or3A_1676 = arith.ori %broadcast_in_dim3A_1660, %select_n3A_1675 : vector<16xi32>
        %add3A_1677 = arith.constant 1 : i32
        %add3A_1678 = vector.broadcast %add3A_1677 : i32 to vector<16xi32>
        %add3A_1679 = arith.addi %iota3A, %add3A_1678 : vector<16xi32>
        %and3A_1680 = arith.constant 15 : i32
        %and3A_1681 = vector.broadcast %and3A_1680 : i32 to vector<16xi32>
        %and3A_1682 = arith.andi %add3A_1679, %and3A_1681 : vector<16xi32>
        %broadcast_in_dim3A_1683 = vector.shape_cast %and3A_1682 : vector<16xi32> to vector<16x1xi32>
        %gather3A_1684 = vector.shape_cast %broadcast_in_dim3A_1683 : vector<16x1xi32> to vector<16xi32>
        %gather3A_1685 = tpu.dynamic_gather %get3A_1658[%gather3A_1684] in [0] : vector<16xi32>, vector<16xi32> -> vector<16xi32>
        %eq3A_1686 = arith.cmpi eq, %get3A_829, %gather3A_1685 : vector<16xi32>
        %jit3A_1687 = arith.constant 1 : i32
        %jit3A_1688 = arith.constant 0 : i32
        %broadcast_in_dim3A_1689 = vector.broadcast %jit3A_1687 : i32 to vector<16xi32>
        %broadcast_in_dim3A_1690 = vector.broadcast %jit3A_1688 : i32 to vector<16xi32>
        %select_n3A_1691 = arith.select %eq3A_1686, %broadcast_in_dim3A_1689, %broadcast_in_dim3A_1690 : vector<16xi1>, vector<16xi32>
        %or3A_1692 = arith.ori %or3A_1676, %select_n3A_1691 : vector<16xi32>
        %add3A_1693 = arith.constant 2 : i32
        %add3A_1694 = vector.broadcast %add3A_1693 : i32 to vector<16xi32>
        %add3A_1695 = arith.addi %iota3A, %add3A_1694 : vector<16xi32>
        %and3A_1696 = arith.constant 15 : i32
        %and3A_1697 = vector.broadcast %and3A_1696 : i32 to vector<16xi32>
        %and3A_1698 = arith.andi %add3A_1695, %and3A_1697 : vector<16xi32>
        %broadcast_in_dim3A_1699 = vector.shape_cast %and3A_1698 : vector<16xi32> to vector<16x1xi32>
        %gather3A_1700 = vector.shape_cast %broadcast_in_dim3A_1699 : vector<16x1xi32> to vector<16xi32>
        %gather3A_1701 = tpu.dynamic_gather %get3A_1658[%gather3A_1700] in [0] : vector<16xi32>, vector<16xi32> -> vector<16xi32>
        %eq3A_1702 = arith.cmpi eq, %get3A_829, %gather3A_1701 : vector<16xi32>
        %jit3A_1703 = arith.constant 1 : i32
        %jit3A_1704 = arith.constant 0 : i32
        %broadcast_in_dim3A_1705 = vector.broadcast %jit3A_1703 : i32 to vector<16xi32>
        %broadcast_in_dim3A_1706 = vector.broadcast %jit3A_1704 : i32 to vector<16xi32>
        %select_n3A_1707 = arith.select %eq3A_1702, %broadcast_in_dim3A_1705, %broadcast_in_dim3A_1706 : vector<16xi1>, vector<16xi32>
        %or3A_1708 = arith.ori %or3A_1692, %select_n3A_1707 : vector<16xi32>
        %add3A_1709 = arith.constant 3 : i32
        %add3A_1710 = vector.broadcast %add3A_1709 : i32 to vector<16xi32>
        %add3A_1711 = arith.addi %iota3A, %add3A_1710 : vector<16xi32>
        %and3A_1712 = arith.constant 15 : i32
        %and3A_1713 = vector.broadcast %and3A_1712 : i32 to vector<16xi32>
        %and3A_1714 = arith.andi %add3A_1711, %and3A_1713 : vector<16xi32>
        %broadcast_in_dim3A_1715 = vector.shape_cast %and3A_1714 : vector<16xi32> to vector<16x1xi32>
        %gather3A_1716 = vector.shape_cast %broadcast_in_dim3A_1715 : vector<16x1xi32> to vector<16xi32>
        %gather3A_1717 = tpu.dynamic_gather %get3A_1658[%gather3A_1716] in [0] : vector<16xi32>, vector<16xi32> -> vector<16xi32>
        %eq3A_1718 = arith.cmpi eq, %get3A_829, %gather3A_1717 : vector<16xi32>
        %jit3A_1719 = arith.constant 1 : i32
        %jit3A_1720 = arith.constant 0 : i32
        %broadcast_in_dim3A_1721 = vector.broadcast %jit3A_1719 : i32 to vector<16xi32>
        %broadcast_in_dim3A_1722 = vector.broadcast %jit3A_1720 : i32 to vector<16xi32>
        %select_n3A_1723 = arith.select %eq3A_1718, %broadcast_in_dim3A_1721, %broadcast_in_dim3A_1722 : vector<16xi1>, vector<16xi32>
        %or3A_1724 = arith.ori %or3A_1708, %select_n3A_1723 : vector<16xi32>
        %add3A_1725 = arith.constant 4 : i32
        %add3A_1726 = vector.broadcast %add3A_1725 : i32 to vector<16xi32>
        %add3A_1727 = arith.addi %iota3A, %add3A_1726 : vector<16xi32>
        %and3A_1728 = arith.constant 15 : i32
        %and3A_1729 = vector.broadcast %and3A_1728 : i32 to vector<16xi32>
        %and3A_1730 = arith.andi %add3A_1727, %and3A_1729 : vector<16xi32>
        %broadcast_in_dim3A_1731 = vector.shape_cast %and3A_1730 : vector<16xi32> to vector<16x1xi32>
        %gather3A_1732 = vector.shape_cast %broadcast_in_dim3A_1731 : vector<16x1xi32> to vector<16xi32>
        %gather3A_1733 = tpu.dynamic_gather %get3A_1658[%gather3A_1732] in [0] : vector<16xi32>, vector<16xi32> -> vector<16xi32>
        %eq3A_1734 = arith.cmpi eq, %get3A_829, %gather3A_1733 : vector<16xi32>
        %jit3A_1735 = arith.constant 1 : i32
        %jit3A_1736 = arith.constant 0 : i32
        %broadcast_in_dim3A_1737 = vector.broadcast %jit3A_1735 : i32 to vector<16xi32>
        %broadcast_in_dim3A_1738 = vector.broadcast %jit3A_1736 : i32 to vector<16xi32>
        %select_n3A_1739 = arith.select %eq3A_1734, %broadcast_in_dim3A_1737, %broadcast_in_dim3A_1738 : vector<16xi1>, vector<16xi32>
        %or3A_1740 = arith.ori %or3A_1724, %select_n3A_1739 : vector<16xi32>
        %add3A_1741 = arith.constant 5 : i32
        %add3A_1742 = vector.broadcast %add3A_1741 : i32 to vector<16xi32>
        %add3A_1743 = arith.addi %iota3A, %add3A_1742 : vector<16xi32>
        %and3A_1744 = arith.constant 15 : i32
        %and3A_1745 = vector.broadcast %and3A_1744 : i32 to vector<16xi32>
        %and3A_1746 = arith.andi %add3A_1743, %and3A_1745 : vector<16xi32>
        %broadcast_in_dim3A_1747 = vector.shape_cast %and3A_1746 : vector<16xi32> to vector<16x1xi32>
        %gather3A_1748 = vector.shape_cast %broadcast_in_dim3A_1747 : vector<16x1xi32> to vector<16xi32>
        %gather3A_1749 = tpu.dynamic_gather %get3A_1658[%gather3A_1748] in [0] : vector<16xi32>, vector<16xi32> -> vector<16xi32>
        %eq3A_1750 = arith.cmpi eq, %get3A_829, %gather3A_1749 : vector<16xi32>
        %jit3A_1751 = arith.constant 1 : i32
        %jit3A_1752 = arith.constant 0 : i32
        %broadcast_in_dim3A_1753 = vector.broadcast %jit3A_1751 : i32 to vector<16xi32>
        %broadcast_in_dim3A_1754 = vector.broadcast %jit3A_1752 : i32 to vector<16xi32>
        %select_n3A_1755 = arith.select %eq3A_1750, %broadcast_in_dim3A_1753, %broadcast_in_dim3A_1754 : vector<16xi1>, vector<16xi32>
        %or3A_1756 = arith.ori %or3A_1740, %select_n3A_1755 : vector<16xi32>
        %add3A_1757 = arith.constant 6 : i32
        %add3A_1758 = vector.broadcast %add3A_1757 : i32 to vector<16xi32>
        %add3A_1759 = arith.addi %iota3A, %add3A_1758 : vector<16xi32>
        %and3A_1760 = arith.constant 15 : i32
        %and3A_1761 = vector.broadcast %and3A_1760 : i32 to vector<16xi32>
        %and3A_1762 = arith.andi %add3A_1759, %and3A_1761 : vector<16xi32>
        %broadcast_in_dim3A_1763 = vector.shape_cast %and3A_1762 : vector<16xi32> to vector<16x1xi32>
        %gather3A_1764 = vector.shape_cast %broadcast_in_dim3A_1763 : vector<16x1xi32> to vector<16xi32>
        %gather3A_1765 = tpu.dynamic_gather %get3A_1658[%gather3A_1764] in [0] : vector<16xi32>, vector<16xi32> -> vector<16xi32>
        %eq3A_1766 = arith.cmpi eq, %get3A_829, %gather3A_1765 : vector<16xi32>
        %jit3A_1767 = arith.constant 1 : i32
        %jit3A_1768 = arith.constant 0 : i32
        %broadcast_in_dim3A_1769 = vector.broadcast %jit3A_1767 : i32 to vector<16xi32>
        %broadcast_in_dim3A_1770 = vector.broadcast %jit3A_1768 : i32 to vector<16xi32>
        %select_n3A_1771 = arith.select %eq3A_1766, %broadcast_in_dim3A_1769, %broadcast_in_dim3A_1770 : vector<16xi1>, vector<16xi32>
        %or3A_1772 = arith.ori %or3A_1756, %select_n3A_1771 : vector<16xi32>
        %add3A_1773 = arith.constant 7 : i32
        %add3A_1774 = vector.broadcast %add3A_1773 : i32 to vector<16xi32>
        %add3A_1775 = arith.addi %iota3A, %add3A_1774 : vector<16xi32>
        %and3A_1776 = arith.constant 15 : i32
        %and3A_1777 = vector.broadcast %and3A_1776 : i32 to vector<16xi32>
        %and3A_1778 = arith.andi %add3A_1775, %and3A_1777 : vector<16xi32>
        %broadcast_in_dim3A_1779 = vector.shape_cast %and3A_1778 : vector<16xi32> to vector<16x1xi32>
        %gather3A_1780 = vector.shape_cast %broadcast_in_dim3A_1779 : vector<16x1xi32> to vector<16xi32>
        %gather3A_1781 = tpu.dynamic_gather %get3A_1658[%gather3A_1780] in [0] : vector<16xi32>, vector<16xi32> -> vector<16xi32>
        %eq3A_1782 = arith.cmpi eq, %get3A_829, %gather3A_1781 : vector<16xi32>
        %jit3A_1783 = arith.constant 1 : i32
        %jit3A_1784 = arith.constant 0 : i32
        %broadcast_in_dim3A_1785 = vector.broadcast %jit3A_1783 : i32 to vector<16xi32>
        %broadcast_in_dim3A_1786 = vector.broadcast %jit3A_1784 : i32 to vector<16xi32>
        %select_n3A_1787 = arith.select %eq3A_1782, %broadcast_in_dim3A_1785, %broadcast_in_dim3A_1786 : vector<16xi1>, vector<16xi32>
        %or3A_1788 = arith.ori %or3A_1772, %select_n3A_1787 : vector<16xi32>
        %add3A_1789 = arith.constant 8 : i32
        %add3A_1790 = vector.broadcast %add3A_1789 : i32 to vector<16xi32>
        %add3A_1791 = arith.addi %iota3A, %add3A_1790 : vector<16xi32>
        %and3A_1792 = arith.constant 15 : i32
        %and3A_1793 = vector.broadcast %and3A_1792 : i32 to vector<16xi32>
        %and3A_1794 = arith.andi %add3A_1791, %and3A_1793 : vector<16xi32>
        %broadcast_in_dim3A_1795 = vector.shape_cast %and3A_1794 : vector<16xi32> to vector<16x1xi32>
        %gather3A_1796 = vector.shape_cast %broadcast_in_dim3A_1795 : vector<16x1xi32> to vector<16xi32>
        %gather3A_1797 = tpu.dynamic_gather %get3A_1658[%gather3A_1796] in [0] : vector<16xi32>, vector<16xi32> -> vector<16xi32>
        %eq3A_1798 = arith.cmpi eq, %get3A_829, %gather3A_1797 : vector<16xi32>
        %jit3A_1799 = arith.constant 1 : i32
        %jit3A_1800 = arith.constant 0 : i32
        %broadcast_in_dim3A_1801 = vector.broadcast %jit3A_1799 : i32 to vector<16xi32>
        %broadcast_in_dim3A_1802 = vector.broadcast %jit3A_1800 : i32 to vector<16xi32>
        %select_n3A_1803 = arith.select %eq3A_1798, %broadcast_in_dim3A_1801, %broadcast_in_dim3A_1802 : vector<16xi1>, vector<16xi32>
        %or3A_1804 = arith.ori %or3A_1788, %select_n3A_1803 : vector<16xi32>
        %add3A_1805 = arith.constant 9 : i32
        %add3A_1806 = vector.broadcast %add3A_1805 : i32 to vector<16xi32>
        %add3A_1807 = arith.addi %iota3A, %add3A_1806 : vector<16xi32>
        %and3A_1808 = arith.constant 15 : i32
        %and3A_1809 = vector.broadcast %and3A_1808 : i32 to vector<16xi32>
        %and3A_1810 = arith.andi %add3A_1807, %and3A_1809 : vector<16xi32>
        %broadcast_in_dim3A_1811 = vector.shape_cast %and3A_1810 : vector<16xi32> to vector<16x1xi32>
        %gather3A_1812 = vector.shape_cast %broadcast_in_dim3A_1811 : vector<16x1xi32> to vector<16xi32>
        %gather3A_1813 = tpu.dynamic_gather %get3A_1658[%gather3A_1812] in [0] : vector<16xi32>, vector<16xi32> -> vector<16xi32>
        %eq3A_1814 = arith.cmpi eq, %get3A_829, %gather3A_1813 : vector<16xi32>
        %jit3A_1815 = arith.constant 1 : i32
        %jit3A_1816 = arith.constant 0 : i32
        %broadcast_in_dim3A_1817 = vector.broadcast %jit3A_1815 : i32 to vector<16xi32>
        %broadcast_in_dim3A_1818 = vector.broadcast %jit3A_1816 : i32 to vector<16xi32>
        %select_n3A_1819 = arith.select %eq3A_1814, %broadcast_in_dim3A_1817, %broadcast_in_dim3A_1818 : vector<16xi1>, vector<16xi32>
        %or3A_1820 = arith.ori %or3A_1804, %select_n3A_1819 : vector<16xi32>
        %add3A_1821 = arith.constant 10 : i32
        %add3A_1822 = vector.broadcast %add3A_1821 : i32 to vector<16xi32>
        %add3A_1823 = arith.addi %iota3A, %add3A_1822 : vector<16xi32>
        %and3A_1824 = arith.constant 15 : i32
        %and3A_1825 = vector.broadcast %and3A_1824 : i32 to vector<16xi32>
        %and3A_1826 = arith.andi %add3A_1823, %and3A_1825 : vector<16xi32>
        %broadcast_in_dim3A_1827 = vector.shape_cast %and3A_1826 : vector<16xi32> to vector<16x1xi32>
        %gather3A_1828 = vector.shape_cast %broadcast_in_dim3A_1827 : vector<16x1xi32> to vector<16xi32>
        %gather3A_1829 = tpu.dynamic_gather %get3A_1658[%gather3A_1828] in [0] : vector<16xi32>, vector<16xi32> -> vector<16xi32>
        %eq3A_1830 = arith.cmpi eq, %get3A_829, %gather3A_1829 : vector<16xi32>
        %jit3A_1831 = arith.constant 1 : i32
        %jit3A_1832 = arith.constant 0 : i32
        %broadcast_in_dim3A_1833 = vector.broadcast %jit3A_1831 : i32 to vector<16xi32>
        %broadcast_in_dim3A_1834 = vector.broadcast %jit3A_1832 : i32 to vector<16xi32>
        %select_n3A_1835 = arith.select %eq3A_1830, %broadcast_in_dim3A_1833, %broadcast_in_dim3A_1834 : vector<16xi1>, vector<16xi32>
        %or3A_1836 = arith.ori %or3A_1820, %select_n3A_1835 : vector<16xi32>
        %add3A_1837 = arith.constant 11 : i32
        %add3A_1838 = vector.broadcast %add3A_1837 : i32 to vector<16xi32>
        %add3A_1839 = arith.addi %iota3A, %add3A_1838 : vector<16xi32>
        %and3A_1840 = arith.constant 15 : i32
        %and3A_1841 = vector.broadcast %and3A_1840 : i32 to vector<16xi32>
        %and3A_1842 = arith.andi %add3A_1839, %and3A_1841 : vector<16xi32>
        %broadcast_in_dim3A_1843 = vector.shape_cast %and3A_1842 : vector<16xi32> to vector<16x1xi32>
        %gather3A_1844 = vector.shape_cast %broadcast_in_dim3A_1843 : vector<16x1xi32> to vector<16xi32>
        %gather3A_1845 = tpu.dynamic_gather %get3A_1658[%gather3A_1844] in [0] : vector<16xi32>, vector<16xi32> -> vector<16xi32>
        %eq3A_1846 = arith.cmpi eq, %get3A_829, %gather3A_1845 : vector<16xi32>
        %jit3A_1847 = arith.constant 1 : i32
        %jit3A_1848 = arith.constant 0 : i32
        %broadcast_in_dim3A_1849 = vector.broadcast %jit3A_1847 : i32 to vector<16xi32>
        %broadcast_in_dim3A_1850 = vector.broadcast %jit3A_1848 : i32 to vector<16xi32>
        %select_n3A_1851 = arith.select %eq3A_1846, %broadcast_in_dim3A_1849, %broadcast_in_dim3A_1850 : vector<16xi1>, vector<16xi32>
        %or3A_1852 = arith.ori %or3A_1836, %select_n3A_1851 : vector<16xi32>
        %add3A_1853 = arith.constant 12 : i32
        %add3A_1854 = vector.broadcast %add3A_1853 : i32 to vector<16xi32>
        %add3A_1855 = arith.addi %iota3A, %add3A_1854 : vector<16xi32>
        %and3A_1856 = arith.constant 15 : i32
        %and3A_1857 = vector.broadcast %and3A_1856 : i32 to vector<16xi32>
        %and3A_1858 = arith.andi %add3A_1855, %and3A_1857 : vector<16xi32>
        %broadcast_in_dim3A_1859 = vector.shape_cast %and3A_1858 : vector<16xi32> to vector<16x1xi32>
        %gather3A_1860 = vector.shape_cast %broadcast_in_dim3A_1859 : vector<16x1xi32> to vector<16xi32>
        %gather3A_1861 = tpu.dynamic_gather %get3A_1658[%gather3A_1860] in [0] : vector<16xi32>, vector<16xi32> -> vector<16xi32>
        %eq3A_1862 = arith.cmpi eq, %get3A_829, %gather3A_1861 : vector<16xi32>
        %jit3A_1863 = arith.constant 1 : i32
        %jit3A_1864 = arith.constant 0 : i32
        %broadcast_in_dim3A_1865 = vector.broadcast %jit3A_1863 : i32 to vector<16xi32>
        %broadcast_in_dim3A_1866 = vector.broadcast %jit3A_1864 : i32 to vector<16xi32>
        %select_n3A_1867 = arith.select %eq3A_1862, %broadcast_in_dim3A_1865, %broadcast_in_dim3A_1866 : vector<16xi1>, vector<16xi32>
        %or3A_1868 = arith.ori %or3A_1852, %select_n3A_1867 : vector<16xi32>
        %add3A_1869 = arith.constant 13 : i32
        %add3A_1870 = vector.broadcast %add3A_1869 : i32 to vector<16xi32>
        %add3A_1871 = arith.addi %iota3A, %add3A_1870 : vector<16xi32>
        %and3A_1872 = arith.constant 15 : i32
        %and3A_1873 = vector.broadcast %and3A_1872 : i32 to vector<16xi32>
        %and3A_1874 = arith.andi %add3A_1871, %and3A_1873 : vector<16xi32>
        %broadcast_in_dim3A_1875 = vector.shape_cast %and3A_1874 : vector<16xi32> to vector<16x1xi32>
        %gather3A_1876 = vector.shape_cast %broadcast_in_dim3A_1875 : vector<16x1xi32> to vector<16xi32>
        %gather3A_1877 = tpu.dynamic_gather %get3A_1658[%gather3A_1876] in [0] : vector<16xi32>, vector<16xi32> -> vector<16xi32>
        %eq3A_1878 = arith.cmpi eq, %get3A_829, %gather3A_1877 : vector<16xi32>
        %jit3A_1879 = arith.constant 1 : i32
        %jit3A_1880 = arith.constant 0 : i32
        %broadcast_in_dim3A_1881 = vector.broadcast %jit3A_1879 : i32 to vector<16xi32>
        %broadcast_in_dim3A_1882 = vector.broadcast %jit3A_1880 : i32 to vector<16xi32>
        %select_n3A_1883 = arith.select %eq3A_1878, %broadcast_in_dim3A_1881, %broadcast_in_dim3A_1882 : vector<16xi1>, vector<16xi32>
        %or3A_1884 = arith.ori %or3A_1868, %select_n3A_1883 : vector<16xi32>
        %add3A_1885 = arith.constant 14 : i32
        %add3A_1886 = vector.broadcast %add3A_1885 : i32 to vector<16xi32>
        %add3A_1887 = arith.addi %iota3A, %add3A_1886 : vector<16xi32>
        %and3A_1888 = arith.constant 15 : i32
        %and3A_1889 = vector.broadcast %and3A_1888 : i32 to vector<16xi32>
        %and3A_1890 = arith.andi %add3A_1887, %and3A_1889 : vector<16xi32>
        %broadcast_in_dim3A_1891 = vector.shape_cast %and3A_1890 : vector<16xi32> to vector<16x1xi32>
        %gather3A_1892 = vector.shape_cast %broadcast_in_dim3A_1891 : vector<16x1xi32> to vector<16xi32>
        %gather3A_1893 = tpu.dynamic_gather %get3A_1658[%gather3A_1892] in [0] : vector<16xi32>, vector<16xi32> -> vector<16xi32>
        %eq3A_1894 = arith.cmpi eq, %get3A_829, %gather3A_1893 : vector<16xi32>
        %jit3A_1895 = arith.constant 1 : i32
        %jit3A_1896 = arith.constant 0 : i32
        %broadcast_in_dim3A_1897 = vector.broadcast %jit3A_1895 : i32 to vector<16xi32>
        %broadcast_in_dim3A_1898 = vector.broadcast %jit3A_1896 : i32 to vector<16xi32>
        %select_n3A_1899 = arith.select %eq3A_1894, %broadcast_in_dim3A_1897, %broadcast_in_dim3A_1898 : vector<16xi1>, vector<16xi32>
        %or3A_1900 = arith.ori %or3A_1884, %select_n3A_1899 : vector<16xi32>
        %add3A_1901 = arith.constant 15 : i32
        %add3A_1902 = vector.broadcast %add3A_1901 : i32 to vector<16xi32>
        %add3A_1903 = arith.addi %iota3A, %add3A_1902 : vector<16xi32>
        %and3A_1904 = arith.constant 15 : i32
        %and3A_1905 = vector.broadcast %and3A_1904 : i32 to vector<16xi32>
        %and3A_1906 = arith.andi %add3A_1903, %and3A_1905 : vector<16xi32>
        %broadcast_in_dim3A_1907 = vector.shape_cast %and3A_1906 : vector<16xi32> to vector<16x1xi32>
        %gather3A_1908 = vector.shape_cast %broadcast_in_dim3A_1907 : vector<16x1xi32> to vector<16xi32>
        %gather3A_1909 = tpu.dynamic_gather %get3A_1658[%gather3A_1908] in [0] : vector<16xi32>, vector<16xi32> -> vector<16xi32>
        %eq3A_1910 = arith.cmpi eq, %get3A_829, %gather3A_1909 : vector<16xi32>
        %jit3A_1911 = arith.constant 1 : i32
        %jit3A_1912 = arith.constant 0 : i32
        %broadcast_in_dim3A_1913 = vector.broadcast %jit3A_1911 : i32 to vector<16xi32>
        %broadcast_in_dim3A_1914 = vector.broadcast %jit3A_1912 : i32 to vector<16xi32>
        %select_n3A_1915 = arith.select %eq3A_1910, %broadcast_in_dim3A_1913, %broadcast_in_dim3A_1914 : vector<16xi1>, vector<16xi32>
        %or3A_1916 = arith.ori %or3A_1900, %select_n3A_1915 : vector<16xi32>
        %or3A_1917 = arith.ori %while3A_1653, %or3A_1916 : vector<16xi32>
        scf.yield %or3A_1917 : vector<16xi32>
      }
      %add3A_845 = arith.constant 1 : i32
      %add3A_846 = vector.broadcast %add3A_845 : i32 to vector<16xi32>
      %add3A_847 = arith.addi %iota3A, %add3A_846 : vector<16xi32>
      %and3A_848 = arith.constant 15 : i32
      %and3A_849 = vector.broadcast %and3A_848 : i32 to vector<16xi32>
      %and3A_850 = arith.andi %add3A_847, %and3A_849 : vector<16xi32>
      %broadcast_in_dim3A_851 = vector.shape_cast %and3A_850 : vector<16xi32> to vector<16x1xi32>
      %gather3A_852 = vector.shape_cast %broadcast_in_dim3A_851 : vector<16x1xi32> to vector<16xi32>
      %gather3A_853 = tpu.dynamic_gather %get3A_829[%gather3A_852] in [0] : vector<16xi32>, vector<16xi32> -> vector<16xi32>
      %add3A_854 = arith.constant 1 : i32
      %add3A_855 = vector.broadcast %add3A_854 : i32 to vector<16xi32>
      %add3A_856 = arith.addi %iota3A, %add3A_855 : vector<16xi32>
      %lt3A_857 = arith.constant 16 : i32
      %lt3A_858 = vector.broadcast %lt3A_857 : i32 to vector<16xi32>
      %lt3A_859 = arith.cmpi slt, %add3A_856, %lt3A_858 : vector<16xi32>
      %jit3A_860 = arith.constant 1 : i32
      %jit3A_861 = arith.constant 0 : i32
      %broadcast_in_dim3A_862 = vector.broadcast %jit3A_860 : i32 to vector<16xi32>
      %broadcast_in_dim3A_863 = vector.broadcast %jit3A_861 : i32 to vector<16xi32>
      %select_n3A_864 = arith.select %lt3A_859, %broadcast_in_dim3A_862, %broadcast_in_dim3A_863 : vector<16xi1>, vector<16xi32>
      %eq3A_865 = arith.cmpi eq, %get3A_829, %gather3A_853 : vector<16xi32>
      %jit3A_866 = arith.constant 1 : i32
      %jit3A_867 = arith.constant 0 : i32
      %broadcast_in_dim3A_868 = vector.broadcast %jit3A_866 : i32 to vector<16xi32>
      %broadcast_in_dim3A_869 = vector.broadcast %jit3A_867 : i32 to vector<16xi32>
      %select_n3A_870 = arith.select %eq3A_865, %broadcast_in_dim3A_868, %broadcast_in_dim3A_869 : vector<16xi1>, vector<16xi32>
      %and3A_871 = arith.andi %select_n3A_870, %select_n3A_864 : vector<16xi32>
      %or3A_872 = arith.ori %while3A_844, %and3A_871 : vector<16xi32>
      %add3A_873 = arith.constant 2 : i32
      %add3A_874 = vector.broadcast %add3A_873 : i32 to vector<16xi32>
      %add3A_875 = arith.addi %iota3A, %add3A_874 : vector<16xi32>
      %and3A_876 = arith.constant 15 : i32
      %and3A_877 = vector.broadcast %and3A_876 : i32 to vector<16xi32>
      %and3A_878 = arith.andi %add3A_875, %and3A_877 : vector<16xi32>
      %broadcast_in_dim3A_879 = vector.shape_cast %and3A_878 : vector<16xi32> to vector<16x1xi32>
      %gather3A_880 = vector.shape_cast %broadcast_in_dim3A_879 : vector<16x1xi32> to vector<16xi32>
      %gather3A_881 = tpu.dynamic_gather %get3A_829[%gather3A_880] in [0] : vector<16xi32>, vector<16xi32> -> vector<16xi32>
      %add3A_882 = arith.constant 2 : i32
      %add3A_883 = vector.broadcast %add3A_882 : i32 to vector<16xi32>
      %add3A_884 = arith.addi %iota3A, %add3A_883 : vector<16xi32>
      %lt3A_885 = arith.constant 16 : i32
      %lt3A_886 = vector.broadcast %lt3A_885 : i32 to vector<16xi32>
      %lt3A_887 = arith.cmpi slt, %add3A_884, %lt3A_886 : vector<16xi32>
      %jit3A_888 = arith.constant 1 : i32
      %jit3A_889 = arith.constant 0 : i32
      %broadcast_in_dim3A_890 = vector.broadcast %jit3A_888 : i32 to vector<16xi32>
      %broadcast_in_dim3A_891 = vector.broadcast %jit3A_889 : i32 to vector<16xi32>
      %select_n3A_892 = arith.select %lt3A_887, %broadcast_in_dim3A_890, %broadcast_in_dim3A_891 : vector<16xi1>, vector<16xi32>
      %eq3A_893 = arith.cmpi eq, %get3A_829, %gather3A_881 : vector<16xi32>
      %jit3A_894 = arith.constant 1 : i32
      %jit3A_895 = arith.constant 0 : i32
      %broadcast_in_dim3A_896 = vector.broadcast %jit3A_894 : i32 to vector<16xi32>
      %broadcast_in_dim3A_897 = vector.broadcast %jit3A_895 : i32 to vector<16xi32>
      %select_n3A_898 = arith.select %eq3A_893, %broadcast_in_dim3A_896, %broadcast_in_dim3A_897 : vector<16xi1>, vector<16xi32>
      %and3A_899 = arith.andi %select_n3A_898, %select_n3A_892 : vector<16xi32>
      %or3A_900 = arith.ori %or3A_872, %and3A_899 : vector<16xi32>
      %add3A_901 = arith.constant 3 : i32
      %add3A_902 = vector.broadcast %add3A_901 : i32 to vector<16xi32>
      %add3A_903 = arith.addi %iota3A, %add3A_902 : vector<16xi32>
      %and3A_904 = arith.constant 15 : i32
      %and3A_905 = vector.broadcast %and3A_904 : i32 to vector<16xi32>
      %and3A_906 = arith.andi %add3A_903, %and3A_905 : vector<16xi32>
      %broadcast_in_dim3A_907 = vector.shape_cast %and3A_906 : vector<16xi32> to vector<16x1xi32>
      %gather3A_908 = vector.shape_cast %broadcast_in_dim3A_907 : vector<16x1xi32> to vector<16xi32>
      %gather3A_909 = tpu.dynamic_gather %get3A_829[%gather3A_908] in [0] : vector<16xi32>, vector<16xi32> -> vector<16xi32>
      %add3A_910 = arith.constant 3 : i32
      %add3A_911 = vector.broadcast %add3A_910 : i32 to vector<16xi32>
      %add3A_912 = arith.addi %iota3A, %add3A_911 : vector<16xi32>
      %lt3A_913 = arith.constant 16 : i32
      %lt3A_914 = vector.broadcast %lt3A_913 : i32 to vector<16xi32>
      %lt3A_915 = arith.cmpi slt, %add3A_912, %lt3A_914 : vector<16xi32>
      %jit3A_916 = arith.constant 1 : i32
      %jit3A_917 = arith.constant 0 : i32
      %broadcast_in_dim3A_918 = vector.broadcast %jit3A_916 : i32 to vector<16xi32>
      %broadcast_in_dim3A_919 = vector.broadcast %jit3A_917 : i32 to vector<16xi32>
      %select_n3A_920 = arith.select %lt3A_915, %broadcast_in_dim3A_918, %broadcast_in_dim3A_919 : vector<16xi1>, vector<16xi32>
      %eq3A_921 = arith.cmpi eq, %get3A_829, %gather3A_909 : vector<16xi32>
      %jit3A_922 = arith.constant 1 : i32
      %jit3A_923 = arith.constant 0 : i32
      %broadcast_in_dim3A_924 = vector.broadcast %jit3A_922 : i32 to vector<16xi32>
      %broadcast_in_dim3A_925 = vector.broadcast %jit3A_923 : i32 to vector<16xi32>
      %select_n3A_926 = arith.select %eq3A_921, %broadcast_in_dim3A_924, %broadcast_in_dim3A_925 : vector<16xi1>, vector<16xi32>
      %and3A_927 = arith.andi %select_n3A_926, %select_n3A_920 : vector<16xi32>
      %or3A_928 = arith.ori %or3A_900, %and3A_927 : vector<16xi32>
      %add3A_929 = arith.constant 4 : i32
      %add3A_930 = vector.broadcast %add3A_929 : i32 to vector<16xi32>
      %add3A_931 = arith.addi %iota3A, %add3A_930 : vector<16xi32>
      %and3A_932 = arith.constant 15 : i32
      %and3A_933 = vector.broadcast %and3A_932 : i32 to vector<16xi32>
      %and3A_934 = arith.andi %add3A_931, %and3A_933 : vector<16xi32>
      %broadcast_in_dim3A_935 = vector.shape_cast %and3A_934 : vector<16xi32> to vector<16x1xi32>
      %gather3A_936 = vector.shape_cast %broadcast_in_dim3A_935 : vector<16x1xi32> to vector<16xi32>
      %gather3A_937 = tpu.dynamic_gather %get3A_829[%gather3A_936] in [0] : vector<16xi32>, vector<16xi32> -> vector<16xi32>
      %add3A_938 = arith.constant 4 : i32
      %add3A_939 = vector.broadcast %add3A_938 : i32 to vector<16xi32>
      %add3A_940 = arith.addi %iota3A, %add3A_939 : vector<16xi32>
      %lt3A_941 = arith.constant 16 : i32
      %lt3A_942 = vector.broadcast %lt3A_941 : i32 to vector<16xi32>
      %lt3A_943 = arith.cmpi slt, %add3A_940, %lt3A_942 : vector<16xi32>
      %jit3A_944 = arith.constant 1 : i32
      %jit3A_945 = arith.constant 0 : i32
      %broadcast_in_dim3A_946 = vector.broadcast %jit3A_944 : i32 to vector<16xi32>
      %broadcast_in_dim3A_947 = vector.broadcast %jit3A_945 : i32 to vector<16xi32>
      %select_n3A_948 = arith.select %lt3A_943, %broadcast_in_dim3A_946, %broadcast_in_dim3A_947 : vector<16xi1>, vector<16xi32>
      %eq3A_949 = arith.cmpi eq, %get3A_829, %gather3A_937 : vector<16xi32>
      %jit3A_950 = arith.constant 1 : i32
      %jit3A_951 = arith.constant 0 : i32
      %broadcast_in_dim3A_952 = vector.broadcast %jit3A_950 : i32 to vector<16xi32>
      %broadcast_in_dim3A_953 = vector.broadcast %jit3A_951 : i32 to vector<16xi32>
      %select_n3A_954 = arith.select %eq3A_949, %broadcast_in_dim3A_952, %broadcast_in_dim3A_953 : vector<16xi1>, vector<16xi32>
      %and3A_955 = arith.andi %select_n3A_954, %select_n3A_948 : vector<16xi32>
      %or3A_956 = arith.ori %or3A_928, %and3A_955 : vector<16xi32>
      %add3A_957 = arith.constant 5 : i32
      %add3A_958 = vector.broadcast %add3A_957 : i32 to vector<16xi32>
      %add3A_959 = arith.addi %iota3A, %add3A_958 : vector<16xi32>
      %and3A_960 = arith.constant 15 : i32
      %and3A_961 = vector.broadcast %and3A_960 : i32 to vector<16xi32>
      %and3A_962 = arith.andi %add3A_959, %and3A_961 : vector<16xi32>
      %broadcast_in_dim3A_963 = vector.shape_cast %and3A_962 : vector<16xi32> to vector<16x1xi32>
      %gather3A_964 = vector.shape_cast %broadcast_in_dim3A_963 : vector<16x1xi32> to vector<16xi32>
      %gather3A_965 = tpu.dynamic_gather %get3A_829[%gather3A_964] in [0] : vector<16xi32>, vector<16xi32> -> vector<16xi32>
      %add3A_966 = arith.constant 5 : i32
      %add3A_967 = vector.broadcast %add3A_966 : i32 to vector<16xi32>
      %add3A_968 = arith.addi %iota3A, %add3A_967 : vector<16xi32>
      %lt3A_969 = arith.constant 16 : i32
      %lt3A_970 = vector.broadcast %lt3A_969 : i32 to vector<16xi32>
      %lt3A_971 = arith.cmpi slt, %add3A_968, %lt3A_970 : vector<16xi32>
      %jit3A_972 = arith.constant 1 : i32
      %jit3A_973 = arith.constant 0 : i32
      %broadcast_in_dim3A_974 = vector.broadcast %jit3A_972 : i32 to vector<16xi32>
      %broadcast_in_dim3A_975 = vector.broadcast %jit3A_973 : i32 to vector<16xi32>
      %select_n3A_976 = arith.select %lt3A_971, %broadcast_in_dim3A_974, %broadcast_in_dim3A_975 : vector<16xi1>, vector<16xi32>
      %eq3A_977 = arith.cmpi eq, %get3A_829, %gather3A_965 : vector<16xi32>
      %jit3A_978 = arith.constant 1 : i32
      %jit3A_979 = arith.constant 0 : i32
      %broadcast_in_dim3A_980 = vector.broadcast %jit3A_978 : i32 to vector<16xi32>
      %broadcast_in_dim3A_981 = vector.broadcast %jit3A_979 : i32 to vector<16xi32>
      %select_n3A_982 = arith.select %eq3A_977, %broadcast_in_dim3A_980, %broadcast_in_dim3A_981 : vector<16xi1>, vector<16xi32>
      %and3A_983 = arith.andi %select_n3A_982, %select_n3A_976 : vector<16xi32>
      %or3A_984 = arith.ori %or3A_956, %and3A_983 : vector<16xi32>
      %add3A_985 = arith.constant 6 : i32
      %add3A_986 = vector.broadcast %add3A_985 : i32 to vector<16xi32>
      %add3A_987 = arith.addi %iota3A, %add3A_986 : vector<16xi32>
      %and3A_988 = arith.constant 15 : i32
      %and3A_989 = vector.broadcast %and3A_988 : i32 to vector<16xi32>
      %and3A_990 = arith.andi %add3A_987, %and3A_989 : vector<16xi32>
      %broadcast_in_dim3A_991 = vector.shape_cast %and3A_990 : vector<16xi32> to vector<16x1xi32>
      %gather3A_992 = vector.shape_cast %broadcast_in_dim3A_991 : vector<16x1xi32> to vector<16xi32>
      %gather3A_993 = tpu.dynamic_gather %get3A_829[%gather3A_992] in [0] : vector<16xi32>, vector<16xi32> -> vector<16xi32>
      %add3A_994 = arith.constant 6 : i32
      %add3A_995 = vector.broadcast %add3A_994 : i32 to vector<16xi32>
      %add3A_996 = arith.addi %iota3A, %add3A_995 : vector<16xi32>
      %lt3A_997 = arith.constant 16 : i32
      %lt3A_998 = vector.broadcast %lt3A_997 : i32 to vector<16xi32>
      %lt3A_999 = arith.cmpi slt, %add3A_996, %lt3A_998 : vector<16xi32>
      %jit3A_1000 = arith.constant 1 : i32
      %jit3A_1001 = arith.constant 0 : i32
      %broadcast_in_dim3A_1002 = vector.broadcast %jit3A_1000 : i32 to vector<16xi32>
      %broadcast_in_dim3A_1003 = vector.broadcast %jit3A_1001 : i32 to vector<16xi32>
      %select_n3A_1004 = arith.select %lt3A_999, %broadcast_in_dim3A_1002, %broadcast_in_dim3A_1003 : vector<16xi1>, vector<16xi32>
      %eq3A_1005 = arith.cmpi eq, %get3A_829, %gather3A_993 : vector<16xi32>
      %jit3A_1006 = arith.constant 1 : i32
      %jit3A_1007 = arith.constant 0 : i32
      %broadcast_in_dim3A_1008 = vector.broadcast %jit3A_1006 : i32 to vector<16xi32>
      %broadcast_in_dim3A_1009 = vector.broadcast %jit3A_1007 : i32 to vector<16xi32>
      %select_n3A_1010 = arith.select %eq3A_1005, %broadcast_in_dim3A_1008, %broadcast_in_dim3A_1009 : vector<16xi1>, vector<16xi32>
      %and3A_1011 = arith.andi %select_n3A_1010, %select_n3A_1004 : vector<16xi32>
      %or3A_1012 = arith.ori %or3A_984, %and3A_1011 : vector<16xi32>
      %add3A_1013 = arith.constant 7 : i32
      %add3A_1014 = vector.broadcast %add3A_1013 : i32 to vector<16xi32>
      %add3A_1015 = arith.addi %iota3A, %add3A_1014 : vector<16xi32>
      %and3A_1016 = arith.constant 15 : i32
      %and3A_1017 = vector.broadcast %and3A_1016 : i32 to vector<16xi32>
      %and3A_1018 = arith.andi %add3A_1015, %and3A_1017 : vector<16xi32>
      %broadcast_in_dim3A_1019 = vector.shape_cast %and3A_1018 : vector<16xi32> to vector<16x1xi32>
      %gather3A_1020 = vector.shape_cast %broadcast_in_dim3A_1019 : vector<16x1xi32> to vector<16xi32>
      %gather3A_1021 = tpu.dynamic_gather %get3A_829[%gather3A_1020] in [0] : vector<16xi32>, vector<16xi32> -> vector<16xi32>
      %add3A_1022 = arith.constant 7 : i32
      %add3A_1023 = vector.broadcast %add3A_1022 : i32 to vector<16xi32>
      %add3A_1024 = arith.addi %iota3A, %add3A_1023 : vector<16xi32>
      %lt3A_1025 = arith.constant 16 : i32
      %lt3A_1026 = vector.broadcast %lt3A_1025 : i32 to vector<16xi32>
      %lt3A_1027 = arith.cmpi slt, %add3A_1024, %lt3A_1026 : vector<16xi32>
      %jit3A_1028 = arith.constant 1 : i32
      %jit3A_1029 = arith.constant 0 : i32
      %broadcast_in_dim3A_1030 = vector.broadcast %jit3A_1028 : i32 to vector<16xi32>
      %broadcast_in_dim3A_1031 = vector.broadcast %jit3A_1029 : i32 to vector<16xi32>
      %select_n3A_1032 = arith.select %lt3A_1027, %broadcast_in_dim3A_1030, %broadcast_in_dim3A_1031 : vector<16xi1>, vector<16xi32>
      %eq3A_1033 = arith.cmpi eq, %get3A_829, %gather3A_1021 : vector<16xi32>
      %jit3A_1034 = arith.constant 1 : i32
      %jit3A_1035 = arith.constant 0 : i32
      %broadcast_in_dim3A_1036 = vector.broadcast %jit3A_1034 : i32 to vector<16xi32>
      %broadcast_in_dim3A_1037 = vector.broadcast %jit3A_1035 : i32 to vector<16xi32>
      %select_n3A_1038 = arith.select %eq3A_1033, %broadcast_in_dim3A_1036, %broadcast_in_dim3A_1037 : vector<16xi1>, vector<16xi32>
      %and3A_1039 = arith.andi %select_n3A_1038, %select_n3A_1032 : vector<16xi32>
      %or3A_1040 = arith.ori %or3A_1012, %and3A_1039 : vector<16xi32>
      %add3A_1041 = arith.constant 8 : i32
      %add3A_1042 = vector.broadcast %add3A_1041 : i32 to vector<16xi32>
      %add3A_1043 = arith.addi %iota3A, %add3A_1042 : vector<16xi32>
      %and3A_1044 = arith.constant 15 : i32
      %and3A_1045 = vector.broadcast %and3A_1044 : i32 to vector<16xi32>
      %and3A_1046 = arith.andi %add3A_1043, %and3A_1045 : vector<16xi32>
      %broadcast_in_dim3A_1047 = vector.shape_cast %and3A_1046 : vector<16xi32> to vector<16x1xi32>
      %gather3A_1048 = vector.shape_cast %broadcast_in_dim3A_1047 : vector<16x1xi32> to vector<16xi32>
      %gather3A_1049 = tpu.dynamic_gather %get3A_829[%gather3A_1048] in [0] : vector<16xi32>, vector<16xi32> -> vector<16xi32>
      %add3A_1050 = arith.constant 8 : i32
      %add3A_1051 = vector.broadcast %add3A_1050 : i32 to vector<16xi32>
      %add3A_1052 = arith.addi %iota3A, %add3A_1051 : vector<16xi32>
      %lt3A_1053 = arith.constant 16 : i32
      %lt3A_1054 = vector.broadcast %lt3A_1053 : i32 to vector<16xi32>
      %lt3A_1055 = arith.cmpi slt, %add3A_1052, %lt3A_1054 : vector<16xi32>
      %jit3A_1056 = arith.constant 1 : i32
      %jit3A_1057 = arith.constant 0 : i32
      %broadcast_in_dim3A_1058 = vector.broadcast %jit3A_1056 : i32 to vector<16xi32>
      %broadcast_in_dim3A_1059 = vector.broadcast %jit3A_1057 : i32 to vector<16xi32>
      %select_n3A_1060 = arith.select %lt3A_1055, %broadcast_in_dim3A_1058, %broadcast_in_dim3A_1059 : vector<16xi1>, vector<16xi32>
      %eq3A_1061 = arith.cmpi eq, %get3A_829, %gather3A_1049 : vector<16xi32>
      %jit3A_1062 = arith.constant 1 : i32
      %jit3A_1063 = arith.constant 0 : i32
      %broadcast_in_dim3A_1064 = vector.broadcast %jit3A_1062 : i32 to vector<16xi32>
      %broadcast_in_dim3A_1065 = vector.broadcast %jit3A_1063 : i32 to vector<16xi32>
      %select_n3A_1066 = arith.select %eq3A_1061, %broadcast_in_dim3A_1064, %broadcast_in_dim3A_1065 : vector<16xi1>, vector<16xi32>
      %and3A_1067 = arith.andi %select_n3A_1066, %select_n3A_1060 : vector<16xi32>
      %or3A_1068 = arith.ori %or3A_1040, %and3A_1067 : vector<16xi32>
      %add3A_1069 = arith.constant 9 : i32
      %add3A_1070 = vector.broadcast %add3A_1069 : i32 to vector<16xi32>
      %add3A_1071 = arith.addi %iota3A, %add3A_1070 : vector<16xi32>
      %and3A_1072 = arith.constant 15 : i32
      %and3A_1073 = vector.broadcast %and3A_1072 : i32 to vector<16xi32>
      %and3A_1074 = arith.andi %add3A_1071, %and3A_1073 : vector<16xi32>
      %broadcast_in_dim3A_1075 = vector.shape_cast %and3A_1074 : vector<16xi32> to vector<16x1xi32>
      %gather3A_1076 = vector.shape_cast %broadcast_in_dim3A_1075 : vector<16x1xi32> to vector<16xi32>
      %gather3A_1077 = tpu.dynamic_gather %get3A_829[%gather3A_1076] in [0] : vector<16xi32>, vector<16xi32> -> vector<16xi32>
      %add3A_1078 = arith.constant 9 : i32
      %add3A_1079 = vector.broadcast %add3A_1078 : i32 to vector<16xi32>
      %add3A_1080 = arith.addi %iota3A, %add3A_1079 : vector<16xi32>
      %lt3A_1081 = arith.constant 16 : i32
      %lt3A_1082 = vector.broadcast %lt3A_1081 : i32 to vector<16xi32>
      %lt3A_1083 = arith.cmpi slt, %add3A_1080, %lt3A_1082 : vector<16xi32>
      %jit3A_1084 = arith.constant 1 : i32
      %jit3A_1085 = arith.constant 0 : i32
      %broadcast_in_dim3A_1086 = vector.broadcast %jit3A_1084 : i32 to vector<16xi32>
      %broadcast_in_dim3A_1087 = vector.broadcast %jit3A_1085 : i32 to vector<16xi32>
      %select_n3A_1088 = arith.select %lt3A_1083, %broadcast_in_dim3A_1086, %broadcast_in_dim3A_1087 : vector<16xi1>, vector<16xi32>
      %eq3A_1089 = arith.cmpi eq, %get3A_829, %gather3A_1077 : vector<16xi32>
      %jit3A_1090 = arith.constant 1 : i32
      %jit3A_1091 = arith.constant 0 : i32
      %broadcast_in_dim3A_1092 = vector.broadcast %jit3A_1090 : i32 to vector<16xi32>
      %broadcast_in_dim3A_1093 = vector.broadcast %jit3A_1091 : i32 to vector<16xi32>
      %select_n3A_1094 = arith.select %eq3A_1089, %broadcast_in_dim3A_1092, %broadcast_in_dim3A_1093 : vector<16xi1>, vector<16xi32>
      %and3A_1095 = arith.andi %select_n3A_1094, %select_n3A_1088 : vector<16xi32>
      %or3A_1096 = arith.ori %or3A_1068, %and3A_1095 : vector<16xi32>
      %add3A_1097 = arith.constant 10 : i32
      %add3A_1098 = vector.broadcast %add3A_1097 : i32 to vector<16xi32>
      %add3A_1099 = arith.addi %iota3A, %add3A_1098 : vector<16xi32>
      %and3A_1100 = arith.constant 15 : i32
      %and3A_1101 = vector.broadcast %and3A_1100 : i32 to vector<16xi32>
      %and3A_1102 = arith.andi %add3A_1099, %and3A_1101 : vector<16xi32>
      %broadcast_in_dim3A_1103 = vector.shape_cast %and3A_1102 : vector<16xi32> to vector<16x1xi32>
      %gather3A_1104 = vector.shape_cast %broadcast_in_dim3A_1103 : vector<16x1xi32> to vector<16xi32>
      %gather3A_1105 = tpu.dynamic_gather %get3A_829[%gather3A_1104] in [0] : vector<16xi32>, vector<16xi32> -> vector<16xi32>
      %add3A_1106 = arith.constant 10 : i32
      %add3A_1107 = vector.broadcast %add3A_1106 : i32 to vector<16xi32>
      %add3A_1108 = arith.addi %iota3A, %add3A_1107 : vector<16xi32>
      %lt3A_1109 = arith.constant 16 : i32
      %lt3A_1110 = vector.broadcast %lt3A_1109 : i32 to vector<16xi32>
      %lt3A_1111 = arith.cmpi slt, %add3A_1108, %lt3A_1110 : vector<16xi32>
      %jit3A_1112 = arith.constant 1 : i32
      %jit3A_1113 = arith.constant 0 : i32
      %broadcast_in_dim3A_1114 = vector.broadcast %jit3A_1112 : i32 to vector<16xi32>
      %broadcast_in_dim3A_1115 = vector.broadcast %jit3A_1113 : i32 to vector<16xi32>
      %select_n3A_1116 = arith.select %lt3A_1111, %broadcast_in_dim3A_1114, %broadcast_in_dim3A_1115 : vector<16xi1>, vector<16xi32>
      %eq3A_1117 = arith.cmpi eq, %get3A_829, %gather3A_1105 : vector<16xi32>
      %jit3A_1118 = arith.constant 1 : i32
      %jit3A_1119 = arith.constant 0 : i32
      %broadcast_in_dim3A_1120 = vector.broadcast %jit3A_1118 : i32 to vector<16xi32>
      %broadcast_in_dim3A_1121 = vector.broadcast %jit3A_1119 : i32 to vector<16xi32>
      %select_n3A_1122 = arith.select %eq3A_1117, %broadcast_in_dim3A_1120, %broadcast_in_dim3A_1121 : vector<16xi1>, vector<16xi32>
      %and3A_1123 = arith.andi %select_n3A_1122, %select_n3A_1116 : vector<16xi32>
      %or3A_1124 = arith.ori %or3A_1096, %and3A_1123 : vector<16xi32>
      %add3A_1125 = arith.constant 11 : i32
      %add3A_1126 = vector.broadcast %add3A_1125 : i32 to vector<16xi32>
      %add3A_1127 = arith.addi %iota3A, %add3A_1126 : vector<16xi32>
      %and3A_1128 = arith.constant 15 : i32
      %and3A_1129 = vector.broadcast %and3A_1128 : i32 to vector<16xi32>
      %and3A_1130 = arith.andi %add3A_1127, %and3A_1129 : vector<16xi32>
      %broadcast_in_dim3A_1131 = vector.shape_cast %and3A_1130 : vector<16xi32> to vector<16x1xi32>
      %gather3A_1132 = vector.shape_cast %broadcast_in_dim3A_1131 : vector<16x1xi32> to vector<16xi32>
      %gather3A_1133 = tpu.dynamic_gather %get3A_829[%gather3A_1132] in [0] : vector<16xi32>, vector<16xi32> -> vector<16xi32>
      %add3A_1134 = arith.constant 11 : i32
      %add3A_1135 = vector.broadcast %add3A_1134 : i32 to vector<16xi32>
      %add3A_1136 = arith.addi %iota3A, %add3A_1135 : vector<16xi32>
      %lt3A_1137 = arith.constant 16 : i32
      %lt3A_1138 = vector.broadcast %lt3A_1137 : i32 to vector<16xi32>
      %lt3A_1139 = arith.cmpi slt, %add3A_1136, %lt3A_1138 : vector<16xi32>
      %jit3A_1140 = arith.constant 1 : i32
      %jit3A_1141 = arith.constant 0 : i32
      %broadcast_in_dim3A_1142 = vector.broadcast %jit3A_1140 : i32 to vector<16xi32>
      %broadcast_in_dim3A_1143 = vector.broadcast %jit3A_1141 : i32 to vector<16xi32>
      %select_n3A_1144 = arith.select %lt3A_1139, %broadcast_in_dim3A_1142, %broadcast_in_dim3A_1143 : vector<16xi1>, vector<16xi32>
      %eq3A_1145 = arith.cmpi eq, %get3A_829, %gather3A_1133 : vector<16xi32>
      %jit3A_1146 = arith.constant 1 : i32
      %jit3A_1147 = arith.constant 0 : i32
      %broadcast_in_dim3A_1148 = vector.broadcast %jit3A_1146 : i32 to vector<16xi32>
      %broadcast_in_dim3A_1149 = vector.broadcast %jit3A_1147 : i32 to vector<16xi32>
      %select_n3A_1150 = arith.select %eq3A_1145, %broadcast_in_dim3A_1148, %broadcast_in_dim3A_1149 : vector<16xi1>, vector<16xi32>
      %and3A_1151 = arith.andi %select_n3A_1150, %select_n3A_1144 : vector<16xi32>
      %or3A_1152 = arith.ori %or3A_1124, %and3A_1151 : vector<16xi32>
      %add3A_1153 = arith.constant 12 : i32
      %add3A_1154 = vector.broadcast %add3A_1153 : i32 to vector<16xi32>
      %add3A_1155 = arith.addi %iota3A, %add3A_1154 : vector<16xi32>
      %and3A_1156 = arith.constant 15 : i32
      %and3A_1157 = vector.broadcast %and3A_1156 : i32 to vector<16xi32>
      %and3A_1158 = arith.andi %add3A_1155, %and3A_1157 : vector<16xi32>
      %broadcast_in_dim3A_1159 = vector.shape_cast %and3A_1158 : vector<16xi32> to vector<16x1xi32>
      %gather3A_1160 = vector.shape_cast %broadcast_in_dim3A_1159 : vector<16x1xi32> to vector<16xi32>
      %gather3A_1161 = tpu.dynamic_gather %get3A_829[%gather3A_1160] in [0] : vector<16xi32>, vector<16xi32> -> vector<16xi32>
      %add3A_1162 = arith.constant 12 : i32
      %add3A_1163 = vector.broadcast %add3A_1162 : i32 to vector<16xi32>
      %add3A_1164 = arith.addi %iota3A, %add3A_1163 : vector<16xi32>
      %lt3A_1165 = arith.constant 16 : i32
      %lt3A_1166 = vector.broadcast %lt3A_1165 : i32 to vector<16xi32>
      %lt3A_1167 = arith.cmpi slt, %add3A_1164, %lt3A_1166 : vector<16xi32>
      %jit3A_1168 = arith.constant 1 : i32
      %jit3A_1169 = arith.constant 0 : i32
      %broadcast_in_dim3A_1170 = vector.broadcast %jit3A_1168 : i32 to vector<16xi32>
      %broadcast_in_dim3A_1171 = vector.broadcast %jit3A_1169 : i32 to vector<16xi32>
      %select_n3A_1172 = arith.select %lt3A_1167, %broadcast_in_dim3A_1170, %broadcast_in_dim3A_1171 : vector<16xi1>, vector<16xi32>
      %eq3A_1173 = arith.cmpi eq, %get3A_829, %gather3A_1161 : vector<16xi32>
      %jit3A_1174 = arith.constant 1 : i32
      %jit3A_1175 = arith.constant 0 : i32
      %broadcast_in_dim3A_1176 = vector.broadcast %jit3A_1174 : i32 to vector<16xi32>
      %broadcast_in_dim3A_1177 = vector.broadcast %jit3A_1175 : i32 to vector<16xi32>
      %select_n3A_1178 = arith.select %eq3A_1173, %broadcast_in_dim3A_1176, %broadcast_in_dim3A_1177 : vector<16xi1>, vector<16xi32>
      %and3A_1179 = arith.andi %select_n3A_1178, %select_n3A_1172 : vector<16xi32>
      %or3A_1180 = arith.ori %or3A_1152, %and3A_1179 : vector<16xi32>
      %add3A_1181 = arith.constant 13 : i32
      %add3A_1182 = vector.broadcast %add3A_1181 : i32 to vector<16xi32>
      %add3A_1183 = arith.addi %iota3A, %add3A_1182 : vector<16xi32>
      %and3A_1184 = arith.constant 15 : i32
      %and3A_1185 = vector.broadcast %and3A_1184 : i32 to vector<16xi32>
      %and3A_1186 = arith.andi %add3A_1183, %and3A_1185 : vector<16xi32>
      %broadcast_in_dim3A_1187 = vector.shape_cast %and3A_1186 : vector<16xi32> to vector<16x1xi32>
      %gather3A_1188 = vector.shape_cast %broadcast_in_dim3A_1187 : vector<16x1xi32> to vector<16xi32>
      %gather3A_1189 = tpu.dynamic_gather %get3A_829[%gather3A_1188] in [0] : vector<16xi32>, vector<16xi32> -> vector<16xi32>
      %add3A_1190 = arith.constant 13 : i32
      %add3A_1191 = vector.broadcast %add3A_1190 : i32 to vector<16xi32>
      %add3A_1192 = arith.addi %iota3A, %add3A_1191 : vector<16xi32>
      %lt3A_1193 = arith.constant 16 : i32
      %lt3A_1194 = vector.broadcast %lt3A_1193 : i32 to vector<16xi32>
      %lt3A_1195 = arith.cmpi slt, %add3A_1192, %lt3A_1194 : vector<16xi32>
      %jit3A_1196 = arith.constant 1 : i32
      %jit3A_1197 = arith.constant 0 : i32
      %broadcast_in_dim3A_1198 = vector.broadcast %jit3A_1196 : i32 to vector<16xi32>
      %broadcast_in_dim3A_1199 = vector.broadcast %jit3A_1197 : i32 to vector<16xi32>
      %select_n3A_1200 = arith.select %lt3A_1195, %broadcast_in_dim3A_1198, %broadcast_in_dim3A_1199 : vector<16xi1>, vector<16xi32>
      %eq3A_1201 = arith.cmpi eq, %get3A_829, %gather3A_1189 : vector<16xi32>
      %jit3A_1202 = arith.constant 1 : i32
      %jit3A_1203 = arith.constant 0 : i32
      %broadcast_in_dim3A_1204 = vector.broadcast %jit3A_1202 : i32 to vector<16xi32>
      %broadcast_in_dim3A_1205 = vector.broadcast %jit3A_1203 : i32 to vector<16xi32>
      %select_n3A_1206 = arith.select %eq3A_1201, %broadcast_in_dim3A_1204, %broadcast_in_dim3A_1205 : vector<16xi1>, vector<16xi32>
      %and3A_1207 = arith.andi %select_n3A_1206, %select_n3A_1200 : vector<16xi32>
      %or3A_1208 = arith.ori %or3A_1180, %and3A_1207 : vector<16xi32>
      %add3A_1209 = arith.constant 14 : i32
      %add3A_1210 = vector.broadcast %add3A_1209 : i32 to vector<16xi32>
      %add3A_1211 = arith.addi %iota3A, %add3A_1210 : vector<16xi32>
      %and3A_1212 = arith.constant 15 : i32
      %and3A_1213 = vector.broadcast %and3A_1212 : i32 to vector<16xi32>
      %and3A_1214 = arith.andi %add3A_1211, %and3A_1213 : vector<16xi32>
      %broadcast_in_dim3A_1215 = vector.shape_cast %and3A_1214 : vector<16xi32> to vector<16x1xi32>
      %gather3A_1216 = vector.shape_cast %broadcast_in_dim3A_1215 : vector<16x1xi32> to vector<16xi32>
      %gather3A_1217 = tpu.dynamic_gather %get3A_829[%gather3A_1216] in [0] : vector<16xi32>, vector<16xi32> -> vector<16xi32>
      %add3A_1218 = arith.constant 14 : i32
      %add3A_1219 = vector.broadcast %add3A_1218 : i32 to vector<16xi32>
      %add3A_1220 = arith.addi %iota3A, %add3A_1219 : vector<16xi32>
      %lt3A_1221 = arith.constant 16 : i32
      %lt3A_1222 = vector.broadcast %lt3A_1221 : i32 to vector<16xi32>
      %lt3A_1223 = arith.cmpi slt, %add3A_1220, %lt3A_1222 : vector<16xi32>
      %jit3A_1224 = arith.constant 1 : i32
      %jit3A_1225 = arith.constant 0 : i32
      %broadcast_in_dim3A_1226 = vector.broadcast %jit3A_1224 : i32 to vector<16xi32>
      %broadcast_in_dim3A_1227 = vector.broadcast %jit3A_1225 : i32 to vector<16xi32>
      %select_n3A_1228 = arith.select %lt3A_1223, %broadcast_in_dim3A_1226, %broadcast_in_dim3A_1227 : vector<16xi1>, vector<16xi32>
      %eq3A_1229 = arith.cmpi eq, %get3A_829, %gather3A_1217 : vector<16xi32>
      %jit3A_1230 = arith.constant 1 : i32
      %jit3A_1231 = arith.constant 0 : i32
      %broadcast_in_dim3A_1232 = vector.broadcast %jit3A_1230 : i32 to vector<16xi32>
      %broadcast_in_dim3A_1233 = vector.broadcast %jit3A_1231 : i32 to vector<16xi32>
      %select_n3A_1234 = arith.select %eq3A_1229, %broadcast_in_dim3A_1232, %broadcast_in_dim3A_1233 : vector<16xi1>, vector<16xi32>
      %and3A_1235 = arith.andi %select_n3A_1234, %select_n3A_1228 : vector<16xi32>
      %or3A_1236 = arith.ori %or3A_1208, %and3A_1235 : vector<16xi32>
      %add3A_1237 = arith.constant 15 : i32
      %add3A_1238 = vector.broadcast %add3A_1237 : i32 to vector<16xi32>
      %add3A_1239 = arith.addi %iota3A, %add3A_1238 : vector<16xi32>
      %and3A_1240 = arith.constant 15 : i32
      %and3A_1241 = vector.broadcast %and3A_1240 : i32 to vector<16xi32>
      %and3A_1242 = arith.andi %add3A_1239, %and3A_1241 : vector<16xi32>
      %broadcast_in_dim3A_1243 = vector.shape_cast %and3A_1242 : vector<16xi32> to vector<16x1xi32>
      %gather3A_1244 = vector.shape_cast %broadcast_in_dim3A_1243 : vector<16x1xi32> to vector<16xi32>
      %gather3A_1245 = tpu.dynamic_gather %get3A_829[%gather3A_1244] in [0] : vector<16xi32>, vector<16xi32> -> vector<16xi32>
      %add3A_1246 = arith.constant 15 : i32
      %add3A_1247 = vector.broadcast %add3A_1246 : i32 to vector<16xi32>
      %add3A_1248 = arith.addi %iota3A, %add3A_1247 : vector<16xi32>
      %lt3A_1249 = arith.constant 16 : i32
      %lt3A_1250 = vector.broadcast %lt3A_1249 : i32 to vector<16xi32>
      %lt3A_1251 = arith.cmpi slt, %add3A_1248, %lt3A_1250 : vector<16xi32>
      %jit3A_1252 = arith.constant 1 : i32
      %jit3A_1253 = arith.constant 0 : i32
      %broadcast_in_dim3A_1254 = vector.broadcast %jit3A_1252 : i32 to vector<16xi32>
      %broadcast_in_dim3A_1255 = vector.broadcast %jit3A_1253 : i32 to vector<16xi32>
      %select_n3A_1256 = arith.select %lt3A_1251, %broadcast_in_dim3A_1254, %broadcast_in_dim3A_1255 : vector<16xi1>, vector<16xi32>
      %eq3A_1257 = arith.cmpi eq, %get3A_829, %gather3A_1245 : vector<16xi32>
      %jit3A_1258 = arith.constant 1 : i32
      %jit3A_1259 = arith.constant 0 : i32
      %broadcast_in_dim3A_1260 = vector.broadcast %jit3A_1258 : i32 to vector<16xi32>
      %broadcast_in_dim3A_1261 = vector.broadcast %jit3A_1259 : i32 to vector<16xi32>
      %select_n3A_1262 = arith.select %eq3A_1257, %broadcast_in_dim3A_1260, %broadcast_in_dim3A_1261 : vector<16xi1>, vector<16xi32>
      %and3A_1263 = arith.andi %select_n3A_1262, %select_n3A_1256 : vector<16xi32>
      %or3A_1264 = arith.ori %or3A_1236, %and3A_1263 : vector<16xi32>
      %eq3A_1265 = arith.constant 0 : i32
      %eq3A_1266 = vector.broadcast %eq3A_1265 : i32 to vector<16xi32>
      %eq3A_1267 = arith.cmpi eq, %or3A_1264, %eq3A_1266 : vector<16xi32>
      %jit3A_1268 = arith.constant 0 : i32
      %broadcast_in_dim3A_1269 = vector.broadcast %jit3A_1268 : i32 to vector<16xi32>
      %select_n3A_1270 = arith.select %eq3A_1267, %select_n3A_633, %broadcast_in_dim3A_1269 : vector<16xi1>, vector<16xi32>
      %dma_wait3A_1271 = arith.constant 0 : i32
      %dma_wait3A_1272 = tpu.memref_slice %arg9[%dma_wait3A_1271] : memref<80xf32, #tpu.memory_space<vmem>> -> memref<16xf32, #tpu.memory_space<vmem>>
      %dma_wait3A_1273 = arith.constant 0 : i32
      %dma_wait3A_1274 = tpu.memref_slice %arg3[%dma_wait3A_1273] : memref<1638400xf32, #tpu.memory_space<hbm>> -> memref<1638400xf32, #tpu.memory_space<hbm>>
      tpu.wait_indirect_dma semaphore(%arg12 : memref<!tpu.dma_semaphore, #tpu.memory_space<semaphore_mem>>) src(%dma_wait3A_1274 : memref<1638400xf32, #tpu.memory_space<hbm>>) dst(%dma_wait3A_1272 : memref<16xf32, #tpu.memory_space<vmem>>)
      %dma_wait3A_1275 = arith.constant 16 : i32
      %dma_wait3A_1276 = tpu.memref_slice %arg9[%dma_wait3A_1275] : memref<80xf32, #tpu.memory_space<vmem>> -> memref<16xf32, #tpu.memory_space<vmem>>
      %dma_wait3A_1277 = arith.constant 0 : i32
      %dma_wait3A_1278 = tpu.memref_slice %arg3[%dma_wait3A_1277] : memref<1638400xf32, #tpu.memory_space<hbm>> -> memref<1638400xf32, #tpu.memory_space<hbm>>
      tpu.wait_indirect_dma semaphore(%arg12 : memref<!tpu.dma_semaphore, #tpu.memory_space<semaphore_mem>>) src(%dma_wait3A_1278 : memref<1638400xf32, #tpu.memory_space<hbm>>) dst(%dma_wait3A_1276 : memref<16xf32, #tpu.memory_space<vmem>>)
      %dma_wait3A_1279 = arith.constant 32 : i32
      %dma_wait3A_1280 = tpu.memref_slice %arg9[%dma_wait3A_1279] : memref<80xf32, #tpu.memory_space<vmem>> -> memref<16xf32, #tpu.memory_space<vmem>>
      %dma_wait3A_1281 = arith.constant 0 : i32
      %dma_wait3A_1282 = tpu.memref_slice %arg3[%dma_wait3A_1281] : memref<1638400xf32, #tpu.memory_space<hbm>> -> memref<1638400xf32, #tpu.memory_space<hbm>>
      tpu.wait_indirect_dma semaphore(%arg12 : memref<!tpu.dma_semaphore, #tpu.memory_space<semaphore_mem>>) src(%dma_wait3A_1282 : memref<1638400xf32, #tpu.memory_space<hbm>>) dst(%dma_wait3A_1280 : memref<16xf32, #tpu.memory_space<vmem>>)
      %dma_wait3A_1283 = arith.constant 48 : i32
      %dma_wait3A_1284 = tpu.memref_slice %arg9[%dma_wait3A_1283] : memref<80xf32, #tpu.memory_space<vmem>> -> memref<16xf32, #tpu.memory_space<vmem>>
      %dma_wait3A_1285 = arith.constant 0 : i32
      %dma_wait3A_1286 = tpu.memref_slice %arg3[%dma_wait3A_1285] : memref<1638400xf32, #tpu.memory_space<hbm>> -> memref<1638400xf32, #tpu.memory_space<hbm>>
      tpu.wait_indirect_dma semaphore(%arg12 : memref<!tpu.dma_semaphore, #tpu.memory_space<semaphore_mem>>) src(%dma_wait3A_1286 : memref<1638400xf32, #tpu.memory_space<hbm>>) dst(%dma_wait3A_1284 : memref<16xf32, #tpu.memory_space<vmem>>)
      %dma_wait3A_1287 = arith.constant 64 : i32
      %dma_wait3A_1288 = tpu.memref_slice %arg9[%dma_wait3A_1287] : memref<80xf32, #tpu.memory_space<vmem>> -> memref<16xf32, #tpu.memory_space<vmem>>
      %dma_wait3A_1289 = arith.constant 0 : i32
      %dma_wait3A_1290 = tpu.memref_slice %arg3[%dma_wait3A_1289] : memref<1638400xf32, #tpu.memory_space<hbm>> -> memref<1638400xf32, #tpu.memory_space<hbm>>
      tpu.wait_indirect_dma semaphore(%arg12 : memref<!tpu.dma_semaphore, #tpu.memory_space<semaphore_mem>>) src(%dma_wait3A_1290 : memref<1638400xf32, #tpu.memory_space<hbm>>) dst(%dma_wait3A_1288 : memref<16xf32, #tpu.memory_space<vmem>>)
      %get3A_1291 = arith.constant 0 : index
      %get3A_1292 = tpu.vector_load %arg9[%get3A_1291] {strides = array<i32>} : memref<80xf32, #tpu.memory_space<vmem>>, vector<16xf32>,
      %get3A_1293 = vector.shape_cast %get3A_1292 : vector<16xf32> to vector<16xf32>
      %get3A_1294 = arith.constant 16 : index
      %get3A_1295 = tpu.vector_load %arg9[%get3A_1294] {strides = array<i32>} : memref<80xf32, #tpu.memory_space<vmem>>, vector<16xf32>,
      %get3A_1296 = vector.shape_cast %get3A_1295 : vector<16xf32> to vector<16xf32>
      %get3A_1297 = arith.constant 32 : index
      %get3A_1298 = tpu.vector_load %arg9[%get3A_1297] {strides = array<i32>} : memref<80xf32, #tpu.memory_space<vmem>>, vector<16xf32>,
      %get3A_1299 = vector.shape_cast %get3A_1298 : vector<16xf32> to vector<16xf32>
      %get3A_1300 = arith.constant 48 : index
      %get3A_1301 = tpu.vector_load %arg9[%get3A_1300] {strides = array<i32>} : memref<80xf32, #tpu.memory_space<vmem>>, vector<16xf32>,
      %get3A_1302 = vector.shape_cast %get3A_1301 : vector<16xf32> to vector<16xf32>
      %get3A_1303 = arith.constant 64 : index
      %get3A_1304 = tpu.vector_load %arg9[%get3A_1303] {strides = array<i32>} : memref<80xf32, #tpu.memory_space<vmem>>, vector<16xf32>,
      %get3A_1305 = vector.shape_cast %get3A_1304 : vector<16xf32> to vector<16xf32>
      %broadcast_in_dim3A_1306 = arith.constant 7.03999996 : f32
      %broadcast_in_dim3A_1307 = vector.broadcast %broadcast_in_dim3A_1306 : f32 to vector<16xf32>
      %broadcast_in_dim3A_1308 = arith.constant 7.03999996 : f32
      %broadcast_in_dim3A_1309 = vector.broadcast %broadcast_in_dim3A_1308 : f32 to vector<16xf32>
      %eq3A_1310 = arith.constant 1 : i32
      %eq3A_1311 = vector.broadcast %eq3A_1310 : i32 to vector<16xi32>
      %eq3A_1312 = arith.cmpi eq, %select_n3A_778, %eq3A_1311 : vector<16xi32>
      %jit3A_1313 = arith.constant 3.840000e+00 : f32
      %broadcast_in_dim3A_1314 = vector.broadcast %jit3A_1313 : f32 to vector<16xf32>
      %select_n3A_1315 = arith.select %eq3A_1312, %broadcast_in_dim3A_1314, %broadcast_in_dim3A_1307 : vector<16xi1>, vector<16xf32>
      %eq3A_1316 = arith.constant 1 : i32
      %eq3A_1317 = vector.broadcast %eq3A_1316 : i32 to vector<16xi32>
      %eq3A_1318 = arith.cmpi eq, %select_n3A_778, %eq3A_1317 : vector<16xi32>
      %jit3A_1319 = arith.constant 3.840000e+00 : f32
      %broadcast_in_dim3A_1320 = vector.broadcast %jit3A_1319 : f32 to vector<16xf32>
      %select_n3A_1321 = arith.select %eq3A_1318, %broadcast_in_dim3A_1320, %broadcast_in_dim3A_1309 : vector<16xi1>, vector<16xf32>
      %eq3A_1322 = arith.constant 2 : i32
      %eq3A_1323 = vector.broadcast %eq3A_1322 : i32 to vector<16xi32>
      %eq3A_1324 = arith.cmpi eq, %select_n3A_778, %eq3A_1323 : vector<16xi32>
      %jit3A_1325 = arith.constant 7.680000e+00 : f32
      %broadcast_in_dim3A_1326 = vector.broadcast %jit3A_1325 : f32 to vector<16xf32>
      %select_n3A_1327 = arith.select %eq3A_1324, %broadcast_in_dim3A_1326, %select_n3A_1315 : vector<16xi1>, vector<16xf32>
      %eq3A_1328 = arith.constant 2 : i32
      %eq3A_1329 = vector.broadcast %eq3A_1328 : i32 to vector<16xi32>
      %eq3A_1330 = arith.cmpi eq, %select_n3A_778, %eq3A_1329 : vector<16xi32>
      %jit3A_1331 = arith.constant 3.840000e+00 : f32
      %broadcast_in_dim3A_1332 = vector.broadcast %jit3A_1331 : f32 to vector<16xf32>
      %select_n3A_1333 = arith.select %eq3A_1330, %broadcast_in_dim3A_1332, %select_n3A_1321 : vector<16xi1>, vector<16xf32>
      %eq3A_1334 = arith.constant 3 : i32
      %eq3A_1335 = vector.broadcast %eq3A_1334 : i32 to vector<16xi32>
      %eq3A_1336 = arith.cmpi eq, %select_n3A_778, %eq3A_1335 : vector<16xi32>
      %jit3A_1337 = arith.constant 1.024000e+01 : f32
      %broadcast_in_dim3A_1338 = vector.broadcast %jit3A_1337 : f32 to vector<16xf32>
      %select_n3A_1339 = arith.select %eq3A_1336, %broadcast_in_dim3A_1338, %select_n3A_1327 : vector<16xi1>, vector<16xf32>
      %eq3A_1340 = arith.constant 3 : i32
      %eq3A_1341 = vector.broadcast %eq3A_1340 : i32 to vector<16xi32>
      %eq3A_1342 = arith.cmpi eq, %select_n3A_778, %eq3A_1341 : vector<16xi32>
      %jit3A_1343 = arith.constant 9.600000e+00 : f32
      %broadcast_in_dim3A_1344 = vector.broadcast %jit3A_1343 : f32 to vector<16xf32>
      %select_n3A_1345 = arith.select %eq3A_1342, %broadcast_in_dim3A_1344, %select_n3A_1333 : vector<16xi1>, vector<16xf32>
      %eq3A_1346 = arith.constant 4 : i32
      %eq3A_1347 = vector.broadcast %eq3A_1346 : i32 to vector<16xi32>
      %eq3A_1348 = arith.cmpi eq, %select_n3A_778, %eq3A_1347 : vector<16xi32>
      %jit3A_1349 = arith.constant 4.480000e+00 : f32
      %broadcast_in_dim3A_1350 = vector.broadcast %jit3A_1349 : f32 to vector<16xf32>
      %select_n3A_1351 = arith.select %eq3A_1348, %broadcast_in_dim3A_1350, %select_n3A_1339 : vector<16xi1>, vector<16xf32>
      %eq3A_1352 = arith.constant 4 : i32
      %eq3A_1353 = vector.broadcast %eq3A_1352 : i32 to vector<16xi32>
      %eq3A_1354 = arith.cmpi eq, %select_n3A_778, %eq3A_1353 : vector<16xi32>
      %jit3A_1355 = arith.constant 6.080000e+00 : f32
      %broadcast_in_dim3A_1356 = vector.broadcast %jit3A_1355 : f32 to vector<16xf32>
      %select_n3A_1357 = arith.select %eq3A_1354, %broadcast_in_dim3A_1356, %select_n3A_1345 : vector<16xi1>, vector<16xf32>
      %convert_element_type3A_1358 = arith.sitofp %convert_element_type3A_674 : vector<16xi32> to vector<16xf32>
      %sub3A_1359 = arith.subf %mul3A_648, %convert_element_type3A_1358 : vector<16xf32>
      %convert_element_type3A_1360 = arith.sitofp %convert_element_type3A_675 : vector<16xi32> to vector<16xf32>
      %sub3A_1361 = arith.subf %mul3A_656, %convert_element_type3A_1360 : vector<16xf32>
      %div3A_1362 = arith.divf %mul3A_664, %select_n3A_1351 : vector<16xf32>
      %bitcast_convert_type3A_1363 = tpu.bitcast %div3A_1362 : vector<16xf32> -> vector<16xi32>
      %shift_right_arithmetic3A_1364 = arith.constant 23 : i32
      %shift_right_arithmetic3A_1365 = vector.broadcast %shift_right_arithmetic3A_1364 : i32 to vector<16xi32>
      %shift_right_arithmetic3A_1366 = arith.shrsi %bitcast_convert_type3A_1363, %shift_right_arithmetic3A_1365 : vector<16xi32>
      %sub3A_1367 = arith.constant 127 : i32
      %sub3A_1368 = vector.broadcast %sub3A_1367 : i32 to vector<16xi32>
      %sub3A_1369 = arith.subi %shift_right_arithmetic3A_1366, %sub3A_1368 : vector<16xi32>
      %and3A_1370 = arith.constant 8388607 : i32
      %and3A_1371 = vector.broadcast %and3A_1370 : i32 to vector<16xi32>
      %and3A_1372 = arith.andi %bitcast_convert_type3A_1363, %and3A_1371 : vector<16xi32>
      %or3A_1373 = arith.constant 1065353216 : i32
      %or3A_1374 = vector.broadcast %or3A_1373 : i32 to vector<16xi32>
      %or3A_1375 = arith.ori %and3A_1372, %or3A_1374 : vector<16xi32>
      %bitcast_convert_type3A_1376 = tpu.bitcast %or3A_1375 : vector<16xi32> -> vector<16xf32>
      %gt3A_1377 = arith.constant 1.41421354 : f32
      %gt3A_1378 = vector.broadcast %gt3A_1377 : f32 to vector<16xf32>
      %gt3A_1379 = arith.cmpf ogt, %bitcast_convert_type3A_1376, %gt3A_1378 : vector<16xf32>
      %mul3A_1380 = arith.constant 5.000000e-01 : f32
      %mul3A_1381 = vector.broadcast %mul3A_1380 : f32 to vector<16xf32>
      %mul3A_1382 = arith.mulf %bitcast_convert_type3A_1376, %mul3A_1381 : vector<16xf32>
      %select_n3A_1383 = arith.select %gt3A_1379, %mul3A_1382, %bitcast_convert_type3A_1376 : vector<16xi1>, vector<16xf32>
      %jit3A_1384 = arith.constant 1 : i32
      %jit3A_1385 = arith.constant 0 : i32
      %broadcast_in_dim3A_1386 = vector.broadcast %jit3A_1384 : i32 to vector<16xi32>
      %broadcast_in_dim3A_1387 = vector.broadcast %jit3A_1385 : i32 to vector<16xi32>
      %select_n3A_1388 = arith.select %gt3A_1379, %broadcast_in_dim3A_1386, %broadcast_in_dim3A_1387 : vector<16xi1>, vector<16xi32>
      %add3A_1389 = arith.addi %sub3A_1369, %select_n3A_1388 : vector<16xi32>
      %convert_element_type3A_1390 = arith.sitofp %add3A_1389 : vector<16xi32> to vector<16xf32>
      %sub3A_1391 = arith.constant 1.000000e+00 : f32
      %sub3A_1392 = vector.broadcast %sub3A_1391 : f32 to vector<16xf32>
      %sub3A_1393 = arith.subf %select_n3A_1383, %sub3A_1392 : vector<16xf32>
      %add3A_1394 = arith.constant 1.000000e+00 : f32
      %add3A_1395 = vector.broadcast %add3A_1394 : f32 to vector<16xf32>
      %add3A_1396 = arith.addf %select_n3A_1383, %add3A_1395 : vector<16xf32>
      %div3A_1397 = arith.divf %sub3A_1393, %add3A_1396 : vector<16xf32>
      %mul3A_1398 = arith.mulf %div3A_1397, %div3A_1397 : vector<16xf32>
      %mul3A_1399 = arith.constant 2.000000e+00 : f32
      %mul3A_1400 = vector.broadcast %mul3A_1399 : f32 to vector<16xf32>
      %mul3A_1401 = arith.mulf %mul3A_1400, %div3A_1397 : vector<16xf32>
      %mul3A_1402 = arith.constant 0.142857149 : f32
      %mul3A_1403 = vector.broadcast %mul3A_1402 : f32 to vector<16xf32>
      %mul3A_1404 = arith.mulf %mul3A_1398, %mul3A_1403 : vector<16xf32>
      %add3A_1405 = arith.constant 2.000000e-01 : f32
      %add3A_1406 = vector.broadcast %add3A_1405 : f32 to vector<16xf32>
      %add3A_1407 = arith.addf %add3A_1406, %mul3A_1404 : vector<16xf32>
      %mul3A_1408 = arith.mulf %mul3A_1398, %add3A_1407 : vector<16xf32>
      %add3A_1409 = arith.constant 0.333333343 : f32
      %add3A_1410 = vector.broadcast %add3A_1409 : f32 to vector<16xf32>
      %add3A_1411 = arith.addf %add3A_1410, %mul3A_1408 : vector<16xf32>
      %mul3A_1412 = arith.mulf %mul3A_1398, %add3A_1411 : vector<16xf32>
      %add3A_1413 = arith.constant 1.000000e+00 : f32
      %add3A_1414 = vector.broadcast %add3A_1413 : f32 to vector<16xf32>
      %add3A_1415 = arith.addf %add3A_1414, %mul3A_1412 : vector<16xf32>
      %mul3A_1416 = arith.mulf %mul3A_1401, %add3A_1415 : vector<16xf32>
      %mul3A_1417 = arith.constant 0.693147182 : f32
      %mul3A_1418 = vector.broadcast %mul3A_1417 : f32 to vector<16xf32>
      %mul3A_1419 = arith.mulf %convert_element_type3A_1390, %mul3A_1418 : vector<16xf32>
      %add3A_1420 = arith.addf %mul3A_1419, %mul3A_1416 : vector<16xf32>
      %div3A_1421 = arith.divf %mul3A_672, %select_n3A_1357 : vector<16xf32>
      %bitcast_convert_type3A_1422 = tpu.bitcast %div3A_1421 : vector<16xf32> -> vector<16xi32>
      %shift_right_arithmetic3A_1423 = arith.constant 23 : i32
      %shift_right_arithmetic3A_1424 = vector.broadcast %shift_right_arithmetic3A_1423 : i32 to vector<16xi32>
      %shift_right_arithmetic3A_1425 = arith.shrsi %bitcast_convert_type3A_1422, %shift_right_arithmetic3A_1424 : vector<16xi32>
      %sub3A_1426 = arith.constant 127 : i32
      %sub3A_1427 = vector.broadcast %sub3A_1426 : i32 to vector<16xi32>
      %sub3A_1428 = arith.subi %shift_right_arithmetic3A_1425, %sub3A_1427 : vector<16xi32>
      %and3A_1429 = arith.constant 8388607 : i32
      %and3A_1430 = vector.broadcast %and3A_1429 : i32 to vector<16xi32>
      %and3A_1431 = arith.andi %bitcast_convert_type3A_1422, %and3A_1430 : vector<16xi32>
      %or3A_1432 = arith.constant 1065353216 : i32
      %or3A_1433 = vector.broadcast %or3A_1432 : i32 to vector<16xi32>
      %or3A_1434 = arith.ori %and3A_1431, %or3A_1433 : vector<16xi32>
      %bitcast_convert_type3A_1435 = tpu.bitcast %or3A_1434 : vector<16xi32> -> vector<16xf32>
      %gt3A_1436 = arith.constant 1.41421354 : f32
      %gt3A_1437 = vector.broadcast %gt3A_1436 : f32 to vector<16xf32>
      %gt3A_1438 = arith.cmpf ogt, %bitcast_convert_type3A_1435, %gt3A_1437 : vector<16xf32>
      %mul3A_1439 = arith.constant 5.000000e-01 : f32
      %mul3A_1440 = vector.broadcast %mul3A_1439 : f32 to vector<16xf32>
      %mul3A_1441 = arith.mulf %bitcast_convert_type3A_1435, %mul3A_1440 : vector<16xf32>
      %select_n3A_1442 = arith.select %gt3A_1438, %mul3A_1441, %bitcast_convert_type3A_1435 : vector<16xi1>, vector<16xf32>
      %jit3A_1443 = arith.constant 1 : i32
      %jit3A_1444 = arith.constant 0 : i32
      %broadcast_in_dim3A_1445 = vector.broadcast %jit3A_1443 : i32 to vector<16xi32>
      %broadcast_in_dim3A_1446 = vector.broadcast %jit3A_1444 : i32 to vector<16xi32>
      %select_n3A_1447 = arith.select %gt3A_1438, %broadcast_in_dim3A_1445, %broadcast_in_dim3A_1446 : vector<16xi1>, vector<16xi32>
      %add3A_1448 = arith.addi %sub3A_1428, %select_n3A_1447 : vector<16xi32>
      %convert_element_type3A_1449 = arith.sitofp %add3A_1448 : vector<16xi32> to vector<16xf32>
      %sub3A_1450 = arith.constant 1.000000e+00 : f32
      %sub3A_1451 = vector.broadcast %sub3A_1450 : f32 to vector<16xf32>
      %sub3A_1452 = arith.subf %select_n3A_1442, %sub3A_1451 : vector<16xf32>
      %add3A_1453 = arith.constant 1.000000e+00 : f32
      %add3A_1454 = vector.broadcast %add3A_1453 : f32 to vector<16xf32>
      %add3A_1455 = arith.addf %select_n3A_1442, %add3A_1454 : vector<16xf32>
      %div3A_1456 = arith.divf %sub3A_1452, %add3A_1455 : vector<16xf32>
      %mul3A_1457 = arith.mulf %div3A_1456, %div3A_1456 : vector<16xf32>
      %mul3A_1458 = arith.constant 2.000000e+00 : f32
      %mul3A_1459 = vector.broadcast %mul3A_1458 : f32 to vector<16xf32>
      %mul3A_1460 = arith.mulf %mul3A_1459, %div3A_1456 : vector<16xf32>
      %mul3A_1461 = arith.constant 0.142857149 : f32
      %mul3A_1462 = vector.broadcast %mul3A_1461 : f32 to vector<16xf32>
      %mul3A_1463 = arith.mulf %mul3A_1457, %mul3A_1462 : vector<16xf32>
      %add3A_1464 = arith.constant 2.000000e-01 : f32
      %add3A_1465 = vector.broadcast %add3A_1464 : f32 to vector<16xf32>
      %add3A_1466 = arith.addf %add3A_1465, %mul3A_1463 : vector<16xf32>
      %mul3A_1467 = arith.mulf %mul3A_1457, %add3A_1466 : vector<16xf32>
      %add3A_1468 = arith.constant 0.333333343 : f32
      %add3A_1469 = vector.broadcast %add3A_1468 : f32 to vector<16xf32>
      %add3A_1470 = arith.addf %add3A_1469, %mul3A_1467 : vector<16xf32>
      %mul3A_1471 = arith.mulf %mul3A_1457, %add3A_1470 : vector<16xf32>
      %add3A_1472 = arith.constant 1.000000e+00 : f32
      %add3A_1473 = vector.broadcast %add3A_1472 : f32 to vector<16xf32>
      %add3A_1474 = arith.addf %add3A_1473, %mul3A_1471 : vector<16xf32>
      %mul3A_1475 = arith.mulf %mul3A_1460, %add3A_1474 : vector<16xf32>
      %mul3A_1476 = arith.constant 0.693147182 : f32
      %mul3A_1477 = vector.broadcast %mul3A_1476 : f32 to vector<16xf32>
      %mul3A_1478 = arith.mulf %convert_element_type3A_1449, %mul3A_1477 : vector<16xf32>
      %add3A_1479 = arith.addf %mul3A_1478, %mul3A_1475 : vector<16xf32>
      %neg3A_1480 = arith.constant 0.000000e+00 : f32
      %neg3A_1481 = vector.broadcast %neg3A_1480 : f32 to vector<16xf32>
      %neg3A_1482 = arith.subf %neg3A_1481, %get3A_1293 : vector<16xf32>
      %exp3A_1483 = math.exp %neg3A_1482 : vector<16xf32>
      %add3A_1484 = arith.constant 1.000000e+00 : f32
      %add3A_1485 = vector.broadcast %add3A_1484 : f32 to vector<16xf32>
      %add3A_1486 = arith.addf %add3A_1485, %exp3A_1483 : vector<16xf32>
      %div3A_1487 = arith.constant 1.000000e+00 : f32
      %div3A_1488 = vector.broadcast %div3A_1487 : f32 to vector<16xf32>
      %div3A_1489 = arith.divf %div3A_1488, %add3A_1486 : vector<16xf32>
      %neg3A_1490 = arith.constant 0.000000e+00 : f32
      %neg3A_1491 = vector.broadcast %neg3A_1490 : f32 to vector<16xf32>
      %neg3A_1492 = arith.subf %neg3A_1491, %get3A_1296 : vector<16xf32>
      %exp3A_1493 = math.exp %neg3A_1492 : vector<16xf32>
      %add3A_1494 = arith.constant 1.000000e+00 : f32
      %add3A_1495 = vector.broadcast %add3A_1494 : f32 to vector<16xf32>
      %add3A_1496 = arith.addf %add3A_1495, %exp3A_1493 : vector<16xf32>
      %div3A_1497 = arith.constant 1.000000e+00 : f32
      %div3A_1498 = vector.broadcast %div3A_1497 : f32 to vector<16xf32>
      %div3A_1499 = arith.divf %div3A_1498, %add3A_1496 : vector<16xf32>
      %neg3A_1500 = arith.constant 0.000000e+00 : f32
      %neg3A_1501 = vector.broadcast %neg3A_1500 : f32 to vector<16xf32>
      %neg3A_1502 = arith.subf %neg3A_1501, %get3A_1305 : vector<16xf32>
      %exp3A_1503 = math.exp %neg3A_1502 : vector<16xf32>
      %add3A_1504 = arith.constant 1.000000e+00 : f32
      %add3A_1505 = vector.broadcast %add3A_1504 : f32 to vector<16xf32>
      %add3A_1506 = arith.addf %add3A_1505, %exp3A_1503 : vector<16xf32>
      %div3A_1507 = arith.constant 1.000000e+00 : f32
      %div3A_1508 = vector.broadcast %div3A_1507 : f32 to vector<16xf32>
      %div3A_1509 = arith.divf %div3A_1508, %add3A_1506 : vector<16xf32>
      %max3A_1510 = arith.constant 9.99999996E-13 : f32
      %max3A_1511 = vector.broadcast %max3A_1510 : f32 to vector<16xf32>
      %max3A_1512 = arith.maximumf %div3A_1509, %max3A_1511 : vector<16xf32>
      %bitcast_convert_type3A_1513 = tpu.bitcast %max3A_1512 : vector<16xf32> -> vector<16xi32>
      %shift_right_arithmetic3A_1514 = arith.constant 23 : i32
      %shift_right_arithmetic3A_1515 = vector.broadcast %shift_right_arithmetic3A_1514 : i32 to vector<16xi32>
      %shift_right_arithmetic3A_1516 = arith.shrsi %bitcast_convert_type3A_1513, %shift_right_arithmetic3A_1515 : vector<16xi32>
      %sub3A_1517 = arith.constant 127 : i32
      %sub3A_1518 = vector.broadcast %sub3A_1517 : i32 to vector<16xi32>
      %sub3A_1519 = arith.subi %shift_right_arithmetic3A_1516, %sub3A_1518 : vector<16xi32>
      %and3A_1520 = arith.constant 8388607 : i32
      %and3A_1521 = vector.broadcast %and3A_1520 : i32 to vector<16xi32>
      %and3A_1522 = arith.andi %bitcast_convert_type3A_1513, %and3A_1521 : vector<16xi32>
      %or3A_1523 = arith.constant 1065353216 : i32
      %or3A_1524 = vector.broadcast %or3A_1523 : i32 to vector<16xi32>
      %or3A_1525 = arith.ori %and3A_1522, %or3A_1524 : vector<16xi32>
      %bitcast_convert_type3A_1526 = tpu.bitcast %or3A_1525 : vector<16xi32> -> vector<16xf32>
      %gt3A_1527 = arith.constant 1.41421354 : f32
      %gt3A_1528 = vector.broadcast %gt3A_1527 : f32 to vector<16xf32>
      %gt3A_1529 = arith.cmpf ogt, %bitcast_convert_type3A_1526, %gt3A_1528 : vector<16xf32>
      %mul3A_1530 = arith.constant 5.000000e-01 : f32
      %mul3A_1531 = vector.broadcast %mul3A_1530 : f32 to vector<16xf32>
      %mul3A_1532 = arith.mulf %bitcast_convert_type3A_1526, %mul3A_1531 : vector<16xf32>
      %select_n3A_1533 = arith.select %gt3A_1529, %mul3A_1532, %bitcast_convert_type3A_1526 : vector<16xi1>, vector<16xf32>
      %jit3A_1534 = arith.constant 1 : i32
      %jit3A_1535 = arith.constant 0 : i32
      %broadcast_in_dim3A_1536 = vector.broadcast %jit3A_1534 : i32 to vector<16xi32>
      %broadcast_in_dim3A_1537 = vector.broadcast %jit3A_1535 : i32 to vector<16xi32>
      %select_n3A_1538 = arith.select %gt3A_1529, %broadcast_in_dim3A_1536, %broadcast_in_dim3A_1537 : vector<16xi1>, vector<16xi32>
      %add3A_1539 = arith.addi %sub3A_1519, %select_n3A_1538 : vector<16xi32>
      %convert_element_type3A_1540 = arith.sitofp %add3A_1539 : vector<16xi32> to vector<16xf32>
      %sub3A_1541 = arith.constant 1.000000e+00 : f32
      %sub3A_1542 = vector.broadcast %sub3A_1541 : f32 to vector<16xf32>
      %sub3A_1543 = arith.subf %select_n3A_1533, %sub3A_1542 : vector<16xf32>
      %add3A_1544 = arith.constant 1.000000e+00 : f32
      %add3A_1545 = vector.broadcast %add3A_1544 : f32 to vector<16xf32>
      %add3A_1546 = arith.addf %select_n3A_1533, %add3A_1545 : vector<16xf32>
      %div3A_1547 = arith.divf %sub3A_1543, %add3A_1546 : vector<16xf32>
      %mul3A_1548 = arith.mulf %div3A_1547, %div3A_1547 : vector<16xf32>
      %mul3A_1549 = arith.constant 2.000000e+00 : f32
      %mul3A_1550 = vector.broadcast %mul3A_1549 : f32 to vector<16xf32>
      %mul3A_1551 = arith.mulf %mul3A_1550, %div3A_1547 : vector<16xf32>
      %mul3A_1552 = arith.constant 0.142857149 : f32
      %mul3A_1553 = vector.broadcast %mul3A_1552 : f32 to vector<16xf32>
      %mul3A_1554 = arith.mulf %mul3A_1548, %mul3A_1553 : vector<16xf32>
      %add3A_1555 = arith.constant 2.000000e-01 : f32
      %add3A_1556 = vector.broadcast %add3A_1555 : f32 to vector<16xf32>
      %add3A_1557 = arith.addf %add3A_1556, %mul3A_1554 : vector<16xf32>
      %mul3A_1558 = arith.mulf %mul3A_1548, %add3A_1557 : vector<16xf32>
      %add3A_1559 = arith.constant 0.333333343 : f32
      %add3A_1560 = vector.broadcast %add3A_1559 : f32 to vector<16xf32>
      %add3A_1561 = arith.addf %add3A_1560, %mul3A_1558 : vector<16xf32>
      %mul3A_1562 = arith.mulf %mul3A_1548, %add3A_1561 : vector<16xf32>
      %add3A_1563 = arith.constant 1.000000e+00 : f32
      %add3A_1564 = vector.broadcast %add3A_1563 : f32 to vector<16xf32>
      %add3A_1565 = arith.addf %add3A_1564, %mul3A_1562 : vector<16xf32>
      %mul3A_1566 = arith.mulf %mul3A_1551, %add3A_1565 : vector<16xf32>
      %mul3A_1567 = arith.constant 0.693147182 : f32
      %mul3A_1568 = vector.broadcast %mul3A_1567 : f32 to vector<16xf32>
      %mul3A_1569 = arith.mulf %convert_element_type3A_1540, %mul3A_1568 : vector<16xf32>
      %add3A_1570 = arith.addf %mul3A_1569, %mul3A_1566 : vector<16xf32>
      %max3A_1571 = arith.constant -1.000000e+02 : f32
      %max3A_1572 = vector.broadcast %max3A_1571 : f32 to vector<16xf32>
      %max3A_1573 = arith.maximumf %add3A_1570, %max3A_1572 : vector<16xf32>
      %neg3A_1574 = arith.constant 0.000000e+00 : f32
      %neg3A_1575 = vector.broadcast %neg3A_1574 : f32 to vector<16xf32>
      %neg3A_1576 = arith.subf %neg3A_1575, %max3A_1573 : vector<16xf32>
      %sub3A_1577 = arith.subf %div3A_1489, %sub3A_1359 : vector<16xf32>
      %sub3A_1578 = arith.subf %div3A_1499, %sub3A_1361 : vector<16xf32>
      %sub3A_1579 = arith.subf %get3A_1299, %add3A_1420 : vector<16xf32>
      %sub3A_1580 = arith.subf %get3A_1302, %add3A_1479 : vector<16xf32>
      %gt3A_1581 = arith.constant 0 : i32
      %gt3A_1582 = vector.broadcast %gt3A_1581 : i32 to vector<16xi32>
      %gt3A_1583 = arith.cmpi sgt, %select_n3A_1270, %gt3A_1582 : vector<16xi32>
      %mul3A_1584 = arith.mulf %sub3A_1577, %sub3A_1577 : vector<16xf32>
      %jit3A_1585 = arith.constant 0.000000e+00 : f32
      %broadcast_in_dim3A_1586 = vector.broadcast %jit3A_1585 : f32 to vector<16xf32>
      %select_n3A_1587 = arith.select %gt3A_1583, %mul3A_1584, %broadcast_in_dim3A_1586 : vector<16xi1>, vector<16xf32>
      %swap3A_1588 = arith.constant 0 : i32
      %swap3A_1589 = arith.index_cast %swap3A_1588 : i32 to index
      %swap3A_1590 = arith.constant 0 : index
      %swap3A_1591 = tpu.vector_load %arg11[%swap3A_1589, %swap3A_1590] {strides = array<i32>} : memref<8x16xf32, #tpu.memory_space<vmem>>, vector<1x16xf32>,
      %swap3A_1592 = vector.shape_cast %swap3A_1591 : vector<1x16xf32> to vector<16xf32>
      %swap3A_1593 = vector.shape_cast %select_n3A_1587 : vector<16xf32> to vector<1x16xf32>
      tpu.vector_store %arg11[%swap3A_1589, %swap3A_1590], %swap3A_1593 {strides = array<i32>} : memref<8x16xf32, #tpu.memory_space<vmem>>, vector<1x16xf32>,
      %gt3A_1594 = arith.constant 0 : i32
      %gt3A_1595 = vector.broadcast %gt3A_1594 : i32 to vector<16xi32>
      %gt3A_1596 = arith.cmpi sgt, %select_n3A_1270, %gt3A_1595 : vector<16xi32>
      %mul3A_1597 = arith.mulf %sub3A_1578, %sub3A_1578 : vector<16xf32>
      %jit3A_1598 = arith.constant 0.000000e+00 : f32
      %broadcast_in_dim3A_1599 = vector.broadcast %jit3A_1598 : f32 to vector<16xf32>
      %select_n3A_1600 = arith.select %gt3A_1596, %mul3A_1597, %broadcast_in_dim3A_1599 : vector<16xi1>, vector<16xf32>
      %swap3A_1601 = arith.constant 1 : i32
      %swap3A_1602 = arith.index_cast %swap3A_1601 : i32 to index
      %swap3A_1603 = arith.constant 0 : index
      %swap3A_1604 = tpu.vector_load %arg11[%swap3A_1602, %swap3A_1603] {strides = array<i32>} : memref<8x16xf32, #tpu.memory_space<vmem>>, vector<1x16xf32>,
      %swap3A_1605 = vector.shape_cast %swap3A_1604 : vector<1x16xf32> to vector<16xf32>
      %swap3A_1606 = vector.shape_cast %select_n3A_1600 : vector<16xf32> to vector<1x16xf32>
      tpu.vector_store %arg11[%swap3A_1602, %swap3A_1603], %swap3A_1606 {strides = array<i32>} : memref<8x16xf32, #tpu.memory_space<vmem>>, vector<1x16xf32>,
      %gt3A_1607 = arith.constant 0 : i32
      %gt3A_1608 = vector.broadcast %gt3A_1607 : i32 to vector<16xi32>
      %gt3A_1609 = arith.cmpi sgt, %select_n3A_1270, %gt3A_1608 : vector<16xi32>
      %mul3A_1610 = arith.mulf %sub3A_1579, %sub3A_1579 : vector<16xf32>
      %jit3A_1611 = arith.constant 0.000000e+00 : f32
      %broadcast_in_dim3A_1612 = vector.broadcast %jit3A_1611 : f32 to vector<16xf32>
      %select_n3A_1613 = arith.select %gt3A_1609, %mul3A_1610, %broadcast_in_dim3A_1612 : vector<16xi1>, vector<16xf32>
      %swap3A_1614 = arith.constant 2 : i32
      %swap3A_1615 = arith.index_cast %swap3A_1614 : i32 to index
      %swap3A_1616 = arith.constant 0 : index
      %swap3A_1617 = tpu.vector_load %arg11[%swap3A_1615, %swap3A_1616] {strides = array<i32>} : memref<8x16xf32, #tpu.memory_space<vmem>>, vector<1x16xf32>,
      %swap3A_1618 = vector.shape_cast %swap3A_1617 : vector<1x16xf32> to vector<16xf32>
      %swap3A_1619 = vector.shape_cast %select_n3A_1613 : vector<16xf32> to vector<1x16xf32>
      tpu.vector_store %arg11[%swap3A_1615, %swap3A_1616], %swap3A_1619 {strides = array<i32>} : memref<8x16xf32, #tpu.memory_space<vmem>>, vector<1x16xf32>,
      %gt3A_1620 = arith.constant 0 : i32
      %gt3A_1621 = vector.broadcast %gt3A_1620 : i32 to vector<16xi32>
      %gt3A_1622 = arith.cmpi sgt, %select_n3A_1270, %gt3A_1621 : vector<16xi32>
      %mul3A_1623 = arith.mulf %sub3A_1580, %sub3A_1580 : vector<16xf32>
      %jit3A_1624 = arith.constant 0.000000e+00 : f32
      %broadcast_in_dim3A_1625 = vector.broadcast %jit3A_1624 : f32 to vector<16xf32>
      %select_n3A_1626 = arith.select %gt3A_1622, %mul3A_1623, %broadcast_in_dim3A_1625 : vector<16xi1>, vector<16xf32>
      %swap3A_1627 = arith.constant 3 : i32
      %swap3A_1628 = arith.index_cast %swap3A_1627 : i32 to index
      %swap3A_1629 = arith.constant 0 : index
      %swap3A_1630 = tpu.vector_load %arg11[%swap3A_1628, %swap3A_1629] {strides = array<i32>} : memref<8x16xf32, #tpu.memory_space<vmem>>, vector<1x16xf32>,
      %swap3A_1631 = vector.shape_cast %swap3A_1630 : vector<1x16xf32> to vector<16xf32>
      %swap3A_1632 = vector.shape_cast %select_n3A_1626 : vector<16xf32> to vector<1x16xf32>
      tpu.vector_store %arg11[%swap3A_1628, %swap3A_1629], %swap3A_1632 {strides = array<i32>} : memref<8x16xf32, #tpu.memory_space<vmem>>, vector<1x16xf32>,
      %gt3A_1633 = arith.constant 0 : i32
      %gt3A_1634 = vector.broadcast %gt3A_1633 : i32 to vector<16xi32>
      %gt3A_1635 = arith.cmpi sgt, %select_n3A_1270, %gt3A_1634 : vector<16xi32>
      %jit3A_1636 = arith.constant 0.000000e+00 : f32
      %broadcast_in_dim3A_1637 = vector.broadcast %jit3A_1636 : f32 to vector<16xf32>
      %select_n3A_1638 = arith.select %gt3A_1635, %neg3A_1576, %broadcast_in_dim3A_1637 : vector<16xi1>, vector<16xf32>
      %swap3A_1639 = arith.constant 4 : i32
      %swap3A_1640 = arith.index_cast %swap3A_1639 : i32 to index
      %swap3A_1641 = arith.constant 0 : index
      %swap3A_1642 = tpu.vector_load %arg11[%swap3A_1640, %swap3A_1641] {strides = array<i32>} : memref<8x16xf32, #tpu.memory_space<vmem>>, vector<1x16xf32>,
      %swap3A_1643 = vector.shape_cast %swap3A_1642 : vector<1x16xf32> to vector<16xf32>
      %swap3A_1644 = vector.shape_cast %select_n3A_1638 : vector<16xf32> to vector<1x16xf32>
      tpu.vector_store %arg11[%swap3A_1640, %swap3A_1641], %swap3A_1644 {strides = array<i32>} : memref<8x16xf32, #tpu.memory_space<vmem>>, vector<1x16xf32>,
      %convert_element_type3A_1645 = arith.sitofp %select_n3A_1270 : vector<16xi32> to vector<16xf32>
      %swap3A_1646 = arith.constant 5 : i32
      %swap3A_1647 = arith.index_cast %swap3A_1646 : i32 to index
      %swap3A_1648 = arith.constant 0 : index
      %swap3A_1649 = tpu.vector_load %arg11[%swap3A_1647, %swap3A_1648] {strides = array<i32>} : memref<8x16xf32, #tpu.memory_space<vmem>>, vector<1x16xf32>,
      %swap3A_1650 = vector.shape_cast %swap3A_1649 : vector<1x16xf32> to vector<16xf32>
      %swap3A_1651 = vector.shape_cast %convert_element_type3A_1645 : vector<16xf32> to vector<1x16xf32>
      tpu.vector_store %arg11[%swap3A_1647, %swap3A_1648], %swap3A_1651 {strides = array<i32>} : memref<8x16xf32, #tpu.memory_space<vmem>>, vector<1x16xf32>,
    } else {
    }
    %mul3A_56 = arith.constant 16 : i32
    %mul3A_57 = arith.muli %mul3A_56, %add3A : i32
    %get3A = arith.index_cast %mul3A_57 : i32 to index
    %get3A_58 = tpu.vector_load %arg7[%get3A] {strides = array<i32>} : memref<640xi32, #tpu.memory_space<vmem>>, vector<16xi32>,
    %get3A_59 = vector.shape_cast %get3A_58 : vector<16xi32> to vector<16xi32>
    %dma_start3A = arith.constant 0 : i32
    %dma_start3A_60 = tpu.memref_slice %arg3[%dma_start3A] : memref<1638400xf32, #tpu.memory_space<hbm>> -> memref<1638400xf32, #tpu.memory_space<hbm>>
    tpu.enqueue_indirect_dma source(%dma_start3A_60 : memref<1638400xf32, #tpu.memory_space<hbm>>) target(%arg10 : memref<16xf32, #tpu.memory_space<vmem>>) offsets(%get3A_59 : vector<16xi32>) semaphore(%arg12 : memref<!tpu.dma_semaphore, #tpu.memory_space<semaphore_mem>>)
    %get3A_61 = arith.index_cast %mul3A_57 : i32 to index
    %get3A_62 = tpu.vector_load %arg6[%get3A_61] {strides = array<i32>} : memref<640xi32, #tpu.memory_space<vmem>>, vector<16xi32>,
    %get3A_63 = vector.shape_cast %get3A_62 : vector<16xi32> to vector<16xi32>
    %and3A = arith.constant 7 : i32
    %and3A_64 = arith.andi %add3A, %and3A : i32
    %sub3A = arith.subi %add3A, %and3A_64 : i32
    %broadcast_in_dim3A_65 = arith.constant 0 : i32
    %broadcast_in_dim3A_66 = vector.broadcast %broadcast_in_dim3A_65 : i32 to vector<16xi32>
    %while3A = arith.subi %add3A, %sub3A : i32
    %while3A_67 = arith.addi %sub3A, %while3A : i32
    %while3A_68 = arith.constant 1 : i32
    %while3A_69 = arith.divsi %while3A, %while3A_68 : i32
    %while3A_70 = arith.muli %while3A_69, %while3A_68 : i32
    %while3A_71 = arith.addi %sub3A, %while3A_70 : i32
    %while3A_72 = arith.constant 1 : i32
    %while3A_73 = scf.for %while3A_620 = %sub3A to %while3A_71 step %while3A_72 iter_args(%while3A_621 = %broadcast_in_dim3A_66) -> (vector<16xi32>)  : i32 {
      %mul3A_622 = arith.constant 16 : i32
      %mul3A_623 = arith.muli %mul3A_622, %while3A_620 : i32
      %get3A_624 = arith.index_cast %mul3A_623 : i32 to index
      %get3A_625 = tpu.vector_load %arg6[%get3A_624] {strides = array<i32>} : memref<640xi32, #tpu.memory_space<vmem>>, vector<16xi32>,
      %get3A_626 = vector.shape_cast %get3A_625 : vector<16xi32> to vector<16xi32>
      %broadcast_in_dim3A_627 = arith.constant 0 : i32
      %broadcast_in_dim3A_628 = vector.broadcast %broadcast_in_dim3A_627 : i32 to vector<16xi32>
      %add3A_629 = arith.constant 0 : i32
      %add3A_630 = vector.broadcast %add3A_629 : i32 to vector<16xi32>
      %add3A_631 = arith.addi %iota3A, %add3A_630 : vector<16xi32>
      %and3A_632 = arith.constant 15 : i32
      %and3A_633 = vector.broadcast %and3A_632 : i32 to vector<16xi32>
      %and3A_634 = arith.andi %add3A_631, %and3A_633 : vector<16xi32>
      %broadcast_in_dim3A_635 = vector.shape_cast %and3A_634 : vector<16xi32> to vector<16x1xi32>
      %gather3A_636 = vector.shape_cast %broadcast_in_dim3A_635 : vector<16x1xi32> to vector<16xi32>
      %gather3A_637 = tpu.dynamic_gather %get3A_626[%gather3A_636] in [0] : vector<16xi32>, vector<16xi32> -> vector<16xi32>
      %eq3A_638 = arith.cmpi eq, %get3A_63, %gather3A_637 : vector<16xi32>
      %jit3A_639 = arith.constant 1 : i32
      %jit3A_640 = arith.constant 0 : i32
      %broadcast_in_dim3A_641 = vector.broadcast %jit3A_639 : i32 to vector<16xi32>
      %broadcast_in_dim3A_642 = vector.broadcast %jit3A_640 : i32 to vector<16xi32>
      %select_n3A_643 = arith.select %eq3A_638, %broadcast_in_dim3A_641, %broadcast_in_dim3A_642 : vector<16xi1>, vector<16xi32>
      %or3A_644 = arith.ori %broadcast_in_dim3A_628, %select_n3A_643 : vector<16xi32>
      %add3A_645 = arith.constant 1 : i32
      %add3A_646 = vector.broadcast %add3A_645 : i32 to vector<16xi32>
      %add3A_647 = arith.addi %iota3A, %add3A_646 : vector<16xi32>
      %and3A_648 = arith.constant 15 : i32
      %and3A_649 = vector.broadcast %and3A_648 : i32 to vector<16xi32>
      %and3A_650 = arith.andi %add3A_647, %and3A_649 : vector<16xi32>
      %broadcast_in_dim3A_651 = vector.shape_cast %and3A_650 : vector<16xi32> to vector<16x1xi32>
      %gather3A_652 = vector.shape_cast %broadcast_in_dim3A_651 : vector<16x1xi32> to vector<16xi32>
      %gather3A_653 = tpu.dynamic_gather %get3A_626[%gather3A_652] in [0] : vector<16xi32>, vector<16xi32> -> vector<16xi32>
      %eq3A_654 = arith.cmpi eq, %get3A_63, %gather3A_653 : vector<16xi32>
      %jit3A_655 = arith.constant 1 : i32
      %jit3A_656 = arith.constant 0 : i32
      %broadcast_in_dim3A_657 = vector.broadcast %jit3A_655 : i32 to vector<16xi32>
      %broadcast_in_dim3A_658 = vector.broadcast %jit3A_656 : i32 to vector<16xi32>
      %select_n3A_659 = arith.select %eq3A_654, %broadcast_in_dim3A_657, %broadcast_in_dim3A_658 : vector<16xi1>, vector<16xi32>
      %or3A_660 = arith.ori %or3A_644, %select_n3A_659 : vector<16xi32>
      %add3A_661 = arith.constant 2 : i32
      %add3A_662 = vector.broadcast %add3A_661 : i32 to vector<16xi32>
      %add3A_663 = arith.addi %iota3A, %add3A_662 : vector<16xi32>
      %and3A_664 = arith.constant 15 : i32
      %and3A_665 = vector.broadcast %and3A_664 : i32 to vector<16xi32>
      %and3A_666 = arith.andi %add3A_663, %and3A_665 : vector<16xi32>
      %broadcast_in_dim3A_667 = vector.shape_cast %and3A_666 : vector<16xi32> to vector<16x1xi32>
      %gather3A_668 = vector.shape_cast %broadcast_in_dim3A_667 : vector<16x1xi32> to vector<16xi32>
      %gather3A_669 = tpu.dynamic_gather %get3A_626[%gather3A_668] in [0] : vector<16xi32>, vector<16xi32> -> vector<16xi32>
      %eq3A_670 = arith.cmpi eq, %get3A_63, %gather3A_669 : vector<16xi32>
      %jit3A_671 = arith.constant 1 : i32
      %jit3A_672 = arith.constant 0 : i32
      %broadcast_in_dim3A_673 = vector.broadcast %jit3A_671 : i32 to vector<16xi32>
      %broadcast_in_dim3A_674 = vector.broadcast %jit3A_672 : i32 to vector<16xi32>
      %select_n3A_675 = arith.select %eq3A_670, %broadcast_in_dim3A_673, %broadcast_in_dim3A_674 : vector<16xi1>, vector<16xi32>
      %or3A_676 = arith.ori %or3A_660, %select_n3A_675 : vector<16xi32>
      %add3A_677 = arith.constant 3 : i32
      %add3A_678 = vector.broadcast %add3A_677 : i32 to vector<16xi32>
      %add3A_679 = arith.addi %iota3A, %add3A_678 : vector<16xi32>
      %and3A_680 = arith.constant 15 : i32
      %and3A_681 = vector.broadcast %and3A_680 : i32 to vector<16xi32>
      %and3A_682 = arith.andi %add3A_679, %and3A_681 : vector<16xi32>
      %broadcast_in_dim3A_683 = vector.shape_cast %and3A_682 : vector<16xi32> to vector<16x1xi32>
      %gather3A_684 = vector.shape_cast %broadcast_in_dim3A_683 : vector<16x1xi32> to vector<16xi32>
      %gather3A_685 = tpu.dynamic_gather %get3A_626[%gather3A_684] in [0] : vector<16xi32>, vector<16xi32> -> vector<16xi32>
      %eq3A_686 = arith.cmpi eq, %get3A_63, %gather3A_685 : vector<16xi32>
      %jit3A_687 = arith.constant 1 : i32
      %jit3A_688 = arith.constant 0 : i32
      %broadcast_in_dim3A_689 = vector.broadcast %jit3A_687 : i32 to vector<16xi32>
      %broadcast_in_dim3A_690 = vector.broadcast %jit3A_688 : i32 to vector<16xi32>
      %select_n3A_691 = arith.select %eq3A_686, %broadcast_in_dim3A_689, %broadcast_in_dim3A_690 : vector<16xi1>, vector<16xi32>
      %or3A_692 = arith.ori %or3A_676, %select_n3A_691 : vector<16xi32>
      %add3A_693 = arith.constant 4 : i32
      %add3A_694 = vector.broadcast %add3A_693 : i32 to vector<16xi32>
      %add3A_695 = arith.addi %iota3A, %add3A_694 : vector<16xi32>
      %and3A_696 = arith.constant 15 : i32
      %and3A_697 = vector.broadcast %and3A_696 : i32 to vector<16xi32>
      %and3A_698 = arith.andi %add3A_695, %and3A_697 : vector<16xi32>
      %broadcast_in_dim3A_699 = vector.shape_cast %and3A_698 : vector<16xi32> to vector<16x1xi32>
      %gather3A_700 = vector.shape_cast %broadcast_in_dim3A_699 : vector<16x1xi32> to vector<16xi32>
      %gather3A_701 = tpu.dynamic_gather %get3A_626[%gather3A_700] in [0] : vector<16xi32>, vector<16xi32> -> vector<16xi32>
      %eq3A_702 = arith.cmpi eq, %get3A_63, %gather3A_701 : vector<16xi32>
      %jit3A_703 = arith.constant 1 : i32
      %jit3A_704 = arith.constant 0 : i32
      %broadcast_in_dim3A_705 = vector.broadcast %jit3A_703 : i32 to vector<16xi32>
      %broadcast_in_dim3A_706 = vector.broadcast %jit3A_704 : i32 to vector<16xi32>
      %select_n3A_707 = arith.select %eq3A_702, %broadcast_in_dim3A_705, %broadcast_in_dim3A_706 : vector<16xi1>, vector<16xi32>
      %or3A_708 = arith.ori %or3A_692, %select_n3A_707 : vector<16xi32>
      %add3A_709 = arith.constant 5 : i32
      %add3A_710 = vector.broadcast %add3A_709 : i32 to vector<16xi32>
      %add3A_711 = arith.addi %iota3A, %add3A_710 : vector<16xi32>
      %and3A_712 = arith.constant 15 : i32
      %and3A_713 = vector.broadcast %and3A_712 : i32 to vector<16xi32>
      %and3A_714 = arith.andi %add3A_711, %and3A_713 : vector<16xi32>
      %broadcast_in_dim3A_715 = vector.shape_cast %and3A_714 : vector<16xi32> to vector<16x1xi32>
      %gather3A_716 = vector.shape_cast %broadcast_in_dim3A_715 : vector<16x1xi32> to vector<16xi32>
      %gather3A_717 = tpu.dynamic_gather %get3A_626[%gather3A_716] in [0] : vector<16xi32>, vector<16xi32> -> vector<16xi32>
      %eq3A_718 = arith.cmpi eq, %get3A_63, %gather3A_717 : vector<16xi32>
      %jit3A_719 = arith.constant 1 : i32
      %jit3A_720 = arith.constant 0 : i32
      %broadcast_in_dim3A_721 = vector.broadcast %jit3A_719 : i32 to vector<16xi32>
      %broadcast_in_dim3A_722 = vector.broadcast %jit3A_720 : i32 to vector<16xi32>
      %select_n3A_723 = arith.select %eq3A_718, %broadcast_in_dim3A_721, %broadcast_in_dim3A_722 : vector<16xi1>, vector<16xi32>
      %or3A_724 = arith.ori %or3A_708, %select_n3A_723 : vector<16xi32>
      %add3A_725 = arith.constant 6 : i32
      %add3A_726 = vector.broadcast %add3A_725 : i32 to vector<16xi32>
      %add3A_727 = arith.addi %iota3A, %add3A_726 : vector<16xi32>
      %and3A_728 = arith.constant 15 : i32
      %and3A_729 = vector.broadcast %and3A_728 : i32 to vector<16xi32>
      %and3A_730 = arith.andi %add3A_727, %and3A_729 : vector<16xi32>
      %broadcast_in_dim3A_731 = vector.shape_cast %and3A_730 : vector<16xi32> to vector<16x1xi32>
      %gather3A_732 = vector.shape_cast %broadcast_in_dim3A_731 : vector<16x1xi32> to vector<16xi32>
      %gather3A_733 = tpu.dynamic_gather %get3A_626[%gather3A_732] in [0] : vector<16xi32>, vector<16xi32> -> vector<16xi32>
      %eq3A_734 = arith.cmpi eq, %get3A_63, %gather3A_733 : vector<16xi32>
      %jit3A_735 = arith.constant 1 : i32
      %jit3A_736 = arith.constant 0 : i32
      %broadcast_in_dim3A_737 = vector.broadcast %jit3A_735 : i32 to vector<16xi32>
      %broadcast_in_dim3A_738 = vector.broadcast %jit3A_736 : i32 to vector<16xi32>
      %select_n3A_739 = arith.select %eq3A_734, %broadcast_in_dim3A_737, %broadcast_in_dim3A_738 : vector<16xi1>, vector<16xi32>
      %or3A_740 = arith.ori %or3A_724, %select_n3A_739 : vector<16xi32>
      %add3A_741 = arith.constant 7 : i32
      %add3A_742 = vector.broadcast %add3A_741 : i32 to vector<16xi32>
      %add3A_743 = arith.addi %iota3A, %add3A_742 : vector<16xi32>
      %and3A_744 = arith.constant 15 : i32
      %and3A_745 = vector.broadcast %and3A_744 : i32 to vector<16xi32>
      %and3A_746 = arith.andi %add3A_743, %and3A_745 : vector<16xi32>
      %broadcast_in_dim3A_747 = vector.shape_cast %and3A_746 : vector<16xi32> to vector<16x1xi32>
      %gather3A_748 = vector.shape_cast %broadcast_in_dim3A_747 : vector<16x1xi32> to vector<16xi32>
      %gather3A_749 = tpu.dynamic_gather %get3A_626[%gather3A_748] in [0] : vector<16xi32>, vector<16xi32> -> vector<16xi32>
      %eq3A_750 = arith.cmpi eq, %get3A_63, %gather3A_749 : vector<16xi32>
      %jit3A_751 = arith.constant 1 : i32
      %jit3A_752 = arith.constant 0 : i32
      %broadcast_in_dim3A_753 = vector.broadcast %jit3A_751 : i32 to vector<16xi32>
      %broadcast_in_dim3A_754 = vector.broadcast %jit3A_752 : i32 to vector<16xi32>
      %select_n3A_755 = arith.select %eq3A_750, %broadcast_in_dim3A_753, %broadcast_in_dim3A_754 : vector<16xi1>, vector<16xi32>
      %or3A_756 = arith.ori %or3A_740, %select_n3A_755 : vector<16xi32>
      %add3A_757 = arith.constant 8 : i32
      %add3A_758 = vector.broadcast %add3A_757 : i32 to vector<16xi32>
      %add3A_759 = arith.addi %iota3A, %add3A_758 : vector<16xi32>
      %and3A_760 = arith.constant 15 : i32
      %and3A_761 = vector.broadcast %and3A_760 : i32 to vector<16xi32>
      %and3A_762 = arith.andi %add3A_759, %and3A_761 : vector<16xi32>
      %broadcast_in_dim3A_763 = vector.shape_cast %and3A_762 : vector<16xi32> to vector<16x1xi32>
      %gather3A_764 = vector.shape_cast %broadcast_in_dim3A_763 : vector<16x1xi32> to vector<16xi32>
      %gather3A_765 = tpu.dynamic_gather %get3A_626[%gather3A_764] in [0] : vector<16xi32>, vector<16xi32> -> vector<16xi32>
      %eq3A_766 = arith.cmpi eq, %get3A_63, %gather3A_765 : vector<16xi32>
      %jit3A_767 = arith.constant 1 : i32
      %jit3A_768 = arith.constant 0 : i32
      %broadcast_in_dim3A_769 = vector.broadcast %jit3A_767 : i32 to vector<16xi32>
      %broadcast_in_dim3A_770 = vector.broadcast %jit3A_768 : i32 to vector<16xi32>
      %select_n3A_771 = arith.select %eq3A_766, %broadcast_in_dim3A_769, %broadcast_in_dim3A_770 : vector<16xi1>, vector<16xi32>
      %or3A_772 = arith.ori %or3A_756, %select_n3A_771 : vector<16xi32>
      %add3A_773 = arith.constant 9 : i32
      %add3A_774 = vector.broadcast %add3A_773 : i32 to vector<16xi32>
      %add3A_775 = arith.addi %iota3A, %add3A_774 : vector<16xi32>
      %and3A_776 = arith.constant 15 : i32
      %and3A_777 = vector.broadcast %and3A_776 : i32 to vector<16xi32>
      %and3A_778 = arith.andi %add3A_775, %and3A_777 : vector<16xi32>
      %broadcast_in_dim3A_779 = vector.shape_cast %and3A_778 : vector<16xi32> to vector<16x1xi32>
      %gather3A_780 = vector.shape_cast %broadcast_in_dim3A_779 : vector<16x1xi32> to vector<16xi32>
      %gather3A_781 = tpu.dynamic_gather %get3A_626[%gather3A_780] in [0] : vector<16xi32>, vector<16xi32> -> vector<16xi32>
      %eq3A_782 = arith.cmpi eq, %get3A_63, %gather3A_781 : vector<16xi32>
      %jit3A_783 = arith.constant 1 : i32
      %jit3A_784 = arith.constant 0 : i32
      %broadcast_in_dim3A_785 = vector.broadcast %jit3A_783 : i32 to vector<16xi32>
      %broadcast_in_dim3A_786 = vector.broadcast %jit3A_784 : i32 to vector<16xi32>
      %select_n3A_787 = arith.select %eq3A_782, %broadcast_in_dim3A_785, %broadcast_in_dim3A_786 : vector<16xi1>, vector<16xi32>
      %or3A_788 = arith.ori %or3A_772, %select_n3A_787 : vector<16xi32>
      %add3A_789 = arith.constant 10 : i32
      %add3A_790 = vector.broadcast %add3A_789 : i32 to vector<16xi32>
      %add3A_791 = arith.addi %iota3A, %add3A_790 : vector<16xi32>
      %and3A_792 = arith.constant 15 : i32
      %and3A_793 = vector.broadcast %and3A_792 : i32 to vector<16xi32>
      %and3A_794 = arith.andi %add3A_791, %and3A_793 : vector<16xi32>
      %broadcast_in_dim3A_795 = vector.shape_cast %and3A_794 : vector<16xi32> to vector<16x1xi32>
      %gather3A_796 = vector.shape_cast %broadcast_in_dim3A_795 : vector<16x1xi32> to vector<16xi32>
      %gather3A_797 = tpu.dynamic_gather %get3A_626[%gather3A_796] in [0] : vector<16xi32>, vector<16xi32> -> vector<16xi32>
      %eq3A_798 = arith.cmpi eq, %get3A_63, %gather3A_797 : vector<16xi32>
      %jit3A_799 = arith.constant 1 : i32
      %jit3A_800 = arith.constant 0 : i32
      %broadcast_in_dim3A_801 = vector.broadcast %jit3A_799 : i32 to vector<16xi32>
      %broadcast_in_dim3A_802 = vector.broadcast %jit3A_800 : i32 to vector<16xi32>
      %select_n3A_803 = arith.select %eq3A_798, %broadcast_in_dim3A_801, %broadcast_in_dim3A_802 : vector<16xi1>, vector<16xi32>
      %or3A_804 = arith.ori %or3A_788, %select_n3A_803 : vector<16xi32>
      %add3A_805 = arith.constant 11 : i32
      %add3A_806 = vector.broadcast %add3A_805 : i32 to vector<16xi32>
      %add3A_807 = arith.addi %iota3A, %add3A_806 : vector<16xi32>
      %and3A_808 = arith.constant 15 : i32
      %and3A_809 = vector.broadcast %and3A_808 : i32 to vector<16xi32>
      %and3A_810 = arith.andi %add3A_807, %and3A_809 : vector<16xi32>
      %broadcast_in_dim3A_811 = vector.shape_cast %and3A_810 : vector<16xi32> to vector<16x1xi32>
      %gather3A_812 = vector.shape_cast %broadcast_in_dim3A_811 : vector<16x1xi32> to vector<16xi32>
      %gather3A_813 = tpu.dynamic_gather %get3A_626[%gather3A_812] in [0] : vector<16xi32>, vector<16xi32> -> vector<16xi32>
      %eq3A_814 = arith.cmpi eq, %get3A_63, %gather3A_813 : vector<16xi32>
      %jit3A_815 = arith.constant 1 : i32
      %jit3A_816 = arith.constant 0 : i32
      %broadcast_in_dim3A_817 = vector.broadcast %jit3A_815 : i32 to vector<16xi32>
      %broadcast_in_dim3A_818 = vector.broadcast %jit3A_816 : i32 to vector<16xi32>
      %select_n3A_819 = arith.select %eq3A_814, %broadcast_in_dim3A_817, %broadcast_in_dim3A_818 : vector<16xi1>, vector<16xi32>
      %or3A_820 = arith.ori %or3A_804, %select_n3A_819 : vector<16xi32>
      %add3A_821 = arith.constant 12 : i32
      %add3A_822 = vector.broadcast %add3A_821 : i32 to vector<16xi32>
      %add3A_823 = arith.addi %iota3A, %add3A_822 : vector<16xi32>
      %and3A_824 = arith.constant 15 : i32
      %and3A_825 = vector.broadcast %and3A_824 : i32 to vector<16xi32>
      %and3A_826 = arith.andi %add3A_823, %and3A_825 : vector<16xi32>
      %broadcast_in_dim3A_827 = vector.shape_cast %and3A_826 : vector<16xi32> to vector<16x1xi32>
      %gather3A_828 = vector.shape_cast %broadcast_in_dim3A_827 : vector<16x1xi32> to vector<16xi32>
      %gather3A_829 = tpu.dynamic_gather %get3A_626[%gather3A_828] in [0] : vector<16xi32>, vector<16xi32> -> vector<16xi32>
      %eq3A_830 = arith.cmpi eq, %get3A_63, %gather3A_829 : vector<16xi32>
      %jit3A_831 = arith.constant 1 : i32
      %jit3A_832 = arith.constant 0 : i32
      %broadcast_in_dim3A_833 = vector.broadcast %jit3A_831 : i32 to vector<16xi32>
      %broadcast_in_dim3A_834 = vector.broadcast %jit3A_832 : i32 to vector<16xi32>
      %select_n3A_835 = arith.select %eq3A_830, %broadcast_in_dim3A_833, %broadcast_in_dim3A_834 : vector<16xi1>, vector<16xi32>
      %or3A_836 = arith.ori %or3A_820, %select_n3A_835 : vector<16xi32>
      %add3A_837 = arith.constant 13 : i32
      %add3A_838 = vector.broadcast %add3A_837 : i32 to vector<16xi32>
      %add3A_839 = arith.addi %iota3A, %add3A_838 : vector<16xi32>
      %and3A_840 = arith.constant 15 : i32
      %and3A_841 = vector.broadcast %and3A_840 : i32 to vector<16xi32>
      %and3A_842 = arith.andi %add3A_839, %and3A_841 : vector<16xi32>
      %broadcast_in_dim3A_843 = vector.shape_cast %and3A_842 : vector<16xi32> to vector<16x1xi32>
      %gather3A_844 = vector.shape_cast %broadcast_in_dim3A_843 : vector<16x1xi32> to vector<16xi32>
      %gather3A_845 = tpu.dynamic_gather %get3A_626[%gather3A_844] in [0] : vector<16xi32>, vector<16xi32> -> vector<16xi32>
      %eq3A_846 = arith.cmpi eq, %get3A_63, %gather3A_845 : vector<16xi32>
      %jit3A_847 = arith.constant 1 : i32
      %jit3A_848 = arith.constant 0 : i32
      %broadcast_in_dim3A_849 = vector.broadcast %jit3A_847 : i32 to vector<16xi32>
      %broadcast_in_dim3A_850 = vector.broadcast %jit3A_848 : i32 to vector<16xi32>
      %select_n3A_851 = arith.select %eq3A_846, %broadcast_in_dim3A_849, %broadcast_in_dim3A_850 : vector<16xi1>, vector<16xi32>
      %or3A_852 = arith.ori %or3A_836, %select_n3A_851 : vector<16xi32>
      %add3A_853 = arith.constant 14 : i32
      %add3A_854 = vector.broadcast %add3A_853 : i32 to vector<16xi32>
      %add3A_855 = arith.addi %iota3A, %add3A_854 : vector<16xi32>
      %and3A_856 = arith.constant 15 : i32
      %and3A_857 = vector.broadcast %and3A_856 : i32 to vector<16xi32>
      %and3A_858 = arith.andi %add3A_855, %and3A_857 : vector<16xi32>
      %broadcast_in_dim3A_859 = vector.shape_cast %and3A_858 : vector<16xi32> to vector<16x1xi32>
      %gather3A_860 = vector.shape_cast %broadcast_in_dim3A_859 : vector<16x1xi32> to vector<16xi32>
      %gather3A_861 = tpu.dynamic_gather %get3A_626[%gather3A_860] in [0] : vector<16xi32>, vector<16xi32> -> vector<16xi32>
      %eq3A_862 = arith.cmpi eq, %get3A_63, %gather3A_861 : vector<16xi32>
      %jit3A_863 = arith.constant 1 : i32
      %jit3A_864 = arith.constant 0 : i32
      %broadcast_in_dim3A_865 = vector.broadcast %jit3A_863 : i32 to vector<16xi32>
      %broadcast_in_dim3A_866 = vector.broadcast %jit3A_864 : i32 to vector<16xi32>
      %select_n3A_867 = arith.select %eq3A_862, %broadcast_in_dim3A_865, %broadcast_in_dim3A_866 : vector<16xi1>, vector<16xi32>
      %or3A_868 = arith.ori %or3A_852, %select_n3A_867 : vector<16xi32>
      %add3A_869 = arith.constant 15 : i32
      %add3A_870 = vector.broadcast %add3A_869 : i32 to vector<16xi32>
      %add3A_871 = arith.addi %iota3A, %add3A_870 : vector<16xi32>
      %and3A_872 = arith.constant 15 : i32
      %and3A_873 = vector.broadcast %and3A_872 : i32 to vector<16xi32>
      %and3A_874 = arith.andi %add3A_871, %and3A_873 : vector<16xi32>
      %broadcast_in_dim3A_875 = vector.shape_cast %and3A_874 : vector<16xi32> to vector<16x1xi32>
      %gather3A_876 = vector.shape_cast %broadcast_in_dim3A_875 : vector<16x1xi32> to vector<16xi32>
      %gather3A_877 = tpu.dynamic_gather %get3A_626[%gather3A_876] in [0] : vector<16xi32>, vector<16xi32> -> vector<16xi32>
      %eq3A_878 = arith.cmpi eq, %get3A_63, %gather3A_877 : vector<16xi32>
      %jit3A_879 = arith.constant 1 : i32
      %jit3A_880 = arith.constant 0 : i32
      %broadcast_in_dim3A_881 = vector.broadcast %jit3A_879 : i32 to vector<16xi32>
      %broadcast_in_dim3A_882 = vector.broadcast %jit3A_880 : i32 to vector<16xi32>
      %select_n3A_883 = arith.select %eq3A_878, %broadcast_in_dim3A_881, %broadcast_in_dim3A_882 : vector<16xi1>, vector<16xi32>
      %or3A_884 = arith.ori %or3A_868, %select_n3A_883 : vector<16xi32>
      %or3A_885 = arith.ori %while3A_621, %or3A_884 : vector<16xi32>
      scf.yield %or3A_885 : vector<16xi32>
    }
    %while3A_74 = arith.constant 1 : i32
    %while3A_75 = scf.for %while3A_620 = %while3A_71 to %while3A_67 step %while3A_74 iter_args(%while3A_621 = %while3A_73) -> (vector<16xi32>)  : i32 {
      %mul3A_622 = arith.constant 16 : i32
      %mul3A_623 = arith.muli %mul3A_622, %while3A_620 : i32
      %get3A_624 = arith.index_cast %mul3A_623 : i32 to index
      %get3A_625 = tpu.vector_load %arg6[%get3A_624] {strides = array<i32>} : memref<640xi32, #tpu.memory_space<vmem>>, vector<16xi32>,
      %get3A_626 = vector.shape_cast %get3A_625 : vector<16xi32> to vector<16xi32>
      %broadcast_in_dim3A_627 = arith.constant 0 : i32
      %broadcast_in_dim3A_628 = vector.broadcast %broadcast_in_dim3A_627 : i32 to vector<16xi32>
      %add3A_629 = arith.constant 0 : i32
      %add3A_630 = vector.broadcast %add3A_629 : i32 to vector<16xi32>
      %add3A_631 = arith.addi %iota3A, %add3A_630 : vector<16xi32>
      %and3A_632 = arith.constant 15 : i32
      %and3A_633 = vector.broadcast %and3A_632 : i32 to vector<16xi32>
      %and3A_634 = arith.andi %add3A_631, %and3A_633 : vector<16xi32>
      %broadcast_in_dim3A_635 = vector.shape_cast %and3A_634 : vector<16xi32> to vector<16x1xi32>
      %gather3A_636 = vector.shape_cast %broadcast_in_dim3A_635 : vector<16x1xi32> to vector<16xi32>
      %gather3A_637 = tpu.dynamic_gather %get3A_626[%gather3A_636] in [0] : vector<16xi32>, vector<16xi32> -> vector<16xi32>
      %eq3A_638 = arith.cmpi eq, %get3A_63, %gather3A_637 : vector<16xi32>
      %jit3A_639 = arith.constant 1 : i32
      %jit3A_640 = arith.constant 0 : i32
      %broadcast_in_dim3A_641 = vector.broadcast %jit3A_639 : i32 to vector<16xi32>
      %broadcast_in_dim3A_642 = vector.broadcast %jit3A_640 : i32 to vector<16xi32>
      %select_n3A_643 = arith.select %eq3A_638, %broadcast_in_dim3A_641, %broadcast_in_dim3A_642 : vector<16xi1>, vector<16xi32>
      %or3A_644 = arith.ori %broadcast_in_dim3A_628, %select_n3A_643 : vector<16xi32>
      %add3A_645 = arith.constant 1 : i32
      %add3A_646 = vector.broadcast %add3A_645 : i32 to vector<16xi32>
      %add3A_647 = arith.addi %iota3A, %add3A_646 : vector<16xi32>
      %and3A_648 = arith.constant 15 : i32
      %and3A_649 = vector.broadcast %and3A_648 : i32 to vector<16xi32>
      %and3A_650 = arith.andi %add3A_647, %and3A_649 : vector<16xi32>
      %broadcast_in_dim3A_651 = vector.shape_cast %and3A_650 : vector<16xi32> to vector<16x1xi32>
      %gather3A_652 = vector.shape_cast %broadcast_in_dim3A_651 : vector<16x1xi32> to vector<16xi32>
      %gather3A_653 = tpu.dynamic_gather %get3A_626[%gather3A_652] in [0] : vector<16xi32>, vector<16xi32> -> vector<16xi32>
      %eq3A_654 = arith.cmpi eq, %get3A_63, %gather3A_653 : vector<16xi32>
      %jit3A_655 = arith.constant 1 : i32
      %jit3A_656 = arith.constant 0 : i32
      %broadcast_in_dim3A_657 = vector.broadcast %jit3A_655 : i32 to vector<16xi32>
      %broadcast_in_dim3A_658 = vector.broadcast %jit3A_656 : i32 to vector<16xi32>
      %select_n3A_659 = arith.select %eq3A_654, %broadcast_in_dim3A_657, %broadcast_in_dim3A_658 : vector<16xi1>, vector<16xi32>
      %or3A_660 = arith.ori %or3A_644, %select_n3A_659 : vector<16xi32>
      %add3A_661 = arith.constant 2 : i32
      %add3A_662 = vector.broadcast %add3A_661 : i32 to vector<16xi32>
      %add3A_663 = arith.addi %iota3A, %add3A_662 : vector<16xi32>
      %and3A_664 = arith.constant 15 : i32
      %and3A_665 = vector.broadcast %and3A_664 : i32 to vector<16xi32>
      %and3A_666 = arith.andi %add3A_663, %and3A_665 : vector<16xi32>
      %broadcast_in_dim3A_667 = vector.shape_cast %and3A_666 : vector<16xi32> to vector<16x1xi32>
      %gather3A_668 = vector.shape_cast %broadcast_in_dim3A_667 : vector<16x1xi32> to vector<16xi32>
      %gather3A_669 = tpu.dynamic_gather %get3A_626[%gather3A_668] in [0] : vector<16xi32>, vector<16xi32> -> vector<16xi32>
      %eq3A_670 = arith.cmpi eq, %get3A_63, %gather3A_669 : vector<16xi32>
      %jit3A_671 = arith.constant 1 : i32
      %jit3A_672 = arith.constant 0 : i32
      %broadcast_in_dim3A_673 = vector.broadcast %jit3A_671 : i32 to vector<16xi32>
      %broadcast_in_dim3A_674 = vector.broadcast %jit3A_672 : i32 to vector<16xi32>
      %select_n3A_675 = arith.select %eq3A_670, %broadcast_in_dim3A_673, %broadcast_in_dim3A_674 : vector<16xi1>, vector<16xi32>
      %or3A_676 = arith.ori %or3A_660, %select_n3A_675 : vector<16xi32>
      %add3A_677 = arith.constant 3 : i32
      %add3A_678 = vector.broadcast %add3A_677 : i32 to vector<16xi32>
      %add3A_679 = arith.addi %iota3A, %add3A_678 : vector<16xi32>
      %and3A_680 = arith.constant 15 : i32
      %and3A_681 = vector.broadcast %and3A_680 : i32 to vector<16xi32>
      %and3A_682 = arith.andi %add3A_679, %and3A_681 : vector<16xi32>
      %broadcast_in_dim3A_683 = vector.shape_cast %and3A_682 : vector<16xi32> to vector<16x1xi32>
      %gather3A_684 = vector.shape_cast %broadcast_in_dim3A_683 : vector<16x1xi32> to vector<16xi32>
      %gather3A_685 = tpu.dynamic_gather %get3A_626[%gather3A_684] in [0] : vector<16xi32>, vector<16xi32> -> vector<16xi32>
      %eq3A_686 = arith.cmpi eq, %get3A_63, %gather3A_685 : vector<16xi32>
      %jit3A_687 = arith.constant 1 : i32
      %jit3A_688 = arith.constant 0 : i32
      %broadcast_in_dim3A_689 = vector.broadcast %jit3A_687 : i32 to vector<16xi32>
      %broadcast_in_dim3A_690 = vector.broadcast %jit3A_688 : i32 to vector<16xi32>
      %select_n3A_691 = arith.select %eq3A_686, %broadcast_in_dim3A_689, %broadcast_in_dim3A_690 : vector<16xi1>, vector<16xi32>
      %or3A_692 = arith.ori %or3A_676, %select_n3A_691 : vector<16xi32>
      %add3A_693 = arith.constant 4 : i32
      %add3A_694 = vector.broadcast %add3A_693 : i32 to vector<16xi32>
      %add3A_695 = arith.addi %iota3A, %add3A_694 : vector<16xi32>
      %and3A_696 = arith.constant 15 : i32
      %and3A_697 = vector.broadcast %and3A_696 : i32 to vector<16xi32>
      %and3A_698 = arith.andi %add3A_695, %and3A_697 : vector<16xi32>
      %broadcast_in_dim3A_699 = vector.shape_cast %and3A_698 : vector<16xi32> to vector<16x1xi32>
      %gather3A_700 = vector.shape_cast %broadcast_in_dim3A_699 : vector<16x1xi32> to vector<16xi32>
      %gather3A_701 = tpu.dynamic_gather %get3A_626[%gather3A_700] in [0] : vector<16xi32>, vector<16xi32> -> vector<16xi32>
      %eq3A_702 = arith.cmpi eq, %get3A_63, %gather3A_701 : vector<16xi32>
      %jit3A_703 = arith.constant 1 : i32
      %jit3A_704 = arith.constant 0 : i32
      %broadcast_in_dim3A_705 = vector.broadcast %jit3A_703 : i32 to vector<16xi32>
      %broadcast_in_dim3A_706 = vector.broadcast %jit3A_704 : i32 to vector<16xi32>
      %select_n3A_707 = arith.select %eq3A_702, %broadcast_in_dim3A_705, %broadcast_in_dim3A_706 : vector<16xi1>, vector<16xi32>
      %or3A_708 = arith.ori %or3A_692, %select_n3A_707 : vector<16xi32>
      %add3A_709 = arith.constant 5 : i32
      %add3A_710 = vector.broadcast %add3A_709 : i32 to vector<16xi32>
      %add3A_711 = arith.addi %iota3A, %add3A_710 : vector<16xi32>
      %and3A_712 = arith.constant 15 : i32
      %and3A_713 = vector.broadcast %and3A_712 : i32 to vector<16xi32>
      %and3A_714 = arith.andi %add3A_711, %and3A_713 : vector<16xi32>
      %broadcast_in_dim3A_715 = vector.shape_cast %and3A_714 : vector<16xi32> to vector<16x1xi32>
      %gather3A_716 = vector.shape_cast %broadcast_in_dim3A_715 : vector<16x1xi32> to vector<16xi32>
      %gather3A_717 = tpu.dynamic_gather %get3A_626[%gather3A_716] in [0] : vector<16xi32>, vector<16xi32> -> vector<16xi32>
      %eq3A_718 = arith.cmpi eq, %get3A_63, %gather3A_717 : vector<16xi32>
      %jit3A_719 = arith.constant 1 : i32
      %jit3A_720 = arith.constant 0 : i32
      %broadcast_in_dim3A_721 = vector.broadcast %jit3A_719 : i32 to vector<16xi32>
      %broadcast_in_dim3A_722 = vector.broadcast %jit3A_720 : i32 to vector<16xi32>
      %select_n3A_723 = arith.select %eq3A_718, %broadcast_in_dim3A_721, %broadcast_in_dim3A_722 : vector<16xi1>, vector<16xi32>
      %or3A_724 = arith.ori %or3A_708, %select_n3A_723 : vector<16xi32>
      %add3A_725 = arith.constant 6 : i32
      %add3A_726 = vector.broadcast %add3A_725 : i32 to vector<16xi32>
      %add3A_727 = arith.addi %iota3A, %add3A_726 : vector<16xi32>
      %and3A_728 = arith.constant 15 : i32
      %and3A_729 = vector.broadcast %and3A_728 : i32 to vector<16xi32>
      %and3A_730 = arith.andi %add3A_727, %and3A_729 : vector<16xi32>
      %broadcast_in_dim3A_731 = vector.shape_cast %and3A_730 : vector<16xi32> to vector<16x1xi32>
      %gather3A_732 = vector.shape_cast %broadcast_in_dim3A_731 : vector<16x1xi32> to vector<16xi32>
      %gather3A_733 = tpu.dynamic_gather %get3A_626[%gather3A_732] in [0] : vector<16xi32>, vector<16xi32> -> vector<16xi32>
      %eq3A_734 = arith.cmpi eq, %get3A_63, %gather3A_733 : vector<16xi32>
      %jit3A_735 = arith.constant 1 : i32
      %jit3A_736 = arith.constant 0 : i32
      %broadcast_in_dim3A_737 = vector.broadcast %jit3A_735 : i32 to vector<16xi32>
      %broadcast_in_dim3A_738 = vector.broadcast %jit3A_736 : i32 to vector<16xi32>
      %select_n3A_739 = arith.select %eq3A_734, %broadcast_in_dim3A_737, %broadcast_in_dim3A_738 : vector<16xi1>, vector<16xi32>
      %or3A_740 = arith.ori %or3A_724, %select_n3A_739 : vector<16xi32>
      %add3A_741 = arith.constant 7 : i32
      %add3A_742 = vector.broadcast %add3A_741 : i32 to vector<16xi32>
      %add3A_743 = arith.addi %iota3A, %add3A_742 : vector<16xi32>
      %and3A_744 = arith.constant 15 : i32
      %and3A_745 = vector.broadcast %and3A_744 : i32 to vector<16xi32>
      %and3A_746 = arith.andi %add3A_743, %and3A_745 : vector<16xi32>
      %broadcast_in_dim3A_747 = vector.shape_cast %and3A_746 : vector<16xi32> to vector<16x1xi32>
      %gather3A_748 = vector.shape_cast %broadcast_in_dim3A_747 : vector<16x1xi32> to vector<16xi32>
      %gather3A_749 = tpu.dynamic_gather %get3A_626[%gather3A_748] in [0] : vector<16xi32>, vector<16xi32> -> vector<16xi32>
      %eq3A_750 = arith.cmpi eq, %get3A_63, %gather3A_749 : vector<16xi32>
      %jit3A_751 = arith.constant 1 : i32
      %jit3A_752 = arith.constant 0 : i32
      %broadcast_in_dim3A_753 = vector.broadcast %jit3A_751 : i32 to vector<16xi32>
      %broadcast_in_dim3A_754 = vector.broadcast %jit3A_752 : i32 to vector<16xi32>
      %select_n3A_755 = arith.select %eq3A_750, %broadcast_in_dim3A_753, %broadcast_in_dim3A_754 : vector<16xi1>, vector<16xi32>
      %or3A_756 = arith.ori %or3A_740, %select_n3A_755 : vector<16xi32>
      %add3A_757 = arith.constant 8 : i32
      %add3A_758 = vector.broadcast %add3A_757 : i32 to vector<16xi32>
      %add3A_759 = arith.addi %iota3A, %add3A_758 : vector<16xi32>
      %and3A_760 = arith.constant 15 : i32
      %and3A_761 = vector.broadcast %and3A_760 : i32 to vector<16xi32>
      %and3A_762 = arith.andi %add3A_759, %and3A_761 : vector<16xi32>
      %broadcast_in_dim3A_763 = vector.shape_cast %and3A_762 : vector<16xi32> to vector<16x1xi32>
      %gather3A_764 = vector.shape_cast %broadcast_in_dim3A_763 : vector<16x1xi32> to vector<16xi32>
      %gather3A_765 = tpu.dynamic_gather %get3A_626[%gather3A_764] in [0] : vector<16xi32>, vector<16xi32> -> vector<16xi32>
      %eq3A_766 = arith.cmpi eq, %get3A_63, %gather3A_765 : vector<16xi32>
      %jit3A_767 = arith.constant 1 : i32
      %jit3A_768 = arith.constant 0 : i32
      %broadcast_in_dim3A_769 = vector.broadcast %jit3A_767 : i32 to vector<16xi32>
      %broadcast_in_dim3A_770 = vector.broadcast %jit3A_768 : i32 to vector<16xi32>
      %select_n3A_771 = arith.select %eq3A_766, %broadcast_in_dim3A_769, %broadcast_in_dim3A_770 : vector<16xi1>, vector<16xi32>
      %or3A_772 = arith.ori %or3A_756, %select_n3A_771 : vector<16xi32>
      %add3A_773 = arith.constant 9 : i32
      %add3A_774 = vector.broadcast %add3A_773 : i32 to vector<16xi32>
      %add3A_775 = arith.addi %iota3A, %add3A_774 : vector<16xi32>
      %and3A_776 = arith.constant 15 : i32
      %and3A_777 = vector.broadcast %and3A_776 : i32 to vector<16xi32>
      %and3A_778 = arith.andi %add3A_775, %and3A_777 : vector<16xi32>
      %broadcast_in_dim3A_779 = vector.shape_cast %and3A_778 : vector<16xi32> to vector<16x1xi32>
      %gather3A_780 = vector.shape_cast %broadcast_in_dim3A_779 : vector<16x1xi32> to vector<16xi32>
      %gather3A_781 = tpu.dynamic_gather %get3A_626[%gather3A_780] in [0] : vector<16xi32>, vector<16xi32> -> vector<16xi32>
      %eq3A_782 = arith.cmpi eq, %get3A_63, %gather3A_781 : vector<16xi32>
      %jit3A_783 = arith.constant 1 : i32
      %jit3A_784 = arith.constant 0 : i32
      %broadcast_in_dim3A_785 = vector.broadcast %jit3A_783 : i32 to vector<16xi32>
      %broadcast_in_dim3A_786 = vector.broadcast %jit3A_784 : i32 to vector<16xi32>
      %select_n3A_787 = arith.select %eq3A_782, %broadcast_in_dim3A_785, %broadcast_in_dim3A_786 : vector<16xi1>, vector<16xi32>
      %or3A_788 = arith.ori %or3A_772, %select_n3A_787 : vector<16xi32>
      %add3A_789 = arith.constant 10 : i32
      %add3A_790 = vector.broadcast %add3A_789 : i32 to vector<16xi32>
      %add3A_791 = arith.addi %iota3A, %add3A_790 : vector<16xi32>
      %and3A_792 = arith.constant 15 : i32
      %and3A_793 = vector.broadcast %and3A_792 : i32 to vector<16xi32>
      %and3A_794 = arith.andi %add3A_791, %and3A_793 : vector<16xi32>
      %broadcast_in_dim3A_795 = vector.shape_cast %and3A_794 : vector<16xi32> to vector<16x1xi32>
      %gather3A_796 = vector.shape_cast %broadcast_in_dim3A_795 : vector<16x1xi32> to vector<16xi32>
      %gather3A_797 = tpu.dynamic_gather %get3A_626[%gather3A_796] in [0] : vector<16xi32>, vector<16xi32> -> vector<16xi32>
      %eq3A_798 = arith.cmpi eq, %get3A_63, %gather3A_797 : vector<16xi32>
      %jit3A_799 = arith.constant 1 : i32
      %jit3A_800 = arith.constant 0 : i32
      %broadcast_in_dim3A_801 = vector.broadcast %jit3A_799 : i32 to vector<16xi32>
      %broadcast_in_dim3A_802 = vector.broadcast %jit3A_800 : i32 to vector<16xi32>
      %select_n3A_803 = arith.select %eq3A_798, %broadcast_in_dim3A_801, %broadcast_in_dim3A_802 : vector<16xi1>, vector<16xi32>
      %or3A_804 = arith.ori %or3A_788, %select_n3A_803 : vector<16xi32>
      %add3A_805 = arith.constant 11 : i32
      %add3A_806 = vector.broadcast %add3A_805 : i32 to vector<16xi32>
      %add3A_807 = arith.addi %iota3A, %add3A_806 : vector<16xi32>
      %and3A_808 = arith.constant 15 : i32
      %and3A_809 = vector.broadcast %and3A_808 : i32 to vector<16xi32>
      %and3A_810 = arith.andi %add3A_807, %and3A_809 : vector<16xi32>
      %broadcast_in_dim3A_811 = vector.shape_cast %and3A_810 : vector<16xi32> to vector<16x1xi32>
      %gather3A_812 = vector.shape_cast %broadcast_in_dim3A_811 : vector<16x1xi32> to vector<16xi32>
      %gather3A_813 = tpu.dynamic_gather %get3A_626[%gather3A_812] in [0] : vector<16xi32>, vector<16xi32> -> vector<16xi32>
      %eq3A_814 = arith.cmpi eq, %get3A_63, %gather3A_813 : vector<16xi32>
      %jit3A_815 = arith.constant 1 : i32
      %jit3A_816 = arith.constant 0 : i32
      %broadcast_in_dim3A_817 = vector.broadcast %jit3A_815 : i32 to vector<16xi32>
      %broadcast_in_dim3A_818 = vector.broadcast %jit3A_816 : i32 to vector<16xi32>
      %select_n3A_819 = arith.select %eq3A_814, %broadcast_in_dim3A_817, %broadcast_in_dim3A_818 : vector<16xi1>, vector<16xi32>
      %or3A_820 = arith.ori %or3A_804, %select_n3A_819 : vector<16xi32>
      %add3A_821 = arith.constant 12 : i32
      %add3A_822 = vector.broadcast %add3A_821 : i32 to vector<16xi32>
      %add3A_823 = arith.addi %iota3A, %add3A_822 : vector<16xi32>
      %and3A_824 = arith.constant 15 : i32
      %and3A_825 = vector.broadcast %and3A_824 : i32 to vector<16xi32>
      %and3A_826 = arith.andi %add3A_823, %and3A_825 : vector<16xi32>
      %broadcast_in_dim3A_827 = vector.shape_cast %and3A_826 : vector<16xi32> to vector<16x1xi32>
      %gather3A_828 = vector.shape_cast %broadcast_in_dim3A_827 : vector<16x1xi32> to vector<16xi32>
      %gather3A_829 = tpu.dynamic_gather %get3A_626[%gather3A_828] in [0] : vector<16xi32>, vector<16xi32> -> vector<16xi32>
      %eq3A_830 = arith.cmpi eq, %get3A_63, %gather3A_829 : vector<16xi32>
      %jit3A_831 = arith.constant 1 : i32
      %jit3A_832 = arith.constant 0 : i32
      %broadcast_in_dim3A_833 = vector.broadcast %jit3A_831 : i32 to vector<16xi32>
      %broadcast_in_dim3A_834 = vector.broadcast %jit3A_832 : i32 to vector<16xi32>
      %select_n3A_835 = arith.select %eq3A_830, %broadcast_in_dim3A_833, %broadcast_in_dim3A_834 : vector<16xi1>, vector<16xi32>
      %or3A_836 = arith.ori %or3A_820, %select_n3A_835 : vector<16xi32>
      %add3A_837 = arith.constant 13 : i32
      %add3A_838 = vector.broadcast %add3A_837 : i32 to vector<16xi32>
      %add3A_839 = arith.addi %iota3A, %add3A_838 : vector<16xi32>
      %and3A_840 = arith.constant 15 : i32
      %and3A_841 = vector.broadcast %and3A_840 : i32 to vector<16xi32>
      %and3A_842 = arith.andi %add3A_839, %and3A_841 : vector<16xi32>
      %broadcast_in_dim3A_843 = vector.shape_cast %and3A_842 : vector<16xi32> to vector<16x1xi32>
      %gather3A_844 = vector.shape_cast %broadcast_in_dim3A_843 : vector<16x1xi32> to vector<16xi32>
      %gather3A_845 = tpu.dynamic_gather %get3A_626[%gather3A_844] in [0] : vector<16xi32>, vector<16xi32> -> vector<16xi32>
      %eq3A_846 = arith.cmpi eq, %get3A_63, %gather3A_845 : vector<16xi32>
      %jit3A_847 = arith.constant 1 : i32
      %jit3A_848 = arith.constant 0 : i32
      %broadcast_in_dim3A_849 = vector.broadcast %jit3A_847 : i32 to vector<16xi32>
      %broadcast_in_dim3A_850 = vector.broadcast %jit3A_848 : i32 to vector<16xi32>
      %select_n3A_851 = arith.select %eq3A_846, %broadcast_in_dim3A_849, %broadcast_in_dim3A_850 : vector<16xi1>, vector<16xi32>
      %or3A_852 = arith.ori %or3A_836, %select_n3A_851 : vector<16xi32>
      %add3A_853 = arith.constant 14 : i32
      %add3A_854 = vector.broadcast %add3A_853 : i32 to vector<16xi32>
      %add3A_855 = arith.addi %iota3A, %add3A_854 : vector<16xi32>
      %and3A_856 = arith.constant 15 : i32
      %and3A_857 = vector.broadcast %and3A_856 : i32 to vector<16xi32>
      %and3A_858 = arith.andi %add3A_855, %and3A_857 : vector<16xi32>
      %broadcast_in_dim3A_859 = vector.shape_cast %and3A_858 : vector<16xi32> to vector<16x1xi32>
      %gather3A_860 = vector.shape_cast %broadcast_in_dim3A_859 : vector<16x1xi32> to vector<16xi32>
      %gather3A_861 = tpu.dynamic_gather %get3A_626[%gather3A_860] in [0] : vector<16xi32>, vector<16xi32> -> vector<16xi32>
      %eq3A_862 = arith.cmpi eq, %get3A_63, %gather3A_861 : vector<16xi32>
      %jit3A_863 = arith.constant 1 : i32
      %jit3A_864 = arith.constant 0 : i32
      %broadcast_in_dim3A_865 = vector.broadcast %jit3A_863 : i32 to vector<16xi32>
      %broadcast_in_dim3A_866 = vector.broadcast %jit3A_864 : i32 to vector<16xi32>
      %select_n3A_867 = arith.select %eq3A_862, %broadcast_in_dim3A_865, %broadcast_in_dim3A_866 : vector<16xi1>, vector<16xi32>
      %or3A_868 = arith.ori %or3A_852, %select_n3A_867 : vector<16xi32>
      %add3A_869 = arith.constant 15 : i32
      %add3A_870 = vector.broadcast %add3A_869 : i32 to vector<16xi32>
      %add3A_871 = arith.addi %iota3A, %add3A_870 : vector<16xi32>
      %and3A_872 = arith.constant 15 : i32
      %and3A_873 = vector.broadcast %and3A_872 : i32 to vector<16xi32>
      %and3A_874 = arith.andi %add3A_871, %and3A_873 : vector<16xi32>
      %broadcast_in_dim3A_875 = vector.shape_cast %and3A_874 : vector<16xi32> to vector<16x1xi32>
      %gather3A_876 = vector.shape_cast %broadcast_in_dim3A_875 : vector<16x1xi32> to vector<16xi32>
      %gather3A_877 = tpu.dynamic_gather %get3A_626[%gather3A_876] in [0] : vector<16xi32>, vector<16xi32> -> vector<16xi32>
      %eq3A_878 = arith.cmpi eq, %get3A_63, %gather3A_877 : vector<16xi32>
      %jit3A_879 = arith.constant 1 : i32
      %jit3A_880 = arith.constant 0 : i32
      %broadcast_in_dim3A_881 = vector.broadcast %jit3A_879 : i32 to vector<16xi32>
      %broadcast_in_dim3A_882 = vector.broadcast %jit3A_880 : i32 to vector<16xi32>
      %select_n3A_883 = arith.select %eq3A_878, %broadcast_in_dim3A_881, %broadcast_in_dim3A_882 : vector<16xi1>, vector<16xi32>
      %or3A_884 = arith.ori %or3A_868, %select_n3A_883 : vector<16xi32>
      %or3A_885 = arith.ori %while3A_621, %or3A_884 : vector<16xi32>
      scf.yield %or3A_885 : vector<16xi32>
    }
    %add3A_76 = arith.constant 1 : i32
    %add3A_77 = vector.broadcast %add3A_76 : i32 to vector<16xi32>
    %add3A_78 = arith.addi %iota3A, %add3A_77 : vector<16xi32>
    %and3A_79 = arith.constant 15 : i32
    %and3A_80 = vector.broadcast %and3A_79 : i32 to vector<16xi32>
    %and3A_81 = arith.andi %add3A_78, %and3A_80 : vector<16xi32>
    %broadcast_in_dim3A_82 = vector.shape_cast %and3A_81 : vector<16xi32> to vector<16x1xi32>
    %gather3A = vector.shape_cast %broadcast_in_dim3A_82 : vector<16x1xi32> to vector<16xi32>
    %gather3A_83 = tpu.dynamic_gather %get3A_63[%gather3A] in [0] : vector<16xi32>, vector<16xi32> -> vector<16xi32>
    %add3A_84 = arith.constant 1 : i32
    %add3A_85 = vector.broadcast %add3A_84 : i32 to vector<16xi32>
    %add3A_86 = arith.addi %iota3A, %add3A_85 : vector<16xi32>
    %ge3A = arith.constant 16 : i32
    %ge3A_87 = vector.broadcast %ge3A : i32 to vector<16xi32>
    %ge3A_88 = arith.cmpi sge, %add3A_86, %ge3A_87 : vector<16xi32>
    %jit3A = arith.constant 1 : i32
    %jit3A_89 = arith.constant 0 : i32
    %broadcast_in_dim3A_90 = vector.broadcast %jit3A : i32 to vector<16xi32>
    %broadcast_in_dim3A_91 = vector.broadcast %jit3A_89 : i32 to vector<16xi32>
    %select_n3A = arith.select %ge3A_88, %broadcast_in_dim3A_90, %broadcast_in_dim3A_91 : vector<16xi1>, vector<16xi32>
    %eq3A = arith.cmpi eq, %get3A_63, %gather3A_83 : vector<16xi32>
    %jit3A_92 = arith.constant 1 : i32
    %jit3A_93 = arith.constant 0 : i32
    %broadcast_in_dim3A_94 = vector.broadcast %jit3A_92 : i32 to vector<16xi32>
    %broadcast_in_dim3A_95 = vector.broadcast %jit3A_93 : i32 to vector<16xi32>
    %select_n3A_96 = arith.select %eq3A, %broadcast_in_dim3A_94, %broadcast_in_dim3A_95 : vector<16xi1>, vector<16xi32>
    %and3A_97 = arith.andi %select_n3A_96, %select_n3A : vector<16xi32>
    %or3A = arith.ori %while3A_75, %and3A_97 : vector<16xi32>
    %add3A_98 = arith.constant 2 : i32
    %add3A_99 = vector.broadcast %add3A_98 : i32 to vector<16xi32>
    %add3A_100 = arith.addi %iota3A, %add3A_99 : vector<16xi32>
    %and3A_101 = arith.constant 15 : i32
    %and3A_102 = vector.broadcast %and3A_101 : i32 to vector<16xi32>
    %and3A_103 = arith.andi %add3A_100, %and3A_102 : vector<16xi32>
    %broadcast_in_dim3A_104 = vector.shape_cast %and3A_103 : vector<16xi32> to vector<16x1xi32>
    %gather3A_105 = vector.shape_cast %broadcast_in_dim3A_104 : vector<16x1xi32> to vector<16xi32>
    %gather3A_106 = tpu.dynamic_gather %get3A_63[%gather3A_105] in [0] : vector<16xi32>, vector<16xi32> -> vector<16xi32>
    %add3A_107 = arith.constant 2 : i32
    %add3A_108 = vector.broadcast %add3A_107 : i32 to vector<16xi32>
    %add3A_109 = arith.addi %iota3A, %add3A_108 : vector<16xi32>
    %ge3A_110 = arith.constant 16 : i32
    %ge3A_111 = vector.broadcast %ge3A_110 : i32 to vector<16xi32>
    %ge3A_112 = arith.cmpi sge, %add3A_109, %ge3A_111 : vector<16xi32>
    %jit3A_113 = arith.constant 1 : i32
    %jit3A_114 = arith.constant 0 : i32
    %broadcast_in_dim3A_115 = vector.broadcast %jit3A_113 : i32 to vector<16xi32>
    %broadcast_in_dim3A_116 = vector.broadcast %jit3A_114 : i32 to vector<16xi32>
    %select_n3A_117 = arith.select %ge3A_112, %broadcast_in_dim3A_115, %broadcast_in_dim3A_116 : vector<16xi1>, vector<16xi32>
    %eq3A_118 = arith.cmpi eq, %get3A_63, %gather3A_106 : vector<16xi32>
    %jit3A_119 = arith.constant 1 : i32
    %jit3A_120 = arith.constant 0 : i32
    %broadcast_in_dim3A_121 = vector.broadcast %jit3A_119 : i32 to vector<16xi32>
    %broadcast_in_dim3A_122 = vector.broadcast %jit3A_120 : i32 to vector<16xi32>
    %select_n3A_123 = arith.select %eq3A_118, %broadcast_in_dim3A_121, %broadcast_in_dim3A_122 : vector<16xi1>, vector<16xi32>
    %and3A_124 = arith.andi %select_n3A_123, %select_n3A_117 : vector<16xi32>
    %or3A_125 = arith.ori %or3A, %and3A_124 : vector<16xi32>
    %add3A_126 = arith.constant 3 : i32
    %add3A_127 = vector.broadcast %add3A_126 : i32 to vector<16xi32>
    %add3A_128 = arith.addi %iota3A, %add3A_127 : vector<16xi32>
    %and3A_129 = arith.constant 15 : i32
    %and3A_130 = vector.broadcast %and3A_129 : i32 to vector<16xi32>
    %and3A_131 = arith.andi %add3A_128, %and3A_130 : vector<16xi32>
    %broadcast_in_dim3A_132 = vector.shape_cast %and3A_131 : vector<16xi32> to vector<16x1xi32>
    %gather3A_133 = vector.shape_cast %broadcast_in_dim3A_132 : vector<16x1xi32> to vector<16xi32>
    %gather3A_134 = tpu.dynamic_gather %get3A_63[%gather3A_133] in [0] : vector<16xi32>, vector<16xi32> -> vector<16xi32>
    %add3A_135 = arith.constant 3 : i32
    %add3A_136 = vector.broadcast %add3A_135 : i32 to vector<16xi32>
    %add3A_137 = arith.addi %iota3A, %add3A_136 : vector<16xi32>
    %ge3A_138 = arith.constant 16 : i32
    %ge3A_139 = vector.broadcast %ge3A_138 : i32 to vector<16xi32>
    %ge3A_140 = arith.cmpi sge, %add3A_137, %ge3A_139 : vector<16xi32>
    %jit3A_141 = arith.constant 1 : i32
    %jit3A_142 = arith.constant 0 : i32
    %broadcast_in_dim3A_143 = vector.broadcast %jit3A_141 : i32 to vector<16xi32>
    %broadcast_in_dim3A_144 = vector.broadcast %jit3A_142 : i32 to vector<16xi32>
    %select_n3A_145 = arith.select %ge3A_140, %broadcast_in_dim3A_143, %broadcast_in_dim3A_144 : vector<16xi1>, vector<16xi32>
    %eq3A_146 = arith.cmpi eq, %get3A_63, %gather3A_134 : vector<16xi32>
    %jit3A_147 = arith.constant 1 : i32
    %jit3A_148 = arith.constant 0 : i32
    %broadcast_in_dim3A_149 = vector.broadcast %jit3A_147 : i32 to vector<16xi32>
    %broadcast_in_dim3A_150 = vector.broadcast %jit3A_148 : i32 to vector<16xi32>
    %select_n3A_151 = arith.select %eq3A_146, %broadcast_in_dim3A_149, %broadcast_in_dim3A_150 : vector<16xi1>, vector<16xi32>
    %and3A_152 = arith.andi %select_n3A_151, %select_n3A_145 : vector<16xi32>
    %or3A_153 = arith.ori %or3A_125, %and3A_152 : vector<16xi32>
    %add3A_154 = arith.constant 4 : i32
    %add3A_155 = vector.broadcast %add3A_154 : i32 to vector<16xi32>
    %add3A_156 = arith.addi %iota3A, %add3A_155 : vector<16xi32>
    %and3A_157 = arith.constant 15 : i32
    %and3A_158 = vector.broadcast %and3A_157 : i32 to vector<16xi32>
    %and3A_159 = arith.andi %add3A_156, %and3A_158 : vector<16xi32>
    %broadcast_in_dim3A_160 = vector.shape_cast %and3A_159 : vector<16xi32> to vector<16x1xi32>
    %gather3A_161 = vector.shape_cast %broadcast_in_dim3A_160 : vector<16x1xi32> to vector<16xi32>
    %gather3A_162 = tpu.dynamic_gather %get3A_63[%gather3A_161] in [0] : vector<16xi32>, vector<16xi32> -> vector<16xi32>
    %add3A_163 = arith.constant 4 : i32
    %add3A_164 = vector.broadcast %add3A_163 : i32 to vector<16xi32>
    %add3A_165 = arith.addi %iota3A, %add3A_164 : vector<16xi32>
    %ge3A_166 = arith.constant 16 : i32
    %ge3A_167 = vector.broadcast %ge3A_166 : i32 to vector<16xi32>
    %ge3A_168 = arith.cmpi sge, %add3A_165, %ge3A_167 : vector<16xi32>
    %jit3A_169 = arith.constant 1 : i32
    %jit3A_170 = arith.constant 0 : i32
    %broadcast_in_dim3A_171 = vector.broadcast %jit3A_169 : i32 to vector<16xi32>
    %broadcast_in_dim3A_172 = vector.broadcast %jit3A_170 : i32 to vector<16xi32>
    %select_n3A_173 = arith.select %ge3A_168, %broadcast_in_dim3A_171, %broadcast_in_dim3A_172 : vector<16xi1>, vector<16xi32>
    %eq3A_174 = arith.cmpi eq, %get3A_63, %gather3A_162 : vector<16xi32>
    %jit3A_175 = arith.constant 1 : i32
    %jit3A_176 = arith.constant 0 : i32
    %broadcast_in_dim3A_177 = vector.broadcast %jit3A_175 : i32 to vector<16xi32>
    %broadcast_in_dim3A_178 = vector.broadcast %jit3A_176 : i32 to vector<16xi32>
    %select_n3A_179 = arith.select %eq3A_174, %broadcast_in_dim3A_177, %broadcast_in_dim3A_178 : vector<16xi1>, vector<16xi32>
    %and3A_180 = arith.andi %select_n3A_179, %select_n3A_173 : vector<16xi32>
    %or3A_181 = arith.ori %or3A_153, %and3A_180 : vector<16xi32>
    %add3A_182 = arith.constant 5 : i32
    %add3A_183 = vector.broadcast %add3A_182 : i32 to vector<16xi32>
    %add3A_184 = arith.addi %iota3A, %add3A_183 : vector<16xi32>
    %and3A_185 = arith.constant 15 : i32
    %and3A_186 = vector.broadcast %and3A_185 : i32 to vector<16xi32>
    %and3A_187 = arith.andi %add3A_184, %and3A_186 : vector<16xi32>
    %broadcast_in_dim3A_188 = vector.shape_cast %and3A_187 : vector<16xi32> to vector<16x1xi32>
    %gather3A_189 = vector.shape_cast %broadcast_in_dim3A_188 : vector<16x1xi32> to vector<16xi32>
    %gather3A_190 = tpu.dynamic_gather %get3A_63[%gather3A_189] in [0] : vector<16xi32>, vector<16xi32> -> vector<16xi32>
    %add3A_191 = arith.constant 5 : i32
    %add3A_192 = vector.broadcast %add3A_191 : i32 to vector<16xi32>
    %add3A_193 = arith.addi %iota3A, %add3A_192 : vector<16xi32>
    %ge3A_194 = arith.constant 16 : i32
    %ge3A_195 = vector.broadcast %ge3A_194 : i32 to vector<16xi32>
    %ge3A_196 = arith.cmpi sge, %add3A_193, %ge3A_195 : vector<16xi32>
    %jit3A_197 = arith.constant 1 : i32
    %jit3A_198 = arith.constant 0 : i32
    %broadcast_in_dim3A_199 = vector.broadcast %jit3A_197 : i32 to vector<16xi32>
    %broadcast_in_dim3A_200 = vector.broadcast %jit3A_198 : i32 to vector<16xi32>
    %select_n3A_201 = arith.select %ge3A_196, %broadcast_in_dim3A_199, %broadcast_in_dim3A_200 : vector<16xi1>, vector<16xi32>
    %eq3A_202 = arith.cmpi eq, %get3A_63, %gather3A_190 : vector<16xi32>
    %jit3A_203 = arith.constant 1 : i32
    %jit3A_204 = arith.constant 0 : i32
    %broadcast_in_dim3A_205 = vector.broadcast %jit3A_203 : i32 to vector<16xi32>
    %broadcast_in_dim3A_206 = vector.broadcast %jit3A_204 : i32 to vector<16xi32>
    %select_n3A_207 = arith.select %eq3A_202, %broadcast_in_dim3A_205, %broadcast_in_dim3A_206 : vector<16xi1>, vector<16xi32>
    %and3A_208 = arith.andi %select_n3A_207, %select_n3A_201 : vector<16xi32>
    %or3A_209 = arith.ori %or3A_181, %and3A_208 : vector<16xi32>
    %add3A_210 = arith.constant 6 : i32
    %add3A_211 = vector.broadcast %add3A_210 : i32 to vector<16xi32>
    %add3A_212 = arith.addi %iota3A, %add3A_211 : vector<16xi32>
    %and3A_213 = arith.constant 15 : i32
    %and3A_214 = vector.broadcast %and3A_213 : i32 to vector<16xi32>
    %and3A_215 = arith.andi %add3A_212, %and3A_214 : vector<16xi32>
    %broadcast_in_dim3A_216 = vector.shape_cast %and3A_215 : vector<16xi32> to vector<16x1xi32>
    %gather3A_217 = vector.shape_cast %broadcast_in_dim3A_216 : vector<16x1xi32> to vector<16xi32>
    %gather3A_218 = tpu.dynamic_gather %get3A_63[%gather3A_217] in [0] : vector<16xi32>, vector<16xi32> -> vector<16xi32>
    %add3A_219 = arith.constant 6 : i32
    %add3A_220 = vector.broadcast %add3A_219 : i32 to vector<16xi32>
    %add3A_221 = arith.addi %iota3A, %add3A_220 : vector<16xi32>
    %ge3A_222 = arith.constant 16 : i32
    %ge3A_223 = vector.broadcast %ge3A_222 : i32 to vector<16xi32>
    %ge3A_224 = arith.cmpi sge, %add3A_221, %ge3A_223 : vector<16xi32>
    %jit3A_225 = arith.constant 1 : i32
    %jit3A_226 = arith.constant 0 : i32
    %broadcast_in_dim3A_227 = vector.broadcast %jit3A_225 : i32 to vector<16xi32>
    %broadcast_in_dim3A_228 = vector.broadcast %jit3A_226 : i32 to vector<16xi32>
    %select_n3A_229 = arith.select %ge3A_224, %broadcast_in_dim3A_227, %broadcast_in_dim3A_228 : vector<16xi1>, vector<16xi32>
    %eq3A_230 = arith.cmpi eq, %get3A_63, %gather3A_218 : vector<16xi32>
    %jit3A_231 = arith.constant 1 : i32
    %jit3A_232 = arith.constant 0 : i32
    %broadcast_in_dim3A_233 = vector.broadcast %jit3A_231 : i32 to vector<16xi32>
    %broadcast_in_dim3A_234 = vector.broadcast %jit3A_232 : i32 to vector<16xi32>
    %select_n3A_235 = arith.select %eq3A_230, %broadcast_in_dim3A_233, %broadcast_in_dim3A_234 : vector<16xi1>, vector<16xi32>
    %and3A_236 = arith.andi %select_n3A_235, %select_n3A_229 : vector<16xi32>
    %or3A_237 = arith.ori %or3A_209, %and3A_236 : vector<16xi32>
    %add3A_238 = arith.constant 7 : i32
    %add3A_239 = vector.broadcast %add3A_238 : i32 to vector<16xi32>
    %add3A_240 = arith.addi %iota3A, %add3A_239 : vector<16xi32>
    %and3A_241 = arith.constant 15 : i32
    %and3A_242 = vector.broadcast %and3A_241 : i32 to vector<16xi32>
    %and3A_243 = arith.andi %add3A_240, %and3A_242 : vector<16xi32>
    %broadcast_in_dim3A_244 = vector.shape_cast %and3A_243 : vector<16xi32> to vector<16x1xi32>
    %gather3A_245 = vector.shape_cast %broadcast_in_dim3A_244 : vector<16x1xi32> to vector<16xi32>
    %gather3A_246 = tpu.dynamic_gather %get3A_63[%gather3A_245] in [0] : vector<16xi32>, vector<16xi32> -> vector<16xi32>
    %add3A_247 = arith.constant 7 : i32
    %add3A_248 = vector.broadcast %add3A_247 : i32 to vector<16xi32>
    %add3A_249 = arith.addi %iota3A, %add3A_248 : vector<16xi32>
    %ge3A_250 = arith.constant 16 : i32
    %ge3A_251 = vector.broadcast %ge3A_250 : i32 to vector<16xi32>
    %ge3A_252 = arith.cmpi sge, %add3A_249, %ge3A_251 : vector<16xi32>
    %jit3A_253 = arith.constant 1 : i32
    %jit3A_254 = arith.constant 0 : i32
    %broadcast_in_dim3A_255 = vector.broadcast %jit3A_253 : i32 to vector<16xi32>
    %broadcast_in_dim3A_256 = vector.broadcast %jit3A_254 : i32 to vector<16xi32>
    %select_n3A_257 = arith.select %ge3A_252, %broadcast_in_dim3A_255, %broadcast_in_dim3A_256 : vector<16xi1>, vector<16xi32>
    %eq3A_258 = arith.cmpi eq, %get3A_63, %gather3A_246 : vector<16xi32>
    %jit3A_259 = arith.constant 1 : i32
    %jit3A_260 = arith.constant 0 : i32
    %broadcast_in_dim3A_261 = vector.broadcast %jit3A_259 : i32 to vector<16xi32>
    %broadcast_in_dim3A_262 = vector.broadcast %jit3A_260 : i32 to vector<16xi32>
    %select_n3A_263 = arith.select %eq3A_258, %broadcast_in_dim3A_261, %broadcast_in_dim3A_262 : vector<16xi1>, vector<16xi32>
    %and3A_264 = arith.andi %select_n3A_263, %select_n3A_257 : vector<16xi32>
    %or3A_265 = arith.ori %or3A_237, %and3A_264 : vector<16xi32>
    %add3A_266 = arith.constant 8 : i32
    %add3A_267 = vector.broadcast %add3A_266 : i32 to vector<16xi32>
    %add3A_268 = arith.addi %iota3A, %add3A_267 : vector<16xi32>
    %and3A_269 = arith.constant 15 : i32
    %and3A_270 = vector.broadcast %and3A_269 : i32 to vector<16xi32>
    %and3A_271 = arith.andi %add3A_268, %and3A_270 : vector<16xi32>
    %broadcast_in_dim3A_272 = vector.shape_cast %and3A_271 : vector<16xi32> to vector<16x1xi32>
    %gather3A_273 = vector.shape_cast %broadcast_in_dim3A_272 : vector<16x1xi32> to vector<16xi32>
    %gather3A_274 = tpu.dynamic_gather %get3A_63[%gather3A_273] in [0] : vector<16xi32>, vector<16xi32> -> vector<16xi32>
    %add3A_275 = arith.constant 8 : i32
    %add3A_276 = vector.broadcast %add3A_275 : i32 to vector<16xi32>
    %add3A_277 = arith.addi %iota3A, %add3A_276 : vector<16xi32>
    %ge3A_278 = arith.constant 16 : i32
    %ge3A_279 = vector.broadcast %ge3A_278 : i32 to vector<16xi32>
    %ge3A_280 = arith.cmpi sge, %add3A_277, %ge3A_279 : vector<16xi32>
    %jit3A_281 = arith.constant 1 : i32
    %jit3A_282 = arith.constant 0 : i32
    %broadcast_in_dim3A_283 = vector.broadcast %jit3A_281 : i32 to vector<16xi32>
    %broadcast_in_dim3A_284 = vector.broadcast %jit3A_282 : i32 to vector<16xi32>
    %select_n3A_285 = arith.select %ge3A_280, %broadcast_in_dim3A_283, %broadcast_in_dim3A_284 : vector<16xi1>, vector<16xi32>
    %eq3A_286 = arith.cmpi eq, %get3A_63, %gather3A_274 : vector<16xi32>
    %jit3A_287 = arith.constant 1 : i32
    %jit3A_288 = arith.constant 0 : i32
    %broadcast_in_dim3A_289 = vector.broadcast %jit3A_287 : i32 to vector<16xi32>
    %broadcast_in_dim3A_290 = vector.broadcast %jit3A_288 : i32 to vector<16xi32>
    %select_n3A_291 = arith.select %eq3A_286, %broadcast_in_dim3A_289, %broadcast_in_dim3A_290 : vector<16xi1>, vector<16xi32>
    %and3A_292 = arith.andi %select_n3A_291, %select_n3A_285 : vector<16xi32>
    %or3A_293 = arith.ori %or3A_265, %and3A_292 : vector<16xi32>
    %add3A_294 = arith.constant 9 : i32
    %add3A_295 = vector.broadcast %add3A_294 : i32 to vector<16xi32>
    %add3A_296 = arith.addi %iota3A, %add3A_295 : vector<16xi32>
    %and3A_297 = arith.constant 15 : i32
    %and3A_298 = vector.broadcast %and3A_297 : i32 to vector<16xi32>
    %and3A_299 = arith.andi %add3A_296, %and3A_298 : vector<16xi32>
    %broadcast_in_dim3A_300 = vector.shape_cast %and3A_299 : vector<16xi32> to vector<16x1xi32>
    %gather3A_301 = vector.shape_cast %broadcast_in_dim3A_300 : vector<16x1xi32> to vector<16xi32>
    %gather3A_302 = tpu.dynamic_gather %get3A_63[%gather3A_301] in [0] : vector<16xi32>, vector<16xi32> -> vector<16xi32>
    %add3A_303 = arith.constant 9 : i32
    %add3A_304 = vector.broadcast %add3A_303 : i32 to vector<16xi32>
    %add3A_305 = arith.addi %iota3A, %add3A_304 : vector<16xi32>
    %ge3A_306 = arith.constant 16 : i32
    %ge3A_307 = vector.broadcast %ge3A_306 : i32 to vector<16xi32>
    %ge3A_308 = arith.cmpi sge, %add3A_305, %ge3A_307 : vector<16xi32>
    %jit3A_309 = arith.constant 1 : i32
    %jit3A_310 = arith.constant 0 : i32
    %broadcast_in_dim3A_311 = vector.broadcast %jit3A_309 : i32 to vector<16xi32>
    %broadcast_in_dim3A_312 = vector.broadcast %jit3A_310 : i32 to vector<16xi32>
    %select_n3A_313 = arith.select %ge3A_308, %broadcast_in_dim3A_311, %broadcast_in_dim3A_312 : vector<16xi1>, vector<16xi32>
    %eq3A_314 = arith.cmpi eq, %get3A_63, %gather3A_302 : vector<16xi32>
    %jit3A_315 = arith.constant 1 : i32
    %jit3A_316 = arith.constant 0 : i32
    %broadcast_in_dim3A_317 = vector.broadcast %jit3A_315 : i32 to vector<16xi32>
    %broadcast_in_dim3A_318 = vector.broadcast %jit3A_316 : i32 to vector<16xi32>
    %select_n3A_319 = arith.select %eq3A_314, %broadcast_in_dim3A_317, %broadcast_in_dim3A_318 : vector<16xi1>, vector<16xi32>
    %and3A_320 = arith.andi %select_n3A_319, %select_n3A_313 : vector<16xi32>
    %or3A_321 = arith.ori %or3A_293, %and3A_320 : vector<16xi32>
    %add3A_322 = arith.constant 10 : i32
    %add3A_323 = vector.broadcast %add3A_322 : i32 to vector<16xi32>
    %add3A_324 = arith.addi %iota3A, %add3A_323 : vector<16xi32>
    %and3A_325 = arith.constant 15 : i32
    %and3A_326 = vector.broadcast %and3A_325 : i32 to vector<16xi32>
    %and3A_327 = arith.andi %add3A_324, %and3A_326 : vector<16xi32>
    %broadcast_in_dim3A_328 = vector.shape_cast %and3A_327 : vector<16xi32> to vector<16x1xi32>
    %gather3A_329 = vector.shape_cast %broadcast_in_dim3A_328 : vector<16x1xi32> to vector<16xi32>
    %gather3A_330 = tpu.dynamic_gather %get3A_63[%gather3A_329] in [0] : vector<16xi32>, vector<16xi32> -> vector<16xi32>
    %add3A_331 = arith.constant 10 : i32
    %add3A_332 = vector.broadcast %add3A_331 : i32 to vector<16xi32>
    %add3A_333 = arith.addi %iota3A, %add3A_332 : vector<16xi32>
    %ge3A_334 = arith.constant 16 : i32
    %ge3A_335 = vector.broadcast %ge3A_334 : i32 to vector<16xi32>
    %ge3A_336 = arith.cmpi sge, %add3A_333, %ge3A_335 : vector<16xi32>
    %jit3A_337 = arith.constant 1 : i32
    %jit3A_338 = arith.constant 0 : i32
    %broadcast_in_dim3A_339 = vector.broadcast %jit3A_337 : i32 to vector<16xi32>
    %broadcast_in_dim3A_340 = vector.broadcast %jit3A_338 : i32 to vector<16xi32>
    %select_n3A_341 = arith.select %ge3A_336, %broadcast_in_dim3A_339, %broadcast_in_dim3A_340 : vector<16xi1>, vector<16xi32>
    %eq3A_342 = arith.cmpi eq, %get3A_63, %gather3A_330 : vector<16xi32>
    %jit3A_343 = arith.constant 1 : i32
    %jit3A_344 = arith.constant 0 : i32
    %broadcast_in_dim3A_345 = vector.broadcast %jit3A_343 : i32 to vector<16xi32>
    %broadcast_in_dim3A_346 = vector.broadcast %jit3A_344 : i32 to vector<16xi32>
    %select_n3A_347 = arith.select %eq3A_342, %broadcast_in_dim3A_345, %broadcast_in_dim3A_346 : vector<16xi1>, vector<16xi32>
    %and3A_348 = arith.andi %select_n3A_347, %select_n3A_341 : vector<16xi32>
    %or3A_349 = arith.ori %or3A_321, %and3A_348 : vector<16xi32>
    %add3A_350 = arith.constant 11 : i32
    %add3A_351 = vector.broadcast %add3A_350 : i32 to vector<16xi32>
    %add3A_352 = arith.addi %iota3A, %add3A_351 : vector<16xi32>
    %and3A_353 = arith.constant 15 : i32
    %and3A_354 = vector.broadcast %and3A_353 : i32 to vector<16xi32>
    %and3A_355 = arith.andi %add3A_352, %and3A_354 : vector<16xi32>
    %broadcast_in_dim3A_356 = vector.shape_cast %and3A_355 : vector<16xi32> to vector<16x1xi32>
    %gather3A_357 = vector.shape_cast %broadcast_in_dim3A_356 : vector<16x1xi32> to vector<16xi32>
    %gather3A_358 = tpu.dynamic_gather %get3A_63[%gather3A_357] in [0] : vector<16xi32>, vector<16xi32> -> vector<16xi32>
    %add3A_359 = arith.constant 11 : i32
    %add3A_360 = vector.broadcast %add3A_359 : i32 to vector<16xi32>
    %add3A_361 = arith.addi %iota3A, %add3A_360 : vector<16xi32>
    %ge3A_362 = arith.constant 16 : i32
    %ge3A_363 = vector.broadcast %ge3A_362 : i32 to vector<16xi32>
    %ge3A_364 = arith.cmpi sge, %add3A_361, %ge3A_363 : vector<16xi32>
    %jit3A_365 = arith.constant 1 : i32
    %jit3A_366 = arith.constant 0 : i32
    %broadcast_in_dim3A_367 = vector.broadcast %jit3A_365 : i32 to vector<16xi32>
    %broadcast_in_dim3A_368 = vector.broadcast %jit3A_366 : i32 to vector<16xi32>
    %select_n3A_369 = arith.select %ge3A_364, %broadcast_in_dim3A_367, %broadcast_in_dim3A_368 : vector<16xi1>, vector<16xi32>
    %eq3A_370 = arith.cmpi eq, %get3A_63, %gather3A_358 : vector<16xi32>
    %jit3A_371 = arith.constant 1 : i32
    %jit3A_372 = arith.constant 0 : i32
    %broadcast_in_dim3A_373 = vector.broadcast %jit3A_371 : i32 to vector<16xi32>
    %broadcast_in_dim3A_374 = vector.broadcast %jit3A_372 : i32 to vector<16xi32>
    %select_n3A_375 = arith.select %eq3A_370, %broadcast_in_dim3A_373, %broadcast_in_dim3A_374 : vector<16xi1>, vector<16xi32>
    %and3A_376 = arith.andi %select_n3A_375, %select_n3A_369 : vector<16xi32>
    %or3A_377 = arith.ori %or3A_349, %and3A_376 : vector<16xi32>
    %add3A_378 = arith.constant 12 : i32
    %add3A_379 = vector.broadcast %add3A_378 : i32 to vector<16xi32>
    %add3A_380 = arith.addi %iota3A, %add3A_379 : vector<16xi32>
    %and3A_381 = arith.constant 15 : i32
    %and3A_382 = vector.broadcast %and3A_381 : i32 to vector<16xi32>
    %and3A_383 = arith.andi %add3A_380, %and3A_382 : vector<16xi32>
    %broadcast_in_dim3A_384 = vector.shape_cast %and3A_383 : vector<16xi32> to vector<16x1xi32>
    %gather3A_385 = vector.shape_cast %broadcast_in_dim3A_384 : vector<16x1xi32> to vector<16xi32>
    %gather3A_386 = tpu.dynamic_gather %get3A_63[%gather3A_385] in [0] : vector<16xi32>, vector<16xi32> -> vector<16xi32>
    %add3A_387 = arith.constant 12 : i32
    %add3A_388 = vector.broadcast %add3A_387 : i32 to vector<16xi32>
    %add3A_389 = arith.addi %iota3A, %add3A_388 : vector<16xi32>
    %ge3A_390 = arith.constant 16 : i32
    %ge3A_391 = vector.broadcast %ge3A_390 : i32 to vector<16xi32>
    %ge3A_392 = arith.cmpi sge, %add3A_389, %ge3A_391 : vector<16xi32>
    %jit3A_393 = arith.constant 1 : i32
    %jit3A_394 = arith.constant 0 : i32
    %broadcast_in_dim3A_395 = vector.broadcast %jit3A_393 : i32 to vector<16xi32>
    %broadcast_in_dim3A_396 = vector.broadcast %jit3A_394 : i32 to vector<16xi32>
    %select_n3A_397 = arith.select %ge3A_392, %broadcast_in_dim3A_395, %broadcast_in_dim3A_396 : vector<16xi1>, vector<16xi32>
    %eq3A_398 = arith.cmpi eq, %get3A_63, %gather3A_386 : vector<16xi32>
    %jit3A_399 = arith.constant 1 : i32
    %jit3A_400 = arith.constant 0 : i32
    %broadcast_in_dim3A_401 = vector.broadcast %jit3A_399 : i32 to vector<16xi32>
    %broadcast_in_dim3A_402 = vector.broadcast %jit3A_400 : i32 to vector<16xi32>
    %select_n3A_403 = arith.select %eq3A_398, %broadcast_in_dim3A_401, %broadcast_in_dim3A_402 : vector<16xi1>, vector<16xi32>
    %and3A_404 = arith.andi %select_n3A_403, %select_n3A_397 : vector<16xi32>
    %or3A_405 = arith.ori %or3A_377, %and3A_404 : vector<16xi32>
    %add3A_406 = arith.constant 13 : i32
    %add3A_407 = vector.broadcast %add3A_406 : i32 to vector<16xi32>
    %add3A_408 = arith.addi %iota3A, %add3A_407 : vector<16xi32>
    %and3A_409 = arith.constant 15 : i32
    %and3A_410 = vector.broadcast %and3A_409 : i32 to vector<16xi32>
    %and3A_411 = arith.andi %add3A_408, %and3A_410 : vector<16xi32>
    %broadcast_in_dim3A_412 = vector.shape_cast %and3A_411 : vector<16xi32> to vector<16x1xi32>
    %gather3A_413 = vector.shape_cast %broadcast_in_dim3A_412 : vector<16x1xi32> to vector<16xi32>
    %gather3A_414 = tpu.dynamic_gather %get3A_63[%gather3A_413] in [0] : vector<16xi32>, vector<16xi32> -> vector<16xi32>
    %add3A_415 = arith.constant 13 : i32
    %add3A_416 = vector.broadcast %add3A_415 : i32 to vector<16xi32>
    %add3A_417 = arith.addi %iota3A, %add3A_416 : vector<16xi32>
    %ge3A_418 = arith.constant 16 : i32
    %ge3A_419 = vector.broadcast %ge3A_418 : i32 to vector<16xi32>
    %ge3A_420 = arith.cmpi sge, %add3A_417, %ge3A_419 : vector<16xi32>
    %jit3A_421 = arith.constant 1 : i32
    %jit3A_422 = arith.constant 0 : i32
    %broadcast_in_dim3A_423 = vector.broadcast %jit3A_421 : i32 to vector<16xi32>
    %broadcast_in_dim3A_424 = vector.broadcast %jit3A_422 : i32 to vector<16xi32>
    %select_n3A_425 = arith.select %ge3A_420, %broadcast_in_dim3A_423, %broadcast_in_dim3A_424 : vector<16xi1>, vector<16xi32>
    %eq3A_426 = arith.cmpi eq, %get3A_63, %gather3A_414 : vector<16xi32>
    %jit3A_427 = arith.constant 1 : i32
    %jit3A_428 = arith.constant 0 : i32
    %broadcast_in_dim3A_429 = vector.broadcast %jit3A_427 : i32 to vector<16xi32>
    %broadcast_in_dim3A_430 = vector.broadcast %jit3A_428 : i32 to vector<16xi32>
    %select_n3A_431 = arith.select %eq3A_426, %broadcast_in_dim3A_429, %broadcast_in_dim3A_430 : vector<16xi1>, vector<16xi32>
    %and3A_432 = arith.andi %select_n3A_431, %select_n3A_425 : vector<16xi32>
    %or3A_433 = arith.ori %or3A_405, %and3A_432 : vector<16xi32>
    %add3A_434 = arith.constant 14 : i32
    %add3A_435 = vector.broadcast %add3A_434 : i32 to vector<16xi32>
    %add3A_436 = arith.addi %iota3A, %add3A_435 : vector<16xi32>
    %and3A_437 = arith.constant 15 : i32
    %and3A_438 = vector.broadcast %and3A_437 : i32 to vector<16xi32>
    %and3A_439 = arith.andi %add3A_436, %and3A_438 : vector<16xi32>
    %broadcast_in_dim3A_440 = vector.shape_cast %and3A_439 : vector<16xi32> to vector<16x1xi32>
    %gather3A_441 = vector.shape_cast %broadcast_in_dim3A_440 : vector<16x1xi32> to vector<16xi32>
    %gather3A_442 = tpu.dynamic_gather %get3A_63[%gather3A_441] in [0] : vector<16xi32>, vector<16xi32> -> vector<16xi32>
    %add3A_443 = arith.constant 14 : i32
    %add3A_444 = vector.broadcast %add3A_443 : i32 to vector<16xi32>
    %add3A_445 = arith.addi %iota3A, %add3A_444 : vector<16xi32>
    %ge3A_446 = arith.constant 16 : i32
    %ge3A_447 = vector.broadcast %ge3A_446 : i32 to vector<16xi32>
    %ge3A_448 = arith.cmpi sge, %add3A_445, %ge3A_447 : vector<16xi32>
    %jit3A_449 = arith.constant 1 : i32
    %jit3A_450 = arith.constant 0 : i32
    %broadcast_in_dim3A_451 = vector.broadcast %jit3A_449 : i32 to vector<16xi32>
    %broadcast_in_dim3A_452 = vector.broadcast %jit3A_450 : i32 to vector<16xi32>
    %select_n3A_453 = arith.select %ge3A_448, %broadcast_in_dim3A_451, %broadcast_in_dim3A_452 : vector<16xi1>, vector<16xi32>
    %eq3A_454 = arith.cmpi eq, %get3A_63, %gather3A_442 : vector<16xi32>
    %jit3A_455 = arith.constant 1 : i32
    %jit3A_456 = arith.constant 0 : i32
    %broadcast_in_dim3A_457 = vector.broadcast %jit3A_455 : i32 to vector<16xi32>
    %broadcast_in_dim3A_458 = vector.broadcast %jit3A_456 : i32 to vector<16xi32>
    %select_n3A_459 = arith.select %eq3A_454, %broadcast_in_dim3A_457, %broadcast_in_dim3A_458 : vector<16xi1>, vector<16xi32>
    %and3A_460 = arith.andi %select_n3A_459, %select_n3A_453 : vector<16xi32>
    %or3A_461 = arith.ori %or3A_433, %and3A_460 : vector<16xi32>
    %add3A_462 = arith.constant 15 : i32
    %add3A_463 = vector.broadcast %add3A_462 : i32 to vector<16xi32>
    %add3A_464 = arith.addi %iota3A, %add3A_463 : vector<16xi32>
    %and3A_465 = arith.constant 15 : i32
    %and3A_466 = vector.broadcast %and3A_465 : i32 to vector<16xi32>
    %and3A_467 = arith.andi %add3A_464, %and3A_466 : vector<16xi32>
    %broadcast_in_dim3A_468 = vector.shape_cast %and3A_467 : vector<16xi32> to vector<16x1xi32>
    %gather3A_469 = vector.shape_cast %broadcast_in_dim3A_468 : vector<16x1xi32> to vector<16xi32>
    %gather3A_470 = tpu.dynamic_gather %get3A_63[%gather3A_469] in [0] : vector<16xi32>, vector<16xi32> -> vector<16xi32>
    %add3A_471 = arith.constant 15 : i32
    %add3A_472 = vector.broadcast %add3A_471 : i32 to vector<16xi32>
    %add3A_473 = arith.addi %iota3A, %add3A_472 : vector<16xi32>
    %ge3A_474 = arith.constant 16 : i32
    %ge3A_475 = vector.broadcast %ge3A_474 : i32 to vector<16xi32>
    %ge3A_476 = arith.cmpi sge, %add3A_473, %ge3A_475 : vector<16xi32>
    %jit3A_477 = arith.constant 1 : i32
    %jit3A_478 = arith.constant 0 : i32
    %broadcast_in_dim3A_479 = vector.broadcast %jit3A_477 : i32 to vector<16xi32>
    %broadcast_in_dim3A_480 = vector.broadcast %jit3A_478 : i32 to vector<16xi32>
    %select_n3A_481 = arith.select %ge3A_476, %broadcast_in_dim3A_479, %broadcast_in_dim3A_480 : vector<16xi1>, vector<16xi32>
    %eq3A_482 = arith.cmpi eq, %get3A_63, %gather3A_470 : vector<16xi32>
    %jit3A_483 = arith.constant 1 : i32
    %jit3A_484 = arith.constant 0 : i32
    %broadcast_in_dim3A_485 = vector.broadcast %jit3A_483 : i32 to vector<16xi32>
    %broadcast_in_dim3A_486 = vector.broadcast %jit3A_484 : i32 to vector<16xi32>
    %select_n3A_487 = arith.select %eq3A_482, %broadcast_in_dim3A_485, %broadcast_in_dim3A_486 : vector<16xi1>, vector<16xi32>
    %and3A_488 = arith.andi %select_n3A_487, %select_n3A_481 : vector<16xi32>
    %or3A_489 = arith.ori %or3A_461, %and3A_488 : vector<16xi32>
    %eq3A_490 = arith.constant -1 : i32
    %eq3A_491 = vector.broadcast %eq3A_490 : i32 to vector<16xi32>
    %eq3A_492 = arith.cmpi eq, %get3A_63, %eq3A_491 : vector<16xi32>
    %eq3A_493 = arith.constant 0 : i32
    %eq3A_494 = vector.broadcast %eq3A_493 : i32 to vector<16xi32>
    %eq3A_495 = arith.cmpi eq, %or3A_489, %eq3A_494 : vector<16xi32>
    %jit3A_496 = arith.constant 1 : i32
    %jit3A_497 = arith.constant 0 : i32
    %broadcast_in_dim3A_498 = vector.broadcast %jit3A_496 : i32 to vector<16xi32>
    %broadcast_in_dim3A_499 = vector.broadcast %jit3A_497 : i32 to vector<16xi32>
    %select_n3A_500 = arith.select %eq3A_495, %broadcast_in_dim3A_498, %broadcast_in_dim3A_499 : vector<16xi1>, vector<16xi32>
    %jit3A_501 = arith.constant 0 : i32
    %broadcast_in_dim3A_502 = vector.broadcast %jit3A_501 : i32 to vector<16xi32>
    %select_n3A_503 = arith.select %eq3A_492, %broadcast_in_dim3A_502, %select_n3A_500 : vector<16xi1>, vector<16xi32>
    %dma_wait3A = arith.constant 0 : i32
    %dma_wait3A_504 = tpu.memref_slice %arg3[%dma_wait3A] : memref<1638400xf32, #tpu.memory_space<hbm>> -> memref<1638400xf32, #tpu.memory_space<hbm>>
    tpu.wait_indirect_dma semaphore(%arg12 : memref<!tpu.dma_semaphore, #tpu.memory_space<semaphore_mem>>) src(%dma_wait3A_504 : memref<1638400xf32, #tpu.memory_space<hbm>>) dst(%arg10 : memref<16xf32, #tpu.memory_space<vmem>>)
    %get3A_505 = arith.constant 0 : index
    %get3A_506 = tpu.vector_load %arg10[%get3A_505] {strides = array<i32>} : memref<16xf32, #tpu.memory_space<vmem>>, vector<16xf32>,
    %get3A_507 = vector.shape_cast %get3A_506 : vector<16xf32> to vector<16xf32>
    %neg3A = arith.constant 0.000000e+00 : f32
    %neg3A_508 = vector.broadcast %neg3A : f32 to vector<16xf32>
    %neg3A_509 = arith.subf %neg3A_508, %get3A_507 : vector<16xf32>
    %exp3A = math.exp %neg3A_509 : vector<16xf32>
    %add3A_510 = arith.constant 1.000000e+00 : f32
    %add3A_511 = vector.broadcast %add3A_510 : f32 to vector<16xf32>
    %add3A_512 = arith.addf %add3A_511, %exp3A : vector<16xf32>
    %div3A = arith.constant 1.000000e+00 : f32
    %div3A_513 = vector.broadcast %div3A : f32 to vector<16xf32>
    %div3A_514 = arith.divf %div3A_513, %add3A_512 : vector<16xf32>
    %sub3A_515 = arith.constant 1.000000e+00 : f32
    %sub3A_516 = vector.broadcast %sub3A_515 : f32 to vector<16xf32>
    %sub3A_517 = arith.subf %sub3A_516, %div3A_514 : vector<16xf32>
    %max3A = arith.constant 9.99999996E-13 : f32
    %max3A_518 = vector.broadcast %max3A : f32 to vector<16xf32>
    %max3A_519 = arith.maximumf %sub3A_517, %max3A_518 : vector<16xf32>
    %bitcast_convert_type3A = tpu.bitcast %max3A_519 : vector<16xf32> -> vector<16xi32>
    %shift_right_arithmetic3A = arith.constant 23 : i32
    %shift_right_arithmetic3A_520 = vector.broadcast %shift_right_arithmetic3A : i32 to vector<16xi32>
    %shift_right_arithmetic3A_521 = arith.shrsi %bitcast_convert_type3A, %shift_right_arithmetic3A_520 : vector<16xi32>
    %sub3A_522 = arith.constant 127 : i32
    %sub3A_523 = vector.broadcast %sub3A_522 : i32 to vector<16xi32>
    %sub3A_524 = arith.subi %shift_right_arithmetic3A_521, %sub3A_523 : vector<16xi32>
    %and3A_525 = arith.constant 8388607 : i32
    %and3A_526 = vector.broadcast %and3A_525 : i32 to vector<16xi32>
    %and3A_527 = arith.andi %bitcast_convert_type3A, %and3A_526 : vector<16xi32>
    %or3A_528 = arith.constant 1065353216 : i32
    %or3A_529 = vector.broadcast %or3A_528 : i32 to vector<16xi32>
    %or3A_530 = arith.ori %and3A_527, %or3A_529 : vector<16xi32>
    %bitcast_convert_type3A_531 = tpu.bitcast %or3A_530 : vector<16xi32> -> vector<16xf32>
    %gt3A = arith.constant 1.41421354 : f32
    %gt3A_532 = vector.broadcast %gt3A : f32 to vector<16xf32>
    %gt3A_533 = arith.cmpf ogt, %bitcast_convert_type3A_531, %gt3A_532 : vector<16xf32>
    %mul3A_534 = arith.constant 5.000000e-01 : f32
    %mul3A_535 = vector.broadcast %mul3A_534 : f32 to vector<16xf32>
    %mul3A_536 = arith.mulf %bitcast_convert_type3A_531, %mul3A_535 : vector<16xf32>
    %select_n3A_537 = arith.select %gt3A_533, %mul3A_536, %bitcast_convert_type3A_531 : vector<16xi1>, vector<16xf32>
    %jit3A_538 = arith.constant 1 : i32
    %jit3A_539 = arith.constant 0 : i32
    %broadcast_in_dim3A_540 = vector.broadcast %jit3A_538 : i32 to vector<16xi32>
    %broadcast_in_dim3A_541 = vector.broadcast %jit3A_539 : i32 to vector<16xi32>
    %select_n3A_542 = arith.select %gt3A_533, %broadcast_in_dim3A_540, %broadcast_in_dim3A_541 : vector<16xi1>, vector<16xi32>
    %add3A_543 = arith.addi %sub3A_524, %select_n3A_542 : vector<16xi32>
    %convert_element_type3A_544 = arith.sitofp %add3A_543 : vector<16xi32> to vector<16xf32>
    %sub3A_545 = arith.constant 1.000000e+00 : f32
    %sub3A_546 = vector.broadcast %sub3A_545 : f32 to vector<16xf32>
    %sub3A_547 = arith.subf %select_n3A_537, %sub3A_546 : vector<16xf32>
    %add3A_548 = arith.constant 1.000000e+00 : f32
    %add3A_549 = vector.broadcast %add3A_548 : f32 to vector<16xf32>
    %add3A_550 = arith.addf %select_n3A_537, %add3A_549 : vector<16xf32>
    %div3A_551 = arith.divf %sub3A_547, %add3A_550 : vector<16xf32>
    %mul3A_552 = arith.mulf %div3A_551, %div3A_551 : vector<16xf32>
    %mul3A_553 = arith.constant 2.000000e+00 : f32
    %mul3A_554 = vector.broadcast %mul3A_553 : f32 to vector<16xf32>
    %mul3A_555 = arith.mulf %mul3A_554, %div3A_551 : vector<16xf32>
    %mul3A_556 = arith.constant 0.142857149 : f32
    %mul3A_557 = vector.broadcast %mul3A_556 : f32 to vector<16xf32>
    %mul3A_558 = arith.mulf %mul3A_552, %mul3A_557 : vector<16xf32>
    %add3A_559 = arith.constant 2.000000e-01 : f32
    %add3A_560 = vector.broadcast %add3A_559 : f32 to vector<16xf32>
    %add3A_561 = arith.addf %add3A_560, %mul3A_558 : vector<16xf32>
    %mul3A_562 = arith.mulf %mul3A_552, %add3A_561 : vector<16xf32>
    %add3A_563 = arith.constant 0.333333343 : f32
    %add3A_564 = vector.broadcast %add3A_563 : f32 to vector<16xf32>
    %add3A_565 = arith.addf %add3A_564, %mul3A_562 : vector<16xf32>
    %mul3A_566 = arith.mulf %mul3A_552, %add3A_565 : vector<16xf32>
    %add3A_567 = arith.constant 1.000000e+00 : f32
    %add3A_568 = vector.broadcast %add3A_567 : f32 to vector<16xf32>
    %add3A_569 = arith.addf %add3A_568, %mul3A_566 : vector<16xf32>
    %mul3A_570 = arith.mulf %mul3A_555, %add3A_569 : vector<16xf32>
    %mul3A_571 = arith.constant 0.693147182 : f32
    %mul3A_572 = vector.broadcast %mul3A_571 : f32 to vector<16xf32>
    %mul3A_573 = arith.mulf %convert_element_type3A_544, %mul3A_572 : vector<16xf32>
    %add3A_574 = arith.addf %mul3A_573, %mul3A_570 : vector<16xf32>
    %max3A_575 = arith.constant -1.000000e+02 : f32
    %max3A_576 = vector.broadcast %max3A_575 : f32 to vector<16xf32>
    %max3A_577 = arith.maximumf %add3A_574, %max3A_576 : vector<16xf32>
    %neg3A_578 = arith.constant 0.000000e+00 : f32
    %neg3A_579 = vector.broadcast %neg3A_578 : f32 to vector<16xf32>
    %neg3A_580 = arith.subf %neg3A_579, %max3A_577 : vector<16xf32>
    %get3A_581 = arith.constant 6 : i32
    %get3A_582 = arith.index_cast %get3A_581 : i32 to index
    %get3A_583 = arith.constant 0 : index
    %get3A_584 = tpu.vector_load %arg11[%get3A_582, %get3A_583] {strides = array<i32>} : memref<8x16xf32, #tpu.memory_space<vmem>>, vector<1x16xf32>,
    %get3A_585 = vector.shape_cast %get3A_584 : vector<1x16xf32> to vector<16xf32>
    %gt3A_586 = arith.constant 0 : i32
    %gt3A_587 = vector.broadcast %gt3A_586 : i32 to vector<16xi32>
    %gt3A_588 = arith.cmpi sgt, %select_n3A_503, %gt3A_587 : vector<16xi32>
    %jit3A_589 = arith.constant 0.000000e+00 : f32
    %broadcast_in_dim3A_590 = vector.broadcast %jit3A_589 : f32 to vector<16xf32>
    %select_n3A_591 = arith.select %gt3A_588, %neg3A_580, %broadcast_in_dim3A_590 : vector<16xi1>, vector<16xf32>
    %add3A_592 = arith.addf %get3A_585, %select_n3A_591 : vector<16xf32>
    %swap3A_593 = arith.constant 6 : i32
    %swap3A_594 = arith.index_cast %swap3A_593 : i32 to index
    %swap3A_595 = arith.constant 0 : index
    %swap3A_596 = tpu.vector_load %arg11[%swap3A_594, %swap3A_595] {strides = array<i32>} : memref<8x16xf32, #tpu.memory_space<vmem>>, vector<1x16xf32>,
    %swap3A_597 = vector.shape_cast %swap3A_596 : vector<1x16xf32> to vector<16xf32>
    %swap3A_598 = vector.shape_cast %add3A_592 : vector<16xf32> to vector<1x16xf32>
    tpu.vector_store %arg11[%swap3A_594, %swap3A_595], %swap3A_598 {strides = array<i32>} : memref<8x16xf32, #tpu.memory_space<vmem>>, vector<1x16xf32>,
    %get3A_599 = arith.constant 7 : i32
    %get3A_600 = arith.index_cast %get3A_599 : i32 to index
    %get3A_601 = arith.constant 0 : index
    %get3A_602 = tpu.vector_load %arg11[%get3A_600, %get3A_601] {strides = array<i32>} : memref<8x16xf32, #tpu.memory_space<vmem>>, vector<1x16xf32>,
    %get3A_603 = vector.shape_cast %get3A_602 : vector<1x16xf32> to vector<16xf32>
    %convert_element_type3A_604 = arith.sitofp %select_n3A_503 : vector<16xi32> to vector<16xf32>
    %add3A_605 = arith.addf %get3A_603, %convert_element_type3A_604 : vector<16xf32>
    %swap3A_606 = arith.constant 7 : i32
    %swap3A_607 = arith.index_cast %swap3A_606 : i32 to index
    %swap3A_608 = arith.constant 0 : index
    %swap3A_609 = tpu.vector_load %arg11[%swap3A_607, %swap3A_608] {strides = array<i32>} : memref<8x16xf32, #tpu.memory_space<vmem>>, vector<1x16xf32>,
    %swap3A_610 = vector.shape_cast %swap3A_609 : vector<1x16xf32> to vector<16xf32>
    %swap3A_611 = vector.shape_cast %add3A_605 : vector<16xf32> to vector<1x16xf32>
    tpu.vector_store %arg11[%swap3A_607, %swap3A_608], %swap3A_611 {strides = array<i32>} : memref<8x16xf32, #tpu.memory_space<vmem>>, vector<1x16xf32>,
    %ge3A_612 = arith.constant 8 : i32
    %ge3A_613 = arith.cmpi sge, %add3A, %ge3A_612 : i32
    %lt3A_614 = arith.constant 16 : i32
    %lt3A_615 = arith.cmpi slt, %add3A, %lt3A_614 : i32
    %and3A_616 = arith.andi %ge3A_613, %lt3A_615 : i1
    %convert_element_type3A_617 = arith.extui %and3A_616 : i1 to i32
    %cond3A_618 = arith.constant 0 : i32
    %cond3A_619 = arith.cmpi ne, %convert_element_type3A_617, %cond3A_618 : i32
    scf.if %cond3A_619 {
      %add3A_620 = arith.constant 24 : i32
      %add3A_621 = arith.addi %add3A, %add3A_620 : i32
      %mul3A_622 = arith.constant 16 : i32
      %mul3A_623 = arith.muli %mul3A_622, %add3A_621 : i32
      %get3A_624 = arith.index_cast %mul3A_623 : i32 to index
      %get3A_625 = tpu.vector_load %arg7[%get3A_624] {strides = array<i32>} : memref<640xi32, #tpu.memory_space<vmem>>, vector<16xi32>,
      %get3A_626 = vector.shape_cast %get3A_625 : vector<16xi32> to vector<16xi32>
      %dma_start3A_627 = arith.constant 0 : i32
      %dma_start3A_628 = tpu.memref_slice %arg3[%dma_start3A_627] : memref<1638400xf32, #tpu.memory_space<hbm>> -> memref<1638400xf32, #tpu.memory_space<hbm>>
      tpu.enqueue_indirect_dma source(%dma_start3A_628 : memref<1638400xf32, #tpu.memory_space<hbm>>) target(%arg10 : memref<16xf32, #tpu.memory_space<vmem>>) offsets(%get3A_626 : vector<16xi32>) semaphore(%arg12 : memref<!tpu.dma_semaphore, #tpu.memory_space<semaphore_mem>>)
      %get3A_629 = arith.index_cast %mul3A_623 : i32 to index
      %get3A_630 = tpu.vector_load %arg6[%get3A_629] {strides = array<i32>} : memref<640xi32, #tpu.memory_space<vmem>>, vector<16xi32>,
      %get3A_631 = vector.shape_cast %get3A_630 : vector<16xi32> to vector<16xi32>
      %and3A_632 = arith.constant 7 : i32
      %and3A_633 = arith.andi %add3A_621, %and3A_632 : i32
      %sub3A_634 = arith.subi %add3A_621, %and3A_633 : i32
      %broadcast_in_dim3A_635 = arith.constant 0 : i32
      %broadcast_in_dim3A_636 = vector.broadcast %broadcast_in_dim3A_635 : i32 to vector<16xi32>
      %while3A_637 = arith.subi %add3A_621, %sub3A_634 : i32
      %while3A_638 = arith.addi %sub3A_634, %while3A_637 : i32
      %while3A_639 = arith.constant 1 : i32
      %while3A_640 = arith.divsi %while3A_637, %while3A_639 : i32
      %while3A_641 = arith.muli %while3A_640, %while3A_639 : i32
      %while3A_642 = arith.addi %sub3A_634, %while3A_641 : i32
      %while3A_643 = arith.constant 1 : i32
      %while3A_644 = scf.for %while3A_1197 = %sub3A_634 to %while3A_642 step %while3A_643 iter_args(%while3A_1198 = %broadcast_in_dim3A_636) -> (vector<16xi32>)  : i32 {
        %mul3A_1199 = arith.constant 16 : i32
        %mul3A_1200 = arith.muli %mul3A_1199, %while3A_1197 : i32
        %get3A_1201 = arith.index_cast %mul3A_1200 : i32 to index
        %get3A_1202 = tpu.vector_load %arg6[%get3A_1201] {strides = array<i32>} : memref<640xi32, #tpu.memory_space<vmem>>, vector<16xi32>,
        %get3A_1203 = vector.shape_cast %get3A_1202 : vector<16xi32> to vector<16xi32>
        %broadcast_in_dim3A_1204 = arith.constant 0 : i32
        %broadcast_in_dim3A_1205 = vector.broadcast %broadcast_in_dim3A_1204 : i32 to vector<16xi32>
        %add3A_1206 = arith.constant 0 : i32
        %add3A_1207 = vector.broadcast %add3A_1206 : i32 to vector<16xi32>
        %add3A_1208 = arith.addi %iota3A, %add3A_1207 : vector<16xi32>
        %and3A_1209 = arith.constant 15 : i32
        %and3A_1210 = vector.broadcast %and3A_1209 : i32 to vector<16xi32>
        %and3A_1211 = arith.andi %add3A_1208, %and3A_1210 : vector<16xi32>
        %broadcast_in_dim3A_1212 = vector.shape_cast %and3A_1211 : vector<16xi32> to vector<16x1xi32>
        %gather3A_1213 = vector.shape_cast %broadcast_in_dim3A_1212 : vector<16x1xi32> to vector<16xi32>
        %gather3A_1214 = tpu.dynamic_gather %get3A_1203[%gather3A_1213] in [0] : vector<16xi32>, vector<16xi32> -> vector<16xi32>
        %eq3A_1215 = arith.cmpi eq, %get3A_631, %gather3A_1214 : vector<16xi32>
        %jit3A_1216 = arith.constant 1 : i32
        %jit3A_1217 = arith.constant 0 : i32
        %broadcast_in_dim3A_1218 = vector.broadcast %jit3A_1216 : i32 to vector<16xi32>
        %broadcast_in_dim3A_1219 = vector.broadcast %jit3A_1217 : i32 to vector<16xi32>
        %select_n3A_1220 = arith.select %eq3A_1215, %broadcast_in_dim3A_1218, %broadcast_in_dim3A_1219 : vector<16xi1>, vector<16xi32>
        %or3A_1221 = arith.ori %broadcast_in_dim3A_1205, %select_n3A_1220 : vector<16xi32>
        %add3A_1222 = arith.constant 1 : i32
        %add3A_1223 = vector.broadcast %add3A_1222 : i32 to vector<16xi32>
        %add3A_1224 = arith.addi %iota3A, %add3A_1223 : vector<16xi32>
        %and3A_1225 = arith.constant 15 : i32
        %and3A_1226 = vector.broadcast %and3A_1225 : i32 to vector<16xi32>
        %and3A_1227 = arith.andi %add3A_1224, %and3A_1226 : vector<16xi32>
        %broadcast_in_dim3A_1228 = vector.shape_cast %and3A_1227 : vector<16xi32> to vector<16x1xi32>
        %gather3A_1229 = vector.shape_cast %broadcast_in_dim3A_1228 : vector<16x1xi32> to vector<16xi32>
        %gather3A_1230 = tpu.dynamic_gather %get3A_1203[%gather3A_1229] in [0] : vector<16xi32>, vector<16xi32> -> vector<16xi32>
        %eq3A_1231 = arith.cmpi eq, %get3A_631, %gather3A_1230 : vector<16xi32>
        %jit3A_1232 = arith.constant 1 : i32
        %jit3A_1233 = arith.constant 0 : i32
        %broadcast_in_dim3A_1234 = vector.broadcast %jit3A_1232 : i32 to vector<16xi32>
        %broadcast_in_dim3A_1235 = vector.broadcast %jit3A_1233 : i32 to vector<16xi32>
        %select_n3A_1236 = arith.select %eq3A_1231, %broadcast_in_dim3A_1234, %broadcast_in_dim3A_1235 : vector<16xi1>, vector<16xi32>
        %or3A_1237 = arith.ori %or3A_1221, %select_n3A_1236 : vector<16xi32>
        %add3A_1238 = arith.constant 2 : i32
        %add3A_1239 = vector.broadcast %add3A_1238 : i32 to vector<16xi32>
        %add3A_1240 = arith.addi %iota3A, %add3A_1239 : vector<16xi32>
        %and3A_1241 = arith.constant 15 : i32
        %and3A_1242 = vector.broadcast %and3A_1241 : i32 to vector<16xi32>
        %and3A_1243 = arith.andi %add3A_1240, %and3A_1242 : vector<16xi32>
        %broadcast_in_dim3A_1244 = vector.shape_cast %and3A_1243 : vector<16xi32> to vector<16x1xi32>
        %gather3A_1245 = vector.shape_cast %broadcast_in_dim3A_1244 : vector<16x1xi32> to vector<16xi32>
        %gather3A_1246 = tpu.dynamic_gather %get3A_1203[%gather3A_1245] in [0] : vector<16xi32>, vector<16xi32> -> vector<16xi32>
        %eq3A_1247 = arith.cmpi eq, %get3A_631, %gather3A_1246 : vector<16xi32>
        %jit3A_1248 = arith.constant 1 : i32
        %jit3A_1249 = arith.constant 0 : i32
        %broadcast_in_dim3A_1250 = vector.broadcast %jit3A_1248 : i32 to vector<16xi32>
        %broadcast_in_dim3A_1251 = vector.broadcast %jit3A_1249 : i32 to vector<16xi32>
        %select_n3A_1252 = arith.select %eq3A_1247, %broadcast_in_dim3A_1250, %broadcast_in_dim3A_1251 : vector<16xi1>, vector<16xi32>
        %or3A_1253 = arith.ori %or3A_1237, %select_n3A_1252 : vector<16xi32>
        %add3A_1254 = arith.constant 3 : i32
        %add3A_1255 = vector.broadcast %add3A_1254 : i32 to vector<16xi32>
        %add3A_1256 = arith.addi %iota3A, %add3A_1255 : vector<16xi32>
        %and3A_1257 = arith.constant 15 : i32
        %and3A_1258 = vector.broadcast %and3A_1257 : i32 to vector<16xi32>
        %and3A_1259 = arith.andi %add3A_1256, %and3A_1258 : vector<16xi32>
        %broadcast_in_dim3A_1260 = vector.shape_cast %and3A_1259 : vector<16xi32> to vector<16x1xi32>
        %gather3A_1261 = vector.shape_cast %broadcast_in_dim3A_1260 : vector<16x1xi32> to vector<16xi32>
        %gather3A_1262 = tpu.dynamic_gather %get3A_1203[%gather3A_1261] in [0] : vector<16xi32>, vector<16xi32> -> vector<16xi32>
        %eq3A_1263 = arith.cmpi eq, %get3A_631, %gather3A_1262 : vector<16xi32>
        %jit3A_1264 = arith.constant 1 : i32
        %jit3A_1265 = arith.constant 0 : i32
        %broadcast_in_dim3A_1266 = vector.broadcast %jit3A_1264 : i32 to vector<16xi32>
        %broadcast_in_dim3A_1267 = vector.broadcast %jit3A_1265 : i32 to vector<16xi32>
        %select_n3A_1268 = arith.select %eq3A_1263, %broadcast_in_dim3A_1266, %broadcast_in_dim3A_1267 : vector<16xi1>, vector<16xi32>
        %or3A_1269 = arith.ori %or3A_1253, %select_n3A_1268 : vector<16xi32>
        %add3A_1270 = arith.constant 4 : i32
        %add3A_1271 = vector.broadcast %add3A_1270 : i32 to vector<16xi32>
        %add3A_1272 = arith.addi %iota3A, %add3A_1271 : vector<16xi32>
        %and3A_1273 = arith.constant 15 : i32
        %and3A_1274 = vector.broadcast %and3A_1273 : i32 to vector<16xi32>
        %and3A_1275 = arith.andi %add3A_1272, %and3A_1274 : vector<16xi32>
        %broadcast_in_dim3A_1276 = vector.shape_cast %and3A_1275 : vector<16xi32> to vector<16x1xi32>
        %gather3A_1277 = vector.shape_cast %broadcast_in_dim3A_1276 : vector<16x1xi32> to vector<16xi32>
        %gather3A_1278 = tpu.dynamic_gather %get3A_1203[%gather3A_1277] in [0] : vector<16xi32>, vector<16xi32> -> vector<16xi32>
        %eq3A_1279 = arith.cmpi eq, %get3A_631, %gather3A_1278 : vector<16xi32>
        %jit3A_1280 = arith.constant 1 : i32
        %jit3A_1281 = arith.constant 0 : i32
        %broadcast_in_dim3A_1282 = vector.broadcast %jit3A_1280 : i32 to vector<16xi32>
        %broadcast_in_dim3A_1283 = vector.broadcast %jit3A_1281 : i32 to vector<16xi32>
        %select_n3A_1284 = arith.select %eq3A_1279, %broadcast_in_dim3A_1282, %broadcast_in_dim3A_1283 : vector<16xi1>, vector<16xi32>
        %or3A_1285 = arith.ori %or3A_1269, %select_n3A_1284 : vector<16xi32>
        %add3A_1286 = arith.constant 5 : i32
        %add3A_1287 = vector.broadcast %add3A_1286 : i32 to vector<16xi32>
        %add3A_1288 = arith.addi %iota3A, %add3A_1287 : vector<16xi32>
        %and3A_1289 = arith.constant 15 : i32
        %and3A_1290 = vector.broadcast %and3A_1289 : i32 to vector<16xi32>
        %and3A_1291 = arith.andi %add3A_1288, %and3A_1290 : vector<16xi32>
        %broadcast_in_dim3A_1292 = vector.shape_cast %and3A_1291 : vector<16xi32> to vector<16x1xi32>
        %gather3A_1293 = vector.shape_cast %broadcast_in_dim3A_1292 : vector<16x1xi32> to vector<16xi32>
        %gather3A_1294 = tpu.dynamic_gather %get3A_1203[%gather3A_1293] in [0] : vector<16xi32>, vector<16xi32> -> vector<16xi32>
        %eq3A_1295 = arith.cmpi eq, %get3A_631, %gather3A_1294 : vector<16xi32>
        %jit3A_1296 = arith.constant 1 : i32
        %jit3A_1297 = arith.constant 0 : i32
        %broadcast_in_dim3A_1298 = vector.broadcast %jit3A_1296 : i32 to vector<16xi32>
        %broadcast_in_dim3A_1299 = vector.broadcast %jit3A_1297 : i32 to vector<16xi32>
        %select_n3A_1300 = arith.select %eq3A_1295, %broadcast_in_dim3A_1298, %broadcast_in_dim3A_1299 : vector<16xi1>, vector<16xi32>
        %or3A_1301 = arith.ori %or3A_1285, %select_n3A_1300 : vector<16xi32>
        %add3A_1302 = arith.constant 6 : i32
        %add3A_1303 = vector.broadcast %add3A_1302 : i32 to vector<16xi32>
        %add3A_1304 = arith.addi %iota3A, %add3A_1303 : vector<16xi32>
        %and3A_1305 = arith.constant 15 : i32
        %and3A_1306 = vector.broadcast %and3A_1305 : i32 to vector<16xi32>
        %and3A_1307 = arith.andi %add3A_1304, %and3A_1306 : vector<16xi32>
        %broadcast_in_dim3A_1308 = vector.shape_cast %and3A_1307 : vector<16xi32> to vector<16x1xi32>
        %gather3A_1309 = vector.shape_cast %broadcast_in_dim3A_1308 : vector<16x1xi32> to vector<16xi32>
        %gather3A_1310 = tpu.dynamic_gather %get3A_1203[%gather3A_1309] in [0] : vector<16xi32>, vector<16xi32> -> vector<16xi32>
        %eq3A_1311 = arith.cmpi eq, %get3A_631, %gather3A_1310 : vector<16xi32>
        %jit3A_1312 = arith.constant 1 : i32
        %jit3A_1313 = arith.constant 0 : i32
        %broadcast_in_dim3A_1314 = vector.broadcast %jit3A_1312 : i32 to vector<16xi32>
        %broadcast_in_dim3A_1315 = vector.broadcast %jit3A_1313 : i32 to vector<16xi32>
        %select_n3A_1316 = arith.select %eq3A_1311, %broadcast_in_dim3A_1314, %broadcast_in_dim3A_1315 : vector<16xi1>, vector<16xi32>
        %or3A_1317 = arith.ori %or3A_1301, %select_n3A_1316 : vector<16xi32>
        %add3A_1318 = arith.constant 7 : i32
        %add3A_1319 = vector.broadcast %add3A_1318 : i32 to vector<16xi32>
        %add3A_1320 = arith.addi %iota3A, %add3A_1319 : vector<16xi32>
        %and3A_1321 = arith.constant 15 : i32
        %and3A_1322 = vector.broadcast %and3A_1321 : i32 to vector<16xi32>
        %and3A_1323 = arith.andi %add3A_1320, %and3A_1322 : vector<16xi32>
        %broadcast_in_dim3A_1324 = vector.shape_cast %and3A_1323 : vector<16xi32> to vector<16x1xi32>
        %gather3A_1325 = vector.shape_cast %broadcast_in_dim3A_1324 : vector<16x1xi32> to vector<16xi32>
        %gather3A_1326 = tpu.dynamic_gather %get3A_1203[%gather3A_1325] in [0] : vector<16xi32>, vector<16xi32> -> vector<16xi32>
        %eq3A_1327 = arith.cmpi eq, %get3A_631, %gather3A_1326 : vector<16xi32>
        %jit3A_1328 = arith.constant 1 : i32
        %jit3A_1329 = arith.constant 0 : i32
        %broadcast_in_dim3A_1330 = vector.broadcast %jit3A_1328 : i32 to vector<16xi32>
        %broadcast_in_dim3A_1331 = vector.broadcast %jit3A_1329 : i32 to vector<16xi32>
        %select_n3A_1332 = arith.select %eq3A_1327, %broadcast_in_dim3A_1330, %broadcast_in_dim3A_1331 : vector<16xi1>, vector<16xi32>
        %or3A_1333 = arith.ori %or3A_1317, %select_n3A_1332 : vector<16xi32>
        %add3A_1334 = arith.constant 8 : i32
        %add3A_1335 = vector.broadcast %add3A_1334 : i32 to vector<16xi32>
        %add3A_1336 = arith.addi %iota3A, %add3A_1335 : vector<16xi32>
        %and3A_1337 = arith.constant 15 : i32
        %and3A_1338 = vector.broadcast %and3A_1337 : i32 to vector<16xi32>
        %and3A_1339 = arith.andi %add3A_1336, %and3A_1338 : vector<16xi32>
        %broadcast_in_dim3A_1340 = vector.shape_cast %and3A_1339 : vector<16xi32> to vector<16x1xi32>
        %gather3A_1341 = vector.shape_cast %broadcast_in_dim3A_1340 : vector<16x1xi32> to vector<16xi32>
        %gather3A_1342 = tpu.dynamic_gather %get3A_1203[%gather3A_1341] in [0] : vector<16xi32>, vector<16xi32> -> vector<16xi32>
        %eq3A_1343 = arith.cmpi eq, %get3A_631, %gather3A_1342 : vector<16xi32>
        %jit3A_1344 = arith.constant 1 : i32
        %jit3A_1345 = arith.constant 0 : i32
        %broadcast_in_dim3A_1346 = vector.broadcast %jit3A_1344 : i32 to vector<16xi32>
        %broadcast_in_dim3A_1347 = vector.broadcast %jit3A_1345 : i32 to vector<16xi32>
        %select_n3A_1348 = arith.select %eq3A_1343, %broadcast_in_dim3A_1346, %broadcast_in_dim3A_1347 : vector<16xi1>, vector<16xi32>
        %or3A_1349 = arith.ori %or3A_1333, %select_n3A_1348 : vector<16xi32>
        %add3A_1350 = arith.constant 9 : i32
        %add3A_1351 = vector.broadcast %add3A_1350 : i32 to vector<16xi32>
        %add3A_1352 = arith.addi %iota3A, %add3A_1351 : vector<16xi32>
        %and3A_1353 = arith.constant 15 : i32
        %and3A_1354 = vector.broadcast %and3A_1353 : i32 to vector<16xi32>
        %and3A_1355 = arith.andi %add3A_1352, %and3A_1354 : vector<16xi32>
        %broadcast_in_dim3A_1356 = vector.shape_cast %and3A_1355 : vector<16xi32> to vector<16x1xi32>
        %gather3A_1357 = vector.shape_cast %broadcast_in_dim3A_1356 : vector<16x1xi32> to vector<16xi32>
        %gather3A_1358 = tpu.dynamic_gather %get3A_1203[%gather3A_1357] in [0] : vector<16xi32>, vector<16xi32> -> vector<16xi32>
        %eq3A_1359 = arith.cmpi eq, %get3A_631, %gather3A_1358 : vector<16xi32>
        %jit3A_1360 = arith.constant 1 : i32
        %jit3A_1361 = arith.constant 0 : i32
        %broadcast_in_dim3A_1362 = vector.broadcast %jit3A_1360 : i32 to vector<16xi32>
        %broadcast_in_dim3A_1363 = vector.broadcast %jit3A_1361 : i32 to vector<16xi32>
        %select_n3A_1364 = arith.select %eq3A_1359, %broadcast_in_dim3A_1362, %broadcast_in_dim3A_1363 : vector<16xi1>, vector<16xi32>
        %or3A_1365 = arith.ori %or3A_1349, %select_n3A_1364 : vector<16xi32>
        %add3A_1366 = arith.constant 10 : i32
        %add3A_1367 = vector.broadcast %add3A_1366 : i32 to vector<16xi32>
        %add3A_1368 = arith.addi %iota3A, %add3A_1367 : vector<16xi32>
        %and3A_1369 = arith.constant 15 : i32
        %and3A_1370 = vector.broadcast %and3A_1369 : i32 to vector<16xi32>
        %and3A_1371 = arith.andi %add3A_1368, %and3A_1370 : vector<16xi32>
        %broadcast_in_dim3A_1372 = vector.shape_cast %and3A_1371 : vector<16xi32> to vector<16x1xi32>
        %gather3A_1373 = vector.shape_cast %broadcast_in_dim3A_1372 : vector<16x1xi32> to vector<16xi32>
        %gather3A_1374 = tpu.dynamic_gather %get3A_1203[%gather3A_1373] in [0] : vector<16xi32>, vector<16xi32> -> vector<16xi32>
        %eq3A_1375 = arith.cmpi eq, %get3A_631, %gather3A_1374 : vector<16xi32>
        %jit3A_1376 = arith.constant 1 : i32
        %jit3A_1377 = arith.constant 0 : i32
        %broadcast_in_dim3A_1378 = vector.broadcast %jit3A_1376 : i32 to vector<16xi32>
        %broadcast_in_dim3A_1379 = vector.broadcast %jit3A_1377 : i32 to vector<16xi32>
        %select_n3A_1380 = arith.select %eq3A_1375, %broadcast_in_dim3A_1378, %broadcast_in_dim3A_1379 : vector<16xi1>, vector<16xi32>
        %or3A_1381 = arith.ori %or3A_1365, %select_n3A_1380 : vector<16xi32>
        %add3A_1382 = arith.constant 11 : i32
        %add3A_1383 = vector.broadcast %add3A_1382 : i32 to vector<16xi32>
        %add3A_1384 = arith.addi %iota3A, %add3A_1383 : vector<16xi32>
        %and3A_1385 = arith.constant 15 : i32
        %and3A_1386 = vector.broadcast %and3A_1385 : i32 to vector<16xi32>
        %and3A_1387 = arith.andi %add3A_1384, %and3A_1386 : vector<16xi32>
        %broadcast_in_dim3A_1388 = vector.shape_cast %and3A_1387 : vector<16xi32> to vector<16x1xi32>
        %gather3A_1389 = vector.shape_cast %broadcast_in_dim3A_1388 : vector<16x1xi32> to vector<16xi32>
        %gather3A_1390 = tpu.dynamic_gather %get3A_1203[%gather3A_1389] in [0] : vector<16xi32>, vector<16xi32> -> vector<16xi32>
        %eq3A_1391 = arith.cmpi eq, %get3A_631, %gather3A_1390 : vector<16xi32>
        %jit3A_1392 = arith.constant 1 : i32
        %jit3A_1393 = arith.constant 0 : i32
        %broadcast_in_dim3A_1394 = vector.broadcast %jit3A_1392 : i32 to vector<16xi32>
        %broadcast_in_dim3A_1395 = vector.broadcast %jit3A_1393 : i32 to vector<16xi32>
        %select_n3A_1396 = arith.select %eq3A_1391, %broadcast_in_dim3A_1394, %broadcast_in_dim3A_1395 : vector<16xi1>, vector<16xi32>
        %or3A_1397 = arith.ori %or3A_1381, %select_n3A_1396 : vector<16xi32>
        %add3A_1398 = arith.constant 12 : i32
        %add3A_1399 = vector.broadcast %add3A_1398 : i32 to vector<16xi32>
        %add3A_1400 = arith.addi %iota3A, %add3A_1399 : vector<16xi32>
        %and3A_1401 = arith.constant 15 : i32
        %and3A_1402 = vector.broadcast %and3A_1401 : i32 to vector<16xi32>
        %and3A_1403 = arith.andi %add3A_1400, %and3A_1402 : vector<16xi32>
        %broadcast_in_dim3A_1404 = vector.shape_cast %and3A_1403 : vector<16xi32> to vector<16x1xi32>
        %gather3A_1405 = vector.shape_cast %broadcast_in_dim3A_1404 : vector<16x1xi32> to vector<16xi32>
        %gather3A_1406 = tpu.dynamic_gather %get3A_1203[%gather3A_1405] in [0] : vector<16xi32>, vector<16xi32> -> vector<16xi32>
        %eq3A_1407 = arith.cmpi eq, %get3A_631, %gather3A_1406 : vector<16xi32>
        %jit3A_1408 = arith.constant 1 : i32
        %jit3A_1409 = arith.constant 0 : i32
        %broadcast_in_dim3A_1410 = vector.broadcast %jit3A_1408 : i32 to vector<16xi32>
        %broadcast_in_dim3A_1411 = vector.broadcast %jit3A_1409 : i32 to vector<16xi32>
        %select_n3A_1412 = arith.select %eq3A_1407, %broadcast_in_dim3A_1410, %broadcast_in_dim3A_1411 : vector<16xi1>, vector<16xi32>
        %or3A_1413 = arith.ori %or3A_1397, %select_n3A_1412 : vector<16xi32>
        %add3A_1414 = arith.constant 13 : i32
        %add3A_1415 = vector.broadcast %add3A_1414 : i32 to vector<16xi32>
        %add3A_1416 = arith.addi %iota3A, %add3A_1415 : vector<16xi32>
        %and3A_1417 = arith.constant 15 : i32
        %and3A_1418 = vector.broadcast %and3A_1417 : i32 to vector<16xi32>
        %and3A_1419 = arith.andi %add3A_1416, %and3A_1418 : vector<16xi32>
        %broadcast_in_dim3A_1420 = vector.shape_cast %and3A_1419 : vector<16xi32> to vector<16x1xi32>
        %gather3A_1421 = vector.shape_cast %broadcast_in_dim3A_1420 : vector<16x1xi32> to vector<16xi32>
        %gather3A_1422 = tpu.dynamic_gather %get3A_1203[%gather3A_1421] in [0] : vector<16xi32>, vector<16xi32> -> vector<16xi32>
        %eq3A_1423 = arith.cmpi eq, %get3A_631, %gather3A_1422 : vector<16xi32>
        %jit3A_1424 = arith.constant 1 : i32
        %jit3A_1425 = arith.constant 0 : i32
        %broadcast_in_dim3A_1426 = vector.broadcast %jit3A_1424 : i32 to vector<16xi32>
        %broadcast_in_dim3A_1427 = vector.broadcast %jit3A_1425 : i32 to vector<16xi32>
        %select_n3A_1428 = arith.select %eq3A_1423, %broadcast_in_dim3A_1426, %broadcast_in_dim3A_1427 : vector<16xi1>, vector<16xi32>
        %or3A_1429 = arith.ori %or3A_1413, %select_n3A_1428 : vector<16xi32>
        %add3A_1430 = arith.constant 14 : i32
        %add3A_1431 = vector.broadcast %add3A_1430 : i32 to vector<16xi32>
        %add3A_1432 = arith.addi %iota3A, %add3A_1431 : vector<16xi32>
        %and3A_1433 = arith.constant 15 : i32
        %and3A_1434 = vector.broadcast %and3A_1433 : i32 to vector<16xi32>
        %and3A_1435 = arith.andi %add3A_1432, %and3A_1434 : vector<16xi32>
        %broadcast_in_dim3A_1436 = vector.shape_cast %and3A_1435 : vector<16xi32> to vector<16x1xi32>
        %gather3A_1437 = vector.shape_cast %broadcast_in_dim3A_1436 : vector<16x1xi32> to vector<16xi32>
        %gather3A_1438 = tpu.dynamic_gather %get3A_1203[%gather3A_1437] in [0] : vector<16xi32>, vector<16xi32> -> vector<16xi32>
        %eq3A_1439 = arith.cmpi eq, %get3A_631, %gather3A_1438 : vector<16xi32>
        %jit3A_1440 = arith.constant 1 : i32
        %jit3A_1441 = arith.constant 0 : i32
        %broadcast_in_dim3A_1442 = vector.broadcast %jit3A_1440 : i32 to vector<16xi32>
        %broadcast_in_dim3A_1443 = vector.broadcast %jit3A_1441 : i32 to vector<16xi32>
        %select_n3A_1444 = arith.select %eq3A_1439, %broadcast_in_dim3A_1442, %broadcast_in_dim3A_1443 : vector<16xi1>, vector<16xi32>
        %or3A_1445 = arith.ori %or3A_1429, %select_n3A_1444 : vector<16xi32>
        %add3A_1446 = arith.constant 15 : i32
        %add3A_1447 = vector.broadcast %add3A_1446 : i32 to vector<16xi32>
        %add3A_1448 = arith.addi %iota3A, %add3A_1447 : vector<16xi32>
        %and3A_1449 = arith.constant 15 : i32
        %and3A_1450 = vector.broadcast %and3A_1449 : i32 to vector<16xi32>
        %and3A_1451 = arith.andi %add3A_1448, %and3A_1450 : vector<16xi32>
        %broadcast_in_dim3A_1452 = vector.shape_cast %and3A_1451 : vector<16xi32> to vector<16x1xi32>
        %gather3A_1453 = vector.shape_cast %broadcast_in_dim3A_1452 : vector<16x1xi32> to vector<16xi32>
        %gather3A_1454 = tpu.dynamic_gather %get3A_1203[%gather3A_1453] in [0] : vector<16xi32>, vector<16xi32> -> vector<16xi32>
        %eq3A_1455 = arith.cmpi eq, %get3A_631, %gather3A_1454 : vector<16xi32>
        %jit3A_1456 = arith.constant 1 : i32
        %jit3A_1457 = arith.constant 0 : i32
        %broadcast_in_dim3A_1458 = vector.broadcast %jit3A_1456 : i32 to vector<16xi32>
        %broadcast_in_dim3A_1459 = vector.broadcast %jit3A_1457 : i32 to vector<16xi32>
        %select_n3A_1460 = arith.select %eq3A_1455, %broadcast_in_dim3A_1458, %broadcast_in_dim3A_1459 : vector<16xi1>, vector<16xi32>
        %or3A_1461 = arith.ori %or3A_1445, %select_n3A_1460 : vector<16xi32>
        %or3A_1462 = arith.ori %while3A_1198, %or3A_1461 : vector<16xi32>
        scf.yield %or3A_1462 : vector<16xi32>
      }
      %while3A_645 = arith.constant 1 : i32
      %while3A_646 = scf.for %while3A_1197 = %while3A_642 to %while3A_638 step %while3A_645 iter_args(%while3A_1198 = %while3A_644) -> (vector<16xi32>)  : i32 {
        %mul3A_1199 = arith.constant 16 : i32
        %mul3A_1200 = arith.muli %mul3A_1199, %while3A_1197 : i32
        %get3A_1201 = arith.index_cast %mul3A_1200 : i32 to index
        %get3A_1202 = tpu.vector_load %arg6[%get3A_1201] {strides = array<i32>} : memref<640xi32, #tpu.memory_space<vmem>>, vector<16xi32>,
        %get3A_1203 = vector.shape_cast %get3A_1202 : vector<16xi32> to vector<16xi32>
        %broadcast_in_dim3A_1204 = arith.constant 0 : i32
        %broadcast_in_dim3A_1205 = vector.broadcast %broadcast_in_dim3A_1204 : i32 to vector<16xi32>
        %add3A_1206 = arith.constant 0 : i32
        %add3A_1207 = vector.broadcast %add3A_1206 : i32 to vector<16xi32>
        %add3A_1208 = arith.addi %iota3A, %add3A_1207 : vector<16xi32>
        %and3A_1209 = arith.constant 15 : i32
        %and3A_1210 = vector.broadcast %and3A_1209 : i32 to vector<16xi32>
        %and3A_1211 = arith.andi %add3A_1208, %and3A_1210 : vector<16xi32>
        %broadcast_in_dim3A_1212 = vector.shape_cast %and3A_1211 : vector<16xi32> to vector<16x1xi32>
        %gather3A_1213 = vector.shape_cast %broadcast_in_dim3A_1212 : vector<16x1xi32> to vector<16xi32>
        %gather3A_1214 = tpu.dynamic_gather %get3A_1203[%gather3A_1213] in [0] : vector<16xi32>, vector<16xi32> -> vector<16xi32>
        %eq3A_1215 = arith.cmpi eq, %get3A_631, %gather3A_1214 : vector<16xi32>
        %jit3A_1216 = arith.constant 1 : i32
        %jit3A_1217 = arith.constant 0 : i32
        %broadcast_in_dim3A_1218 = vector.broadcast %jit3A_1216 : i32 to vector<16xi32>
        %broadcast_in_dim3A_1219 = vector.broadcast %jit3A_1217 : i32 to vector<16xi32>
        %select_n3A_1220 = arith.select %eq3A_1215, %broadcast_in_dim3A_1218, %broadcast_in_dim3A_1219 : vector<16xi1>, vector<16xi32>
        %or3A_1221 = arith.ori %broadcast_in_dim3A_1205, %select_n3A_1220 : vector<16xi32>
        %add3A_1222 = arith.constant 1 : i32
        %add3A_1223 = vector.broadcast %add3A_1222 : i32 to vector<16xi32>
        %add3A_1224 = arith.addi %iota3A, %add3A_1223 : vector<16xi32>
        %and3A_1225 = arith.constant 15 : i32
        %and3A_1226 = vector.broadcast %and3A_1225 : i32 to vector<16xi32>
        %and3A_1227 = arith.andi %add3A_1224, %and3A_1226 : vector<16xi32>
        %broadcast_in_dim3A_1228 = vector.shape_cast %and3A_1227 : vector<16xi32> to vector<16x1xi32>
        %gather3A_1229 = vector.shape_cast %broadcast_in_dim3A_1228 : vector<16x1xi32> to vector<16xi32>
        %gather3A_1230 = tpu.dynamic_gather %get3A_1203[%gather3A_1229] in [0] : vector<16xi32>, vector<16xi32> -> vector<16xi32>
        %eq3A_1231 = arith.cmpi eq, %get3A_631, %gather3A_1230 : vector<16xi32>
        %jit3A_1232 = arith.constant 1 : i32
        %jit3A_1233 = arith.constant 0 : i32
        %broadcast_in_dim3A_1234 = vector.broadcast %jit3A_1232 : i32 to vector<16xi32>
        %broadcast_in_dim3A_1235 = vector.broadcast %jit3A_1233 : i32 to vector<16xi32>
        %select_n3A_1236 = arith.select %eq3A_1231, %broadcast_in_dim3A_1234, %broadcast_in_dim3A_1235 : vector<16xi1>, vector<16xi32>
        %or3A_1237 = arith.ori %or3A_1221, %select_n3A_1236 : vector<16xi32>
        %add3A_1238 = arith.constant 2 : i32
        %add3A_1239 = vector.broadcast %add3A_1238 : i32 to vector<16xi32>
        %add3A_1240 = arith.addi %iota3A, %add3A_1239 : vector<16xi32>
        %and3A_1241 = arith.constant 15 : i32
        %and3A_1242 = vector.broadcast %and3A_1241 : i32 to vector<16xi32>
        %and3A_1243 = arith.andi %add3A_1240, %and3A_1242 : vector<16xi32>
        %broadcast_in_dim3A_1244 = vector.shape_cast %and3A_1243 : vector<16xi32> to vector<16x1xi32>
        %gather3A_1245 = vector.shape_cast %broadcast_in_dim3A_1244 : vector<16x1xi32> to vector<16xi32>
        %gather3A_1246 = tpu.dynamic_gather %get3A_1203[%gather3A_1245] in [0] : vector<16xi32>, vector<16xi32> -> vector<16xi32>
        %eq3A_1247 = arith.cmpi eq, %get3A_631, %gather3A_1246 : vector<16xi32>
        %jit3A_1248 = arith.constant 1 : i32
        %jit3A_1249 = arith.constant 0 : i32
        %broadcast_in_dim3A_1250 = vector.broadcast %jit3A_1248 : i32 to vector<16xi32>
        %broadcast_in_dim3A_1251 = vector.broadcast %jit3A_1249 : i32 to vector<16xi32>
        %select_n3A_1252 = arith.select %eq3A_1247, %broadcast_in_dim3A_1250, %broadcast_in_dim3A_1251 : vector<16xi1>, vector<16xi32>
        %or3A_1253 = arith.ori %or3A_1237, %select_n3A_1252 : vector<16xi32>
        %add3A_1254 = arith.constant 3 : i32
        %add3A_1255 = vector.broadcast %add3A_1254 : i32 to vector<16xi32>
        %add3A_1256 = arith.addi %iota3A, %add3A_1255 : vector<16xi32>
        %and3A_1257 = arith.constant 15 : i32
        %and3A_1258 = vector.broadcast %and3A_1257 : i32 to vector<16xi32>
        %and3A_1259 = arith.andi %add3A_1256, %and3A_1258 : vector<16xi32>
        %broadcast_in_dim3A_1260 = vector.shape_cast %and3A_1259 : vector<16xi32> to vector<16x1xi32>
        %gather3A_1261 = vector.shape_cast %broadcast_in_dim3A_1260 : vector<16x1xi32> to vector<16xi32>
        %gather3A_1262 = tpu.dynamic_gather %get3A_1203[%gather3A_1261] in [0] : vector<16xi32>, vector<16xi32> -> vector<16xi32>
        %eq3A_1263 = arith.cmpi eq, %get3A_631, %gather3A_1262 : vector<16xi32>
        %jit3A_1264 = arith.constant 1 : i32
        %jit3A_1265 = arith.constant 0 : i32
        %broadcast_in_dim3A_1266 = vector.broadcast %jit3A_1264 : i32 to vector<16xi32>
        %broadcast_in_dim3A_1267 = vector.broadcast %jit3A_1265 : i32 to vector<16xi32>
        %select_n3A_1268 = arith.select %eq3A_1263, %broadcast_in_dim3A_1266, %broadcast_in_dim3A_1267 : vector<16xi1>, vector<16xi32>
        %or3A_1269 = arith.ori %or3A_1253, %select_n3A_1268 : vector<16xi32>
        %add3A_1270 = arith.constant 4 : i32
        %add3A_1271 = vector.broadcast %add3A_1270 : i32 to vector<16xi32>
        %add3A_1272 = arith.addi %iota3A, %add3A_1271 : vector<16xi32>
        %and3A_1273 = arith.constant 15 : i32
        %and3A_1274 = vector.broadcast %and3A_1273 : i32 to vector<16xi32>
        %and3A_1275 = arith.andi %add3A_1272, %and3A_1274 : vector<16xi32>
        %broadcast_in_dim3A_1276 = vector.shape_cast %and3A_1275 : vector<16xi32> to vector<16x1xi32>
        %gather3A_1277 = vector.shape_cast %broadcast_in_dim3A_1276 : vector<16x1xi32> to vector<16xi32>
        %gather3A_1278 = tpu.dynamic_gather %get3A_1203[%gather3A_1277] in [0] : vector<16xi32>, vector<16xi32> -> vector<16xi32>
        %eq3A_1279 = arith.cmpi eq, %get3A_631, %gather3A_1278 : vector<16xi32>
        %jit3A_1280 = arith.constant 1 : i32
        %jit3A_1281 = arith.constant 0 : i32
        %broadcast_in_dim3A_1282 = vector.broadcast %jit3A_1280 : i32 to vector<16xi32>
        %broadcast_in_dim3A_1283 = vector.broadcast %jit3A_1281 : i32 to vector<16xi32>
        %select_n3A_1284 = arith.select %eq3A_1279, %broadcast_in_dim3A_1282, %broadcast_in_dim3A_1283 : vector<16xi1>, vector<16xi32>
        %or3A_1285 = arith.ori %or3A_1269, %select_n3A_1284 : vector<16xi32>
        %add3A_1286 = arith.constant 5 : i32
        %add3A_1287 = vector.broadcast %add3A_1286 : i32 to vector<16xi32>
        %add3A_1288 = arith.addi %iota3A, %add3A_1287 : vector<16xi32>
        %and3A_1289 = arith.constant 15 : i32
        %and3A_1290 = vector.broadcast %and3A_1289 : i32 to vector<16xi32>
        %and3A_1291 = arith.andi %add3A_1288, %and3A_1290 : vector<16xi32>
        %broadcast_in_dim3A_1292 = vector.shape_cast %and3A_1291 : vector<16xi32> to vector<16x1xi32>
        %gather3A_1293 = vector.shape_cast %broadcast_in_dim3A_1292 : vector<16x1xi32> to vector<16xi32>
        %gather3A_1294 = tpu.dynamic_gather %get3A_1203[%gather3A_1293] in [0] : vector<16xi32>, vector<16xi32> -> vector<16xi32>
        %eq3A_1295 = arith.cmpi eq, %get3A_631, %gather3A_1294 : vector<16xi32>
        %jit3A_1296 = arith.constant 1 : i32
        %jit3A_1297 = arith.constant 0 : i32
        %broadcast_in_dim3A_1298 = vector.broadcast %jit3A_1296 : i32 to vector<16xi32>
        %broadcast_in_dim3A_1299 = vector.broadcast %jit3A_1297 : i32 to vector<16xi32>
        %select_n3A_1300 = arith.select %eq3A_1295, %broadcast_in_dim3A_1298, %broadcast_in_dim3A_1299 : vector<16xi1>, vector<16xi32>
        %or3A_1301 = arith.ori %or3A_1285, %select_n3A_1300 : vector<16xi32>
        %add3A_1302 = arith.constant 6 : i32
        %add3A_1303 = vector.broadcast %add3A_1302 : i32 to vector<16xi32>
        %add3A_1304 = arith.addi %iota3A, %add3A_1303 : vector<16xi32>
        %and3A_1305 = arith.constant 15 : i32
        %and3A_1306 = vector.broadcast %and3A_1305 : i32 to vector<16xi32>
        %and3A_1307 = arith.andi %add3A_1304, %and3A_1306 : vector<16xi32>
        %broadcast_in_dim3A_1308 = vector.shape_cast %and3A_1307 : vector<16xi32> to vector<16x1xi32>
        %gather3A_1309 = vector.shape_cast %broadcast_in_dim3A_1308 : vector<16x1xi32> to vector<16xi32>
        %gather3A_1310 = tpu.dynamic_gather %get3A_1203[%gather3A_1309] in [0] : vector<16xi32>, vector<16xi32> -> vector<16xi32>
        %eq3A_1311 = arith.cmpi eq, %get3A_631, %gather3A_1310 : vector<16xi32>
        %jit3A_1312 = arith.constant 1 : i32
        %jit3A_1313 = arith.constant 0 : i32
        %broadcast_in_dim3A_1314 = vector.broadcast %jit3A_1312 : i32 to vector<16xi32>
        %broadcast_in_dim3A_1315 = vector.broadcast %jit3A_1313 : i32 to vector<16xi32>
        %select_n3A_1316 = arith.select %eq3A_1311, %broadcast_in_dim3A_1314, %broadcast_in_dim3A_1315 : vector<16xi1>, vector<16xi32>
        %or3A_1317 = arith.ori %or3A_1301, %select_n3A_1316 : vector<16xi32>
        %add3A_1318 = arith.constant 7 : i32
        %add3A_1319 = vector.broadcast %add3A_1318 : i32 to vector<16xi32>
        %add3A_1320 = arith.addi %iota3A, %add3A_1319 : vector<16xi32>
        %and3A_1321 = arith.constant 15 : i32
        %and3A_1322 = vector.broadcast %and3A_1321 : i32 to vector<16xi32>
        %and3A_1323 = arith.andi %add3A_1320, %and3A_1322 : vector<16xi32>
        %broadcast_in_dim3A_1324 = vector.shape_cast %and3A_1323 : vector<16xi32> to vector<16x1xi32>
        %gather3A_1325 = vector.shape_cast %broadcast_in_dim3A_1324 : vector<16x1xi32> to vector<16xi32>
        %gather3A_1326 = tpu.dynamic_gather %get3A_1203[%gather3A_1325] in [0] : vector<16xi32>, vector<16xi32> -> vector<16xi32>
        %eq3A_1327 = arith.cmpi eq, %get3A_631, %gather3A_1326 : vector<16xi32>
        %jit3A_1328 = arith.constant 1 : i32
        %jit3A_1329 = arith.constant 0 : i32
        %broadcast_in_dim3A_1330 = vector.broadcast %jit3A_1328 : i32 to vector<16xi32>
        %broadcast_in_dim3A_1331 = vector.broadcast %jit3A_1329 : i32 to vector<16xi32>
        %select_n3A_1332 = arith.select %eq3A_1327, %broadcast_in_dim3A_1330, %broadcast_in_dim3A_1331 : vector<16xi1>, vector<16xi32>
        %or3A_1333 = arith.ori %or3A_1317, %select_n3A_1332 : vector<16xi32>
        %add3A_1334 = arith.constant 8 : i32
        %add3A_1335 = vector.broadcast %add3A_1334 : i32 to vector<16xi32>
        %add3A_1336 = arith.addi %iota3A, %add3A_1335 : vector<16xi32>
        %and3A_1337 = arith.constant 15 : i32
        %and3A_1338 = vector.broadcast %and3A_1337 : i32 to vector<16xi32>
        %and3A_1339 = arith.andi %add3A_1336, %and3A_1338 : vector<16xi32>
        %broadcast_in_dim3A_1340 = vector.shape_cast %and3A_1339 : vector<16xi32> to vector<16x1xi32>
        %gather3A_1341 = vector.shape_cast %broadcast_in_dim3A_1340 : vector<16x1xi32> to vector<16xi32>
        %gather3A_1342 = tpu.dynamic_gather %get3A_1203[%gather3A_1341] in [0] : vector<16xi32>, vector<16xi32> -> vector<16xi32>
        %eq3A_1343 = arith.cmpi eq, %get3A_631, %gather3A_1342 : vector<16xi32>
        %jit3A_1344 = arith.constant 1 : i32
        %jit3A_1345 = arith.constant 0 : i32
        %broadcast_in_dim3A_1346 = vector.broadcast %jit3A_1344 : i32 to vector<16xi32>
        %broadcast_in_dim3A_1347 = vector.broadcast %jit3A_1345 : i32 to vector<16xi32>
        %select_n3A_1348 = arith.select %eq3A_1343, %broadcast_in_dim3A_1346, %broadcast_in_dim3A_1347 : vector<16xi1>, vector<16xi32>
        %or3A_1349 = arith.ori %or3A_1333, %select_n3A_1348 : vector<16xi32>
        %add3A_1350 = arith.constant 9 : i32
        %add3A_1351 = vector.broadcast %add3A_1350 : i32 to vector<16xi32>
        %add3A_1352 = arith.addi %iota3A, %add3A_1351 : vector<16xi32>
        %and3A_1353 = arith.constant 15 : i32
        %and3A_1354 = vector.broadcast %and3A_1353 : i32 to vector<16xi32>
        %and3A_1355 = arith.andi %add3A_1352, %and3A_1354 : vector<16xi32>
        %broadcast_in_dim3A_1356 = vector.shape_cast %and3A_1355 : vector<16xi32> to vector<16x1xi32>
        %gather3A_1357 = vector.shape_cast %broadcast_in_dim3A_1356 : vector<16x1xi32> to vector<16xi32>
        %gather3A_1358 = tpu.dynamic_gather %get3A_1203[%gather3A_1357] in [0] : vector<16xi32>, vector<16xi32> -> vector<16xi32>
        %eq3A_1359 = arith.cmpi eq, %get3A_631, %gather3A_1358 : vector<16xi32>
        %jit3A_1360 = arith.constant 1 : i32
        %jit3A_1361 = arith.constant 0 : i32
        %broadcast_in_dim3A_1362 = vector.broadcast %jit3A_1360 : i32 to vector<16xi32>
        %broadcast_in_dim3A_1363 = vector.broadcast %jit3A_1361 : i32 to vector<16xi32>
        %select_n3A_1364 = arith.select %eq3A_1359, %broadcast_in_dim3A_1362, %broadcast_in_dim3A_1363 : vector<16xi1>, vector<16xi32>
        %or3A_1365 = arith.ori %or3A_1349, %select_n3A_1364 : vector<16xi32>
        %add3A_1366 = arith.constant 10 : i32
        %add3A_1367 = vector.broadcast %add3A_1366 : i32 to vector<16xi32>
        %add3A_1368 = arith.addi %iota3A, %add3A_1367 : vector<16xi32>
        %and3A_1369 = arith.constant 15 : i32
        %and3A_1370 = vector.broadcast %and3A_1369 : i32 to vector<16xi32>
        %and3A_1371 = arith.andi %add3A_1368, %and3A_1370 : vector<16xi32>
        %broadcast_in_dim3A_1372 = vector.shape_cast %and3A_1371 : vector<16xi32> to vector<16x1xi32>
        %gather3A_1373 = vector.shape_cast %broadcast_in_dim3A_1372 : vector<16x1xi32> to vector<16xi32>
        %gather3A_1374 = tpu.dynamic_gather %get3A_1203[%gather3A_1373] in [0] : vector<16xi32>, vector<16xi32> -> vector<16xi32>
        %eq3A_1375 = arith.cmpi eq, %get3A_631, %gather3A_1374 : vector<16xi32>
        %jit3A_1376 = arith.constant 1 : i32
        %jit3A_1377 = arith.constant 0 : i32
        %broadcast_in_dim3A_1378 = vector.broadcast %jit3A_1376 : i32 to vector<16xi32>
        %broadcast_in_dim3A_1379 = vector.broadcast %jit3A_1377 : i32 to vector<16xi32>
        %select_n3A_1380 = arith.select %eq3A_1375, %broadcast_in_dim3A_1378, %broadcast_in_dim3A_1379 : vector<16xi1>, vector<16xi32>
        %or3A_1381 = arith.ori %or3A_1365, %select_n3A_1380 : vector<16xi32>
        %add3A_1382 = arith.constant 11 : i32
        %add3A_1383 = vector.broadcast %add3A_1382 : i32 to vector<16xi32>
        %add3A_1384 = arith.addi %iota3A, %add3A_1383 : vector<16xi32>
        %and3A_1385 = arith.constant 15 : i32
        %and3A_1386 = vector.broadcast %and3A_1385 : i32 to vector<16xi32>
        %and3A_1387 = arith.andi %add3A_1384, %and3A_1386 : vector<16xi32>
        %broadcast_in_dim3A_1388 = vector.shape_cast %and3A_1387 : vector<16xi32> to vector<16x1xi32>
        %gather3A_1389 = vector.shape_cast %broadcast_in_dim3A_1388 : vector<16x1xi32> to vector<16xi32>
        %gather3A_1390 = tpu.dynamic_gather %get3A_1203[%gather3A_1389] in [0] : vector<16xi32>, vector<16xi32> -> vector<16xi32>
        %eq3A_1391 = arith.cmpi eq, %get3A_631, %gather3A_1390 : vector<16xi32>
        %jit3A_1392 = arith.constant 1 : i32
        %jit3A_1393 = arith.constant 0 : i32
        %broadcast_in_dim3A_1394 = vector.broadcast %jit3A_1392 : i32 to vector<16xi32>
        %broadcast_in_dim3A_1395 = vector.broadcast %jit3A_1393 : i32 to vector<16xi32>
        %select_n3A_1396 = arith.select %eq3A_1391, %broadcast_in_dim3A_1394, %broadcast_in_dim3A_1395 : vector<16xi1>, vector<16xi32>
        %or3A_1397 = arith.ori %or3A_1381, %select_n3A_1396 : vector<16xi32>
        %add3A_1398 = arith.constant 12 : i32
        %add3A_1399 = vector.broadcast %add3A_1398 : i32 to vector<16xi32>
        %add3A_1400 = arith.addi %iota3A, %add3A_1399 : vector<16xi32>
        %and3A_1401 = arith.constant 15 : i32
        %and3A_1402 = vector.broadcast %and3A_1401 : i32 to vector<16xi32>
        %and3A_1403 = arith.andi %add3A_1400, %and3A_1402 : vector<16xi32>
        %broadcast_in_dim3A_1404 = vector.shape_cast %and3A_1403 : vector<16xi32> to vector<16x1xi32>
        %gather3A_1405 = vector.shape_cast %broadcast_in_dim3A_1404 : vector<16x1xi32> to vector<16xi32>
        %gather3A_1406 = tpu.dynamic_gather %get3A_1203[%gather3A_1405] in [0] : vector<16xi32>, vector<16xi32> -> vector<16xi32>
        %eq3A_1407 = arith.cmpi eq, %get3A_631, %gather3A_1406 : vector<16xi32>
        %jit3A_1408 = arith.constant 1 : i32
        %jit3A_1409 = arith.constant 0 : i32
        %broadcast_in_dim3A_1410 = vector.broadcast %jit3A_1408 : i32 to vector<16xi32>
        %broadcast_in_dim3A_1411 = vector.broadcast %jit3A_1409 : i32 to vector<16xi32>
        %select_n3A_1412 = arith.select %eq3A_1407, %broadcast_in_dim3A_1410, %broadcast_in_dim3A_1411 : vector<16xi1>, vector<16xi32>
        %or3A_1413 = arith.ori %or3A_1397, %select_n3A_1412 : vector<16xi32>
        %add3A_1414 = arith.constant 13 : i32
        %add3A_1415 = vector.broadcast %add3A_1414 : i32 to vector<16xi32>
        %add3A_1416 = arith.addi %iota3A, %add3A_1415 : vector<16xi32>
        %and3A_1417 = arith.constant 15 : i32
        %and3A_1418 = vector.broadcast %and3A_1417 : i32 to vector<16xi32>
        %and3A_1419 = arith.andi %add3A_1416, %and3A_1418 : vector<16xi32>
        %broadcast_in_dim3A_1420 = vector.shape_cast %and3A_1419 : vector<16xi32> to vector<16x1xi32>
        %gather3A_1421 = vector.shape_cast %broadcast_in_dim3A_1420 : vector<16x1xi32> to vector<16xi32>
        %gather3A_1422 = tpu.dynamic_gather %get3A_1203[%gather3A_1421] in [0] : vector<16xi32>, vector<16xi32> -> vector<16xi32>
        %eq3A_1423 = arith.cmpi eq, %get3A_631, %gather3A_1422 : vector<16xi32>
        %jit3A_1424 = arith.constant 1 : i32
        %jit3A_1425 = arith.constant 0 : i32
        %broadcast_in_dim3A_1426 = vector.broadcast %jit3A_1424 : i32 to vector<16xi32>
        %broadcast_in_dim3A_1427 = vector.broadcast %jit3A_1425 : i32 to vector<16xi32>
        %select_n3A_1428 = arith.select %eq3A_1423, %broadcast_in_dim3A_1426, %broadcast_in_dim3A_1427 : vector<16xi1>, vector<16xi32>
        %or3A_1429 = arith.ori %or3A_1413, %select_n3A_1428 : vector<16xi32>
        %add3A_1430 = arith.constant 14 : i32
        %add3A_1431 = vector.broadcast %add3A_1430 : i32 to vector<16xi32>
        %add3A_1432 = arith.addi %iota3A, %add3A_1431 : vector<16xi32>
        %and3A_1433 = arith.constant 15 : i32
        %and3A_1434 = vector.broadcast %and3A_1433 : i32 to vector<16xi32>
        %and3A_1435 = arith.andi %add3A_1432, %and3A_1434 : vector<16xi32>
        %broadcast_in_dim3A_1436 = vector.shape_cast %and3A_1435 : vector<16xi32> to vector<16x1xi32>
        %gather3A_1437 = vector.shape_cast %broadcast_in_dim3A_1436 : vector<16x1xi32> to vector<16xi32>
        %gather3A_1438 = tpu.dynamic_gather %get3A_1203[%gather3A_1437] in [0] : vector<16xi32>, vector<16xi32> -> vector<16xi32>
        %eq3A_1439 = arith.cmpi eq, %get3A_631, %gather3A_1438 : vector<16xi32>
        %jit3A_1440 = arith.constant 1 : i32
        %jit3A_1441 = arith.constant 0 : i32
        %broadcast_in_dim3A_1442 = vector.broadcast %jit3A_1440 : i32 to vector<16xi32>
        %broadcast_in_dim3A_1443 = vector.broadcast %jit3A_1441 : i32 to vector<16xi32>
        %select_n3A_1444 = arith.select %eq3A_1439, %broadcast_in_dim3A_1442, %broadcast_in_dim3A_1443 : vector<16xi1>, vector<16xi32>
        %or3A_1445 = arith.ori %or3A_1429, %select_n3A_1444 : vector<16xi32>
        %add3A_1446 = arith.constant 15 : i32
        %add3A_1447 = vector.broadcast %add3A_1446 : i32 to vector<16xi32>
        %add3A_1448 = arith.addi %iota3A, %add3A_1447 : vector<16xi32>
        %and3A_1449 = arith.constant 15 : i32
        %and3A_1450 = vector.broadcast %and3A_1449 : i32 to vector<16xi32>
        %and3A_1451 = arith.andi %add3A_1448, %and3A_1450 : vector<16xi32>
        %broadcast_in_dim3A_1452 = vector.shape_cast %and3A_1451 : vector<16xi32> to vector<16x1xi32>
        %gather3A_1453 = vector.shape_cast %broadcast_in_dim3A_1452 : vector<16x1xi32> to vector<16xi32>
        %gather3A_1454 = tpu.dynamic_gather %get3A_1203[%gather3A_1453] in [0] : vector<16xi32>, vector<16xi32> -> vector<16xi32>
        %eq3A_1455 = arith.cmpi eq, %get3A_631, %gather3A_1454 : vector<16xi32>
        %jit3A_1456 = arith.constant 1 : i32
        %jit3A_1457 = arith.constant 0 : i32
        %broadcast_in_dim3A_1458 = vector.broadcast %jit3A_1456 : i32 to vector<16xi32>
        %broadcast_in_dim3A_1459 = vector.broadcast %jit3A_1457 : i32 to vector<16xi32>
        %select_n3A_1460 = arith.select %eq3A_1455, %broadcast_in_dim3A_1458, %broadcast_in_dim3A_1459 : vector<16xi1>, vector<16xi32>
        %or3A_1461 = arith.ori %or3A_1445, %select_n3A_1460 : vector<16xi32>
        %or3A_1462 = arith.ori %while3A_1198, %or3A_1461 : vector<16xi32>
        scf.yield %or3A_1462 : vector<16xi32>
      }
      %add3A_647 = arith.constant 1 : i32
      %add3A_648 = vector.broadcast %add3A_647 : i32 to vector<16xi32>
      %add3A_649 = arith.addi %iota3A, %add3A_648 : vector<16xi32>
      %and3A_650 = arith.constant 15 : i32
      %and3A_651 = vector.broadcast %and3A_650 : i32 to vector<16xi32>
      %and3A_652 = arith.andi %add3A_649, %and3A_651 : vector<16xi32>
      %broadcast_in_dim3A_653 = vector.shape_cast %and3A_652 : vector<16xi32> to vector<16x1xi32>
      %gather3A_654 = vector.shape_cast %broadcast_in_dim3A_653 : vector<16x1xi32> to vector<16xi32>
      %gather3A_655 = tpu.dynamic_gather %get3A_631[%gather3A_654] in [0] : vector<16xi32>, vector<16xi32> -> vector<16xi32>
      %add3A_656 = arith.constant 1 : i32
      %add3A_657 = vector.broadcast %add3A_656 : i32 to vector<16xi32>
      %add3A_658 = arith.addi %iota3A, %add3A_657 : vector<16xi32>
      %ge3A_659 = arith.constant 16 : i32
      %ge3A_660 = vector.broadcast %ge3A_659 : i32 to vector<16xi32>
      %ge3A_661 = arith.cmpi sge, %add3A_658, %ge3A_660 : vector<16xi32>
      %jit3A_662 = arith.constant 1 : i32
      %jit3A_663 = arith.constant 0 : i32
      %broadcast_in_dim3A_664 = vector.broadcast %jit3A_662 : i32 to vector<16xi32>
      %broadcast_in_dim3A_665 = vector.broadcast %jit3A_663 : i32 to vector<16xi32>
      %select_n3A_666 = arith.select %ge3A_661, %broadcast_in_dim3A_664, %broadcast_in_dim3A_665 : vector<16xi1>, vector<16xi32>
      %eq3A_667 = arith.cmpi eq, %get3A_631, %gather3A_655 : vector<16xi32>
      %jit3A_668 = arith.constant 1 : i32
      %jit3A_669 = arith.constant 0 : i32
      %broadcast_in_dim3A_670 = vector.broadcast %jit3A_668 : i32 to vector<16xi32>
      %broadcast_in_dim3A_671 = vector.broadcast %jit3A_669 : i32 to vector<16xi32>
      %select_n3A_672 = arith.select %eq3A_667, %broadcast_in_dim3A_670, %broadcast_in_dim3A_671 : vector<16xi1>, vector<16xi32>
      %and3A_673 = arith.andi %select_n3A_672, %select_n3A_666 : vector<16xi32>
      %or3A_674 = arith.ori %while3A_646, %and3A_673 : vector<16xi32>
      %add3A_675 = arith.constant 2 : i32
      %add3A_676 = vector.broadcast %add3A_675 : i32 to vector<16xi32>
      %add3A_677 = arith.addi %iota3A, %add3A_676 : vector<16xi32>
      %and3A_678 = arith.constant 15 : i32
      %and3A_679 = vector.broadcast %and3A_678 : i32 to vector<16xi32>
      %and3A_680 = arith.andi %add3A_677, %and3A_679 : vector<16xi32>
      %broadcast_in_dim3A_681 = vector.shape_cast %and3A_680 : vector<16xi32> to vector<16x1xi32>
      %gather3A_682 = vector.shape_cast %broadcast_in_dim3A_681 : vector<16x1xi32> to vector<16xi32>
      %gather3A_683 = tpu.dynamic_gather %get3A_631[%gather3A_682] in [0] : vector<16xi32>, vector<16xi32> -> vector<16xi32>
      %add3A_684 = arith.constant 2 : i32
      %add3A_685 = vector.broadcast %add3A_684 : i32 to vector<16xi32>
      %add3A_686 = arith.addi %iota3A, %add3A_685 : vector<16xi32>
      %ge3A_687 = arith.constant 16 : i32
      %ge3A_688 = vector.broadcast %ge3A_687 : i32 to vector<16xi32>
      %ge3A_689 = arith.cmpi sge, %add3A_686, %ge3A_688 : vector<16xi32>
      %jit3A_690 = arith.constant 1 : i32
      %jit3A_691 = arith.constant 0 : i32
      %broadcast_in_dim3A_692 = vector.broadcast %jit3A_690 : i32 to vector<16xi32>
      %broadcast_in_dim3A_693 = vector.broadcast %jit3A_691 : i32 to vector<16xi32>
      %select_n3A_694 = arith.select %ge3A_689, %broadcast_in_dim3A_692, %broadcast_in_dim3A_693 : vector<16xi1>, vector<16xi32>
      %eq3A_695 = arith.cmpi eq, %get3A_631, %gather3A_683 : vector<16xi32>
      %jit3A_696 = arith.constant 1 : i32
      %jit3A_697 = arith.constant 0 : i32
      %broadcast_in_dim3A_698 = vector.broadcast %jit3A_696 : i32 to vector<16xi32>
      %broadcast_in_dim3A_699 = vector.broadcast %jit3A_697 : i32 to vector<16xi32>
      %select_n3A_700 = arith.select %eq3A_695, %broadcast_in_dim3A_698, %broadcast_in_dim3A_699 : vector<16xi1>, vector<16xi32>
      %and3A_701 = arith.andi %select_n3A_700, %select_n3A_694 : vector<16xi32>
      %or3A_702 = arith.ori %or3A_674, %and3A_701 : vector<16xi32>
      %add3A_703 = arith.constant 3 : i32
      %add3A_704 = vector.broadcast %add3A_703 : i32 to vector<16xi32>
      %add3A_705 = arith.addi %iota3A, %add3A_704 : vector<16xi32>
      %and3A_706 = arith.constant 15 : i32
      %and3A_707 = vector.broadcast %and3A_706 : i32 to vector<16xi32>
      %and3A_708 = arith.andi %add3A_705, %and3A_707 : vector<16xi32>
      %broadcast_in_dim3A_709 = vector.shape_cast %and3A_708 : vector<16xi32> to vector<16x1xi32>
      %gather3A_710 = vector.shape_cast %broadcast_in_dim3A_709 : vector<16x1xi32> to vector<16xi32>
      %gather3A_711 = tpu.dynamic_gather %get3A_631[%gather3A_710] in [0] : vector<16xi32>, vector<16xi32> -> vector<16xi32>
      %add3A_712 = arith.constant 3 : i32
      %add3A_713 = vector.broadcast %add3A_712 : i32 to vector<16xi32>
      %add3A_714 = arith.addi %iota3A, %add3A_713 : vector<16xi32>
      %ge3A_715 = arith.constant 16 : i32
      %ge3A_716 = vector.broadcast %ge3A_715 : i32 to vector<16xi32>
      %ge3A_717 = arith.cmpi sge, %add3A_714, %ge3A_716 : vector<16xi32>
      %jit3A_718 = arith.constant 1 : i32
      %jit3A_719 = arith.constant 0 : i32
      %broadcast_in_dim3A_720 = vector.broadcast %jit3A_718 : i32 to vector<16xi32>
      %broadcast_in_dim3A_721 = vector.broadcast %jit3A_719 : i32 to vector<16xi32>
      %select_n3A_722 = arith.select %ge3A_717, %broadcast_in_dim3A_720, %broadcast_in_dim3A_721 : vector<16xi1>, vector<16xi32>
      %eq3A_723 = arith.cmpi eq, %get3A_631, %gather3A_711 : vector<16xi32>
      %jit3A_724 = arith.constant 1 : i32
      %jit3A_725 = arith.constant 0 : i32
      %broadcast_in_dim3A_726 = vector.broadcast %jit3A_724 : i32 to vector<16xi32>
      %broadcast_in_dim3A_727 = vector.broadcast %jit3A_725 : i32 to vector<16xi32>
      %select_n3A_728 = arith.select %eq3A_723, %broadcast_in_dim3A_726, %broadcast_in_dim3A_727 : vector<16xi1>, vector<16xi32>
      %and3A_729 = arith.andi %select_n3A_728, %select_n3A_722 : vector<16xi32>
      %or3A_730 = arith.ori %or3A_702, %and3A_729 : vector<16xi32>
      %add3A_731 = arith.constant 4 : i32
      %add3A_732 = vector.broadcast %add3A_731 : i32 to vector<16xi32>
      %add3A_733 = arith.addi %iota3A, %add3A_732 : vector<16xi32>
      %and3A_734 = arith.constant 15 : i32
      %and3A_735 = vector.broadcast %and3A_734 : i32 to vector<16xi32>
      %and3A_736 = arith.andi %add3A_733, %and3A_735 : vector<16xi32>
      %broadcast_in_dim3A_737 = vector.shape_cast %and3A_736 : vector<16xi32> to vector<16x1xi32>
      %gather3A_738 = vector.shape_cast %broadcast_in_dim3A_737 : vector<16x1xi32> to vector<16xi32>
      %gather3A_739 = tpu.dynamic_gather %get3A_631[%gather3A_738] in [0] : vector<16xi32>, vector<16xi32> -> vector<16xi32>
      %add3A_740 = arith.constant 4 : i32
      %add3A_741 = vector.broadcast %add3A_740 : i32 to vector<16xi32>
      %add3A_742 = arith.addi %iota3A, %add3A_741 : vector<16xi32>
      %ge3A_743 = arith.constant 16 : i32
      %ge3A_744 = vector.broadcast %ge3A_743 : i32 to vector<16xi32>
      %ge3A_745 = arith.cmpi sge, %add3A_742, %ge3A_744 : vector<16xi32>
      %jit3A_746 = arith.constant 1 : i32
      %jit3A_747 = arith.constant 0 : i32
      %broadcast_in_dim3A_748 = vector.broadcast %jit3A_746 : i32 to vector<16xi32>
      %broadcast_in_dim3A_749 = vector.broadcast %jit3A_747 : i32 to vector<16xi32>
      %select_n3A_750 = arith.select %ge3A_745, %broadcast_in_dim3A_748, %broadcast_in_dim3A_749 : vector<16xi1>, vector<16xi32>
      %eq3A_751 = arith.cmpi eq, %get3A_631, %gather3A_739 : vector<16xi32>
      %jit3A_752 = arith.constant 1 : i32
      %jit3A_753 = arith.constant 0 : i32
      %broadcast_in_dim3A_754 = vector.broadcast %jit3A_752 : i32 to vector<16xi32>
      %broadcast_in_dim3A_755 = vector.broadcast %jit3A_753 : i32 to vector<16xi32>
      %select_n3A_756 = arith.select %eq3A_751, %broadcast_in_dim3A_754, %broadcast_in_dim3A_755 : vector<16xi1>, vector<16xi32>
      %and3A_757 = arith.andi %select_n3A_756, %select_n3A_750 : vector<16xi32>
      %or3A_758 = arith.ori %or3A_730, %and3A_757 : vector<16xi32>
      %add3A_759 = arith.constant 5 : i32
      %add3A_760 = vector.broadcast %add3A_759 : i32 to vector<16xi32>
      %add3A_761 = arith.addi %iota3A, %add3A_760 : vector<16xi32>
      %and3A_762 = arith.constant 15 : i32
      %and3A_763 = vector.broadcast %and3A_762 : i32 to vector<16xi32>
      %and3A_764 = arith.andi %add3A_761, %and3A_763 : vector<16xi32>
      %broadcast_in_dim3A_765 = vector.shape_cast %and3A_764 : vector<16xi32> to vector<16x1xi32>
      %gather3A_766 = vector.shape_cast %broadcast_in_dim3A_765 : vector<16x1xi32> to vector<16xi32>
      %gather3A_767 = tpu.dynamic_gather %get3A_631[%gather3A_766] in [0] : vector<16xi32>, vector<16xi32> -> vector<16xi32>
      %add3A_768 = arith.constant 5 : i32
      %add3A_769 = vector.broadcast %add3A_768 : i32 to vector<16xi32>
      %add3A_770 = arith.addi %iota3A, %add3A_769 : vector<16xi32>
      %ge3A_771 = arith.constant 16 : i32
      %ge3A_772 = vector.broadcast %ge3A_771 : i32 to vector<16xi32>
      %ge3A_773 = arith.cmpi sge, %add3A_770, %ge3A_772 : vector<16xi32>
      %jit3A_774 = arith.constant 1 : i32
      %jit3A_775 = arith.constant 0 : i32
      %broadcast_in_dim3A_776 = vector.broadcast %jit3A_774 : i32 to vector<16xi32>
      %broadcast_in_dim3A_777 = vector.broadcast %jit3A_775 : i32 to vector<16xi32>
      %select_n3A_778 = arith.select %ge3A_773, %broadcast_in_dim3A_776, %broadcast_in_dim3A_777 : vector<16xi1>, vector<16xi32>
      %eq3A_779 = arith.cmpi eq, %get3A_631, %gather3A_767 : vector<16xi32>
      %jit3A_780 = arith.constant 1 : i32
      %jit3A_781 = arith.constant 0 : i32
      %broadcast_in_dim3A_782 = vector.broadcast %jit3A_780 : i32 to vector<16xi32>
      %broadcast_in_dim3A_783 = vector.broadcast %jit3A_781 : i32 to vector<16xi32>
      %select_n3A_784 = arith.select %eq3A_779, %broadcast_in_dim3A_782, %broadcast_in_dim3A_783 : vector<16xi1>, vector<16xi32>
      %and3A_785 = arith.andi %select_n3A_784, %select_n3A_778 : vector<16xi32>
      %or3A_786 = arith.ori %or3A_758, %and3A_785 : vector<16xi32>
      %add3A_787 = arith.constant 6 : i32
      %add3A_788 = vector.broadcast %add3A_787 : i32 to vector<16xi32>
      %add3A_789 = arith.addi %iota3A, %add3A_788 : vector<16xi32>
      %and3A_790 = arith.constant 15 : i32
      %and3A_791 = vector.broadcast %and3A_790 : i32 to vector<16xi32>
      %and3A_792 = arith.andi %add3A_789, %and3A_791 : vector<16xi32>
      %broadcast_in_dim3A_793 = vector.shape_cast %and3A_792 : vector<16xi32> to vector<16x1xi32>
      %gather3A_794 = vector.shape_cast %broadcast_in_dim3A_793 : vector<16x1xi32> to vector<16xi32>
      %gather3A_795 = tpu.dynamic_gather %get3A_631[%gather3A_794] in [0] : vector<16xi32>, vector<16xi32> -> vector<16xi32>
      %add3A_796 = arith.constant 6 : i32
      %add3A_797 = vector.broadcast %add3A_796 : i32 to vector<16xi32>
      %add3A_798 = arith.addi %iota3A, %add3A_797 : vector<16xi32>
      %ge3A_799 = arith.constant 16 : i32
      %ge3A_800 = vector.broadcast %ge3A_799 : i32 to vector<16xi32>
      %ge3A_801 = arith.cmpi sge, %add3A_798, %ge3A_800 : vector<16xi32>
      %jit3A_802 = arith.constant 1 : i32
      %jit3A_803 = arith.constant 0 : i32
      %broadcast_in_dim3A_804 = vector.broadcast %jit3A_802 : i32 to vector<16xi32>
      %broadcast_in_dim3A_805 = vector.broadcast %jit3A_803 : i32 to vector<16xi32>
      %select_n3A_806 = arith.select %ge3A_801, %broadcast_in_dim3A_804, %broadcast_in_dim3A_805 : vector<16xi1>, vector<16xi32>
      %eq3A_807 = arith.cmpi eq, %get3A_631, %gather3A_795 : vector<16xi32>
      %jit3A_808 = arith.constant 1 : i32
      %jit3A_809 = arith.constant 0 : i32
      %broadcast_in_dim3A_810 = vector.broadcast %jit3A_808 : i32 to vector<16xi32>
      %broadcast_in_dim3A_811 = vector.broadcast %jit3A_809 : i32 to vector<16xi32>
      %select_n3A_812 = arith.select %eq3A_807, %broadcast_in_dim3A_810, %broadcast_in_dim3A_811 : vector<16xi1>, vector<16xi32>
      %and3A_813 = arith.andi %select_n3A_812, %select_n3A_806 : vector<16xi32>
      %or3A_814 = arith.ori %or3A_786, %and3A_813 : vector<16xi32>
      %add3A_815 = arith.constant 7 : i32
      %add3A_816 = vector.broadcast %add3A_815 : i32 to vector<16xi32>
      %add3A_817 = arith.addi %iota3A, %add3A_816 : vector<16xi32>
      %and3A_818 = arith.constant 15 : i32
      %and3A_819 = vector.broadcast %and3A_818 : i32 to vector<16xi32>
      %and3A_820 = arith.andi %add3A_817, %and3A_819 : vector<16xi32>
      %broadcast_in_dim3A_821 = vector.shape_cast %and3A_820 : vector<16xi32> to vector<16x1xi32>
      %gather3A_822 = vector.shape_cast %broadcast_in_dim3A_821 : vector<16x1xi32> to vector<16xi32>
      %gather3A_823 = tpu.dynamic_gather %get3A_631[%gather3A_822] in [0] : vector<16xi32>, vector<16xi32> -> vector<16xi32>
      %add3A_824 = arith.constant 7 : i32
      %add3A_825 = vector.broadcast %add3A_824 : i32 to vector<16xi32>
      %add3A_826 = arith.addi %iota3A, %add3A_825 : vector<16xi32>
      %ge3A_827 = arith.constant 16 : i32
      %ge3A_828 = vector.broadcast %ge3A_827 : i32 to vector<16xi32>
      %ge3A_829 = arith.cmpi sge, %add3A_826, %ge3A_828 : vector<16xi32>
      %jit3A_830 = arith.constant 1 : i32
      %jit3A_831 = arith.constant 0 : i32
      %broadcast_in_dim3A_832 = vector.broadcast %jit3A_830 : i32 to vector<16xi32>
      %broadcast_in_dim3A_833 = vector.broadcast %jit3A_831 : i32 to vector<16xi32>
      %select_n3A_834 = arith.select %ge3A_829, %broadcast_in_dim3A_832, %broadcast_in_dim3A_833 : vector<16xi1>, vector<16xi32>
      %eq3A_835 = arith.cmpi eq, %get3A_631, %gather3A_823 : vector<16xi32>
      %jit3A_836 = arith.constant 1 : i32
      %jit3A_837 = arith.constant 0 : i32
      %broadcast_in_dim3A_838 = vector.broadcast %jit3A_836 : i32 to vector<16xi32>
      %broadcast_in_dim3A_839 = vector.broadcast %jit3A_837 : i32 to vector<16xi32>
      %select_n3A_840 = arith.select %eq3A_835, %broadcast_in_dim3A_838, %broadcast_in_dim3A_839 : vector<16xi1>, vector<16xi32>
      %and3A_841 = arith.andi %select_n3A_840, %select_n3A_834 : vector<16xi32>
      %or3A_842 = arith.ori %or3A_814, %and3A_841 : vector<16xi32>
      %add3A_843 = arith.constant 8 : i32
      %add3A_844 = vector.broadcast %add3A_843 : i32 to vector<16xi32>
      %add3A_845 = arith.addi %iota3A, %add3A_844 : vector<16xi32>
      %and3A_846 = arith.constant 15 : i32
      %and3A_847 = vector.broadcast %and3A_846 : i32 to vector<16xi32>
      %and3A_848 = arith.andi %add3A_845, %and3A_847 : vector<16xi32>
      %broadcast_in_dim3A_849 = vector.shape_cast %and3A_848 : vector<16xi32> to vector<16x1xi32>
      %gather3A_850 = vector.shape_cast %broadcast_in_dim3A_849 : vector<16x1xi32> to vector<16xi32>
      %gather3A_851 = tpu.dynamic_gather %get3A_631[%gather3A_850] in [0] : vector<16xi32>, vector<16xi32> -> vector<16xi32>
      %add3A_852 = arith.constant 8 : i32
      %add3A_853 = vector.broadcast %add3A_852 : i32 to vector<16xi32>
      %add3A_854 = arith.addi %iota3A, %add3A_853 : vector<16xi32>
      %ge3A_855 = arith.constant 16 : i32
      %ge3A_856 = vector.broadcast %ge3A_855 : i32 to vector<16xi32>
      %ge3A_857 = arith.cmpi sge, %add3A_854, %ge3A_856 : vector<16xi32>
      %jit3A_858 = arith.constant 1 : i32
      %jit3A_859 = arith.constant 0 : i32
      %broadcast_in_dim3A_860 = vector.broadcast %jit3A_858 : i32 to vector<16xi32>
      %broadcast_in_dim3A_861 = vector.broadcast %jit3A_859 : i32 to vector<16xi32>
      %select_n3A_862 = arith.select %ge3A_857, %broadcast_in_dim3A_860, %broadcast_in_dim3A_861 : vector<16xi1>, vector<16xi32>
      %eq3A_863 = arith.cmpi eq, %get3A_631, %gather3A_851 : vector<16xi32>
      %jit3A_864 = arith.constant 1 : i32
      %jit3A_865 = arith.constant 0 : i32
      %broadcast_in_dim3A_866 = vector.broadcast %jit3A_864 : i32 to vector<16xi32>
      %broadcast_in_dim3A_867 = vector.broadcast %jit3A_865 : i32 to vector<16xi32>
      %select_n3A_868 = arith.select %eq3A_863, %broadcast_in_dim3A_866, %broadcast_in_dim3A_867 : vector<16xi1>, vector<16xi32>
      %and3A_869 = arith.andi %select_n3A_868, %select_n3A_862 : vector<16xi32>
      %or3A_870 = arith.ori %or3A_842, %and3A_869 : vector<16xi32>
      %add3A_871 = arith.constant 9 : i32
      %add3A_872 = vector.broadcast %add3A_871 : i32 to vector<16xi32>
      %add3A_873 = arith.addi %iota3A, %add3A_872 : vector<16xi32>
      %and3A_874 = arith.constant 15 : i32
      %and3A_875 = vector.broadcast %and3A_874 : i32 to vector<16xi32>
      %and3A_876 = arith.andi %add3A_873, %and3A_875 : vector<16xi32>
      %broadcast_in_dim3A_877 = vector.shape_cast %and3A_876 : vector<16xi32> to vector<16x1xi32>
      %gather3A_878 = vector.shape_cast %broadcast_in_dim3A_877 : vector<16x1xi32> to vector<16xi32>
      %gather3A_879 = tpu.dynamic_gather %get3A_631[%gather3A_878] in [0] : vector<16xi32>, vector<16xi32> -> vector<16xi32>
      %add3A_880 = arith.constant 9 : i32
      %add3A_881 = vector.broadcast %add3A_880 : i32 to vector<16xi32>
      %add3A_882 = arith.addi %iota3A, %add3A_881 : vector<16xi32>
      %ge3A_883 = arith.constant 16 : i32
      %ge3A_884 = vector.broadcast %ge3A_883 : i32 to vector<16xi32>
      %ge3A_885 = arith.cmpi sge, %add3A_882, %ge3A_884 : vector<16xi32>
      %jit3A_886 = arith.constant 1 : i32
      %jit3A_887 = arith.constant 0 : i32
      %broadcast_in_dim3A_888 = vector.broadcast %jit3A_886 : i32 to vector<16xi32>
      %broadcast_in_dim3A_889 = vector.broadcast %jit3A_887 : i32 to vector<16xi32>
      %select_n3A_890 = arith.select %ge3A_885, %broadcast_in_dim3A_888, %broadcast_in_dim3A_889 : vector<16xi1>, vector<16xi32>
      %eq3A_891 = arith.cmpi eq, %get3A_631, %gather3A_879 : vector<16xi32>
      %jit3A_892 = arith.constant 1 : i32
      %jit3A_893 = arith.constant 0 : i32
      %broadcast_in_dim3A_894 = vector.broadcast %jit3A_892 : i32 to vector<16xi32>
      %broadcast_in_dim3A_895 = vector.broadcast %jit3A_893 : i32 to vector<16xi32>
      %select_n3A_896 = arith.select %eq3A_891, %broadcast_in_dim3A_894, %broadcast_in_dim3A_895 : vector<16xi1>, vector<16xi32>
      %and3A_897 = arith.andi %select_n3A_896, %select_n3A_890 : vector<16xi32>
      %or3A_898 = arith.ori %or3A_870, %and3A_897 : vector<16xi32>
      %add3A_899 = arith.constant 10 : i32
      %add3A_900 = vector.broadcast %add3A_899 : i32 to vector<16xi32>
      %add3A_901 = arith.addi %iota3A, %add3A_900 : vector<16xi32>
      %and3A_902 = arith.constant 15 : i32
      %and3A_903 = vector.broadcast %and3A_902 : i32 to vector<16xi32>
      %and3A_904 = arith.andi %add3A_901, %and3A_903 : vector<16xi32>
      %broadcast_in_dim3A_905 = vector.shape_cast %and3A_904 : vector<16xi32> to vector<16x1xi32>
      %gather3A_906 = vector.shape_cast %broadcast_in_dim3A_905 : vector<16x1xi32> to vector<16xi32>
      %gather3A_907 = tpu.dynamic_gather %get3A_631[%gather3A_906] in [0] : vector<16xi32>, vector<16xi32> -> vector<16xi32>
      %add3A_908 = arith.constant 10 : i32
      %add3A_909 = vector.broadcast %add3A_908 : i32 to vector<16xi32>
      %add3A_910 = arith.addi %iota3A, %add3A_909 : vector<16xi32>
      %ge3A_911 = arith.constant 16 : i32
      %ge3A_912 = vector.broadcast %ge3A_911 : i32 to vector<16xi32>
      %ge3A_913 = arith.cmpi sge, %add3A_910, %ge3A_912 : vector<16xi32>
      %jit3A_914 = arith.constant 1 : i32
      %jit3A_915 = arith.constant 0 : i32
      %broadcast_in_dim3A_916 = vector.broadcast %jit3A_914 : i32 to vector<16xi32>
      %broadcast_in_dim3A_917 = vector.broadcast %jit3A_915 : i32 to vector<16xi32>
      %select_n3A_918 = arith.select %ge3A_913, %broadcast_in_dim3A_916, %broadcast_in_dim3A_917 : vector<16xi1>, vector<16xi32>
      %eq3A_919 = arith.cmpi eq, %get3A_631, %gather3A_907 : vector<16xi32>
      %jit3A_920 = arith.constant 1 : i32
      %jit3A_921 = arith.constant 0 : i32
      %broadcast_in_dim3A_922 = vector.broadcast %jit3A_920 : i32 to vector<16xi32>
      %broadcast_in_dim3A_923 = vector.broadcast %jit3A_921 : i32 to vector<16xi32>
      %select_n3A_924 = arith.select %eq3A_919, %broadcast_in_dim3A_922, %broadcast_in_dim3A_923 : vector<16xi1>, vector<16xi32>
      %and3A_925 = arith.andi %select_n3A_924, %select_n3A_918 : vector<16xi32>
      %or3A_926 = arith.ori %or3A_898, %and3A_925 : vector<16xi32>
      %add3A_927 = arith.constant 11 : i32
      %add3A_928 = vector.broadcast %add3A_927 : i32 to vector<16xi32>
      %add3A_929 = arith.addi %iota3A, %add3A_928 : vector<16xi32>
      %and3A_930 = arith.constant 15 : i32
      %and3A_931 = vector.broadcast %and3A_930 : i32 to vector<16xi32>
      %and3A_932 = arith.andi %add3A_929, %and3A_931 : vector<16xi32>
      %broadcast_in_dim3A_933 = vector.shape_cast %and3A_932 : vector<16xi32> to vector<16x1xi32>
      %gather3A_934 = vector.shape_cast %broadcast_in_dim3A_933 : vector<16x1xi32> to vector<16xi32>
      %gather3A_935 = tpu.dynamic_gather %get3A_631[%gather3A_934] in [0] : vector<16xi32>, vector<16xi32> -> vector<16xi32>
      %add3A_936 = arith.constant 11 : i32
      %add3A_937 = vector.broadcast %add3A_936 : i32 to vector<16xi32>
      %add3A_938 = arith.addi %iota3A, %add3A_937 : vector<16xi32>
      %ge3A_939 = arith.constant 16 : i32
      %ge3A_940 = vector.broadcast %ge3A_939 : i32 to vector<16xi32>
      %ge3A_941 = arith.cmpi sge, %add3A_938, %ge3A_940 : vector<16xi32>
      %jit3A_942 = arith.constant 1 : i32
      %jit3A_943 = arith.constant 0 : i32
      %broadcast_in_dim3A_944 = vector.broadcast %jit3A_942 : i32 to vector<16xi32>
      %broadcast_in_dim3A_945 = vector.broadcast %jit3A_943 : i32 to vector<16xi32>
      %select_n3A_946 = arith.select %ge3A_941, %broadcast_in_dim3A_944, %broadcast_in_dim3A_945 : vector<16xi1>, vector<16xi32>
      %eq3A_947 = arith.cmpi eq, %get3A_631, %gather3A_935 : vector<16xi32>
      %jit3A_948 = arith.constant 1 : i32
      %jit3A_949 = arith.constant 0 : i32
      %broadcast_in_dim3A_950 = vector.broadcast %jit3A_948 : i32 to vector<16xi32>
      %broadcast_in_dim3A_951 = vector.broadcast %jit3A_949 : i32 to vector<16xi32>
      %select_n3A_952 = arith.select %eq3A_947, %broadcast_in_dim3A_950, %broadcast_in_dim3A_951 : vector<16xi1>, vector<16xi32>
      %and3A_953 = arith.andi %select_n3A_952, %select_n3A_946 : vector<16xi32>
      %or3A_954 = arith.ori %or3A_926, %and3A_953 : vector<16xi32>
      %add3A_955 = arith.constant 12 : i32
      %add3A_956 = vector.broadcast %add3A_955 : i32 to vector<16xi32>
      %add3A_957 = arith.addi %iota3A, %add3A_956 : vector<16xi32>
      %and3A_958 = arith.constant 15 : i32
      %and3A_959 = vector.broadcast %and3A_958 : i32 to vector<16xi32>
      %and3A_960 = arith.andi %add3A_957, %and3A_959 : vector<16xi32>
      %broadcast_in_dim3A_961 = vector.shape_cast %and3A_960 : vector<16xi32> to vector<16x1xi32>
      %gather3A_962 = vector.shape_cast %broadcast_in_dim3A_961 : vector<16x1xi32> to vector<16xi32>
      %gather3A_963 = tpu.dynamic_gather %get3A_631[%gather3A_962] in [0] : vector<16xi32>, vector<16xi32> -> vector<16xi32>
      %add3A_964 = arith.constant 12 : i32
      %add3A_965 = vector.broadcast %add3A_964 : i32 to vector<16xi32>
      %add3A_966 = arith.addi %iota3A, %add3A_965 : vector<16xi32>
      %ge3A_967 = arith.constant 16 : i32
      %ge3A_968 = vector.broadcast %ge3A_967 : i32 to vector<16xi32>
      %ge3A_969 = arith.cmpi sge, %add3A_966, %ge3A_968 : vector<16xi32>
      %jit3A_970 = arith.constant 1 : i32
      %jit3A_971 = arith.constant 0 : i32
      %broadcast_in_dim3A_972 = vector.broadcast %jit3A_970 : i32 to vector<16xi32>
      %broadcast_in_dim3A_973 = vector.broadcast %jit3A_971 : i32 to vector<16xi32>
      %select_n3A_974 = arith.select %ge3A_969, %broadcast_in_dim3A_972, %broadcast_in_dim3A_973 : vector<16xi1>, vector<16xi32>
      %eq3A_975 = arith.cmpi eq, %get3A_631, %gather3A_963 : vector<16xi32>
      %jit3A_976 = arith.constant 1 : i32
      %jit3A_977 = arith.constant 0 : i32
      %broadcast_in_dim3A_978 = vector.broadcast %jit3A_976 : i32 to vector<16xi32>
      %broadcast_in_dim3A_979 = vector.broadcast %jit3A_977 : i32 to vector<16xi32>
      %select_n3A_980 = arith.select %eq3A_975, %broadcast_in_dim3A_978, %broadcast_in_dim3A_979 : vector<16xi1>, vector<16xi32>
      %and3A_981 = arith.andi %select_n3A_980, %select_n3A_974 : vector<16xi32>
      %or3A_982 = arith.ori %or3A_954, %and3A_981 : vector<16xi32>
      %add3A_983 = arith.constant 13 : i32
      %add3A_984 = vector.broadcast %add3A_983 : i32 to vector<16xi32>
      %add3A_985 = arith.addi %iota3A, %add3A_984 : vector<16xi32>
      %and3A_986 = arith.constant 15 : i32
      %and3A_987 = vector.broadcast %and3A_986 : i32 to vector<16xi32>
      %and3A_988 = arith.andi %add3A_985, %and3A_987 : vector<16xi32>
      %broadcast_in_dim3A_989 = vector.shape_cast %and3A_988 : vector<16xi32> to vector<16x1xi32>
      %gather3A_990 = vector.shape_cast %broadcast_in_dim3A_989 : vector<16x1xi32> to vector<16xi32>
      %gather3A_991 = tpu.dynamic_gather %get3A_631[%gather3A_990] in [0] : vector<16xi32>, vector<16xi32> -> vector<16xi32>
      %add3A_992 = arith.constant 13 : i32
      %add3A_993 = vector.broadcast %add3A_992 : i32 to vector<16xi32>
      %add3A_994 = arith.addi %iota3A, %add3A_993 : vector<16xi32>
      %ge3A_995 = arith.constant 16 : i32
      %ge3A_996 = vector.broadcast %ge3A_995 : i32 to vector<16xi32>
      %ge3A_997 = arith.cmpi sge, %add3A_994, %ge3A_996 : vector<16xi32>
      %jit3A_998 = arith.constant 1 : i32
      %jit3A_999 = arith.constant 0 : i32
      %broadcast_in_dim3A_1000 = vector.broadcast %jit3A_998 : i32 to vector<16xi32>
      %broadcast_in_dim3A_1001 = vector.broadcast %jit3A_999 : i32 to vector<16xi32>
      %select_n3A_1002 = arith.select %ge3A_997, %broadcast_in_dim3A_1000, %broadcast_in_dim3A_1001 : vector<16xi1>, vector<16xi32>
      %eq3A_1003 = arith.cmpi eq, %get3A_631, %gather3A_991 : vector<16xi32>
      %jit3A_1004 = arith.constant 1 : i32
      %jit3A_1005 = arith.constant 0 : i32
      %broadcast_in_dim3A_1006 = vector.broadcast %jit3A_1004 : i32 to vector<16xi32>
      %broadcast_in_dim3A_1007 = vector.broadcast %jit3A_1005 : i32 to vector<16xi32>
      %select_n3A_1008 = arith.select %eq3A_1003, %broadcast_in_dim3A_1006, %broadcast_in_dim3A_1007 : vector<16xi1>, vector<16xi32>
      %and3A_1009 = arith.andi %select_n3A_1008, %select_n3A_1002 : vector<16xi32>
      %or3A_1010 = arith.ori %or3A_982, %and3A_1009 : vector<16xi32>
      %add3A_1011 = arith.constant 14 : i32
      %add3A_1012 = vector.broadcast %add3A_1011 : i32 to vector<16xi32>
      %add3A_1013 = arith.addi %iota3A, %add3A_1012 : vector<16xi32>
      %and3A_1014 = arith.constant 15 : i32
      %and3A_1015 = vector.broadcast %and3A_1014 : i32 to vector<16xi32>
      %and3A_1016 = arith.andi %add3A_1013, %and3A_1015 : vector<16xi32>
      %broadcast_in_dim3A_1017 = vector.shape_cast %and3A_1016 : vector<16xi32> to vector<16x1xi32>
      %gather3A_1018 = vector.shape_cast %broadcast_in_dim3A_1017 : vector<16x1xi32> to vector<16xi32>
      %gather3A_1019 = tpu.dynamic_gather %get3A_631[%gather3A_1018] in [0] : vector<16xi32>, vector<16xi32> -> vector<16xi32>
      %add3A_1020 = arith.constant 14 : i32
      %add3A_1021 = vector.broadcast %add3A_1020 : i32 to vector<16xi32>
      %add3A_1022 = arith.addi %iota3A, %add3A_1021 : vector<16xi32>
      %ge3A_1023 = arith.constant 16 : i32
      %ge3A_1024 = vector.broadcast %ge3A_1023 : i32 to vector<16xi32>
      %ge3A_1025 = arith.cmpi sge, %add3A_1022, %ge3A_1024 : vector<16xi32>
      %jit3A_1026 = arith.constant 1 : i32
      %jit3A_1027 = arith.constant 0 : i32
      %broadcast_in_dim3A_1028 = vector.broadcast %jit3A_1026 : i32 to vector<16xi32>
      %broadcast_in_dim3A_1029 = vector.broadcast %jit3A_1027 : i32 to vector<16xi32>
      %select_n3A_1030 = arith.select %ge3A_1025, %broadcast_in_dim3A_1028, %broadcast_in_dim3A_1029 : vector<16xi1>, vector<16xi32>
      %eq3A_1031 = arith.cmpi eq, %get3A_631, %gather3A_1019 : vector<16xi32>
      %jit3A_1032 = arith.constant 1 : i32
      %jit3A_1033 = arith.constant 0 : i32
      %broadcast_in_dim3A_1034 = vector.broadcast %jit3A_1032 : i32 to vector<16xi32>
      %broadcast_in_dim3A_1035 = vector.broadcast %jit3A_1033 : i32 to vector<16xi32>
      %select_n3A_1036 = arith.select %eq3A_1031, %broadcast_in_dim3A_1034, %broadcast_in_dim3A_1035 : vector<16xi1>, vector<16xi32>
      %and3A_1037 = arith.andi %select_n3A_1036, %select_n3A_1030 : vector<16xi32>
      %or3A_1038 = arith.ori %or3A_1010, %and3A_1037 : vector<16xi32>
      %add3A_1039 = arith.constant 15 : i32
      %add3A_1040 = vector.broadcast %add3A_1039 : i32 to vector<16xi32>
      %add3A_1041 = arith.addi %iota3A, %add3A_1040 : vector<16xi32>
      %and3A_1042 = arith.constant 15 : i32
      %and3A_1043 = vector.broadcast %and3A_1042 : i32 to vector<16xi32>
      %and3A_1044 = arith.andi %add3A_1041, %and3A_1043 : vector<16xi32>
      %broadcast_in_dim3A_1045 = vector.shape_cast %and3A_1044 : vector<16xi32> to vector<16x1xi32>
      %gather3A_1046 = vector.shape_cast %broadcast_in_dim3A_1045 : vector<16x1xi32> to vector<16xi32>
      %gather3A_1047 = tpu.dynamic_gather %get3A_631[%gather3A_1046] in [0] : vector<16xi32>, vector<16xi32> -> vector<16xi32>
      %add3A_1048 = arith.constant 15 : i32
      %add3A_1049 = vector.broadcast %add3A_1048 : i32 to vector<16xi32>
      %add3A_1050 = arith.addi %iota3A, %add3A_1049 : vector<16xi32>
      %ge3A_1051 = arith.constant 16 : i32
      %ge3A_1052 = vector.broadcast %ge3A_1051 : i32 to vector<16xi32>
      %ge3A_1053 = arith.cmpi sge, %add3A_1050, %ge3A_1052 : vector<16xi32>
      %jit3A_1054 = arith.constant 1 : i32
      %jit3A_1055 = arith.constant 0 : i32
      %broadcast_in_dim3A_1056 = vector.broadcast %jit3A_1054 : i32 to vector<16xi32>
      %broadcast_in_dim3A_1057 = vector.broadcast %jit3A_1055 : i32 to vector<16xi32>
      %select_n3A_1058 = arith.select %ge3A_1053, %broadcast_in_dim3A_1056, %broadcast_in_dim3A_1057 : vector<16xi1>, vector<16xi32>
      %eq3A_1059 = arith.cmpi eq, %get3A_631, %gather3A_1047 : vector<16xi32>
      %jit3A_1060 = arith.constant 1 : i32
      %jit3A_1061 = arith.constant 0 : i32
      %broadcast_in_dim3A_1062 = vector.broadcast %jit3A_1060 : i32 to vector<16xi32>
      %broadcast_in_dim3A_1063 = vector.broadcast %jit3A_1061 : i32 to vector<16xi32>
      %select_n3A_1064 = arith.select %eq3A_1059, %broadcast_in_dim3A_1062, %broadcast_in_dim3A_1063 : vector<16xi1>, vector<16xi32>
      %and3A_1065 = arith.andi %select_n3A_1064, %select_n3A_1058 : vector<16xi32>
      %or3A_1066 = arith.ori %or3A_1038, %and3A_1065 : vector<16xi32>
      %eq3A_1067 = arith.constant -1 : i32
      %eq3A_1068 = vector.broadcast %eq3A_1067 : i32 to vector<16xi32>
      %eq3A_1069 = arith.cmpi eq, %get3A_631, %eq3A_1068 : vector<16xi32>
      %eq3A_1070 = arith.constant 0 : i32
      %eq3A_1071 = vector.broadcast %eq3A_1070 : i32 to vector<16xi32>
      %eq3A_1072 = arith.cmpi eq, %or3A_1066, %eq3A_1071 : vector<16xi32>
      %jit3A_1073 = arith.constant 1 : i32
      %jit3A_1074 = arith.constant 0 : i32
      %broadcast_in_dim3A_1075 = vector.broadcast %jit3A_1073 : i32 to vector<16xi32>
      %broadcast_in_dim3A_1076 = vector.broadcast %jit3A_1074 : i32 to vector<16xi32>
      %select_n3A_1077 = arith.select %eq3A_1072, %broadcast_in_dim3A_1075, %broadcast_in_dim3A_1076 : vector<16xi1>, vector<16xi32>
      %jit3A_1078 = arith.constant 0 : i32
      %broadcast_in_dim3A_1079 = vector.broadcast %jit3A_1078 : i32 to vector<16xi32>
      %select_n3A_1080 = arith.select %eq3A_1069, %broadcast_in_dim3A_1079, %select_n3A_1077 : vector<16xi1>, vector<16xi32>
      %dma_wait3A_1081 = arith.constant 0 : i32
      %dma_wait3A_1082 = tpu.memref_slice %arg3[%dma_wait3A_1081] : memref<1638400xf32, #tpu.memory_space<hbm>> -> memref<1638400xf32, #tpu.memory_space<hbm>>
      tpu.wait_indirect_dma semaphore(%arg12 : memref<!tpu.dma_semaphore, #tpu.memory_space<semaphore_mem>>) src(%dma_wait3A_1082 : memref<1638400xf32, #tpu.memory_space<hbm>>) dst(%arg10 : memref<16xf32, #tpu.memory_space<vmem>>)
      %get3A_1083 = arith.constant 0 : index
      %get3A_1084 = tpu.vector_load %arg10[%get3A_1083] {strides = array<i32>} : memref<16xf32, #tpu.memory_space<vmem>>, vector<16xf32>,
      %get3A_1085 = vector.shape_cast %get3A_1084 : vector<16xf32> to vector<16xf32>
      %neg3A_1086 = arith.constant 0.000000e+00 : f32
      %neg3A_1087 = vector.broadcast %neg3A_1086 : f32 to vector<16xf32>
      %neg3A_1088 = arith.subf %neg3A_1087, %get3A_1085 : vector<16xf32>
      %exp3A_1089 = math.exp %neg3A_1088 : vector<16xf32>
      %add3A_1090 = arith.constant 1.000000e+00 : f32
      %add3A_1091 = vector.broadcast %add3A_1090 : f32 to vector<16xf32>
      %add3A_1092 = arith.addf %add3A_1091, %exp3A_1089 : vector<16xf32>
      %div3A_1093 = arith.constant 1.000000e+00 : f32
      %div3A_1094 = vector.broadcast %div3A_1093 : f32 to vector<16xf32>
      %div3A_1095 = arith.divf %div3A_1094, %add3A_1092 : vector<16xf32>
      %sub3A_1096 = arith.constant 1.000000e+00 : f32
      %sub3A_1097 = vector.broadcast %sub3A_1096 : f32 to vector<16xf32>
      %sub3A_1098 = arith.subf %sub3A_1097, %div3A_1095 : vector<16xf32>
      %max3A_1099 = arith.constant 9.99999996E-13 : f32
      %max3A_1100 = vector.broadcast %max3A_1099 : f32 to vector<16xf32>
      %max3A_1101 = arith.maximumf %sub3A_1098, %max3A_1100 : vector<16xf32>
      %bitcast_convert_type3A_1102 = tpu.bitcast %max3A_1101 : vector<16xf32> -> vector<16xi32>
      %shift_right_arithmetic3A_1103 = arith.constant 23 : i32
      %shift_right_arithmetic3A_1104 = vector.broadcast %shift_right_arithmetic3A_1103 : i32 to vector<16xi32>
      %shift_right_arithmetic3A_1105 = arith.shrsi %bitcast_convert_type3A_1102, %shift_right_arithmetic3A_1104 : vector<16xi32>
      %sub3A_1106 = arith.constant 127 : i32
      %sub3A_1107 = vector.broadcast %sub3A_1106 : i32 to vector<16xi32>
      %sub3A_1108 = arith.subi %shift_right_arithmetic3A_1105, %sub3A_1107 : vector<16xi32>
      %and3A_1109 = arith.constant 8388607 : i32
      %and3A_1110 = vector.broadcast %and3A_1109 : i32 to vector<16xi32>
      %and3A_1111 = arith.andi %bitcast_convert_type3A_1102, %and3A_1110 : vector<16xi32>
      %or3A_1112 = arith.constant 1065353216 : i32
      %or3A_1113 = vector.broadcast %or3A_1112 : i32 to vector<16xi32>
      %or3A_1114 = arith.ori %and3A_1111, %or3A_1113 : vector<16xi32>
      %bitcast_convert_type3A_1115 = tpu.bitcast %or3A_1114 : vector<16xi32> -> vector<16xf32>
      %gt3A_1116 = arith.constant 1.41421354 : f32
      %gt3A_1117 = vector.broadcast %gt3A_1116 : f32 to vector<16xf32>
      %gt3A_1118 = arith.cmpf ogt, %bitcast_convert_type3A_1115, %gt3A_1117 : vector<16xf32>
      %mul3A_1119 = arith.constant 5.000000e-01 : f32
      %mul3A_1120 = vector.broadcast %mul3A_1119 : f32 to vector<16xf32>
      %mul3A_1121 = arith.mulf %bitcast_convert_type3A_1115, %mul3A_1120 : vector<16xf32>
      %select_n3A_1122 = arith.select %gt3A_1118, %mul3A_1121, %bitcast_convert_type3A_1115 : vector<16xi1>, vector<16xf32>
      %jit3A_1123 = arith.constant 1 : i32
      %jit3A_1124 = arith.constant 0 : i32
      %broadcast_in_dim3A_1125 = vector.broadcast %jit3A_1123 : i32 to vector<16xi32>
      %broadcast_in_dim3A_1126 = vector.broadcast %jit3A_1124 : i32 to vector<16xi32>
      %select_n3A_1127 = arith.select %gt3A_1118, %broadcast_in_dim3A_1125, %broadcast_in_dim3A_1126 : vector<16xi1>, vector<16xi32>
      %add3A_1128 = arith.addi %sub3A_1108, %select_n3A_1127 : vector<16xi32>
      %convert_element_type3A_1129 = arith.sitofp %add3A_1128 : vector<16xi32> to vector<16xf32>
      %sub3A_1130 = arith.constant 1.000000e+00 : f32
      %sub3A_1131 = vector.broadcast %sub3A_1130 : f32 to vector<16xf32>
      %sub3A_1132 = arith.subf %select_n3A_1122, %sub3A_1131 : vector<16xf32>
      %add3A_1133 = arith.constant 1.000000e+00 : f32
      %add3A_1134 = vector.broadcast %add3A_1133 : f32 to vector<16xf32>
      %add3A_1135 = arith.addf %select_n3A_1122, %add3A_1134 : vector<16xf32>
      %div3A_1136 = arith.divf %sub3A_1132, %add3A_1135 : vector<16xf32>
      %mul3A_1137 = arith.mulf %div3A_1136, %div3A_1136 : vector<16xf32>
      %mul3A_1138 = arith.constant 2.000000e+00 : f32
      %mul3A_1139 = vector.broadcast %mul3A_1138 : f32 to vector<16xf32>
      %mul3A_1140 = arith.mulf %mul3A_1139, %div3A_1136 : vector<16xf32>
      %mul3A_1141 = arith.constant 0.142857149 : f32
      %mul3A_1142 = vector.broadcast %mul3A_1141 : f32 to vector<16xf32>
      %mul3A_1143 = arith.mulf %mul3A_1137, %mul3A_1142 : vector<16xf32>
      %add3A_1144 = arith.constant 2.000000e-01 : f32
      %add3A_1145 = vector.broadcast %add3A_1144 : f32 to vector<16xf32>
      %add3A_1146 = arith.addf %add3A_1145, %mul3A_1143 : vector<16xf32>
      %mul3A_1147 = arith.mulf %mul3A_1137, %add3A_1146 : vector<16xf32>
      %add3A_1148 = arith.constant 0.333333343 : f32
      %add3A_1149 = vector.broadcast %add3A_1148 : f32 to vector<16xf32>
      %add3A_1150 = arith.addf %add3A_1149, %mul3A_1147 : vector<16xf32>
      %mul3A_1151 = arith.mulf %mul3A_1137, %add3A_1150 : vector<16xf32>
      %add3A_1152 = arith.constant 1.000000e+00 : f32
      %add3A_1153 = vector.broadcast %add3A_1152 : f32 to vector<16xf32>
      %add3A_1154 = arith.addf %add3A_1153, %mul3A_1151 : vector<16xf32>
      %mul3A_1155 = arith.mulf %mul3A_1140, %add3A_1154 : vector<16xf32>
      %mul3A_1156 = arith.constant 0.693147182 : f32
      %mul3A_1157 = vector.broadcast %mul3A_1156 : f32 to vector<16xf32>
      %mul3A_1158 = arith.mulf %convert_element_type3A_1129, %mul3A_1157 : vector<16xf32>
      %add3A_1159 = arith.addf %mul3A_1158, %mul3A_1155 : vector<16xf32>
      %max3A_1160 = arith.constant -1.000000e+02 : f32
      %max3A_1161 = vector.broadcast %max3A_1160 : f32 to vector<16xf32>
      %max3A_1162 = arith.maximumf %add3A_1159, %max3A_1161 : vector<16xf32>
      %neg3A_1163 = arith.constant 0.000000e+00 : f32
      %neg3A_1164 = vector.broadcast %neg3A_1163 : f32 to vector<16xf32>
      %neg3A_1165 = arith.subf %neg3A_1164, %max3A_1162 : vector<16xf32>
      %get3A_1166 = arith.constant 6 : i32
      %get3A_1167 = arith.index_cast %get3A_1166 : i32 to index
      %get3A_1168 = arith.constant 0 : index
      %get3A_1169 = tpu.vector_load %arg11[%get3A_1167, %get3A_1168] {strides = array<i32>} : memref<8x16xf32, #tpu.memory_space<vmem>>, vector<1x16xf32>,
      %get3A_1170 = vector.shape_cast %get3A_1169 : vector<1x16xf32> to vector<16xf32>
      %gt3A_1171 = arith.constant 0 : i32
      %gt3A_1172 = vector.broadcast %gt3A_1171 : i32 to vector<16xi32>
      %gt3A_1173 = arith.cmpi sgt, %select_n3A_1080, %gt3A_1172 : vector<16xi32>
      %jit3A_1174 = arith.constant 0.000000e+00 : f32
      %broadcast_in_dim3A_1175 = vector.broadcast %jit3A_1174 : f32 to vector<16xf32>
      %select_n3A_1176 = arith.select %gt3A_1173, %neg3A_1165, %broadcast_in_dim3A_1175 : vector<16xi1>, vector<16xf32>
      %add3A_1177 = arith.addf %get3A_1170, %select_n3A_1176 : vector<16xf32>
      %swap3A_1178 = arith.constant 6 : i32
      %swap3A_1179 = arith.index_cast %swap3A_1178 : i32 to index
      %swap3A_1180 = arith.constant 0 : index
      %swap3A_1181 = tpu.vector_load %arg11[%swap3A_1179, %swap3A_1180] {strides = array<i32>} : memref<8x16xf32, #tpu.memory_space<vmem>>, vector<1x16xf32>,
      %swap3A_1182 = vector.shape_cast %swap3A_1181 : vector<1x16xf32> to vector<16xf32>
      %swap3A_1183 = vector.shape_cast %add3A_1177 : vector<16xf32> to vector<1x16xf32>
      tpu.vector_store %arg11[%swap3A_1179, %swap3A_1180], %swap3A_1183 {strides = array<i32>} : memref<8x16xf32, #tpu.memory_space<vmem>>, vector<1x16xf32>,
      %get3A_1184 = arith.constant 7 : i32
      %get3A_1185 = arith.index_cast %get3A_1184 : i32 to index
      %get3A_1186 = arith.constant 0 : index
      %get3A_1187 = tpu.vector_load %arg11[%get3A_1185, %get3A_1186] {strides = array<i32>} : memref<8x16xf32, #tpu.memory_space<vmem>>, vector<1x16xf32>,
      %get3A_1188 = vector.shape_cast %get3A_1187 : vector<1x16xf32> to vector<16xf32>
      %convert_element_type3A_1189 = arith.sitofp %select_n3A_1080 : vector<16xi32> to vector<16xf32>
      %add3A_1190 = arith.addf %get3A_1188, %convert_element_type3A_1189 : vector<16xf32>
      %swap3A_1191 = arith.constant 7 : i32
      %swap3A_1192 = arith.index_cast %swap3A_1191 : i32 to index
      %swap3A_1193 = arith.constant 0 : index
      %swap3A_1194 = tpu.vector_load %arg11[%swap3A_1192, %swap3A_1193] {strides = array<i32>} : memref<8x16xf32, #tpu.memory_space<vmem>>, vector<1x16xf32>,
      %swap3A_1195 = vector.shape_cast %swap3A_1194 : vector<1x16xf32> to vector<16xf32>
      %swap3A_1196 = vector.shape_cast %add3A_1190 : vector<16xf32> to vector<1x16xf32>
      tpu.vector_store %arg11[%swap3A_1192, %swap3A_1193], %swap3A_1196 {strides = array<i32>} : memref<8x16xf32, #tpu.memory_space<vmem>>, vector<1x16xf32>,
    } else {
    }
    "tpu.region"() ({
      %run_scoped3A = tpu.sem_alloc : memref<!tpu.dma_semaphore, #tpu.memory_space<semaphore_mem>>
      %dma_start3A_620 = arith.constant 0 : i32
      %dma_start3A_621 = arith.constant 0 : i32
      %dma_start3A_622 = tpu.memref_slice %arg4[%add3A, %dma_start3A_620, %dma_start3A_621] : memref<32x8x16xf32, #tpu.memory_space<hbm>> -> memref<1x8x16xf32, #tpu.memory_space<hbm>>
      %dma_start3A_623 = tpu.memref_squeeze %dma_start3A_622 : memref<1x8x16xf32, #tpu.memory_space<hbm>> -> memref<8x16xf32, #tpu.memory_space<hbm>>
      %dma_start3A_624 = arith.constant 0 : i32
      %dma_start3A_625 = arith.constant 0 : i32
      %dma_start3A_626 = tpu.memref_slice %arg4[%add3A, %dma_start3A_624, %dma_start3A_625] : memref<32x8x16xf32, #tpu.memory_space<hbm>> -> memref<1x8x16xf32, #tpu.memory_space<hbm>>
      %dma_start3A_627 = tpu.memref_squeeze %dma_start3A_626 : memref<1x8x16xf32, #tpu.memory_space<hbm>> -> memref<8x16xf32, #tpu.memory_space<hbm>>
      tpu.enqueue_dma source(%arg11 : memref<8x16xf32, #tpu.memory_space<vmem>>) target(%dma_start3A_627 : memref<8x16xf32, #tpu.memory_space<hbm>>) target_semaphore(%run_scoped3A : memref<!tpu.dma_semaphore, #tpu.memory_space<semaphore_mem>>)
      %dma_wait3A_628 = arith.constant 0 : i32
      %dma_wait3A_629 = arith.constant 0 : i32
      %dma_wait3A_630 = tpu.memref_slice %arg4[%add3A, %dma_wait3A_628, %dma_wait3A_629] : memref<32x8x16xf32, #tpu.memory_space<hbm>> -> memref<1x8x16xf32, #tpu.memory_space<hbm>>
      %dma_wait3A_631 = tpu.memref_squeeze %dma_wait3A_630 : memref<1x8x16xf32, #tpu.memory_space<hbm>> -> memref<8x16xf32, #tpu.memory_space<hbm>>
      %dma_wait3A_632 = arith.constant 0 : i32
      %dma_wait3A_633 = arith.constant 0 : i32
      %dma_wait3A_634 = tpu.memref_slice %arg4[%add3A, %dma_wait3A_632, %dma_wait3A_633] : memref<32x8x16xf32, #tpu.memory_space<hbm>> -> memref<1x8x16xf32, #tpu.memory_space<hbm>>
      %dma_wait3A_635 = tpu.memref_squeeze %dma_wait3A_634 : memref<1x8x16xf32, #tpu.memory_space<hbm>> -> memref<8x16xf32, #tpu.memory_space<hbm>>
      tpu.wait_dma2 semaphore(%run_scoped3A : memref<!tpu.dma_semaphore, #tpu.memory_space<semaphore_mem>>) src(%arg11 : memref<8x16xf32, #tpu.memory_space<vmem>>) dst(%dma_wait3A_635 : memref<8x16xf32, #tpu.memory_space<hbm>>)
      tpu.yield
    }) : () -> ()
    return
  }
}

module attributes {stable_mosaic.version = 14 : i64} {
  func.func @_tc_body(%arg0: i32, %arg1: memref<2x5x1x64x64xf32, #tpu.memory_space<vmem>>, %arg2: memref<4x2x17x4096xf32, #tpu.memory_space<vmem>>, %arg3: memref<4x2x17x4096xf32, #tpu.memory_space<vmem>>, %arg4: memref<32x8x16xf32, #tpu.memory_space<vmem>>, %arg5: memref<1x1xf32, #tpu.memory_space<smem>>, %arg6: memref<1x1xf32, #tpu.memory_space<smem>>, %arg7: memref<2xf32, #tpu.memory_space<smem>>) attributes {dimension_semantics = [#tpu.dimension_semantics<arbitrary>], iteration_bounds = array<i64: 8>, scalar_prefetch = 0 : i64, scratch_operands = 1 : i64, tpu.core_type = #tpu.core_type<tc>, window_params = [{transform_indices = @transform_0, window_bounds = array<i64: 2, 5, 1, 64, 64>}, {transform_indices = @transform_1, window_bounds = array<i64: 4, 2, 17, 4096>}, {transform_indices = @transform_2, window_bounds = array<i64: 4, 2, 17, 4096>}, {pipeline_mode = #tpu.pipeline_mode<synchronous>, transform_indices = @transform_3, window_bounds = array<i64: 32, 8, 16>}, {transform_indices = @transform_4, window_bounds = array<i64: 1, 1>}, {transform_indices = @transform_5, window_bounds = array<i64: 1, 1>}]} {
    %eq3A = arith.constant 0 : i32
    %eq3A_0 = arith.cmpi eq, %arg0, %eq3A : i32
    %convert_element_type3A = arith.extui %eq3A_0 : i1 to i32
    %cond3A = arith.constant 0 : i32
    %cond3A_1 = arith.cmpi ne, %convert_element_type3A, %cond3A : i32
    scf.if %cond3A_1 {
      %swap3A_54 = arith.constant 0.000000e+00 : f32
      %swap3A_55 = arith.constant 0 : index
      %swap3A_56 = memref.load %arg7[%swap3A_55] : memref<2xf32, #tpu.memory_space<smem>>
      memref.store %swap3A_54, %arg7[%swap3A_55] : memref<2xf32, #tpu.memory_space<smem>>
      %swap3A_57 = arith.constant 0.000000e+00 : f32
      %swap3A_58 = arith.constant 1 : index
      %swap3A_59 = memref.load %arg7[%swap3A_58] : memref<2xf32, #tpu.memory_space<smem>>
      memref.store %swap3A_57, %arg7[%swap3A_58] : memref<2xf32, #tpu.memory_space<smem>>
    } else {
    }
    %get3A = arith.constant 0 : index
    %get3A_2 = arith.constant 0 : index
    %get3A_3 = arith.constant 0 : index
    %get3A_4 = arith.constant 0 : index
    %get3A_5 = arith.constant 0 : index
    %get3A_6 = vector.load %arg1[%get3A, %get3A_2, %get3A_3, %get3A_4, %get3A_5] : memref<2x5x1x64x64xf32, #tpu.memory_space<vmem>>, vector<2x5x1x64x64xf32>
    %get3A_7 = vector.shape_cast %get3A_6 : vector<2x5x1x64x64xf32> to vector<2x5x64x64xf32>
    %logistic3A = arith.negf %get3A_7 : vector<2x5x64x64xf32>
    %logistic3A_8 = math.exp %logistic3A : vector<2x5x64x64xf32>
    %logistic3A_9 = arith.constant 1.000000e+00 : f32
    %logistic3A_10 = vector.broadcast %logistic3A_9 : f32 to vector<2x5x64x64xf32>
    %logistic3A_11 = arith.addf %logistic3A_10, %logistic3A_8 : vector<2x5x64x64xf32>
    %logistic3A_12 = arith.divf %logistic3A_10, %logistic3A_11 : vector<2x5x64x64xf32>
    %sub3A = arith.constant 1.000000e+00 : f32
    %sub3A_13 = vector.broadcast %sub3A : f32 to vector<2x5x64x64xf32>
    %sub3A_14 = arith.subf %sub3A_13, %logistic3A_12 : vector<2x5x64x64xf32>
    %max3A = arith.constant 9.99999996E-13 : f32
    %max3A_15 = vector.broadcast %max3A : f32 to vector<2x5x64x64xf32>
    %max3A_16 = arith.maximumf %sub3A_14, %max3A_15 : vector<2x5x64x64xf32>
    %log3A = math.log %max3A_16 : vector<2x5x64x64xf32>
    %max3A_17 = arith.constant -1.000000e+02 : f32
    %max3A_18 = vector.broadcast %max3A_17 : f32 to vector<2x5x64x64xf32>
    %max3A_19 = arith.maximumf %log3A, %max3A_18 : vector<2x5x64x64xf32>
    %get3A_20 = arith.constant 0 : index
    %get3A_21 = memref.load %arg7[%get3A_20] : memref<2xf32, #tpu.memory_space<smem>>
    %reduce_sum3A = vector.shape_cast %max3A_19 : vector<2x5x64x64xf32> to vector<1x2x5x64x64xf32>
    %reduce_sum3A_22 = arith.constant dense<0.000000e+00> : vector<1xf32>
    %reduce_sum3A_23 = vector.multi_reduction <add>, %reduce_sum3A, %reduce_sum3A_22 [1, 2, 3, 4] : vector<1x2x5x64x64xf32> to vector<1xf32>
    %reduce_sum3A_24 = vector.shape_cast %reduce_sum3A_23 : vector<1xf32> to vector<1x1x1x1x1xf32>
    %reduce_sum3A_25 = vector.extract %reduce_sum3A_24[0, 0, 0, 0, 0] : f32 from vector<1x1x1x1x1xf32>
    %neg3A = arith.constant 0.000000e+00 : f32
    %neg3A_26 = arith.subf %neg3A, %reduce_sum3A_25 : f32
    %add3A = arith.addf %get3A_21, %neg3A_26 : f32
    %swap3A = arith.constant 0 : index
    %swap3A_27 = memref.load %arg7[%swap3A] : memref<2xf32, #tpu.memory_space<smem>>
    memref.store %add3A, %arg7[%swap3A] : memref<2xf32, #tpu.memory_space<smem>>
    %get3A_28 = arith.constant 0 : index
    %get3A_29 = arith.constant 0 : index
    %get3A_30 = arith.constant 0 : index
    %get3A_31 = arith.constant 0 : index
    %get3A_32 = vector.load %arg2[%get3A_28, %get3A_29, %get3A_30, %get3A_31] : memref<4x2x17x4096xf32, #tpu.memory_space<vmem>>, vector<4x2x17x4096xf32>
    %get3A_33 = arith.constant 0 : index
    %get3A_34 = arith.constant 0 : index
    %get3A_35 = arith.constant 0 : index
    %get3A_36 = arith.constant 0 : index
    %get3A_37 = vector.load %arg3[%get3A_33, %get3A_34, %get3A_35, %get3A_36] : memref<4x2x17x4096xf32, #tpu.memory_space<vmem>>, vector<4x2x17x4096xf32>
    %sub3A_38 = arith.subf %get3A_32, %get3A_37 : vector<4x2x17x4096xf32>
    %get3A_39 = arith.constant 1 : index
    %get3A_40 = memref.load %arg7[%get3A_39] : memref<2xf32, #tpu.memory_space<smem>>
    %mul3A = arith.mulf %sub3A_38, %sub3A_38 : vector<4x2x17x4096xf32>
    %reduce_sum3A_41 = vector.shape_cast %mul3A : vector<4x2x17x4096xf32> to vector<1x4x2x17x4096xf32>
    %reduce_sum3A_42 = arith.constant dense<0.000000e+00> : vector<1xf32>
    %reduce_sum3A_43 = vector.multi_reduction <add>, %reduce_sum3A_41, %reduce_sum3A_42 [1, 2, 3, 4] : vector<1x4x2x17x4096xf32> to vector<1xf32>
    %reduce_sum3A_44 = vector.shape_cast %reduce_sum3A_43 : vector<1xf32> to vector<1x1x1x1x1xf32>
    %reduce_sum3A_45 = vector.extract %reduce_sum3A_44[0, 0, 0, 0, 0] : f32 from vector<1x1x1x1x1xf32>
    %add3A_46 = arith.addf %get3A_40, %reduce_sum3A_45 : f32
    %swap3A_47 = arith.constant 1 : index
    %swap3A_48 = memref.load %arg7[%swap3A_47] : memref<2xf32, #tpu.memory_space<smem>>
    memref.store %add3A_46, %arg7[%swap3A_47] : memref<2xf32, #tpu.memory_space<smem>>
    %eq3A_49 = arith.constant 7 : i32
    %eq3A_50 = arith.cmpi eq, %arg0, %eq3A_49 : i32
    %convert_element_type3A_51 = arith.extui %eq3A_50 : i1 to i32
    %cond3A_52 = arith.constant 0 : i32
    %cond3A_53 = arith.cmpi ne, %convert_element_type3A_51, %cond3A_52 : i32
    scf.if %cond3A_53 {
      %get3A_54 = arith.constant 0 : index
      %get3A_55 = arith.constant 0 : index
      %get3A_56 = arith.constant 0 : index
      %get3A_57 = vector.load %arg4[%get3A_54, %get3A_55, %get3A_56] : memref<32x8x16xf32, #tpu.memory_space<vmem>>, vector<32x1x16xf32>
      %get3A_58 = vector.shape_cast %get3A_57 : vector<32x1x16xf32> to vector<32x16xf32>
      %reduce_sum3A_59 = vector.shape_cast %get3A_58 : vector<32x16xf32> to vector<1x32x16xf32>
      %reduce_sum3A_60 = arith.constant dense<0.000000e+00> : vector<1xf32>
      %reduce_sum3A_61 = vector.multi_reduction <add>, %reduce_sum3A_59, %reduce_sum3A_60 [1, 2] : vector<1x32x16xf32> to vector<1xf32>
      %reduce_sum3A_62 = vector.shape_cast %reduce_sum3A_61 : vector<1xf32> to vector<1x1x1xf32>
      %reduce_sum3A_63 = vector.extract %reduce_sum3A_62[0, 0, 0] : f32 from vector<1x1x1xf32>
      %get3A_64 = arith.constant 0 : index
      %get3A_65 = arith.constant 1 : index
      %get3A_66 = arith.constant 0 : index
      %get3A_67 = vector.load %arg4[%get3A_64, %get3A_65, %get3A_66] : memref<32x8x16xf32, #tpu.memory_space<vmem>>, vector<32x1x16xf32>
      %get3A_68 = vector.shape_cast %get3A_67 : vector<32x1x16xf32> to vector<32x16xf32>
      %reduce_sum3A_69 = vector.shape_cast %get3A_68 : vector<32x16xf32> to vector<1x32x16xf32>
      %reduce_sum3A_70 = arith.constant dense<0.000000e+00> : vector<1xf32>
      %reduce_sum3A_71 = vector.multi_reduction <add>, %reduce_sum3A_69, %reduce_sum3A_70 [1, 2] : vector<1x32x16xf32> to vector<1xf32>
      %reduce_sum3A_72 = vector.shape_cast %reduce_sum3A_71 : vector<1xf32> to vector<1x1x1xf32>
      %reduce_sum3A_73 = vector.extract %reduce_sum3A_72[0, 0, 0] : f32 from vector<1x1x1xf32>
      %get3A_74 = arith.constant 0 : index
      %get3A_75 = arith.constant 2 : index
      %get3A_76 = arith.constant 0 : index
      %get3A_77 = vector.load %arg4[%get3A_74, %get3A_75, %get3A_76] : memref<32x8x16xf32, #tpu.memory_space<vmem>>, vector<32x1x16xf32>
      %get3A_78 = vector.shape_cast %get3A_77 : vector<32x1x16xf32> to vector<32x16xf32>
      %reduce_sum3A_79 = vector.shape_cast %get3A_78 : vector<32x16xf32> to vector<1x32x16xf32>
      %reduce_sum3A_80 = arith.constant dense<0.000000e+00> : vector<1xf32>
      %reduce_sum3A_81 = vector.multi_reduction <add>, %reduce_sum3A_79, %reduce_sum3A_80 [1, 2] : vector<1x32x16xf32> to vector<1xf32>
      %reduce_sum3A_82 = vector.shape_cast %reduce_sum3A_81 : vector<1xf32> to vector<1x1x1xf32>
      %reduce_sum3A_83 = vector.extract %reduce_sum3A_82[0, 0, 0] : f32 from vector<1x1x1xf32>
      %get3A_84 = arith.constant 0 : index
      %get3A_85 = arith.constant 3 : index
      %get3A_86 = arith.constant 0 : index
      %get3A_87 = vector.load %arg4[%get3A_84, %get3A_85, %get3A_86] : memref<32x8x16xf32, #tpu.memory_space<vmem>>, vector<32x1x16xf32>
      %get3A_88 = vector.shape_cast %get3A_87 : vector<32x1x16xf32> to vector<32x16xf32>
      %reduce_sum3A_89 = vector.shape_cast %get3A_88 : vector<32x16xf32> to vector<1x32x16xf32>
      %reduce_sum3A_90 = arith.constant dense<0.000000e+00> : vector<1xf32>
      %reduce_sum3A_91 = vector.multi_reduction <add>, %reduce_sum3A_89, %reduce_sum3A_90 [1, 2] : vector<1x32x16xf32> to vector<1xf32>
      %reduce_sum3A_92 = vector.shape_cast %reduce_sum3A_91 : vector<1xf32> to vector<1x1x1xf32>
      %reduce_sum3A_93 = vector.extract %reduce_sum3A_92[0, 0, 0] : f32 from vector<1x1x1xf32>
      %get3A_94 = arith.constant 0 : index
      %get3A_95 = arith.constant 4 : index
      %get3A_96 = arith.constant 0 : index
      %get3A_97 = vector.load %arg4[%get3A_94, %get3A_95, %get3A_96] : memref<32x8x16xf32, #tpu.memory_space<vmem>>, vector<32x1x16xf32>
      %get3A_98 = vector.shape_cast %get3A_97 : vector<32x1x16xf32> to vector<32x16xf32>
      %reduce_sum3A_99 = vector.shape_cast %get3A_98 : vector<32x16xf32> to vector<1x32x16xf32>
      %reduce_sum3A_100 = arith.constant dense<0.000000e+00> : vector<1xf32>
      %reduce_sum3A_101 = vector.multi_reduction <add>, %reduce_sum3A_99, %reduce_sum3A_100 [1, 2] : vector<1x32x16xf32> to vector<1xf32>
      %reduce_sum3A_102 = vector.shape_cast %reduce_sum3A_101 : vector<1xf32> to vector<1x1x1xf32>
      %reduce_sum3A_103 = vector.extract %reduce_sum3A_102[0, 0, 0] : f32 from vector<1x1x1xf32>
      %get3A_104 = arith.constant 0 : index
      %get3A_105 = arith.constant 5 : index
      %get3A_106 = arith.constant 0 : index
      %get3A_107 = vector.load %arg4[%get3A_104, %get3A_105, %get3A_106] : memref<32x8x16xf32, #tpu.memory_space<vmem>>, vector<32x1x16xf32>
      %get3A_108 = vector.shape_cast %get3A_107 : vector<32x1x16xf32> to vector<32x16xf32>
      %reduce_sum3A_109 = vector.shape_cast %get3A_108 : vector<32x16xf32> to vector<1x32x16xf32>
      %reduce_sum3A_110 = arith.constant dense<0.000000e+00> : vector<1xf32>
      %reduce_sum3A_111 = vector.multi_reduction <add>, %reduce_sum3A_109, %reduce_sum3A_110 [1, 2] : vector<1x32x16xf32> to vector<1xf32>
      %reduce_sum3A_112 = vector.shape_cast %reduce_sum3A_111 : vector<1xf32> to vector<1x1x1xf32>
      %reduce_sum3A_113 = vector.extract %reduce_sum3A_112[0, 0, 0] : f32 from vector<1x1x1xf32>
      %get3A_114 = arith.constant 0 : index
      %get3A_115 = arith.constant 6 : index
      %get3A_116 = arith.constant 0 : index
      %get3A_117 = vector.load %arg4[%get3A_114, %get3A_115, %get3A_116] : memref<32x8x16xf32, #tpu.memory_space<vmem>>, vector<32x1x16xf32>
      %get3A_118 = vector.shape_cast %get3A_117 : vector<32x1x16xf32> to vector<32x16xf32>
      %reduce_sum3A_119 = vector.shape_cast %get3A_118 : vector<32x16xf32> to vector<1x32x16xf32>
      %reduce_sum3A_120 = arith.constant dense<0.000000e+00> : vector<1xf32>
      %reduce_sum3A_121 = vector.multi_reduction <add>, %reduce_sum3A_119, %reduce_sum3A_120 [1, 2] : vector<1x32x16xf32> to vector<1xf32>
      %reduce_sum3A_122 = vector.shape_cast %reduce_sum3A_121 : vector<1xf32> to vector<1x1x1xf32>
      %reduce_sum3A_123 = vector.extract %reduce_sum3A_122[0, 0, 0] : f32 from vector<1x1x1xf32>
      %get3A_124 = arith.constant 0 : index
      %get3A_125 = arith.constant 7 : index
      %get3A_126 = arith.constant 0 : index
      %get3A_127 = vector.load %arg4[%get3A_124, %get3A_125, %get3A_126] : memref<32x8x16xf32, #tpu.memory_space<vmem>>, vector<32x1x16xf32>
      %get3A_128 = vector.shape_cast %get3A_127 : vector<32x1x16xf32> to vector<32x16xf32>
      %reduce_sum3A_129 = vector.shape_cast %get3A_128 : vector<32x16xf32> to vector<1x32x16xf32>
      %reduce_sum3A_130 = arith.constant dense<0.000000e+00> : vector<1xf32>
      %reduce_sum3A_131 = vector.multi_reduction <add>, %reduce_sum3A_129, %reduce_sum3A_130 [1, 2] : vector<1x32x16xf32> to vector<1xf32>
      %reduce_sum3A_132 = vector.shape_cast %reduce_sum3A_131 : vector<1xf32> to vector<1x1x1xf32>
      %reduce_sum3A_133 = vector.extract %reduce_sum3A_132[0, 0, 0] : f32 from vector<1x1x1xf32>
      %max3A_134 = arith.constant 1.000000e+00 : f32
      %max3A_135 = arith.maximumf %reduce_sum3A_113, %max3A_134 : f32
      %get3A_136 = arith.constant 0 : index
      %get3A_137 = memref.load %arg7[%get3A_136] : memref<2xf32, #tpu.memory_space<smem>>
      %sub3A_138 = arith.subf %get3A_137, %reduce_sum3A_123 : f32
      %sub3A_139 = arith.constant 3.276800e+05 : f32
      %sub3A_140 = arith.subf %sub3A_139, %reduce_sum3A_133 : f32
      %max3A_141 = arith.constant 1.000000e+00 : f32
      %max3A_142 = arith.maximumf %sub3A_140, %max3A_141 : f32
      %div3A = arith.divf %sub3A_138, %max3A_142 : f32
      %add3A_143 = arith.addf %reduce_sum3A_63, %reduce_sum3A_73 : f32
      %add3A_144 = arith.addf %add3A_143, %reduce_sum3A_83 : f32
      %add3A_145 = arith.addf %add3A_144, %reduce_sum3A_93 : f32
      %add3A_146 = arith.addf %add3A_145, %reduce_sum3A_103 : f32
      %div3A_147 = arith.divf %add3A_146, %max3A_135 : f32
      %mul3A_148 = arith.constant 1.000000e+02 : f32
      %mul3A_149 = arith.mulf %mul3A_148, %div3A : f32
      %add3A_150 = arith.addf %div3A_147, %mul3A_149 : f32
      %swap3A_151 = arith.constant 0 : index
      %swap3A_152 = arith.constant 0 : index
      %swap3A_153 = memref.load %arg5[%swap3A_151, %swap3A_152] : memref<1x1xf32, #tpu.memory_space<smem>>
      memref.store %add3A_150, %arg5[%swap3A_151, %swap3A_152] : memref<1x1xf32, #tpu.memory_space<smem>>
      %get3A_154 = arith.constant 1 : index
      %get3A_155 = memref.load %arg7[%get3A_154] : memref<2xf32, #tpu.memory_space<smem>>
      %div3A_156 = arith.constant 0x4A880000 : f32
      %div3A_157 = arith.divf %get3A_155, %div3A_156 : f32
      %swap3A_158 = arith.constant 0 : index
      %swap3A_159 = arith.constant 0 : index
      %swap3A_160 = memref.load %arg6[%swap3A_158, %swap3A_159] : memref<1x1xf32, #tpu.memory_space<smem>>
      memref.store %div3A_157, %arg6[%swap3A_158, %swap3A_159] : memref<1x1xf32, #tpu.memory_space<smem>>
    } else {
    }
    return
  }
  func.func @transform_0(%arg0: i32) -> (i32, i32, i32, i32, i32) {
    %c0_i32 = arith.constant 0 : i32
    %c4_i32 = arith.constant 4 : i32
    %c0_i32_0 = arith.constant 0 : i32
    %c0_i32_1 = arith.constant 0 : i32
    %c0_i32_2 = arith.constant 0 : i32
    return %arg0, %c0_i32, %c4_i32, %c0_i32_0, %c0_i32_1 : i32, i32, i32, i32, i32
  }
  func.func @transform_1(%arg0: i32) -> (i32, i32, i32, i32) {
    %c0_i32 = arith.constant 0 : i32
    %c0_i32_0 = arith.constant 0 : i32
    %c0_i32_1 = arith.constant 0 : i32
    %c0_i32_2 = arith.constant 0 : i32
    return %c0_i32, %arg0, %c0_i32_0, %c0_i32_1 : i32, i32, i32, i32
  }
  func.func @transform_2(%arg0: i32) -> (i32, i32, i32, i32) {
    %c0_i32 = arith.constant 0 : i32
    %c0_i32_0 = arith.constant 0 : i32
    %c0_i32_1 = arith.constant 0 : i32
    %c0_i32_2 = arith.constant 0 : i32
    return %c0_i32, %arg0, %c0_i32_0, %c0_i32_1 : i32, i32, i32, i32
  }
  func.func @transform_3(%arg0: i32) -> (i32, i32, i32) {
    %c0_i32 = arith.constant 0 : i32
    %c0_i32_0 = arith.constant 0 : i32
    %c0_i32_1 = arith.constant 0 : i32
    %c0_i32_2 = arith.constant 0 : i32
    return %c0_i32, %c0_i32_0, %c0_i32_1 : i32, i32, i32
  }
  func.func @transform_4(%arg0: i32) -> (i32, i32) {
    %c0_i32 = arith.constant 0 : i32
    %c0_i32_0 = arith.constant 0 : i32
    %c0_i32_1 = arith.constant 0 : i32
    return %c0_i32, %c0_i32_0 : i32, i32
  }
  func.func @transform_5(%arg0: i32) -> (i32, i32) {
    %c0_i32 = arith.constant 0 : i32
    %c0_i32_0 = arith.constant 0 : i32
    %c0_i32_1 = arith.constant 0 : i32
    return %c0_i32, %c0_i32_0 : i32, i32
  }
}

</mosaic_0001>

<sc_bundles>
// kernel: kernel.4.cloned.1.call-start
scs
__scs_entry_jumppad:
0x0: {  	(pc) =	sbr.rel $0x88, $3  }
0x1: {  	(tag) =	ssettag $0x0;
	lr =	simm.s32 $0x1  }
0x2: {  	[smem:$0x3F9D] =	sst lr;
	_ =	strace $0xD0000000  }
0x3: {  	_ = 	snop  }
0x4: {  	_ = 	snop  }
0x5: {  	_ = 	snop  }
0x6: {  	_ = 	snop  }
0x7: {  	_ = 	snop  }
__scs_overlays_trampoline_lowered:
0x8: {  	[smem:$0x3FAC] =	sst s0  }
0x9: {  	[smem:$0x3FAD] =	sst s1  }
0xa: {  	[smem:$0x3FAE] =	sst s2  }
0xb: {  	[smem:$0x3FAF] =	sst s3  }
0xc: {  	[smem:$0x3FB0] =	sst s4  }
0xd: {  	[smem:$0x3FB1] =	sst s5  }
0xe: {  	[smem:$0x3FB2] =	sst s6  }
0xf: {  	[smem:$0x3FB3] =	sst s7  }
0x10: {  	[smem:$0x3FB4] =	sst s8  }
0x11: {  	[smem:$0x3FB5] =	sst s9;
	s0 =	simm.s32 @!p0 $0x0  }
0x12: {  	s1 =	sld [smem:$0x3F9B];
	s0 =	simm.s32 @p0 $0x1  }
0x13: {  	[smem:$0x3FB6] =	sst s0;
	s0 =	simm.s32 @!p1 $0x0  }
0x14: {  	s2 =	sld [smem:$0x3F9A];
	s0 =	simm.s32 @p1 $0x1  }
0x15: {  	[smem:$0x3FB7] =	sst s0;
	s0 =	simm.s32 @!p2 $0x0  }
0x16: {  	s3 =	sld [smem:$0x3FDB];
	s0 =	simm.s32 @p2 $0x1  }
0x17: {  	s4 =	simm.s32 $0x1BF5;
	[smem:$0x3FB9] =	sst s0  }
0x18: {  	s0 =	sld [smem:$0x3F9C];
	_ =	swait.ge [sflag:s4], $0x0  }
0x19: {  	s7 =	sld [smem:$0x3F9D]  }
0x1a: {  	s8 =	sadd.s32 $0xFFFFE003, lr  }
0x1b: {  	s9 =	sadd.s32 $0xFFFFFEF7, lr;
	s5 =	simm.s32 $0xFFFFFFFF;
	p2 =	slt.u32 s8, $0xFFFFF086  }
0x1c: {  	p1 =	slt.u32 s9, $0xF7A;
	s5 =	simm.s32 @!p2 $0x0  }
0x1d: {  	s5 =	simm.s32 @p1 $0x1;
	p0 =	seq.s32 s7, s2  }
0x1e: {  	s7 =	smul.u32 @!p0 $0xF7A, s2;
	p2 =	seq.s32 @!p0 s5, $0x0  }
0x1f: {  	s9 =	smul.u32 $0xF7A, s1;
	s8 =	simm.s32 @!p0 $0x1BF5;
	p2 =	por !p2, p0  }
0x20: {  	[sflag:s8] =	ssyncset.s32 @!p0 $0xFFFFF086;
	s6 =	sadd.s32 @!p0 s3, s7;
	s7 =	simm.s32 @!p0 $0x108  }
0x21: {  	s3 =	sadd.s32 s3, s9;
	s6 =	sadd.s32 @!p0 $0x88, s6;
	s7 =	simm.s32 @p2 $0x1082  }
0x22: {  	[simem:s7], [sflag:s8] =	dma.local @!p0 [hbm:s6], $0xF7A  }
0x23: {  	s9 =	sor.u32 $0xD0000000, s2;
	s6 =	simm.s32 $0x108;
	_ =	swait.ge @!p0 [sflag:s8], $0x0  }
0x24: {  	s3 =	sadd.s32 $0x88, s3;
	s6 =	simm.s32 @!p1 $0x1082;
	[sflag:s4] =	ssyncset.s32 $0xFFFFF086  }
0x25: {  	[simem:s6], [sflag:s4] =	dma.local [hbm:s3], $0xF7A  }
0x26: {  	[smem:$0x3F9D] =	sst s1;
	(tag) =	ssettag s2;
	_ =	strace s9  }
0x27: {  	s1 =	sld [smem:$0x3FAD]  }
0x28: {  	s2 =	sld [smem:$0x3FAE]  }
0x29: {  	s4 =	sld [smem:$0x3FB0]  }
0x2a: {  	p0 =	seq.s32 s5, $0x0;
	s5 =	sld [smem:$0x3FB1]  }
0x2b: {  	s6 =	sld [smem:$0x3FB2]  }
0x2c: {  	s7 =	sld [smem:$0x3FB3]  }
0x2d: {  	s3 =	simm.s32 $0x108;
	s8 =	sld [smem:$0x3FB4]  }
0x2e: {  	s3 =	simm.s32 @!p0 $0x1082;
	s9 =	sld [smem:$0x3FB5]  }
0x2f: {  	lr =	sadd.s32 s0, s3;
	s0 =	sld [smem:$0x3FAC]  }
0x30: {  	s3 =	sld [smem:$0x3FAF]  }
0x31: {  	[smem:$0x3FB8] =	sst s10  }
0x32: {  	s10 =	sld [smem:$0x3FB6];
	_ =	sdelay $0x3  }
0x33: {  	p0 =	seq.s32 s10, $0x1;
	s10 =	sld [smem:$0x3FB8];
	_ =	sdelay $0x3  }
0x34: {  	[smem:$0x3FB8] =	sst s10  }
0x35: {  	s10 =	sld [smem:$0x3FB7];
	_ =	sdelay $0x3  }
0x36: {  	p1 =	seq.s32 s10, $0x1;
	s10 =	sld [smem:$0x3FB8];
	_ =	sdelay $0x3  }
0x37: {  	[smem:$0x3FB8] =	sst s10  }
0x38: {  	s10 =	sld [smem:$0x3FB9]  }
0x39: {  	_ = 	snop;
	(pc) =	sbr.ind lr, $3  }
0x3a: {  	_ = 	snop  }
0x3b: {  	_ = 	snop  }
0x3c: {  	p2 =	seq.s32 s10, $0x1;
	s10 =	sld [smem:$0x3FB8]  }
0x3d: {  	_ =	shalt  }
0x3e: {  	_ =	shalt  }
0x3f: {  	_ =	shalt  }
0x40: {  	_ =	shalt  }
0x41: {  	_ =	shalt  }
0x42: {  	_ =	shalt  }
0x43: {  	_ =	shalt  }
0x44: {  	_ =	shalt  }
0x45: {  	_ =	shalt  }
0x46: {  	_ =	shalt  }
0x47: {  	_ =	shalt  }
0x48: {  	_ =	shalt  }
0x49: {  	_ =	shalt  }
0x4a: {  	_ =	shalt  }
0x4b: {  	_ =	shalt  }
0x4c: {  	_ =	shalt  }
0x4d: {  	_ =	shalt  }
0x4e: {  	_ =	shalt  }
0x4f: {  	_ =	shalt  }
0x50: {  	_ =	shalt  }
0x51: {  	_ =	shalt  }
0x52: {  	_ =	shalt  }
0x53: {  	_ =	shalt  }
0x54: {  	_ =	shalt  }
0x55: {  	_ =	shalt  }
0x56: {  	_ =	shalt  }
0x57: {  	_ =	shalt  }
0x58: {  	_ =	shalt  }
0x59: {  	_ =	shalt  }
0x5a: {  	_ =	shalt  }
0x5b: {  	_ =	shalt  }
0x5c: {  	_ =	shalt  }
0x5d: {  	_ =	shalt  }
0x5e: {  	_ =	shalt  }
0x5f: {  	_ =	shalt  }
0x60: {  	_ =	shalt  }
0x61: {  	_ =	shalt  }
0x62: {  	_ =	shalt  }
0x63: {  	_ =	shalt  }
0x64: {  	_ =	shalt  }
0x65: {  	_ =	shalt  }
0x66: {  	_ =	shalt  }
0x67: {  	_ =	shalt  }
0x68: {  	_ =	shalt  }
0x69: {  	_ =	shalt  }
0x6a: {  	_ =	shalt  }
0x6b: {  	_ =	shalt  }
0x6c: {  	_ =	shalt  }
0x6d: {  	_ =	shalt  }
0x6e: {  	_ =	shalt  }
0x6f: {  	_ =	shalt  }
0x70: {  	_ =	shalt  }
0x71: {  	_ =	shalt  }
0x72: {  	_ =	shalt  }
0x73: {  	_ =	shalt  }
0x74: {  	_ =	shalt  }
0x75: {  	_ =	shalt  }
0x76: {  	_ =	shalt  }
0x77: {  	_ =	shalt  }
0x78: {  	_ =	shalt  }
0x79: {  	_ =	shalt  }
0x7a: {  	_ =	shalt  }
0x7b: {  	_ =	shalt  }
0x7c: {  	_ =	shalt  }
0x7d: {  	_ =	shalt  }
0x7e: {  	_ =	shalt  }
0x7f: {  	_ =	shalt  }
0x80: {  	_ =	shalt  }
0x81: {  	_ =	shalt  }
0x82: {  	_ =	shalt  }
0x83: {  	_ =	shalt  }
0x84: {  	_ =	shalt  }
0x85: {  	_ =	shalt  }
0x86: {  	_ =	shalt  }
0x87: {  	_ =	shalt  }
.Lfunc_end0:
.L_simem_size_0:
called_computation_lowered:
.L_overlay_start_0:
0x88: {  	s2 =	sld [smem:$0x3FD9]  }
0x89: {  	s3 =	sld [smem:$0x3FFE];
	_ =	sdelay $0x1  }
0x8a: {  	s1 =	srdreg.scid  }
0x8b: {  	s0 =	sand.u32 $0x1, s1  }
0x8c: {  	s16 =	sshll.u32 s0, $0xA;
	s2 =	sadd.s32 s3, s2  }
0x8d: {  	s2 =	sadd.s32 s2, s16  }
0x8e: {  	[smem:$0x3FC4] =	sst s2  }
0x8f: {  	_ = 	snop  }
0x90: {  	(tm) =	ssettm $0x1  }
0x91: {  	s17 =	sld [smem:$0x3FFB];
	_ =	sdelay $0x3  }
0x92: {  	_ =	strace s17  }
0x93: {  	s2 =	sld [smem:$0x3FFC];
	_ =	sdelay $0x3  }
0x94: {  	_ =	strace s2  }
0x95: {  	s2 =	sld [smem:$0x3FFD];
	_ =	sdelay $0x3  }
0x96: {  	_ =	strace s2  }
0x97: {  	_ =	strace $0x8FFFFFFF  }
0x98: {  	s18 =	sld [smem:$0x3FDB];
	_ =	sdelay $0x1  }
0x99: {  	s19 =	simm.s32 $_scs_section_size  }
0x9a: {  	s4 =	simm.s32 $_size__tile_overlayer_lowered;
	s5 =	simm.s32 $_tile_overlayer_lowered  }
0x9b: {  	s22 =	simm.s32 $0x1BFF;
	s21 =	sshll.u32 s5, $0x1;
	s2 =	sadd.s32 s19, s18  }
0x9c: {  	s6 =	simm.s32 $0x0;
	s20 =	sshll.u32 s4, $0x1;
	s4 =	sadd.s32 s21, s2  }
0x9d: {  	[timem:s6], [sflag:s22] =	dma.local [hbm:s4], s20  }
0x9e: {  	_ =	swait.ge [sflag:s22], s20  }
0x9f: {  	s3 =	ssub.s32 $0x0, s20;
	[sflag:s22] =	ssyncset.done $0x0  }
0xa0: {  	[sflag:s22] =	ssyncadd.s32 s3;
	_ =	sdelay $0x1  }
0xa1: {  	s23 =	simm.s32 $0x1B8B  }
0xa2: {  	_ =	swait.ge [sflag:s23], $0x1  }
0xa3: {  	[sflag:s23] =	ssyncset.done $0x0  }
0xa4: {  	s25 =	simm.s32 $0x1B8E;
	s24 =	sld [smem:$0x3FFE];
	[sflag:s23] =	ssyncadd.s32 $0xFFFFFFFF  }
0xa5: {  	s26 =	simm.s32 $execute0_lowered;
	[smem:$0x3FD2] =	sst s25  }
0xa6: {  	s4 =	sshll.u32 s26, $0x1;
	_ =	strace $0x80000046;
	[dreg:$0x1] =	wrdreg $0xFFFFFFFF  }
0xa7: {  	s28 =	simm.s32 $_size_execute0_lowered;
	s2 =	sadd.s32 s2, s4;
	[dreg:$0x0] =	wrdreg $0x0  }
0xa8: {  	s4 =	sshll.u32 s28, $0x1;
	[dreg:$0x2] =	wrdreg s2  }
0xa9: {  	[dreg:$0x3] =	wrdreg s4  }
0xaa: {  	[dreg:$0x4] =	wrdreg $0xC0  }
0xab: {  	_ =	task [dreg:s6], $0x5FFFF  }
0xac: {  	[dreg:$0x1] =	wrdreg $0xFFFFFFFF  }
0xad: {  	[dreg:$0x0] =	wrdreg $0x60  }
0xae: {  	[dreg:$0x2] =	wrdreg s24  }
0xaf: {  	[dreg:$0x3] =	wrdreg $0x9  }
0xb0: {  	_ =	task.clear_ibuf [dreg:s6], $0x4FFFF;
	_ =	strace $0x90000046  }
0xb1: {  	s29 =	simm.s32 $0x9;
	_ =	strace $0x80000048  }
0xb2: {  	_ =	swait.ge [sflag:s29], $0x1  }
0xb3: {  	[sflag:s29] =	ssyncadd.s32 $0xFFFFFFFF  }
0xb4: {  	_ =	strace $0x90000048  }
0xb5: {  	_ =	sfence  }
0xb6: {  	s30 =	sld [smem:$0x0];
	_ =	sdelay $0x2  }
0xb7: {  	s31 =	sshll.u32 s1, $0xD;
	s1 =	sshrl.u32 s1, $0x2  }
0xb8: {  	s3 =	sand.u32 $0x4000, s31;
	s1 =	sadd.s32 s1, s30  }
0xb9: {  	s0 =	sor.u32 s3, s0;
	s1 =	sshll.u32 s1, $0x11  }
0xba: {  	s0 =	sor.u32 s1, s0  }
0xbb: {  	s0 =	sadd.s32 $0x8F2B, s0  }
0xbc: {  	[sflag:s0] =	ssyncadd.remote.s32 $0x1  }
0xbd: {  	_ =	sfence.sel $0xFFFF  }
0xbe: {  	[dreg:$0x0] =	wrdreg $0xFFFFFFFF;
	(pc) =	sbr.abs _section_cstart, $3  }
0xbf: {  	[dreg:$0x1] =	wrdreg $0xFFFFFFFF  }
0xc0: {  	_ =	task.clear_ibuf [dreg:s6], $0x2FFFF;
	_ =	strace $0x9FFFFFFF  }
0xc1: {  	(tm) =	ssettm $0x7FFFFFFF  }
tec
execute0_lowered:
.L_overlay_start_1:
0x0: {  	(tag) =	ssettag $0x1  }
0x1: {  	v1 =	vimm.s32 $0xFEDCBA9;
	v2 =	vimm.s32 $0x87654321;
	v0 =	vlaneseq.u32  }
0x2: {  	v7 =	vimm.s32 $0x10FEDCBA;
	v6 =	vimm.s32 $0x0;
	vm0 =	vmmov $0xffff  }
0x3: {  	v9 =	vimm.s32 $0x98765432;
	v10 =	vimm.s32 $0x210FEDCB;
	v11 =	vimm.s32 $0xA9876543  }
0x4: {  	v12 =	vimm.s32 $0x3210FEDC;
	v13 =	vimm.s32 $0xBA987654;
	v14 =	vimm.s32 $0x43210FED  }
0x5: {  	v16 =	vimm.s32 $0xCBA98765;
	v19 =	vimm.s32 $0x543210FE;
	v20 =	vimm.s32 $0xFEDCBA98  }
0x6: {  	v21 =	vimm.s32 $0xDCBA9876;
	v22 =	vimm.s32 $0x76543210;
	v23 =	vimm.s32 $0x6543210F  }
0x7: {  	v24 =	vimm.s32 $0xEDCBA987;
	vm14 =	vmmov $0x7fff;
	vm15 =	vmmov $0x3fff  }
0x8: {  	vm1 =	vmmov $0x1fff;
	vm10 =	vcmask $0x3F3C;
	vm11 =	vcmask $0x3F38  }
0x9: {  	vm12 =	vcmask $0x3F34;
	v22 =	vunpack.c.l.s4.s8 v22;
	v24 =	vunpack.c.l.s4.s8 v24  }
0xa: {  	vm13 =	vcmask $0x3F30;
	v3 =	vunpack.c.l.s4.s8 v1;
	v4 =	vunpack.c.l.s4.s8 v2  }
0xb: {  	s4 =	simm.s32 $0x0;
	v26 =	vunpack.c.0.s8.s32 v22;
	v22 =	vunpack.c.0.s8.s32 v24;
	v24 =	vimm.s32 $0x0  }
0xc: {  	v2 =	vimm.f32 $0.0e+00;
	v5 =	vmul.u32 $0xFFFFFFFF, v0;
	[smem:$0x7FF] =	sst s4;
	v24 =	vsel vm1, $0xFFFFFFFF, v24  }
0xd: {  	s7 =	rddreg [dreg:$0x0];
	v8 =	vunpack.c.l.s4.s8 v7;
	_ =	strace $0x80000047;
	vm1 =	vmmov $0xfff;
	[tilespmem:$0x1FF10] =	vst v24;
	v24 =	vimm.s32 $0x0  }
0xe: {  	v9 =	vunpack.c.l.s4.s8 v9;
	v10 =	vunpack.c.l.s4.s8 v10;
	v24 =	vsel vm1, $0xFFFFFFFF, v24  }
0xf: {  	v11 =	vunpack.c.l.s4.s8 v11;
	vm1 =	vmmov $0x7ff;
	[tilespmem:$0x1FF20] =	vst v24;
	v24 =	vimm.s32 $0x0  }
0x10: {  	v12 =	vunpack.c.l.s4.s8 v12;
	v13 =	vunpack.c.l.s4.s8 v13;
	v24 =	vsel vm1, $0xFFFFFFFF, v24  }
0x11: {  	v17 =	vunpack.c.l.s4.s8 v14;
	vm1 =	vmmov $0x3ff;
	[tilespmem:$0x1FF30] =	vst v24;
	v24 =	vimm.s32 $0x0  }
0x12: {  	v18 =	vunpack.c.l.s4.s8 v16;
	v19 =	vunpack.c.l.s4.s8 v19;
	v24 =	vsel vm1, $0xFFFFFFFF, v24  }
0x13: {  	v20 =	vunpack.c.l.s4.s8 v20;
	vm1 =	vmmov $0x1ff;
	[tilespmem:$0x1FF40] =	vst v24;
	v24 =	vimm.s32 $0x0  }
0x14: {  	v21 =	vunpack.c.l.s4.s8 v21;
	v23 =	vunpack.c.l.s4.s8 v23;
	v24 =	vsel vm1, $0xFFFFFFFF, v24  }
0x15: {  	v3 =	vunpack.c.0.s8.s32 v3;
	vm1 =	vmmov $0xff;
	[tilespmem:$0x1FF50] =	vst v24;
	v24 =	vimm.s32 $0x0  }
0x16: {  	v4 =	vunpack.c.0.s8.s32 v4;
	v5 =	vadd.s32 $0x78, v5;
	v24 =	vsel vm1, $0xFFFFFFFF, v24  }
0x17: {  	v8 =	vunpack.c.0.s8.s32 v8;
	vm1 =	vmmov $0x7f;
	[tilespmem:$0x1FF60] =	vst v24;
	v24 =	vimm.s32 $0x0  }
0x18: {  	v9 =	vunpack.c.0.s8.s32 v9;
	v10 =	vunpack.c.0.s8.s32 v10;
	v24 =	vsel vm1, $0xFFFFFFFF, v24  }
0x19: {  	s0 =	srdreg.scid;
	s16 =	stileid.u32;
	s15 =	simm.s32 $0x2;
	v11 =	vunpack.c.0.s8.s32 v11;
	vm1 =	vmmov $0x3f;
	[tilespmem:$0x1FF70] =	vst v24;
	v24 =	vimm.s32 $0x0  }
0x1a: {  	s21 =	simm.s32 $0x1;
	s22 =	simm.s32 $0xA00;
	s24 =	simm.s32 $0x0;
	v12 =	vunpack.c.0.s8.s32 v12;
	v13 =	vunpack.c.0.s8.s32 v13;
	v24 =	vsel vm1, $0xFFFFFFFF, v24  }
0x1b: {  	s0 =	sand.u32 $0x1, s0;
	s3 =	sshll.u32 s16, $0x1;
	s5 =	sadd.s32 $0x33400, s7;
	v17 =	vunpack.c.0.s8.s32 v17;
	vm1 =	vmmov $0x1f;
	[tilespmem:$0x1FF80] =	vst v24;
	v24 =	vimm.s32 $0x0  }
0x1c: {  	s6 =	sadd.s32 $0x1400, s7;
	s31 =	sand.u32 $0xC, s16;
	s11 =	sshll.u32 s16, $0x7;
	v18 =	vunpack.c.0.s8.s32 v18;
	v25 =	vunpack.c.0.s8.s32 v20;
	v24 =	vsel vm1, $0xFFFFFFFF, v24  }
0x1d: {  	s12 =	sshll.u32 s16, $0x5;
	p0 =	sgt.u32 s16, $0x3;
	s1 =	sor.u32 s0, s3;
	v19 =	vunpack.c.0.s8.s32 v19;
	vm1 =	vmmov $0xf;
	[tilespmem:$0x1FF90] =	vst v24;
	v24 =	vimm.s32 $0x0  }
0x1e: {  	s8 =	ssub.s32 $0x2, s0;
	s0 =	sshll.u32 s0, $0x6;
	s2 =	sshll.u32 s1, $0x4;
	v20 =	vunpack.c.0.s8.s32 v21;
	v21 =	vunpack.c.0.s8.s32 v23;
	v24 =	vsel vm1, $0xFFFFFFFF, v24  }
0x1f: {  	s13 =	sand.u32 $0x180, s12;
	p3 =	sne.s32 s31, $0x4;
	s9 =	sshll.u32 s1, $0x7;
	v1 =	vmov s2;
	vm1 =	vmmov $0x7;
	[tilespmem:$0x1FFA0] =	vst v24;
	v24 =	vimm.s32 $0x0  }
0x20: {  	s10 =	sshrl.u32 s8, $0x1;
	s0 =	sor.u32 s0, s11;
	s11 =	ssub.s32 $0x7, s1;
	v23 =	vand.u32 $0xF, v25;
	v25 =	vimm.s32 $0x0;
	v24 =	vsel vm1, $0xFFFFFFFF, v24  }
.Ltmp0:
0x21: {  	s13 =	sor.u32 $0x400, s13;
	s14 =	sadd.s32 $0xFFFFFFF8, s1;
	v25 =	vsel vm0, $0xFFFFFFFF, v25;
	vm1 =	vmmov $0x3;
	[tilespmem:$0x1FFB0] =	vst v24;
	v24 =	vimm.s32 $0x0;
	(pc) =	sbr.rel .LBB2_1-.Ltmp0, $4  }
0x22: {  	p1 =	sgt.u32 s1, $0x6;
	p4 =	slt.u32 s1, $0x9;
	s9 =	sadd.s32 s9, s7;
	v7 =	vcombine.low v4, v3;
	[tilespmem:$0x1FFE0] =	vst v25;
	v25 =	vimm.s32 $0x0;
	v24 =	vsel vm1, $0xFFFFFFFF, v24  }
0x23: {  	s10 =	ssub.s32 s8, s10;
	s7 =	sand.u32 $0x18, s3;
	s0 =	sadd.s32 $0x40, s0;
	v25 =	vsel vm15, $0xFFFFFFFF, v25;
	vm1 =	vmmov $0x1;
	[tilespmem:$0x1FFC0] =	vst v24;
	v24 =	vimm.s32 $0x0  }
0x24: {  	s8 =	sadd.s32 $0x180, s2;
	v14 =	vcombine.low v9, v8;
	v15 =	vcombine.low v11, v10;
	s9 =	sadd.s32 $0x33600, s9;
	s0 =	sshrl.u32 s0, $0x2;
	[tilespmem:$0x1FFF0] =	vst v25;
	v24 =	vsel vm1, $0xFFFFFFFF, v24  }
0x25: {  	v16 =	vcombine.low v13, v12;
	s10 =	smax.u32 s10, $0x1;
	p2 =	sge.u32 s7, s1;
	v23 =	vcombine.low v23, v26;
	s12 =	sadd.s32 $0x900, s0;
	[tilespmem:$0x1FFD0] =	vst v24;
	v24 =	vimm.f32 $7.039999960e+00  }
.LBB2_16:
0x26: {  	v38 =	vimm.s32 $0x0  }
.LBB2_21:
0x27: {  	v42 =	vperm.xlane v37, v0;
	v43 =	vperm.xlane v37, v7  }
0x28: {  	v49 =	vperm.xlane v37, v14;
	v50 =	vperm.xlane v37, v15  }
0x29: {  	v51 =	vperm.xlane v37, v16;
	v52 =	vperm.xlane v37, v26  }
0x2a: {  	v53 =	vperm.xlane v37, v25;
	v54 =	vperm.xlane v37, v27  }
0x2b: {  	v55 =	vperm.xlane v37, v23;
	v56 =	vperm.xlane v37, v28  }
0x2c: {  	vm1 =	vmor @p5 vm1, vm2;
	v57 =	vperm.xlane v37, v29;
	v58 =	vperm.xlane v37, v32  }
0x2d: {  	v59 =	vperm.xlane v37, v30;
	vm3 =	veq.s32 v35, v42;
	vm2 =	veq.s32 v35, v43  }
0x2e: {  	v60 =	vperm.xlane v37, v31;
	vm2 =	vmor vm3, vm2;
	vm3 =	veq.s32 v35, v49  }
0x2f: {  	v61 =	vperm.xlane v37, v34;
	vm2 =	vmor vm2, vm3;
	vm3 =	veq.s32 v35, v50  }
0x30: {  	v62 =	vperm.xlane v37, v33;
	vm2 =	vmor vm2, vm3;
	vm3 =	veq.s32 v35, v51  }
0x31: {  	vm4 =	veq.s32 v35, v54;
	vm2 =	vmor vm2, vm3;
	vm3 =	veq.s32 v35, v52  }
0x32: {  	v43 =	vperm.xlane @p5 v41, v34;
	vm2 =	vmor vm2, vm3;
	vm3 =	veq.s32 v35, v53  }
0x33: {  	v41 =	vperm.xlane @p5 v41, v33;
	vm2 =	vmor vm2, vm3;
	vm3 =	veq.s32 @p5 v35, v39  }
0x34: {  	vm2 =	vmor vm2, vm4;
	vm4 =	veq.s32 v35, v55;
	vm1 =	vmor @p5 vm1, vm3  }
0x35: {  	vm3 =	veq.s32 @p5 v35, v40;
	vm2 =	vmor vm2, vm4;
	vm4 =	veq.s32 v35, v56  }
0x36: {  	vm1 =	vmor @p5 vm1, vm3;
	vm2 =	vmor vm2, vm4;
	vm4 =	veq.s32 v35, v57  }
0x37: {  	vm3 =	veq.s32 @p5 v35, v43;
	vm2 =	vmor vm2, vm4;
	vm4 =	veq.s32 v35, v58  }
0x38: {  	vm1 =	vmor @p5 vm1, vm3;
	vm2 =	vmor vm2, vm4;
	vm4 =	veq.s32 v35, v59  }
0x39: {  	vm3 =	veq.s32 @p5 v35, v41;
	vm2 =	vmor vm2, vm4;
	vm4 =	veq.s32 v35, v60  }
0x3a: {  	vm1 =	vmor @p5 vm1, vm3;
	vm3 =	veq.s32 v35, v61;
	vm2 =	vmor vm2, vm4  }
0x3b: {  	v39 =	vsel @p5 vm1, $0x1, v6;
	vm1 =	vmor vm2, vm3;
	vm2 =	veq.s32 v35, v62  }
0x3c: {  	v37 =	vor.u32 @p5 v39, v38;
	vm1 =	vmor vm1, vm2  }
0x3d: {  	v36 =	vpsel p5, v37, v36;
	v63 =	vsel vm1, $0x1, v6  }
0x3e: {  	v36 =	vor.u32 v63, v36  }
.LBB2_22:
0x3f: {  	_ =	swait.ge [sflag:s21], $0x10  }
0x40: {  	[sflag:s21] =	ssyncset.done $0x0  }
0x41: {  	[sflag:s21] =	ssyncadd.s32 $0xFFFFFFF0  }
0x42: {  	v37 =	vld [tilespmem:$0xA00];
	_ =	sdelay $0x4  }
0x43: {  	v37 =	vsub.f32 $0.0e+00, v37;
	_ =	sdelay $0x1  }
0x44: {  	v37 =	vmul.f32 $1.442695020e+00, v37;
	_ =	sdelay $0x1  }
0x45: {  	(erf) = vpow2.f32 v37;
	_ =	sdelay $0x8  }
0x46: {  	v37 =	vpop (erf)  }
0x47: {  	v37 =	vadd.f32 $1.000000000e+00, v37;
	_ =	sdelay $0x1  }
0x48: {  	(erf) = vrcp.f32 v37;
	_ =	sdelay $0x8  }
0x49: {  	v37 =	vpop (erf)  }
0x4a: {  	v37 =	vsub.f32 $1.000000000e+00, v37;
	_ =	sdelay $0x1  }
0x4b: {  	v37 =	vmax.f32 v37, $9.999999960e-13  }
0x4c: {  	v38 =	vand.u32 $0x7FFFFF, v37  }
0x4d: {  	v40 =	vperm.xlane v35, v7;
	v38 =	vor.u32 $0x3F800000, v38  }
0x4e: {  	v54 =	vperm.xlane v35, v14;
	v39 =	vmul.f32 $5.000000000e-01, v38  }
0x4f: {  	v55 =	vperm.xlane v35, v15;
	v56 =	vperm.xlane v35, v16;
	vm1 =	vgt.f32 v38, $1.414213540e+00  }
0x50: {  	vm2 =	veq.s32 v35, v40;
	vm3 =	veq.s32 v35, v54;
	v38 =	vsel vm1, v39, v38  }
0x51: {  	vm2 =	vmand vm2, vm10;
	vm3 =	vmand vm3, vm11;
	v39 =	vadd.f32 $1.000000000e+00, v38  }
0x52: {  	v26 =	vperm.xlane v35, v26;
	vm4 =	veq.s32 v35, v55;
	vm2 =	vmor vm2, vm3  }
0x53: {  	vm3 =	vmand vm4, vm12;
	vm4 =	veq.s32 v35, v56;
	(erf) = vrcp.f32 v39  }
0x54: {  	v25 =	vperm.xlane v35, v25;
	vm2 =	vmor vm2, vm3;
	vm3 =	vmand vm4, vm13  }
0x55: {  	vm4 =	veq.s32 v35, v26;
	vm2 =	vmor vm2, vm3;
	vm3 =	vcmask $0x3F2C  }
0x56: {  	vm3 =	vmand vm4, vm3;
	vm4 =	veq.s32 v35, v25  }
0x57: {  	v25 =	vperm.xlane v35, v27;
	vm2 =	vmor vm2, vm3;
	vm3 =	vcmask $0x3F28  }
0x58: {  	v27 =	vperm.xlane v35, v23;
	vm3 =	vmand vm4, vm3  }
0x59: {  	vm4 =	vcmask $0x3F24;
	vm2 =	vmor vm2, vm3;
	vm3 =	veq.s32 v35, v25  }
0x5a: {  	v25 =	vperm.xlane v35, v28;
	vm3 =	vmand vm3, vm4;
	vm4 =	veq.s32 v35, v27  }
0x5b: {  	vm2 =	vmor vm2, vm3;
	vm3 =	vcmask $0x3F20;
	v26 =	vadd.f32 $-1.000000000e+00, v38  }
0x5c: {  	vm3 =	vmand vm4, vm3;
	vm4 =	veq.s32 v35, v25;
	v25 =	vperm.xlane v35, v29;
	v57 =	vpop (erf)  }
0x5d: {  	vm2 =	vmor vm2, vm3;
	vm3 =	vcmask $0x3F1C;
	v26 =	vmul.f32 v57, v26  }
0x5e: {  	vm3 =	vmand vm4, vm3;
	vm4 =	veq.s32 v35, v25;
	v25 =	vperm.xlane v35, v32  }
0x5f: {  	vm2 =	vmor vm2, vm3;
	vm3 =	vcmask $0x3F18;
	v27 =	vmul.f32 v26, v26  }
0x60: {  	vm3 =	vmand vm4, vm3  }
0x61: {  	vm4 =	veq.s32 v35, v25;
	v25 =	vperm.xlane v35, v30;
	v58 =	vmul.f32 $1.428571490e-01, v27  }
0x62: {  	vm2 =	vmor vm2, vm3;
	vm3 =	vcmask $0x3F14  }
0x63: {  	vm3 =	vmand vm4, vm3;
	vm4 =	veq.s32 v35, v25;
	v28 =	vadd.f32 $2.000000030e-01, v58  }
0x64: {  	v25 =	vperm.xlane v35, v31;
	vm2 =	vmor vm2, vm3;
	vm3 =	vcmask $0x3F10  }
0x65: {  	v59 =	vperm.xlane v35, v34;
	vm3 =	vmand vm4, vm3;
	v28 =	vmul.f32 v28, v27  }
0x66: {  	vm2 =	vmor vm2, vm3;
	vm3 =	veq.s32 v35, v25;
	v60 =	vshra.s32 v37, $0x17  }
0x67: {  	v61 =	vsel vm1, $0x1, v6;
	vm1 =	vcmask $0x3F0C;
	v25 =	vadd.f32 $3.333333430e-01, v28  }
0x68: {  	v29 =	vadd.s32 v61, v60;
	vm1 =	vmand vm3, vm1;
	vm3 =	veq.s32 v35, v59  }
0x69: {  	vm1 =	vmor vm2, vm1;
	vm2 =	vcmask $0x3F08;
	v25 =	vmul.f32 v25, v27  }
0x6a: {  	v62 =	vadd.s32 $0xFFFFFF81, v29;
	vm2 =	vmand vm3, vm2;
	v27 =	vperm.xlane v35, v33  }
0x6b: {  	v26 =	vadd.f32 v26, v26;
	v28 =	vcvt.s32.f32 v62;
	v25 =	vadd.f32 $1.000000000e+00, v25  }
0x6c: {  	vm1 =	vmor vm1, vm2;
	vm2 =	vcmask $0x3F04;
	vm3 =	veq.s32 v35, v27  }
0x6d: {  	vm2 =	vmand vm3, vm2;
	v25 =	vmul.f32 v25, v26;
	v26 =	vmul.f32 $6.931471820e-01, v28  }
0x6e: {  	vm1 =	vmor vm1, vm2  }
0x6f: {  	v63 =	vld [tilespmem:$0xE00];
	v25 =	vadd.f32 v25, v26;
	v26 =	vsel vm1, $0x1, v6  }
0x70: {  	v27 =	vld [tilespmem:$0xD80];
	v26 =	vor.u32 v26, v36  }
0x71: {  	vm1 =	vne.s32 v35, $0xFFFFFFFF;
	v25 =	vmax.f32 v25, $-1.000000000e+02;
	vm2 =	veq.s32 v26, $0x0  }
0x72: {  	v25 =	vsub.f32 $0.0e+00, v25;
	vm1 =	vmand vm1, vm2  }
0x73: {  	v26 =	vsel vm1, $0x3F800000, v6  }
0x74: {  	v25 =	vnsel vm1, $0x0, v25;
	v26 =	vadd.f32 v26, v63  }
0x75: {  	v25 =	vadd.f32 v25, v27  }
0x76: {  	[tilespmem:$0xE00] =	vst v26  }
0x77: {  	[tilespmem:$0xD80] =	vst v25  }
.LBB2_23:
0x78: {  	s24 =	sadd.s32 $0x1, s24  }
0x79: {  	p5 =	sne.s32 s24, s10  }
.Ltmp1:
0x7a: {  	s0 =	simm.s32 $0xA80;
	(pc) =	sbr.rel @!p5 .LBB2_24-.Ltmp1, $4  }
0x7b: {  	[hbm4b:s9+s4] =	stream.linear.scatter [tilespmem:s0], [sflag:$0x2], $0x400, $0x38;
	[tilespmem:$0xE80] =	vst v63  }
0x7c: {  	_ =	swait.ge [sflag:s15], $0x400  }
0x7d: {  	[sflag:s15] =	ssyncset.done $0x0  }
0x7e: {  	[sflag:s15] =	ssyncadd.s32 $0xFFFFFC00  }
.LBB2_1:
0x7f: {  	[tilespmem:$0xA80] =	vst v2  }
0x80: {  	[tilespmem:$0xB00] =	vst v2  }
0x81: {  	[tilespmem:$0xB80] =	vst v2  }
0x82: {  	[tilespmem:$0xC00] =	vst v2  }
0x83: {  	[tilespmem:$0xC80] =	vst v2  }
0x84: {  	[tilespmem:$0xD00] =	vst v2  }
0x85: {  	[tilespmem:$0xD80] =	vst v2  }
0x86: {  	[tilespmem:$0xE00] =	vst v2  }
0x87: {  	[tilespmem:s4], [sflag:$0x2] =	stream.linear.gather [hbm4b:s5+s4], $0x280, $0x38;
	[tilespmem:$0xE80] =	vst v63  }
0x88: {  	_ =	swait.ge [sflag:s15], $0x280  }
0x89: {  	[sflag:s15] =	ssyncset.done $0x0  }
0x8a: {  	s0 =	simm.s32 $0x100;
	[sflag:s15] =	ssyncadd.s32 $0xFFFFFD80  }
0x8b: {  	v25 =	vld [tilespmem:s0+$0x80]  }
0x8c: {  	v26 =	vld [tilespmem:s0+$0x100];
	_ =	sdelay $0x4  }
0x8d: {  	v25 =	vmul.f32 $6.400000000e+01, v25;
	v26 =	vmul.f32 $6.400000000e+01, v26;
	_ =	sdelay $0x1  }
0x8e: {  	v27 =	vmul.f32 v26, v25;
	v28 =	vmin.f32 v26, $7.039999960e+00  }
0x8f: {  	v29 =	vmin.f32 v25, $7.679999830e+00;
	v30 =	vmin.f32 v25, $7.039999960e+00;
	v31 =	vmin.f32 v26, $3.839999910e+00  }
0x90: {  	v33 =	vmin.f32 v25, $3.839999910e+00;
	v28 =	vmul.f32 v28, v30;
	v30 =	vadd.f32 $4.956159970e+01, v27  }
0x91: {  	v35 =	vmin.f32 v26, $9.600000380e+00;
	v26 =	vmin.f32 v26, $6.079999920e+00;
	v33 =	vmul.f32 v31, v33  }
0x92: {  	v29 =	vmul.f32 v31, v29;
	v34 =	vadd.f32 $1.474559970e+01, v27;
	v30 =	vsub.f32 v30, v28  }
0x93: {  	v31 =	vmin.f32 v25, $1.023999980e+01;
	v32 =	vadd.f32 $2.723839950e+01, v27;
	v36 =	vadd.f32 $2.949119950e+01, v27  }
0x94: {  	v25 =	vmin.f32 v25, $4.480000020e+00;
	v34 =	vsub.f32 v34, v33;
	v30 =	vadd.f32 $1.000000020e-16, v30  }
0x95: {  	v27 =	vadd.f32 $9.830400080e+01, v27;
	v31 =	vmul.f32 v35, v31;
	v26 =	vmul.f32 v26, v25  }
0x96: {  	v36 =	vsub.f32 v36, v29;
	v34 =	vadd.f32 $1.000000020e-16, v34;
	(erf) = vrcp.f32 v30  }
0x97: {  	v25 =	vsub.f32 v27, v31  }
0x98: {  	v27 =	vadd.f32 $1.000000020e-16, v36;
	v30 =	vsub.f32 v32, v26;
	(erf) = vrcp.f32 v34  }
0x99: {  	v25 =	vadd.f32 $1.000000020e-16, v25  }
0x9a: {  	(erf) = vrcp.f32 v27;
	v27 =	vadd.f32 $1.000000020e-16, v30;
	v30 =	vld [tilespmem:s0+$0xFFFFFF00]  }
0x9b: {  	(erf) = vrcp.f32 v25;
	v25 =	vld [tilespmem:s0+$0xFFFFFF80];
	_ =	sdelay $0x2  }
0x9c: {  	(erf) = vrcp.f32 v27;
	v27 =	vld [tilespmem:s0+$0x0]  }
0x9d: {  	v30 =	vtrunc.f32 v30;
	v52 =	vpop (erf)  }
0x9e: {  	v25 =	vmul.f32 $6.400000000e+01, v25;
	v28 =	vmul.f32 v52, v28  }
0x9f: {  	v53 =	vmov s4;
	v55 =	vcvt.f32.s32 v30;
	v54 =	vpop (erf)  }
0xa0: {  	v25 =	vtrunc.f32 v25;
	v30 =	vmul.f32 v54, v33;
	vm2 =	vgt.f32 v28, $-1.000000000e+00  }
0xa1: {  	vm1 =	vlt.u32 v53, v5;
	v57 =	vmul.f32 $6.400000000e+01, v27;
	v56 =	vpop (erf);
	v58 =	vnsel vm2, $0xBF800000, v28  }
0xa2: {  	v34 =	vmul.u32 $0x19000, v55;
	v27 =	vmul.f32 v56, v29;
	vm4 =	vgt.f32 v30, v58  }
0xa3: {  	v59 =	vcvt.f32.s32 v25;
	v60 =	vtrunc.f32 v57;
	v25 =	vpop (erf);
	v61 =	vsel vm4, v30, v58  }
0xa4: {  	v32 =	vcvt.f32.s32 v60;
	v25 =	vmul.f32 v25, v31;
	vm5 =	vgt.f32 v27, v61  }
0xa5: {  	s31 =	simm.s32 $0x780;
	v29 =	vshll.u32 v55, $0xC;
	v62 =	vpop (erf);
	v31 =	vmul.u32 $0x5, v55;
	v33 =	vsel vm5, v27, v61  }
0xa6: {  	s3 =	simm.s32 $0x500;
	s29 =	simm.s32 $0x10;
	s25 =	simm.s32 $0x510;
	v32 =	vshll.u32 v32, $0x6;
	v26 =	vmul.f32 v62, v26;
	vm2 =	vgt.f32 v25, v33  }
0xa7: {  	s16 =	simm.s32 $0x910;
	s17 =	simm.s32 $0x110;
	s18 =	simm.s32 $0x790;
	v63 =	vsel vm4, $0x1, v6;
	v32 =	vadd.s32 v59, v32;
	v33 =	vsel vm2, v25, v33  }
0xa8: {  	s19 =	simm.s32 $0x20;
	s20 =	simm.s32 $0x520;
	s28 =	simm.s32 $0x910;
	vm3 =	vgt.f32 v26, $5.000000000e-01;
	v35 =	vsel vm5, $0x2, v63;
	vm4 =	vgt.f32 v26, v33  }
0xa9: {  	s26 =	simm.s32 $0x790;
	s30 =	simm.s32 $0x110;
	s0 =	simm.s32 $0x900;
	v33 =	vsel vm2, $0x3, v35;
	v26 =	vadd.s32 v34, v32;
	vm5 =	vmneg vm4  }
.LBB2_2:
0xaa: {  	s16 =	sadd.s32 $0x10, s16;
	s17 =	sadd.s32 $0x10, s17;
	s18 =	sadd.s32 $0x10, s18;
	v33 =	vnsel vm5, $0x4, v33;
	vm6 =	vgt.f32 v28, $5.000000000e-01;
	vm7 =	vgt.f32 v30, $5.000000000e-01  }
0xab: {  	p5 =	sne.s32 s19, $0x70;
	s23 =	smov.u32 s19;
	s19 =	sadd.s32 $0x10, s19;
	v28 =	vadd.s32 v31, v33;
	vm8 =	veq.s32 v33, $0x0;
	vm9 =	veq.s32 v33, $0x1  }
0xac: {  	v28 =	vshll.u32 v28, $0xC;
	vm6 =	vmor vm6, vm8;
	vm7 =	vmor vm7, vm9  }
0xad: {  	vm8 =	veq.s32 v33, $0x2;
	v28 =	vadd.s32 v32, v28;
	vm6 =	vmand vm1, vm6  }
0xae: {  	v29 =	vadd.s32 v29, v32;
	vm9 =	vgt.f32 v27, $5.000000000e-01;
	v28 =	vnsel vm1, $0xFFFFFFFE, v28  }
0xaf: {  	v27 =	vnsel vm6, $0xFFFFFFFF, v29;
	vm6 =	vmand vm1, vm7;
	vm7 =	vmor vm9, vm8;
	[tilespmem:s0+$0x0] =	vst v28;
	s0 =	smov.u32 s28;
	s28 =	smov.u32 s16  }
0xb0: {  	vm3 =	vmor vm3, vm4;
	vm7 =	vmand vm1, vm7;
	[tilespmem:s3+$0xFFFFFF00] =	vst v27;
	v27 =	vadd.s32 $0x4000, v26  }
0xb1: {  	vm3 =	vmand vm1, vm3;
	[tilespmem:s31+$0xFFFFFF00] =	vst v27;
	v27 =	vnsel vm6, $0xFFFFFFFF, v29  }
0xb2: {  	vm4 =	vgt.f32 v25, $5.000000000e-01;
	vm2 =	vmand vm2, vm5;
	[tilespmem:s3+$0xFFFFFF80] =	vst v27;
	v27 =	vadd.s32 $0x9000, v26  }
0xb3: {  	vm2 =	vmor vm4, vm2;
	v25 =	vnsel vm7, $0xFFFFFFFF, v29;
	[tilespmem:s31+$0xFFFFFF80] =	vst v27  }
0xb4: {  	vm1 =	vmand vm1, vm2;
	[tilespmem:s3+$0x0] =	vst v25;
	v25 =	vadd.s32 $0xE000, v26  }
0xb5: {  	[tilespmem:s31+$0x0] =	vst v25;
	v25 =	vnsel vm1, $0xFFFFFFFF, v29  }
0xb6: {  	[tilespmem:s3+$0x80] =	vst v25;
	v25 =	vadd.s32 $0x13000, v26  }
0xb7: {  	[tilespmem:s31+$0x80] =	vst v25;
	v25 =	vnsel vm3, $0xFFFFFFFF, v29  }
0xb8: {  	[tilespmem:s3+$0x100] =	vst v25;
	v25 =	vadd.s32 $0x18000, v26;
	s3 =	smov.u32 s25;
	s25 =	smov.u32 s20  }
0xb9: {  	[tilespmem:s31+$0x100] =	vst v25;
	s31 =	smov.u32 s26;
	s26 =	smov.u32 s18  }
0xba: {  	v25 =	vld [tilespmem:s30+$0x80]  }
0xbb: {  	v26 =	vld [tilespmem:s30+$0x100]  }
0xbc: {  	v27 =	vld [tilespmem:s30+$0xFFFFFF00];
	_ =	sdelay $0x3  }
0xbd: {  	v28 =	vmov s29;
	s29 =	smov.u32 s23;
	v25 =	vmul.f32 $6.400000000e+01, v25;
	v29 =	vld [tilespmem:s30+$0xFFFFFF80];
	v26 =	vmul.f32 $6.400000000e+01, v26  }
0xbe: {  	v27 =	vtrunc.f32 v27  }
0xbf: {  	v32 =	vmin.f32 v25, $7.679999830e+00;
	v30 =	vmul.f32 v26, v25;
	v31 =	vmin.f32 v26, $7.039999960e+00  }
0xc0: {  	vm1 =	vlt.u32 v28, v5;
	v28 =	vmin.f32 v25, $7.039999960e+00;
	v33 =	vmin.f32 v26, $3.839999910e+00  }
0xc1: {  	v28 =	vmul.f32 v31, v28;
	v31 =	vadd.f32 $4.956159970e+01, v30;
	v34 =	vadd.f32 $2.723839950e+01, v30  }
0xc2: {  	v35 =	vmin.f32 v25, $3.839999910e+00;
	v37 =	vmin.f32 v26, $9.600000380e+00;
	v36 =	vadd.f32 $1.474559970e+01, v30  }
0xc3: {  	v35 =	vmul.f32 v33, v35;
	v38 =	vadd.f32 $2.949119950e+01, v30;
	v31 =	vsub.f32 v31, v28  }
0xc4: {  	v32 =	vmul.f32 v33, v32;
	v33 =	vmin.f32 v25, $1.023999980e+01;
	v30 =	vadd.f32 $9.830400080e+01, v30  }
0xc5: {  	v25 =	vmin.f32 v25, $4.480000020e+00;
	v36 =	vsub.f32 v36, v35;
	v31 =	vadd.f32 $1.000000020e-16, v31  }
0xc6: {  	v26 =	vmin.f32 v26, $6.079999920e+00;
	v33 =	vmul.f32 v37, v33;
	v38 =	vsub.f32 v38, v32  }
0xc7: {  	v26 =	vmul.f32 v26, v25;
	v36 =	vadd.f32 $1.000000020e-16, v36;
	(erf) = vrcp.f32 v31  }
0xc8: {  	v25 =	vmul.f32 $6.400000000e+01, v29;
	v30 =	vsub.f32 v30, v33;
	v29 =	vadd.f32 $1.000000020e-16, v38  }
0xc9: {  	v37 =	vcvt.f32.s32 v27;
	v27 =	vsub.f32 v34, v26;
	(erf) = vrcp.f32 v36  }
0xca: {  	v25 =	vtrunc.f32 v25;
	v30 =	vadd.f32 $1.000000020e-16, v30;
	(erf) = vrcp.f32 v29  }
0xcb: {  	v34 =	vcvt.f32.s32 v25;
	v25 =	vadd.f32 $1.000000020e-16, v27  }
0xcc: {  	(erf) = vrcp.f32 v30  }
0xcd: {  	(erf) = vrcp.f32 v25;
	_ =	sdelay $0x1  }
0xce: {  	v25 =	vld [tilespmem:s30+$0x0];
	s30 =	smov.u32 s17  }
0xcf: {  	v27 =	vpop (erf)  }
0xd0: {  	v28 =	vmul.f32 v27, v28  }
0xd1: {  	v27 =	vpop (erf)  }
0xd2: {  	vm2 =	vgt.f32 v28, $-1.000000000e+00;
	v30 =	vmul.f32 v27, v35;
	v27 =	vpop (erf)  }
0xd3: {  	v25 =	vmul.f32 $6.400000000e+01, v25;
	v29 =	vnsel vm2, $0xBF800000, v28  }
0xd4: {  	v27 =	vmul.f32 v27, v32;
	vm4 =	vgt.f32 v30, v29;
	v31 =	vpop (erf)  }
0xd5: {  	v32 =	vtrunc.f32 v25;
	v35 =	vsel vm4, v30, v29;
	v29 =	vshll.u32 v37, $0xC;
	v36 =	vpop (erf)  }
0xd6: {  	v25 =	vmul.f32 v31, v33;
	vm5 =	vgt.f32 v27, v35;
	v26 =	vmul.f32 v36, v26  }
.Ltmp2:
0xd7: {  	v31 =	vmul.u32 $0x5, v37;
	v32 =	vcvt.f32.s32 v32;
	v33 =	vsel vm5, v27, v35;
	(pc) =	sbr.rel @p5 .LBB2_2-.Ltmp2, $4  }
0xd8: {  	v35 =	vmul.u32 $0x19000, v37;
	vm2 =	vgt.f32 v25, v33;
	vm3 =	vgt.f32 v26, $5.000000000e-01  }
0xd9: {  	v36 =	vsel vm4, $0x1, v6;
	v32 =	vshll.u32 v32, $0x6;
	v33 =	vsel vm2, v25, v33  }
0xda: {  	v36 =	vsel vm5, $0x2, v36;
	v32 =	vadd.s32 v34, v32;
	vm4 =	vgt.f32 v26, v33  }
0xdb: {  	s20 =	sadd.s32 $0x10, s20;
	v33 =	vsel vm2, $0x3, v36;
	v26 =	vadd.s32 v35, v32;
	vm5 =	vmneg vm4  }
0xdc: {  	v33 =	vnsel vm5, $0x4, v33  }
0xdd: {  	vm6 =	vgt.f32 v28, $5.000000000e-01;
	v40 =	vadd.s32 v31, v33  }
0xde: {  	vm7 =	vgt.f32 v30, $5.000000000e-01;
	vm8 =	veq.s32 v33, $0x0;
	v28 =	vshll.u32 v40, $0xC  }
0xdf: {  	v29 =	vadd.s32 v29, v32;
	vm6 =	vmor vm6, vm8;
	v28 =	vadd.s32 v32, v28  }
0xe0: {  	vm9 =	veq.s32 v33, $0x1;
	vm6 =	vmand vm1, vm6;
	v28 =	vnsel vm1, $0xFFFFFFFE, v28  }
0xe1: {  	vm7 =	vmor vm7, vm9;
	vm9 =	vgt.f32 v27, $5.000000000e-01;
	v27 =	vnsel vm6, $0xFFFFFFFF, v29;
	[tilespmem:s0+$0x0] =	vst v28  }
0xe2: {  	vm8 =	veq.s32 v33, $0x2;
	vm6 =	vmand vm1, vm7;
	[tilespmem:s3+$0xFFFFFF00] =	vst v27;
	v27 =	vadd.s32 $0x4000, v26  }
0xe3: {  	vm2 =	vmand vm2, vm5;
	vm7 =	vmor vm9, vm8;
	[tilespmem:s31+$0xFFFFFF00] =	vst v27;
	v27 =	vnsel vm6, $0xFFFFFFFF, v29  }
0xe4: {  	vm7 =	vmand vm1, vm7;
	vm6 =	vgt.f32 v25, $5.000000000e-01;
	[tilespmem:s3+$0xFFFFFF80] =	vst v27;
	v27 =	vadd.s32 $0x9000, v26  }
0xe5: {  	v25 =	vnsel vm7, $0xFFFFFFFF, v29;
	vm2 =	vmor vm6, vm2;
	[tilespmem:s31+$0xFFFFFF80] =	vst v27  }
0xe6: {  	vm2 =	vmand vm1, vm2;
	[tilespmem:s3+$0x0] =	vst v25;
	v25 =	vadd.s32 $0xE000, v26  }
0xe7: {  	vm3 =	vmor vm3, vm4;
	[tilespmem:s31+$0x0] =	vst v25;
	v25 =	vnsel vm2, $0xFFFFFFFF, v29  }
0xe8: {  	vm1 =	vmand vm1, vm3;
	[tilespmem:s3+$0x80] =	vst v25;
	v25 =	vadd.s32 $0x13000, v26  }
0xe9: {  	[tilespmem:s31+$0x80] =	vst v25;
	v25 =	vnsel vm1, $0xFFFFFFFF, v29  }
0xea: {  	[tilespmem:s3+$0x100] =	vst v25;
	v25 =	vadd.s32 $0x18000, v26  }
0xeb: {  	[tilespmem:s31+$0x100] =	vst v25  }
0xec: {  	v25 =	vld [tilespmem:s30+$0x80]  }
0xed: {  	v26 =	vld [tilespmem:s30+$0x100];
	_ =	sdelay $0x4  }
0xee: {  	v25 =	vmul.f32 $6.400000000e+01, v25;
	v26 =	vmul.f32 $6.400000000e+01, v26;
	_ =	sdelay $0x1  }
0xef: {  	v27 =	vmul.f32 v26, v25  }
0xf0: {  	v41 =	vmin.f32 v26, $7.039999960e+00;
	v42 =	vmin.f32 v25, $7.039999960e+00  }
0xf1: {  	v43 =	vmin.f32 v25, $7.679999830e+00;
	v28 =	vmul.f32 v41, v42;
	v44 =	vadd.f32 $4.956159970e+01, v27  }
0xf2: {  	v45 =	vmin.f32 v26, $3.839999910e+00;
	v46 =	vmin.f32 v25, $3.839999910e+00;
	v34 =	vmin.f32 v26, $9.600000380e+00  }
0xf3: {  	v32 =	vmul.f32 v45, v46;
	v47 =	vadd.f32 $1.474559970e+01, v27;
	v29 =	vsub.f32 v44, v28  }
0xf4: {  	v36 =	vmin.f32 v25, $1.023999980e+01;
	v25 =	vmin.f32 v25, $4.480000020e+00;
	v35 =	vadd.f32 $2.949119950e+01, v27  }
0xf5: {  	v30 =	vmul.f32 v45, v43;
	v33 =	vsub.f32 v47, v32;
	v29 =	vadd.f32 $1.000000020e-16, v29  }
0xf6: {  	v26 =	vmin.f32 v26, $6.079999920e+00;
	v34 =	vmul.f32 v34, v36;
	v48 =	vadd.f32 $9.830400080e+01, v27  }
0xf7: {  	v35 =	vsub.f32 v35, v30;
	v33 =	vadd.f32 $1.000000020e-16, v33;
	(erf) = vrcp.f32 v29  }
0xf8: {  	v25 =	vmul.f32 v26, v25;
	v27 =	vadd.f32 $2.723839950e+01, v27  }
0xf9: {  	v49 =	vsub.f32 v48, v34;
	v26 =	vadd.f32 $1.000000020e-16, v35;
	(erf) = vrcp.f32 v33;
	_ =	sdelay $0x1  }
0xfa: {  	v27 =	vsub.f32 v27, v25;
	v29 =	vadd.f32 $1.000000020e-16, v49;
	(erf) = vrcp.f32 v26;
	_ =	sdelay $0x1  }
0xfb: {  	v26 =	vadd.f32 $1.000000020e-16, v27;
	(erf) = vrcp.f32 v29;
	_ =	sdelay $0x1  }
0xfc: {  	v27 =	vld [tilespmem:s30+$0xFFFFFF00];
	(erf) = vrcp.f32 v26  }
0xfd: {  	v51 =	vld [tilespmem:s30+$0x0];
	v50 =	vpop (erf)  }
0xfe: {  	v26 =	vld [tilespmem:s30+$0xFFFFFF80];
	v28 =	vmul.f32 v50, v28  }
0xff: {  	v33 =	vpop (erf)  }
0x100: {  	v52 =	vmov s29;
	v32 =	vmul.f32 v33, v32;
	vm2 =	vgt.f32 v28, $-1.000000000e+00  }
0x101: {  	vm1 =	vlt.u32 v52, v5;
	v27 =	vtrunc.f32 v27;
	v53 =	vpop (erf);
	v54 =	vnsel vm2, $0xBF800000, v28  }
0x102: {  	v27 =	vcvt.f32.s32 v27;
	v29 =	vmul.f32 v53, v30;
	vm2 =	vgt.f32 v32, v54  }
0x103: {  	v55 =	vmul.f32 $6.400000000e+01, v51;
	v26 =	vmul.f32 $6.400000000e+01, v26;
	v56 =	vpop (erf);
	v33 =	vsel vm2, v32, v54  }
0x104: {  	v58 =	vmul.u32 $0x5, v27;
	v31 =	vmul.f32 v56, v34;
	vm4 =	vgt.f32 v29, v33  }
0x105: {  	v59 =	vmul.u32 $0x19000, v27;
	v26 =	vtrunc.f32 v26;
	v57 =	vpop (erf);
	v33 =	vsel vm4, v29, v33  }
0x106: {  	v30 =	vtrunc.f32 v55;
	v25 =	vmul.f32 v57, v25;
	vm3 =	vgt.f32 v31, v33  }
0x107: {  	v30 =	vcvt.f32.s32 v30;
	v60 =	vsel vm2, $0x1, v6;
	v33 =	vsel vm3, v31, v33  }
0x108: {  	v26 =	vcvt.f32.s32 v26;
	v36 =	vsel vm4, $0x2, v60;
	vm2 =	vgt.f32 v25, v33  }
0x109: {  	v30 =	vshll.u32 v30, $0x6;
	v61 =	vsel vm3, $0x3, v36;
	vm4 =	vmneg vm2  }
0x10a: {  	v27 =	vshll.u32 v27, $0xC;
	v26 =	vadd.s32 v26, v30;
	v30 =	vnsel vm4, $0x4, v61  }
0x10b: {  	vm5 =	vgt.f32 v28, $5.000000000e-01;
	vm6 =	vgt.f32 v32, $5.000000000e-01;
	v63 =	vadd.s32 v58, v30  }
0x10c: {  	v62 =	vadd.s32 v59, v26;
	vm7 =	veq.s32 v30, $0x0;
	v28 =	vshll.u32 v63, $0xC  }
0x10d: {  	vm8 =	veq.s32 v30, $0x1;
	vm5 =	vmor vm5, vm7;
	v28 =	vadd.s32 v26, v28  }
0x10e: {  	vm5 =	vmand vm1, vm5;
	v26 =	vadd.s32 v27, v26;
	v28 =	vnsel vm1, $0xFFFFFFFE, v28  }
0x10f: {  	vm6 =	vmor vm6, vm8;
	vm7 =	veq.s32 v30, $0x2;
	v27 =	vnsel vm5, $0xFFFFFFFF, v26;
	[tilespmem:s28+$0x0] =	vst v28  }
0x110: {  	vm8 =	vgt.f32 v29, $5.000000000e-01;
	vm5 =	vmand vm1, vm6;
	[tilespmem:s25+$0xFFFFFF00] =	vst v27;
	v27 =	vadd.s32 $0x4000, v62  }
0x111: {  	vm3 =	vmand vm3, vm4;
	vm6 =	vmor vm8, vm7;
	[tilespmem:s26+$0xFFFFFF00] =	vst v27;
	v27 =	vnsel vm5, $0xFFFFFFFF, v26  }
0x112: {  	vm6 =	vmand vm1, vm6;
	vm5 =	vgt.f32 v31, $5.000000000e-01;
	[tilespmem:s25+$0xFFFFFF80] =	vst v27;
	v27 =	vadd.s32 $0x9000, v62  }
0x113: {  	vm3 =	vmor vm5, vm3;
	[tilespmem:s26+$0xFFFFFF80] =	vst v27;
	v27 =	vnsel vm6, $0xFFFFFFFF, v26  }
0x114: {  	vm4 =	vgt.f32 v25, $5.000000000e-01;
	v25 =	vadd.s32 $0xE000, v62;
	vm3 =	vmand vm1, vm3;
	[tilespmem:s25+$0x0] =	vst v27  }
.Ltmp3:
0x115: {  	vm2 =	vmor vm4, vm2;
	[tilespmem:s26+$0x0] =	vst v25;
	v25 =	vnsel vm3, $0xFFFFFFFF, v26;
	(pc) =	sbr.rel @p0 .LBB2_9-.Ltmp3, $4  }
0x116: {  	vm1 =	vmand vm1, vm2;
	[tilespmem:s25+$0x80] =	vst v25;
	v25 =	vadd.s32 $0x13000, v62  }
0x117: {  	[tilespmem:s26+$0x80] =	vst v25;
	v25 =	vnsel vm1, $0xFFFFFFFF, v26  }
0x118: {  	[tilespmem:s25+$0x100] =	vst v25;
	v25 =	vadd.s32 $0x18000, v62  }
0x119: {  	[tilespmem:s26+$0x100] =	vst v25  }
0x11a: {  	v25 =	vld [tilespmem:s2+$0x180]  }
0x11b: {  	v26 =	vld [tilespmem:s2+$0x200];
	_ =	sdelay $0x4  }
0x11c: {  	v32 =	vmul.f32 $6.400000000e+01, v25;
	v31 =	vmul.f32 $6.400000000e+01, v26;
	_ =	sdelay $0x1  }
0x11d: {  	v25 =	vmul.f32 v31, v32  }
0x11e: {  	v26 =	vmin.f32 v32, $7.039999960e+00;
	v27 =	vmin.f32 v31, $7.039999960e+00  }
0x11f: {  	v26 =	vmul.f32 v27, v26;
	v27 =	vadd.f32 $4.956159970e+01, v25  }
0x120: {  	v28 =	vmin.f32 v32, $3.839999910e+00;
	v29 =	vmin.f32 v31, $3.839999910e+00  }
0x121: {  	v28 =	vmul.f32 v29, v28;
	v30 =	vadd.f32 $1.474559970e+01, v25;
	v27 =	vsub.f32 v27, v26;
	_ =	sdelay $0x1  }
0x122: {  	v33 =	vmin.f32 v32, $7.679999830e+00;
	v30 =	vsub.f32 v30, v28;
	v27 =	vadd.f32 $1.000000020e-16, v27  }
0x123: {  	v53 =	vmin.f32 v32, $1.023999980e+01;
	v29 =	vmul.f32 v29, v33  }
0x124: {  	v52 =	vadd.f32 $2.949119950e+01, v25;
	(erf) = vrcp.f32 v27;
	v27 =	vadd.f32 $1.000000020e-16, v30  }
0x125: {  	v34 =	vmin.f32 v31, $9.600000380e+00;
	v55 =	vmin.f32 v32, $4.480000020e+00;
	v35 =	vmin.f32 v31, $6.079999920e+00  }
0x126: {  	v54 =	vadd.f32 $9.830400080e+01, v25;
	v30 =	vsub.f32 v52, v29;
	(erf) = vrcp.f32 v27  }
0x127: {  	v25 =	vadd.f32 $2.723839950e+01, v25;
	v27 =	vmul.f32 v34, v53;
	v34 =	vmul.f32 v35, v55  }
0x128: {  	v30 =	vadd.f32 $1.000000020e-16, v30  }
0x129: {  	v33 =	vsub.f32 v54, v27;
	v25 =	vsub.f32 v25, v34;
	_ =	sdelay $0x1  }
0x12a: {  	(erf) = vrcp.f32 v30;
	v30 =	vadd.f32 $1.000000020e-16, v33;
	v25 =	vadd.f32 $1.000000020e-16, v25;
	_ =	sdelay $0x1  }
0x12b: {  	(erf) = vrcp.f32 v30;
	_ =	sdelay $0x1  }
0x12c: {  	(erf) = vrcp.f32 v25;
	v25 =	vpop (erf)  }
0x12d: {  	v56 =	vld [tilespmem:s2+$0x100];
	v25 =	vmul.f32 v25, v26  }
0x12e: {  	v30 =	vld [tilespmem:s2+$0x80];
	v26 =	vpop (erf)  }
0x12f: {  	v57 =	vld [tilespmem:s2+$0x0];
	v28 =	vmul.f32 v26, v28;
	vm1 =	vgt.f32 v25, $-1.000000000e+00  }
0x130: {  	v36 =	vnsel vm1, $0xBF800000, v25  }
0x131: {  	v26 =	vpop (erf);
	vm1 =	vgt.f32 v28, v36  }
0x132: {  	v29 =	vmul.f32 v26, v29;
	v28 =	vsel vm1, v28, v36  }
0x133: {  	v26 =	vmul.f32 $6.400000000e+01, v30;
	v25 =	vmul.f32 $6.400000000e+01, v56;
	v37 =	vpop (erf)  }
0x134: {  	v30 =	vtrunc.f32 v57;
	vm3 =	vgt.f32 v29, v28;
	v27 =	vmul.f32 v37, v27  }
0x135: {  	v30 =	vcvt.f32.s32 v30;
	v58 =	vtrunc.f32 v26;
	v29 =	vsel vm3, v29, v28;
	v28 =	vpop (erf)  }
0x136: {  	v59 =	vsel vm1, $0x1, v6;
	vm2 =	vgt.f32 v27, v29;
	v34 =	vmul.f32 v28, v34  }
0x137: {  	v60 =	vtrunc.f32 v25;
	v30 =	vmul.u32 $0x19000, v30;
	v29 =	vsel vm2, v27, v29  }
0x138: {  	v61 =	vsel vm3, $0x2, v59;
	v28 =	vcvt.f32.s32 v58;
	vm1 =	vgt.f32 v34, v29  }
0x139: {  	v27 =	vcvt.f32.s32 v60;
	v29 =	vsel vm2, $0x3, v61;
	vm1 =	vmneg vm1  }
0x13a: {  	v33 =	vnsel vm1, $0x4, v29  }
0x13b: {  	v30 =	vadd.s32 v28, v30;
	v29 =	vshll.u32 v27, $0x6;
	v62 =	vmul.u32 $0x5000, v33  }
0x13c: {  	v29 =	vadd.s32 v29, v30  }
0x13d: {  	v29 =	vadd.s32 v62, v29;
	_ =	sdelay $0x1  }
0x13e: {  	v30 =	vadd.s32 $0x1000, v29;
	_ =	sdelay $0x1  }
0x13f: {  	s0 =	simm.s32 $0x980;
	v34 =	vadd.s32 $0x2000, v29  }
0x140: {  	[tilespmem:s0], [sflag:$0x1] =	stream.indirect_vreg.gather [hbm4b:s6+s4], $0x1, v29, vm0, $0xb8;
	[tilespmem:$0xE80] =	vst v63  }
0x141: {  	s28 =	simm.s32 $0x990;
	v63 =	vadd.s32 $0x3000, v29  }
0x142: {  	[tilespmem:s28], [sflag:$0x1] =	stream.indirect_vreg.gather [hbm4b:s6+s4], $0x1, v30, vm0, $0xb8;
	[tilespmem:$0xE80] =	vst v63  }
0x143: {  	s29 =	simm.s32 $0x9A0;
	v29 =	vadd.s32 $0x4000, v29  }
0x144: {  	[tilespmem:s29], [sflag:$0x1] =	stream.indirect_vreg.gather [hbm4b:s6+s4], $0x1, v34, vm0, $0xb8;
	[tilespmem:$0xE80] =	vst v63  }
0x145: {  	s30 =	simm.s32 $0x9B0  }
0x146: {  	[tilespmem:s30], [sflag:$0x1] =	stream.indirect_vreg.gather [hbm4b:s6+s4], $0x1, v63, vm0, $0xb8;
	[tilespmem:$0xE80] =	vst v63  }
0x147: {  	s31 =	simm.s32 $0x9C0  }
0x148: {  	[tilespmem:s31], [sflag:$0x1] =	stream.indirect_vreg.gather [hbm4b:s6+s4], $0x1, v29, vm0, $0xb8;
	[tilespmem:$0xE80] =	vst v63  }
.Ltmp4:
0x149: {  	v30 =	vld [tilespmem:s2+$0x900];
	(pc) =	sbr.rel @p1 .LBB2_8-.Ltmp4, $2  }
0x14a: {  	_ =	sdelay $0x2  }
0x14b: {  	v29 =	vimm.s32 $0x0  }
0x14c: {  	v34 =	vld [tilespmem:s12+$0x0];
	v36 =	vcombine.low v17, v18;
	v37 =	vcombine.low v8, v9  }
0x14d: {  	v38 =	vcombine.low v12, v13;
	v39 =	vcombine.low v20, v19  }
0x14e: {  	v40 =	vcombine.low v22, v21;
	v41 =	vcombine.low v3, v4  }
0x14f: {  	v42 =	vcombine.low v10, v11;
	v43 =	vcombine.low v18, v17  }
0x150: {  	v44 =	vcombine.low v19, v20;
	v35 =	vcombine.low v21, v22  }
0x151: {  	v45 =	vperm.xlane v34, v0;
	v46 =	vperm.xlane v34, v14  }
0x152: {  	v47 =	vperm.xlane v34, v16;
	v60 =	vperm.xlane v34, v15  }
0x153: {  	v48 =	vperm.xlane v34, v41;
	v49 =	vperm.xlane v34, v7  }
0x154: {  	v61 =	vperm.xlane v34, v39;
	v50 =	vperm.xlane v34, v43  }
0x155: {  	v51 =	vperm.xlane v34, v37;
	v52 =	vperm.xlane v34, v40  }
0x156: {  	vm0 =	vmmov vm14;
	v62 =	vperm.xlane v34, v23;
	v63 =	vperm.xlane v34, v38  }
0x157: {  	vm3 =	veq.s32 v30, v45;
	vm4 =	veq.s32 v30, v46;
	vm5 =	veq.s32 v30, v49  }
0x158: {  	p5 =	sne.s32 s11, $0x1;
	vm7 =	veq.s32 v30, v60;
	v45 =	vperm.xlane v34, v42;
	vm3 =	vmor vm3, vm5  }
.Ltmp5:
0x159: {  	vm8 =	veq.s32 v30, v47;
	vm9 =	veq.s32 v30, v50;
	vm3 =	vmor vm3, vm4;
	(pc) =	sbr.rel @!p5 .LBB2_7-.Ltmp5, $4  }
0x15a: {  	vm6 =	veq.s32 v30, v62;
	v47 =	vperm.xlane v34, v36;
	vm3 =	vmor vm3, vm7  }
0x15b: {  	v46 =	vperm.xlane v34, v44;
	vm5 =	veq.s32 v30, v52;
	vm8 =	vmor vm3, vm8  }
0x15c: {  	vm4 =	veq.s32 v30, v61;
	vm7 =	veq.s32 v30, v48;
	vm8 =	vmor vm8, vm9  }
0x15d: {  	s0 =	sadd.s32 $0xFFFFFFFF, s11;
	s3 =	sadd.s32 $0x10, s12;
	vm3 =	veq.s32 v30, v51;
	vm8 =	vmor vm8, vm4;
	vm4 =	veq.s32 v30, v63  }
.LBB2_6:
0x15e: {  	p5 =	sne.s32 s0, $0x1;
	s0 =	sadd.s32 $0xFFFFFFFF, s0;
	vm9 =	veq.s32 v30, v47;
	v47 =	vperm.xlane v34, v35;
	v34 =	vld [tilespmem:s3+$0x0]  }
0x15f: {  	vm5 =	vmor vm8, vm5  }
0x160: {  	vm8 =	veq.s32 v30, v47  }
0x161: {  	vm10 =	veq.s32 v30, v46  }
0x162: {  	vm5 =	vmor vm5, vm6  }
0x163: {  	vm5 =	vmor vm5, vm7;
	v46 =	vperm.xlane v34, v0  }
0x164: {  	vm6 =	veq.s32 v30, v45;
	v47 =	vperm.xlane v34, v14;
	v48 =	vperm.xlane v34, v16  }
0x165: {  	v45 =	vperm.xlane v34, v15;
	vm7 =	veq.s32 v30, v46;
	v46 =	vperm.xlane v34, v41  }
0x166: {  	v49 =	vperm.xlane v34, v7;
	vm11 =	veq.s32 v30, v47;
	v47 =	vperm.xlane v34, v39  }
0x167: {  	v50 =	vperm.xlane v34, v43;
	v51 =	vperm.xlane v34, v37;
	vm12 =	veq.s32 v30, v45  }
0x168: {  	vm3 =	vmor vm5, vm3;
	v52 =	vperm.xlane v34, v40;
	v45 =	vperm.xlane v34, v42  }
0x169: {  	vm3 =	vmor vm3, vm6;
	vm13 =	veq.s32 v30, v48;
	vm14 =	veq.s32 v30, v50  }
0x16a: {  	vm3 =	vmor vm3, vm4;
	vm5 =	veq.s32 v30, v52;
	v48 =	vperm.xlane v34, v23  }
0x16b: {  	vm3 =	vmor vm3, vm9;
	vm4 =	veq.s32 v30, v49;
	vm15 =	veq.s32 v30, v47  }
0x16c: {  	vm3 =	vmor vm3, vm10;
	vm4 =	vmor vm7, vm4;
	vm6 =	veq.s32 v30, v48  }
.Ltmp6:
0x16d: {  	vm8 =	vmor vm3, vm8;
	vm4 =	vmor vm4, vm11;
	vm7 =	veq.s32 v30, v46;
	(pc) =	sbr.rel @p5 .LBB2_6-.Ltmp6, $4  }
0x16e: {  	vm3 =	veq.s32 v30, v51;
	v46 =	vsel vm8, $0x1, v6;
	vm4 =	vmor vm4, vm12  }
0x16f: {  	v48 =	vperm.xlane v34, v38;
	v29 =	vor.u32 v46, v29;
	vm4 =	vmor vm4, vm13  }
0x170: {  	v47 =	vperm.xlane v34, v36;
	vm4 =	vmor vm4, vm14  }
0x171: {  	s3 =	sadd.s32 $0x10, s3;
	v46 =	vperm.xlane v34, v44;
	vm8 =	vmor vm4, vm15;
	vm4 =	veq.s32 v30, v48  }
.LBB2_7:
0x172: {  	vm5 =	vmor vm8, vm5  }
0x173: {  	vm5 =	vmor vm5, vm6  }
0x174: {  	vm5 =	vmor vm5, vm7  }
0x175: {  	vm6 =	veq.s32 v30, v45;
	vm3 =	vmor vm5, vm3  }
0x176: {  	v62 =	vld [tilespmem:$0x1FFE0];
	vm3 =	vmor vm3, vm6  }
0x177: {  	v34 =	vperm.xlane v34, v35;
	v63 =	vld [tilespmem:$0x1FFF0];
	vm5 =	veq.s32 v30, v47;
	vm3 =	vmor vm3, vm4  }
0x178: {  	vm4 =	veq.s32 v30, v46;
	vm3 =	vmor vm3, vm5  }
0x179: {  	vm14 =	vmmov vm0;
	vm5 =	veq.s32 v30, v34;
	vm3 =	vmor vm3, vm4  }
0x17a: {  	vm10 =	vcmask $0x3F3C;
	vm11 =	vcmask $0x3F38;
	vm3 =	vmor vm3, vm5  }
0x17b: {  	vm12 =	vcmask $0x3F34;
	vm13 =	vcmask $0x3F30;
	v61 =	vsel vm3, $0x1, v6  }
0x17c: {  	vm0 =	vnez.u8 v62;
	vm15 =	vnez.u8 v63;
	v29 =	vor.u32 v61, v29  }
.LBB2_8:
0x17d: {  	_ =	swait.ge [sflag:s21], $0x10  }
0x17e: {  	[sflag:s21] =	ssyncset.done $0x0  }
0x17f: {  	[sflag:s21] =	ssyncadd.s32 $0xFFFFFFF0  }
0x180: {  	_ =	swait.ge [sflag:s21], $0x10  }
0x181: {  	[sflag:s21] =	ssyncset.done $0x0  }
0x182: {  	[sflag:s21] =	ssyncadd.s32 $0xFFFFFFF0  }
0x183: {  	_ =	swait.ge [sflag:s21], $0x10  }
0x184: {  	[sflag:s21] =	ssyncset.done $0x0  }
0x185: {  	vm3 =	veq.s32 v33, $0x1;
	[sflag:s21] =	ssyncadd.s32 $0xFFFFFFF0  }
0x186: {  	v35 =	vsel vm3, $0x4075C28F, v24;
	vm3 =	veq.s32 v33, $0x2;
	_ =	swait.ge [sflag:s21], $0x10  }
0x187: {  	vm4 =	vmand vm2, vm1;
	v33 =	vsel vm3, $0x40F5C28F, v35;
	[sflag:s21] =	ssyncset.done $0x0  }
0x188: {  	v33 =	vsel vm4, $0x4123D70A, v33;
	[sflag:s21] =	ssyncadd.s32 $0xFFFFFFF0  }
0x189: {  	v33 =	vnsel vm1, $0x408F5C29, v33;
	_ =	swait.ge [sflag:s21], $0x10  }
0x18a: {  	(erf) = vrcp.f32 v33;
	_ =	sdelay $0x8  }
0x18b: {  	v33 =	vpop (erf)  }
0x18c: {  	v34 =	vmul.f32 v33, v32;
	_ =	sdelay $0x1  }
0x18d: {  	v32 =	vand.u32 $0x7FFFFF, v34  }
0x18e: {  	v32 =	vor.u32 $0x3F800000, v32  }
0x18f: {  	v39 =	vmul.f32 $5.000000000e-01, v32  }
0x190: {  	vm2 =	vgt.f32 v32, $1.414213540e+00  }
0x191: {  	v36 =	vsel vm2, v39, v32  }
0x192: {  	v40 =	vsel vm3, $0x4075C28F, v35;
	v33 =	vadd.f32 $1.000000000e+00, v36  }
0x193: {  	v32 =	vsel vm4, $0x4119999A, v40  }
0x194: {  	v32 =	vnsel vm1, $0x40C28F5C, v32;
	(erf) = vrcp.f32 v33  }
0x195: {  	(erf) = vrcp.f32 v32;
	_ =	sdelay $0x7  }
0x196: {  	v35 =	vpop (erf)  }
0x197: {  	[sflag:s21] =	ssyncset.done $0x0;
	v32 =	vpop (erf)  }
0x198: {  	[sflag:s21] =	ssyncadd.s32 $0xFFFFFFF0;
	v33 =	vmul.f32 v32, v31  }
0x199: {  	v41 =	vld [tilespmem:$0x980]  }
0x19a: {  	v32 =	vand.u32 $0x7FFFFF, v33  }
0x19b: {  	v32 =	vor.u32 $0x3F800000, v32  }
0x19c: {  	v37 =	vmul.f32 $5.000000000e-01, v32  }
0x19d: {  	vm1 =	vgt.f32 v32, $1.414213540e+00  }
0x19e: {  	v31 =	vsub.f32 $0.0e+00, v41;
	v37 =	vsel vm1, v37, v32  }
0x19f: {  	v32 =	vadd.f32 $1.000000000e+00, v37  }
0x1a0: {  	v31 =	vmul.f32 $1.442695020e+00, v31  }
0x1a1: {  	(erf) = vrcp.f32 v32  }
0x1a2: {  	(erf) = vpow2.f32 v31;
	_ =	sdelay $0x3  }
0x1a3: {  	v42 =	vld [tilespmem:$0x990];
	_ =	sdelay $0x3  }
0x1a4: {  	v38 =	vpop (erf)  }
0x1a5: {  	v31 =	vsub.f32 $0.0e+00, v42;
	v43 =	vpop (erf)  }
0x1a6: {  	v32 =	vadd.f32 $1.000000000e+00, v43  }
0x1a7: {  	v31 =	vmul.f32 $1.442695020e+00, v31  }
0x1a8: {  	(erf) = vrcp.f32 v32  }
0x1a9: {  	(erf) = vpow2.f32 v31;
	_ =	sdelay $0x3  }
0x1aa: {  	v44 =	vld [tilespmem:$0x9C0];
	_ =	sdelay $0x3  }
0x1ab: {  	v31 =	vpop (erf)  }
0x1ac: {  	v32 =	vsub.f32 $0.0e+00, v44;
	v39 =	vpop (erf)  }
0x1ad: {  	v39 =	vadd.f32 $1.000000000e+00, v39  }
0x1ae: {  	v32 =	vmul.f32 $1.442695020e+00, v32  }
0x1af: {  	(erf) = vrcp.f32 v39  }
0x1b0: {  	(erf) = vpow2.f32 v32;
	_ =	sdelay $0x2  }
0x1b1: {  	v45 =	vperm.xlane v30, v7  }
0x1b2: {  	v46 =	vperm.xlane v30, v15;
	v48 =	vperm.xlane v30, v16;
	v42 =	vld [tilespmem:$0x1FF10]  }
0x1b3: {  	v49 =	vcombine.low v20, v19;
	v40 =	vperm.xlane v30, v14  }
0x1b4: {  	v53 =	vcombine.low v22, v21;
	v57 =	vcombine.low v3, v4;
	v51 =	vld [tilespmem:$0x1FF20]  }
0x1b5: {  	v58 =	vperm.xlane v30, v23;
	vm3 =	veq.s32 v30, v45;
	vm4 =	veq.s32 v30, v40  }
0x1b6: {  	vm3 =	vmand vm3, vm14;
	v54 =	vld [tilespmem:$0x1FF30];
	vm4 =	vmand vm4, vm15;
	v41 =	vcombine.low v18, v17;
	v32 =	vpop (erf)  }
0x1b7: {  	vm3 =	vmor vm3, vm4;
	vm4 =	veq.s32 v30, v46;
	vm5 =	vnez.u8 v42;
	v47 =	vpop (erf)  }
0x1b8: {  	v56 =	vld [tilespmem:$0x1FF40];
	v50 =	vperm.xlane v30, v41;
	vm4 =	vmand vm4, vm5;
	v40 =	vadd.f32 $1.000000000e+00, v47  }
0x1b9: {  	vm5 =	vnez.u8 v51;
	vm3 =	vmor vm3, vm4;
	vm4 =	veq.s32 v30, v48  }
0x1ba: {  	v52 =	vperm.xlane v30, v49;
	v59 =	vld [tilespmem:$0x1FF50];
	vm4 =	vmand vm4, vm5;
	(erf) = vrcp.f32 v40  }
0x1bb: {  	vm5 =	vnez.u8 v54;
	vm3 =	vmor vm3, vm4;
	vm4 =	veq.s32 v30, v50  }
0x1bc: {  	v60 =	vcombine.low v8, v9;
	v55 =	vperm.xlane v30, v53;
	v61 =	vld [tilespmem:$0x1FF60];
	vm4 =	vmand vm4, vm5  }
0x1bd: {  	vm5 =	veq.s32 v30, v52;
	vm3 =	vmor vm3, vm4;
	vm4 =	vnez.u8 v56  }
0x1be: {  	v28 =	vcvt.s32.f32 v28;
	v27 =	vcvt.s32.f32 v27;
	vm4 =	vmand vm5, vm4  }
0x1bf: {  	vm5 =	vnez.u8 v59;
	v44 =	vld [tilespmem:$0x1FF70];
	vm3 =	vmor vm3, vm4;
	vm4 =	veq.s32 v30, v55  }
0x1c0: {  	v62 =	vperm.xlane v30, v60;
	v49 =	vcombine.low v17, v18;
	v46 =	vld [tilespmem:$0x1FF80];
	vm4 =	vmand vm4, vm5  }
0x1c1: {  	vm5 =	vnez.u8 v61;
	vm3 =	vmor vm3, vm4;
	vm4 =	veq.s32 v30, v58  }
0x1c2: {  	v26 =	vsub.f32 v26, v28;
	vm4 =	vmand vm4, vm5;
	v40 =	vperm.xlane v30, v57  }
0x1c3: {  	v25 =	vsub.f32 v25, v27;
	v36 =	vadd.f32 $-1.000000000e+00, v36;
	vm3 =	vmor vm3, vm4;
	v63 =	vpop (erf)  }
0x1c4: {  	vm4 =	vnez.u8 v44;
	vm5 =	veq.s32 v30, v40;
	v40 =	vmax.f32 v63, $9.999999960e-13  }
0x1c5: {  	vm4 =	vmand vm5, vm4;
	vm5 =	vnez.u8 v46;
	v45 =	vand.u32 $0x7FFFFF, v40  }
0x1c6: {  	vm3 =	vmor vm3, vm4;
	vm4 =	veq.s32 v30, v62;
	v39 =	vor.u32 $0x3F800000, v45  }
0x1c7: {  	v34 =	vshra.s32 v34, $0x17;
	vm4 =	vmand vm4, vm5;
	v48 =	vmul.f32 $5.000000000e-01, v39  }
0x1c8: {  	v35 =	vmul.f32 v35, v36;
	vm4 =	vmor vm3, vm4;
	vm3 =	vgt.f32 v39, $1.414213540e+00  }
0x1c9: {  	v33 =	vshra.s32 v33, $0x17;
	v37 =	vadd.f32 $-1.000000000e+00, v37;
	v44 =	vld [tilespmem:$0x1FF90];
	v39 =	vsel vm3, v48, v39  }
0x1ca: {  	v42 =	vperm.xlane v30, v49;
	v47 =	vcombine.low v10, v11;
	v51 =	vadd.f32 $1.000000000e+00, v39  }
0x1cb: {  	v53 =	vld [tilespmem:$0x1FFA0];
	v49 =	vsel vm2, $0x1, v6;
	v43 =	vcombine.low v12, v13;
	v52 =	vcombine.low v19, v20  }
0x1cc: {  	v34 =	vadd.s32 v49, v34;
	v41 =	vperm.xlane v30, v47;
	(erf) = vrcp.f32 v51  }
0x1cd: {  	v34 =	vadd.s32 $0xFFFFFF81, v34;
	v54 =	vmul.f32 v35, v35;
	v56 =	vld [tilespmem:$0x1FFB0];
	v50 =	vperm.xlane v30, v43  }
0x1ce: {  	v36 =	vperm.xlane v30, v52;
	v59 =	vld [tilespmem:$0x1FFC0];
	vm6 =	vnez.u8 v44;
	vm5 =	veq.s32 v30, v41  }
0x1cf: {  	v55 =	vcombine.low v21, v22;
	v57 =	vmul.f32 $1.428571490e-01, v54;
	vm5 =	vmand vm5, vm6  }
0x1d0: {  	vm6 =	veq.s32 v30, v50;
	vm4 =	vmor vm4, vm5;
	vm5 =	vnez.u8 v53  }
0x1d1: {  	v58 =	vperm.xlane v30, v55;
	v60 =	vadd.f32 $2.000000030e-01, v57;
	vm5 =	vmand vm6, vm5  }
0x1d2: {  	vm6 =	veq.s32 v30, v42;
	vm4 =	vmor vm4, vm5;
	vm5 =	vnez.u8 v56  }
0x1d3: {  	vm5 =	vmand vm6, vm5;
	vm6 =	vnez.u8 v59;
	v63 =	vmul.f32 v38, v37  }
0x1d4: {  	vm4 =	vmor vm4, vm5;
	vm5 =	veq.s32 v30, v36;
	v45 =	vadd.f32 $-1.000000000e+00, v39  }
0x1d5: {  	v62 =	vmul.f32 v60, v54;
	vm5 =	vmand vm5, vm6;
	v47 =	vmul.f32 v63, v63;
	v48 =	vpop (erf)  }
0x1d6: {  	v35 =	vadd.f32 v35, v35;
	vm4 =	vmor vm4, vm5;
	v37 =	vmul.f32 v48, v45  }
0x1d7: {  	vm5 =	veq.s32 v30, v58;
	v30 =	vadd.f32 $3.333333430e-01, v62;
	v50 =	vmul.f32 $1.428571490e-01, v47  }
0x1d8: {  	v34 =	vcvt.s32.f32 v34;
	v55 =	vsel vm1, $0x1, v6;
	v42 =	vmul.f32 v37, v37  }
0x1d9: {  	v61 =	vld [tilespmem:$0x1FFD0];
	v27 =	vadd.s32 v55, v33;
	v30 =	vmul.f32 v30, v54;
	v41 =	vadd.f32 $2.000000030e-01, v50  }
0x1da: {  	v34 =	vmul.f32 $6.931471820e-01, v34;
	v27 =	vadd.s32 $0xFFFFFF81, v27;
	v51 =	vmul.f32 $1.428571490e-01, v42  }
0x1db: {  	v27 =	vcvt.s32.f32 v27;
	v30 =	vadd.f32 $1.000000000e+00, v30;
	v53 =	vmul.f32 v41, v47  }
0x1dc: {  	vm1 =	vlt.u32 v1, v5;
	v26 =	vsub.f32 v31, v26;
	v54 =	vadd.f32 $2.000000030e-01, v51  }
0x1dd: {  	v27 =	vmul.f32 $6.931471820e-01, v27;
	v52 =	vmul.f32 v30, v35;
	v30 =	vadd.f32 $3.333333430e-01, v53  }
0x1de: {  	v26 =	vmul.f32 v26, v26;
	vm6 =	vnez.u8 v61;
	v56 =	vmul.f32 v54, v42  }
0x1df: {  	v57 =	vadd.f32 v63, v63;
	vm5 =	vmand vm5, vm6;
	v30 =	vmul.f32 v30, v47  }
0x1e0: {  	v58 =	vshra.s32 v40, $0x17;
	vm4 =	vmor vm4, vm5;
	v33 =	vadd.f32 $3.333333430e-01, v56  }
0x1e1: {  	v60 =	vld [tilespmem:$0x9A0];
	v59 =	vsel vm3, $0x1, v6;
	v46 =	vsel vm4, $0x1, v6;
	v30 =	vadd.f32 $1.000000000e+00, v30  }
0x1e2: {  	v61 =	vld [tilespmem:$0x9B0];
	v29 =	vor.u32 v46, v29;
	v35 =	vadd.s32 v59, v58;
	v33 =	vmul.f32 v33, v42  }
0x1e3: {  	v35 =	vadd.s32 $0xFFFFFF81, v35;
	v28 =	vadd.f32 v52, v34;
	v30 =	vmul.f32 v30, v57  }
0x1e4: {  	v35 =	vcvt.s32.f32 v35;
	v37 =	vadd.f32 v37, v37;
	v33 =	vadd.f32 $1.000000000e+00, v33  }
0x1e5: {  	v25 =	vsub.f32 v32, v25;
	vm2 =	veq.s32 v29, $0x0;
	v27 =	vadd.f32 v30, v27  }
0x1e6: {  	v63 =	vmul.f32 $6.931471820e-01, v35;
	v28 =	vsub.f32 v60, v28;
	v62 =	vmul.f32 v33, v37  }
0x1e7: {  	v25 =	vmul.f32 v25, v25;
	vm1 =	vmand vm2, vm1;
	v27 =	vsub.f32 v61, v27  }
0x1e8: {  	v26 =	vnsel vm1, $0x0, v26;
	v28 =	vmul.f32 v28, v28;
	v29 =	vadd.f32 v62, v63  }
0x1e9: {  	v25 =	vnsel vm1, $0x0, v25;
	[tilespmem:$0xA80] =	vst v26;
	v26 =	vmul.f32 v27, v27  }
0x1ea: {  	[tilespmem:$0xB00] =	vst v25;
	v25 =	vnsel vm1, $0x0, v28;
	v29 =	vmax.f32 v29, $-1.000000000e+02  }
0x1eb: {  	[tilespmem:$0xB80] =	vst v25;
	v25 =	vnsel vm1, $0x0, v26;
	v27 =	vsub.f32 $0.0e+00, v29  }
0x1ec: {  	v26 =	vsel vm1, $0x3F800000, v6;
	[tilespmem:$0xC00] =	vst v25  }
0x1ed: {  	[tilespmem:$0xD00] =	vst v26;
	v25 =	vnsel vm1, $0x0, v27  }
0x1ee: {  	[tilespmem:$0xC80] =	vst v25  }
.LBB2_9:
0x1ef: {  	v25 =	vld [tilespmem:s2+$0x680];
	_ =	sdelay $0x7  }
0x1f0: {  	[tilespmem:s22], [sflag:$0x1] =	stream.indirect_vreg.gather [hbm4b:s6+s4], $0x1, v25, vm0, $0xb8;
	[tilespmem:$0xE80] =	vst v63  }
.Ltmp7:
0x1f1: {  	v35 =	vld [tilespmem:s2+$0x400];
	(pc) =	sbr.rel @p2 .LBB2_13-.Ltmp7, $2  }
0x1f2: {  	_ =	sdelay $0x2  }
0x1f3: {  	v36 =	vimm.s32 $0x0  }
0x1f4: {  	v25 =	vld [tilespmem:s13+$0x0];
	v27 =	vcombine.low v17, v18;
	v28 =	vcombine.low v8, v9  }
0x1f5: {  	v29 =	vcombine.low v12, v13;
	v30 =	vcombine.low v20, v19  }
0x1f6: {  	v31 =	vcombine.low v22, v21;
	v32 =	vcombine.low v3, v4  }
0x1f7: {  	v33 =	vcombine.low v10, v11;
	v34 =	vcombine.low v18, v17  }
0x1f8: {  	v37 =	vcombine.low v19, v20;
	v26 =	vcombine.low v21, v22  }
0x1f9: {  	v38 =	vperm.xlane v25, v0;
	v39 =	vperm.xlane v25, v14  }
0x1fa: {  	v40 =	vperm.xlane v25, v16;
	v60 =	vperm.xlane v25, v15  }
0x1fb: {  	v41 =	vperm.xlane v25, v32;
	v42 =	vperm.xlane v25, v7  }
0x1fc: {  	v61 =	vperm.xlane v25, v30;
	v43 =	vperm.xlane v25, v34  }
0x1fd: {  	v44 =	vperm.xlane v25, v28;
	v45 =	vperm.xlane v25, v31  }
0x1fe: {  	v62 =	vperm.xlane v25, v23;
	v63 =	vperm.xlane v25, v29  }
0x1ff: {  	s0 =	sadd.s32 $0x1, s7;
	vm1 =	veq.s32 v35, v38;
	vm2 =	veq.s32 v35, v39;
	vm3 =	veq.s32 v35, v42  }
0x200: {  	p5 =	slt.u32 s0, s1;
	vm5 =	veq.s32 v35, v60;
	v38 =	vperm.xlane v25, v33;
	vm1 =	vmor vm1, vm3  }
.Ltmp8:
0x201: {  	vm6 =	veq.s32 v35, v40;
	vm7 =	veq.s32 v35, v43;
	vm1 =	vmor vm1, vm2;
	(pc) =	sbr.rel @!p5 .LBB2_12-.Ltmp8, $4  }
0x202: {  	vm4 =	veq.s32 v35, v62;
	v40 =	vperm.xlane v25, v27;
	vm1 =	vmor vm1, vm5  }
0x203: {  	v39 =	vperm.xlane v25, v37;
	vm3 =	veq.s32 v35, v45;
	vm6 =	vmor vm1, vm6  }
0x204: {  	vm2 =	veq.s32 v35, v61;
	vm5 =	veq.s32 v35, v41;
	vm6 =	vmor vm6, vm7  }
0x205: {  	s3 =	sadd.s32 $0x10, s13;
	vm1 =	veq.s32 v35, v44;
	vm6 =	vmor vm6, vm2;
	vm2 =	veq.s32 v35, v63  }
.LBB2_11:
0x206: {  	s0 =	sadd.s32 $0x1, s0;
	vm7 =	veq.s32 v35, v40;
	v40 =	vperm.xlane v25, v26;
	v25 =	vld [tilespmem:s3+$0x0]  }
0x207: {  	vm3 =	vmor vm6, vm3;
	p5 =	slt.u32 s0, s1  }
0x208: {  	vm6 =	veq.s32 v35, v40  }
0x209: {  	vm8 =	veq.s32 v35, v39  }
0x20a: {  	vm3 =	vmor vm3, vm4  }
0x20b: {  	vm3 =	vmor vm3, vm5;
	v39 =	vperm.xlane v25, v0  }
0x20c: {  	vm4 =	veq.s32 v35, v38;
	v40 =	vperm.xlane v25, v14;
	v41 =	vperm.xlane v25, v16  }
0x20d: {  	v38 =	vperm.xlane v25, v15;
	vm5 =	veq.s32 v35, v39;
	v39 =	vperm.xlane v25, v32  }
0x20e: {  	v42 =	vperm.xlane v25, v7;
	vm9 =	veq.s32 v35, v40;
	v40 =	vperm.xlane v25, v30  }
0x20f: {  	v43 =	vperm.xlane v25, v34;
	v44 =	vperm.xlane v25, v28;
	vm10 =	veq.s32 v35, v38  }
0x210: {  	vm1 =	vmor vm3, vm1;
	v45 =	vperm.xlane v25, v31;
	v38 =	vperm.xlane v25, v33  }
0x211: {  	vm1 =	vmor vm1, vm4;
	vm11 =	veq.s32 v35, v41;
	vm12 =	veq.s32 v35, v43  }
0x212: {  	vm1 =	vmor vm1, vm2;
	vm3 =	veq.s32 v35, v45;
	v41 =	vperm.xlane v25, v23  }
0x213: {  	vm1 =	vmor vm1, vm7;
	vm2 =	veq.s32 v35, v42;
	vm13 =	veq.s32 v35, v40  }
0x214: {  	vm1 =	vmor vm1, vm8;
	vm2 =	vmor vm5, vm2;
	vm4 =	veq.s32 v35, v41  }
.Ltmp9:
0x215: {  	vm6 =	vmor vm1, vm6;
	vm2 =	vmor vm2, vm9;
	vm5 =	veq.s32 v35, v39;
	(pc) =	sbr.rel @p5 .LBB2_11-.Ltmp9, $4  }
0x216: {  	vm1 =	veq.s32 v35, v44;
	v39 =	vsel vm6, $0x1, v6;
	vm2 =	vmor vm2, vm10  }
0x217: {  	v41 =	vperm.xlane v25, v29;
	v36 =	vor.u32 v39, v36;
	vm2 =	vmor vm2, vm11  }
0x218: {  	v40 =	vperm.xlane v25, v27;
	vm2 =	vmor vm2, vm12  }
0x219: {  	s3 =	sadd.s32 $0x10, s3;
	v39 =	vperm.xlane v25, v37;
	vm6 =	vmor vm2, vm13;
	vm2 =	veq.s32 v35, v41  }
.LBB2_12:
0x21a: {  	vm3 =	vmor vm6, vm3  }
0x21b: {  	vm3 =	vmor vm3, vm4  }
0x21c: {  	vm3 =	vmor vm3, vm5  }
0x21d: {  	vm4 =	veq.s32 v35, v38;
	vm1 =	vmor vm3, vm1  }
0x21e: {  	vm1 =	vmor vm1, vm4  }
0x21f: {  	v25 =	vperm.xlane v25, v26;
	vm3 =	veq.s32 v35, v40;
	vm1 =	vmor vm1, vm2  }
0x220: {  	vm2 =	veq.s32 v35, v39;
	vm1 =	vmor vm1, vm3  }
0x221: {  	vm3 =	veq.s32 v35, v25;
	vm1 =	vmor vm1, vm2  }
0x222: {  	vm1 =	vmor vm1, vm3  }
0x223: {  	vm10 =	vcmask $0x3F3C;
	vm11 =	vcmask $0x3F38;
	v25 =	vsel vm1, $0x1, v6  }
0x224: {  	vm12 =	vcmask $0x3F34;
	vm13 =	vcmask $0x3F30;
	v36 =	vor.u32 v25, v36  }
.LBB2_13:
0x225: {  	_ =	swait.ge [sflag:s21], $0x10  }
0x226: {  	[sflag:s21] =	ssyncset.done $0x0  }
0x227: {  	[sflag:s21] =	ssyncadd.s32 $0xFFFFFFF0  }
0x228: {  	v25 =	vld [tilespmem:$0xA00];
	_ =	sdelay $0x4  }
0x229: {  	v25 =	vsub.f32 $0.0e+00, v25;
	_ =	sdelay $0x1  }
0x22a: {  	v25 =	vmul.f32 $1.442695020e+00, v25;
	_ =	sdelay $0x1  }
0x22b: {  	(erf) = vpow2.f32 v25;
	_ =	sdelay $0x8  }
0x22c: {  	v25 =	vpop (erf)  }
0x22d: {  	v25 =	vadd.f32 $1.000000000e+00, v25;
	_ =	sdelay $0x1  }
0x22e: {  	(erf) = vrcp.f32 v25;
	_ =	sdelay $0x8  }
0x22f: {  	v25 =	vpop (erf)  }
0x230: {  	v25 =	vsub.f32 $1.000000000e+00, v25;
	_ =	sdelay $0x1  }
0x231: {  	v33 =	vmax.f32 v25, $9.999999960e-13  }
0x232: {  	v27 =	vperm.xlane v35, v7;
	v25 =	vand.u32 $0x7FFFFF, v33  }
0x233: {  	v25 =	vor.u32 $0x3F800000, v25  }
0x234: {  	v32 =	vcombine.low v10, v11;
	vm2 =	veq.s32 v35, v27;
	v26 =	vmul.f32 $5.000000000e-01, v25  }
0x235: {  	v27 =	vperm.xlane v35, v16;
	v55 =	vshra.s32 v33, $0x17;
	vm1 =	vgt.f32 v25, $1.414213540e+00  }
0x236: {  	v33 =	vcombine.low v21, v22;
	v28 =	vsel vm1, v26, v25;
	v25 =	vperm.xlane v35, v14  }
0x237: {  	v39 =	vperm.xlane v35, v32;
	vm2 =	vmand vm2, vm10;
	v26 =	vadd.f32 $1.000000000e+00, v28  }
0x238: {  	v57 =	vperm.xlane v35, v33;
	vm3 =	veq.s32 v35, v25;
	v25 =	vperm.xlane v35, v15  }
0x239: {  	v41 =	vsel vm1, $0x1, v6;
	vm1 =	vcmask $0x3F0C;
	(erf) = vrcp.f32 v26  }
0x23a: {  	vm3 =	vmand vm3, vm11;
	v26 =	vcombine.low v18, v17;
	vm4 =	veq.s32 v35, v25  }
0x23b: {  	vm2 =	vmor vm2, vm3;
	v25 =	vcombine.low v20, v19;
	vm3 =	vmand vm4, vm12  }
0x23c: {  	v29 =	vperm.xlane v35, v26;
	vm2 =	vmor vm2, vm3;
	vm3 =	veq.s32 v35, v27  }
0x23d: {  	v30 =	vperm.xlane v35, v25;
	v27 =	vcombine.low v22, v21;
	vm3 =	vmand vm3, vm13  }
0x23e: {  	vm4 =	vcmask $0x3F2C;
	vm2 =	vmor vm2, vm3;
	vm3 =	veq.s32 v35, v29  }
0x23f: {  	v29 =	vperm.xlane v35, v27;
	vm3 =	vmand vm3, vm4;
	vm4 =	veq.s32 v35, v30  }
0x240: {  	v30 =	vadd.f32 $-1.000000000e+00, v28;
	vm2 =	vmor vm2, vm3;
	vm3 =	vcmask $0x3F28  }
0x241: {  	vm3 =	vmand vm4, vm3;
	vm4 =	veq.s32 v35, v29;
	v29 =	vperm.xlane v35, v23  }
0x242: {  	v28 =	vcombine.low v3, v4;
	v31 =	vpop (erf);
	vm2 =	vmor vm2, vm3;
	vm3 =	vcmask $0x3F24  }
0x243: {  	vm3 =	vmand vm4, vm3;
	v37 =	vmul.f32 v31, v30;
	vm4 =	veq.s32 v35, v29  }
0x244: {  	v30 =	vperm.xlane v35, v28;
	vm2 =	vmor vm2, vm3;
	vm3 =	vcmask $0x3F20  }
0x245: {  	v29 =	vcombine.low v8, v9;
	vm3 =	vmand vm4, vm3;
	v38 =	vmul.f32 v37, v37  }
0x246: {  	vm4 =	vcmask $0x3F1C;
	vm2 =	vmor vm2, vm3;
	vm3 =	veq.s32 v35, v30  }
0x247: {  	v31 =	vperm.xlane v35, v29;
	v30 =	vcombine.low v12, v13;
	vm3 =	vmand vm3, vm4  }
0x248: {  	v34 =	vmul.f32 $1.428571490e-01, v38;
	vm4 =	vcmask $0x3F18;
	vm2 =	vmor vm2, vm3  }
0x249: {  	vm3 =	veq.s32 v35, v31;
	v40 =	vperm.xlane v35, v30;
	v31 =	vcombine.low v17, v18  }
0x24a: {  	v34 =	vadd.f32 $2.000000030e-01, v34;
	vm3 =	vmand vm3, vm4;
	vm4 =	vcmask $0x3F14  }
0x24b: {  	vm2 =	vmor vm2, vm3;
	vm3 =	veq.s32 v35, v39;
	v53 =	vperm.xlane v35, v31  }
0x24c: {  	v39 =	vadd.s32 v41, v55;
	v34 =	vmul.f32 v34, v38;
	vm3 =	vmand vm3, vm4  }
0x24d: {  	vm4 =	veq.s32 v35, v40;
	vm2 =	vmor vm2, vm3;
	vm3 =	vcmask $0x3F10  }
0x24e: {  	vm3 =	vmand vm4, vm3;
	v54 =	vadd.f32 $3.333333430e-01, v34;
	v34 =	vcombine.low v19, v20  }
0x24f: {  	v39 =	vadd.s32 $0xFFFFFF81, v39;
	vm2 =	vmor vm2, vm3;
	vm3 =	veq.s32 v35, v53  }
0x250: {  	v38 =	vmul.f32 v54, v38;
	v56 =	vperm.xlane v35, v34;
	vm1 =	vmand vm3, vm1  }
0x251: {  	v37 =	vadd.f32 v37, v37;
	v39 =	vcvt.s32.f32 v39;
	vm1 =	vmor vm2, vm1  }
0x252: {  	vm2 =	vcmask $0x3F08;
	v38 =	vadd.f32 $1.000000000e+00, v38;
	vm3 =	veq.s32 v35, v56  }
0x253: {  	v58 =	vmul.f32 $6.931471820e-01, v39;
	vm2 =	vmand vm3, vm2;
	vm3 =	veq.s32 v35, v57  }
0x254: {  	v37 =	vmul.f32 v38, v37;
	vm1 =	vmor vm1, vm2;
	vm2 =	vcmask $0x3F04  }
0x255: {  	vm2 =	vmand vm3, vm2  }
0x256: {  	vm1 =	vmor vm1, vm2;
	v37 =	vadd.f32 v37, v58  }
0x257: {  	v60 =	vld [tilespmem:$0xD80];
	v59 =	vsel vm1, $0x1, v6  }
0x258: {  	v61 =	vld [tilespmem:$0xE00];
	v36 =	vor.u32 v59, v36;
	v37 =	vmax.f32 v37, $-1.000000000e+02  }
0x259: {  	vm1 =	vne.s32 v35, $0xFFFFFFFF;
	vm2 =	veq.s32 v36, $0x0;
	v62 =	vsub.f32 $0.0e+00, v37  }
0x25a: {  	vm1 =	vmand vm1, vm2  }
.Ltmp10:
0x25b: {  	v35 =	vnsel vm1, $0x0, v62;
	(pc) =	sbr.rel @p3 .LBB2_23-.Ltmp10, $4  }
0x25c: {  	v63 =	vsel vm1, $0x3F800000, v6;
	v35 =	vadd.f32 v35, v60  }
0x25d: {  	v36 =	vadd.f32 v63, v61  }
0x25e: {  	[tilespmem:$0xD80] =	vst v35  }
0x25f: {  	[tilespmem:$0xE00] =	vst v36  }
0x260: {  	v35 =	vld [tilespmem:s8+$0x680];
	_ =	sdelay $0x7  }
0x261: {  	[tilespmem:s22], [sflag:$0x1] =	stream.indirect_vreg.gather [hbm4b:s6+s4], $0x1, v35, vm0, $0xb8;
	[tilespmem:$0xE80] =	vst v63  }
.Ltmp11:
0x262: {  	v35 =	vld [tilespmem:s8+$0x400];
	(pc) =	sbr.rel @p4 .LBB2_22-.Ltmp11, $2  }
0x263: {  	_ =	sdelay $0x2  }
0x264: {  	v36 =	vimm.s32 $0x0;
	s0 =	simm.s32 $0x600  }
0x265: {  	p6 =	sne.s32 s14, $0x1  }
.Ltmp12:
0x266: {  	v37 =	vld [tilespmem:s0+$0x0];
	(pc) =	sbr.rel @!p6 .LBB2_16-.Ltmp12, $2  }
0x267: {  	_ =	sdelay $0x2  }
0x268: {  	s3 =	sadd.s32 $0xFFFFFFFF, s14;
	p5 =	por $0x0, $0x0  }
0x269: {  	v38 =	vperm.xlane v37, v0;
	v39 =	vperm.xlane v37, v7  }
0x26a: {  	v40 =	vperm.xlane v37, v14;
	v41 =	vperm.xlane v37, v15  }
0x26b: {  	v56 =	vperm.xlane v37, v16;
	vm1 =	veq.s32 v35, v38;
	vm2 =	veq.s32 v35, v39  }
0x26c: {  	v57 =	vperm.xlane v37, v26;
	vm1 =	vmor vm1, vm2;
	vm2 =	veq.s32 v35, v40  }
0x26d: {  	v58 =	vperm.xlane v37, v25;
	vm1 =	vmor vm1, vm2;
	vm2 =	veq.s32 v35, v41  }
0x26e: {  	v59 =	vperm.xlane v37, v27;
	vm1 =	vmor vm1, vm2;
	vm2 =	veq.s32 v35, v56  }
0x26f: {  	v60 =	vperm.xlane v37, v23;
	vm1 =	vmor vm1, vm2;
	vm2 =	veq.s32 v35, v57  }
0x270: {  	v61 =	vperm.xlane v37, v28;
	p6 =	sne.s32 s3, $0x1;
	vm1 =	vmor vm1, vm2;
	vm2 =	veq.s32 v35, v58  }
.Ltmp13:
0x271: {  	v62 =	vperm.xlane v37, v29;
	vm1 =	vmor vm1, vm2;
	vm2 =	veq.s32 v35, v59;
	(pc) =	sbr.rel @!p6 .LBB2_18-.Ltmp13, $4  }
0x272: {  	v63 =	vperm.xlane v37, v32;
	vm1 =	vmor vm1, vm2;
	vm2 =	veq.s32 v35, v60  }
0x273: {  	v39 =	vperm.xlane v37, v30;
	vm1 =	vmor vm1, vm2;
	vm2 =	veq.s32 v35, v61  }
0x274: {  	s0 =	simm.s32 $0x610;
	v38 =	vimm.s32 $0x0;
	vm1 =	vmor vm1, vm2;
	vm2 =	veq.s32 v35, v62  }
0x275: {  	s3 =	sadd.s32 $0xFFFFFFFF, s3;
	p5 =	por $0x1, $0x1;
	v42 =	vld [tilespmem:s0+$0x0];
	v40 =	vperm.xlane v37, v31;
	vm1 =	vmor vm1, vm2;
	vm2 =	veq.s32 v35, v63  }
.LBB2_19:
0x276: {  	p6 =	sne.s32 s3, $0x1;
	vm1 =	vmor vm1, vm2;
	vm2 =	veq.s32 v35, v39;
	v39 =	vperm.xlane v37, v34  }
0x277: {  	v41 =	vperm.xlane v37, v33;
	vm1 =	vmor vm1, vm2;
	vm2 =	veq.s32 v35, v40  }
0x278: {  	vm1 =	vmor vm1, vm2;
	vm2 =	veq.s32 v35, v39  }
0x279: {  	vm1 =	vmor vm1, vm2;
	vm2 =	veq.s32 v35, v41  }
0x27a: {  	v39 =	vperm.xlane v42, v0;
	v40 =	vperm.xlane v42, v7;
	vm1 =	vmor vm1, vm2;
	v37 =	vmovc v42  }
0x27b: {  	v41 =	vperm.xlane v37, v14;
	v42 =	vperm.xlane v37, v15;
	v43 =	vsel vm1, $0x1, v6  }
0x27c: {  	vm1 =	veq.s32 v35, v39;
	vm2 =	veq.s32 v35, v40;
	v38 =	vor.u32 v43, v38  }
0x27d: {  	v39 =	vperm.xlane v37, v16;
	vm1 =	vmor vm1, vm2;
	vm2 =	veq.s32 v35, v41  }
0x27e: {  	v40 =	vperm.xlane v37, v26;
	vm1 =	vmor vm1, vm2;
	vm2 =	veq.s32 v35, v42  }
0x27f: {  	vm1 =	vmor vm1, vm2;
	vm2 =	veq.s32 v35, v39;
	v39 =	vperm.xlane v37, v25  }
0x280: {  	vm1 =	vmor vm1, vm2;
	vm2 =	veq.s32 v35, v40;
	v40 =	vperm.xlane v37, v27  }
0x281: {  	vm1 =	vmor vm1, vm2;
	vm2 =	veq.s32 v35, v39;
	v39 =	vperm.xlane v37, v23  }
.Ltmp14:
0x282: {  	vm1 =	vmor vm1, vm2;
	vm2 =	veq.s32 v35, v40;
	v40 =	vperm.xlane v37, v28;
	(pc) =	sbr.rel @p6 .LBB2_19-.Ltmp14, $4  }
0x283: {  	vm1 =	vmor vm1, vm2;
	vm2 =	veq.s32 v35, v39;
	v39 =	vperm.xlane v37, v29  }
0x284: {  	vm1 =	vmor vm1, vm2;
	vm2 =	veq.s32 v35, v40;
	v40 =	vperm.xlane v37, v32  }
0x285: {  	s0 =	sadd.s32 $0x10, s0;
	vm1 =	vmor vm1, vm2;
	vm2 =	veq.s32 v35, v39;
	v39 =	vperm.xlane v37, v30  }
0x286: {  	s3 =	sadd.s32 $0xFFFFFFFF, s3;
	v42 =	vld [tilespmem:s0+$0x0];
	vm1 =	vmor vm1, vm2;
	vm2 =	veq.s32 v35, v40;
	v40 =	vperm.xlane v37, v31  }
.Ltmp15:
0x287: {  	_ = 	snop;
	(pc) =	sbr.rel .LBB2_21-.Ltmp15, $2  }
0x288: {  	_ =	sdelay $0x2  }
0x289: {  	v41 =	vmov v37;
	v37 =	vmov v42  }
.LBB2_18:
.Ltmp16:
0x28a: {  	_ = 	snop;
	(pc) =	sbr.rel .LBB2_21-.Ltmp16, $2  }
0x28b: {  	_ =	sdelay $0x2  }
0x28c: {  	v41 =	vmov v37;
	v38 =	vimm.s32 $0x0;
	v37 =	vmov v42  }
.LBB2_24:
0x28d: {  	_ =	sfence.sel $0x180000  }
0x28e: {  	[bflag:$0x0] =	sbarrier.arrive $0xFFFF  }
0x28f: {  	_ =	strace $0x90000047  }
0x290: {  	s0 =	stileid.u32;
	[bflag:$0x2] =	sbarrier.arrive $0xFFFF  }
0x291: {  	p0 =	sne.s32 s0, $0x0;
	s0 =	rddreg [dreg:$0x1]  }
0x292: {  	s0 =	sadd.s32 @!p0 $0x100000, s0  }
0x293: {  	[sflag:s0] =	ssyncadd.tile.s32 @!p0 $0x1;
	_ =	shalt  }
.Lfunc_end2:
_tile_overlayer_lowered:
.L_overlay_start_2:
0x294: {  	(tag) =	ssettag $0x2  }
0x295: {  	s0 =	rddreg [dreg:$0x0];
	s2 =	stileid.u32  }
0x296: {  	s1 =	rddreg [dreg:$0x1];
	p0 =	sne.s32 s2, $0x0  }
0x297: {  	s3 =	rddreg [dreg:$0x2];
	[bflag:$0x3] =	sbarrier.arrive $0xFFFF;
	s2 =	simm.s32 @!p0 $0x1C02  }
0x298: {  	[timem:s3], [sflag:s2] =	dma.local @!p0 [hbm:s0], s1  }
0x299: {  	s0 =	simm.s32 @!p0 $0x2  }
0x29a: {  	_ =	swait.ge @!p0 [sflag:s0], s1  }
0x29b: {  	s1 =	ssub.s32 @!p0 $0x0, s1;
	[sflag:s0] =	ssyncset.done @!p0 $0x0  }
0x29c: {  	[sflag:s0] =	ssyncadd.s32 @!p0 s1  }
0x29d: {  	[bflag:$0x3] =	sbarrier.arrive $0xFFFF  }
0x29e: {  	_ =	shalt  }

</sc_bundles>
